<compile_context>
chip_gen: v7x
topology: tpu7x:2x2x1
jax: 0.10.2.dev20260603
libtpu: 0.0.44.dev20260713+nightly
codegen_flags: <defaults>
</compile_context>

<pallas_src>
import functools

import jax
import jax.numpy as jnp
from jax import lax
from jax.experimental import pallas as pl
from jax.experimental.pallas import tpu as pltpu
from jax.experimental.pallas import tpu_sc as plsc

N = 10000
E = 320000
F = 128

NC = 2
NS = 16
NW = NC * NS
CHUNK = 128
NBUF = 2
NBLK = 4
HNCH = 40
BLK0 = [0, 1, 2]
BLK1 = [3]
HG = HNCH // NBUF
E_PAD = NS * NBLK * HNCH * CHUNK
NP = -(-(N + 1) // 128) * 128
RPT = NP // NS

_mesh = plsc.VectorSubcoreMesh(core_axis_name="c", subcore_axis_name="s")


@functools.partial(
    pl.kernel,
    out_type=jax.ShapeDtypeStruct((NC, NP, F), jnp.float32),
    mesh=_mesh,
    scratch_types=[
        pltpu.VMEM((HNCH * CHUNK,), jnp.int32),
        pltpu.VMEM((HNCH, CHUNK), jnp.int32),
        [pltpu.VMEM((CHUNK, F), jnp.float32) for _ in range(NBUF)],
        pltpu.VMEM_SHARED((NP, F), jnp.float32),
        [pltpu.SemaphoreType.DMA for _ in range(NBUF)],
        [pltpu.SemaphoreType.DMA for _ in range(NBUF)],
    ],
)
def _sc_agg(table, srcw, dstw, zeros, out, src_v, dst_v, bufs, acc, gsems, ssems):
    c = lax.axis_index("c")
    s = lax.axis_index("s")
    pltpu.sync_copy(zeros.at[pl.ds(s * RPT, RPT)], acc.at[pl.ds(s * RPT, RPT)])
    plsc.subcore_barrier()

    def gather(j, b):
        pltpu.async_copy(table.at[src_v.at[pl.ds(j * CHUNK, CHUNK)]],
                         bufs[b], gsems[b])

    def gwait(j, b):
        pltpu.make_async_copy(table.at[src_v.at[pl.ds(j * CHUNK, CHUNK)]],
                              bufs[b], gsems[b]).wait()

    def scat(j, b):
        pltpu.async_copy(bufs[b], acc.at[dst_v.at[j]], ssems[b], add=True)

    def swait(b, jw):
        pltpu.make_async_copy(bufs[b], acc.at[dst_v.at[jw]], ssems[b]).wait()

    def run_block(blk):
        pltpu.sync_copy(srcw.at[s, blk], src_v)
        pltpu.sync_copy(dstw.at[s, blk], dst_v)
        gather(0, 0)
        gwait(0, 0)
        scat(0, 0)
        gather(1, 1)
        gwait(1, 1)
        scat(1, 1)
        swait(0, 0)
        gather(2, 0)

        def group(g, carry):
            for b in range(NBUF):
                j = g * NBUF + b
                gwait(j, b)
                scat(j, b)

                @pl.when(j + 1 < HNCH)
                def _():
                    swait(1 - b, j - 1)
                    gather(j + 1, 1 - b)

            return carry

        lax.fori_loop(1, HG, group, 0)
        swait(0, HNCH - 2)
        swait(1, HNCH - 1)

    @pl.when(c == 0)
    def _():
        for blk in BLK0:
            run_block(blk)

    @pl.when(c == 1)
    def _():
        for blk in BLK1:
            run_block(blk)

    plsc.subcore_barrier()
    pltpu.sync_copy(acc.at[pl.ds(s * RPT, RPT)], out.at[c, pl.ds(s * RPT, RPT)])


def _prep_body(feat, mask, ng, nf, ag, af):
    x = feat[...] * mask[...]
    ag[...] = x * ng[...]
    af[...] = x * nf[...]


def _layer1_body(u, ng, W1, b1, out):
    t = (u[0] + u[1]) * ng[...]
    h = jnp.maximum(jnp.dot(t, W1[...], preferred_element_type=jnp.float32)
                    + b1[...], 0.0)
    out[...] = h * ng[...]


def _layer2_body(w, v, ng, nf, wh, ws, bh, bs, out):
    a = (w[0] + w[1]) * ng[...]
    b = (v[0] + v[1]) * nf[...]
    z = (jnp.dot(a, wh[...], preferred_element_type=jnp.float32)
         + jnp.dot(b, ws[...], preferred_element_type=jnp.float32)
         + bh[...] + bs[...])
    out[...] = jax.nn.sigmoid(z)


def _pad_edges(ei):
    pad = E_PAD - E
    src = jnp.concatenate([ei[0], jnp.zeros((pad,), jnp.int32)])
    dst = jnp.concatenate([ei[1], jnp.full((pad,), N, jnp.int32)])
    return (src.reshape(NS, NBLK, HNCH * CHUNK),
            dst.reshape(NS, NBLK, HNCH, CHUNK))


def kernel(features, mask, edge_index_g, edge_index_f, norm_g, norm_f,
           W1, b1, wh, ws, bh, bs):
    rpad = NP - N
    featp = jnp.pad(features, ((0, rpad), (0, 0)))
    maskp = jnp.pad(mask, ((0, rpad), (0, 0)))
    ngp = jnp.pad(norm_g, ((0, rpad), (0, 0)))
    nfp = jnp.pad(norm_f, ((0, rpad), (0, 0)))

    sg, dg = _pad_edges(edge_index_g)
    sf, df = _pad_edges(edge_index_f)
    zeros = jnp.zeros((NP, F), jnp.float32)

    ag, af = pl.pallas_call(
        _prep_body,
        out_shape=[jax.ShapeDtypeStruct((NP, F), jnp.float32)] * 2,
    )(featp, maskp, ngp, nfp)

    u = _sc_agg(ag, sg, dg, zeros)
    v = _sc_agg(af, sf, df, zeros)

    hg = pl.pallas_call(
        _layer1_body,
        out_shape=jax.ShapeDtypeStruct((NP, F), jnp.float32),
    )(u, ngp, W1, b1)

    w = _sc_agg(hg, sg, dg, zeros)

    out = pl.pallas_call(
        _layer2_body,
        out_shape=jax.ShapeDtypeStruct((NP, F), jnp.float32),
    )(w, v, ngp, nfp, wh, ws, bh, bs)

    return out[:N]

# --- scband reference (transcript-rebuilt; emitter-appended) ---
"""Pipeline reference for scband-ginn-autoencoder-skip-28681791603394 (READ-ONLY COPY).

The authoritative reference and input builder live on the scoring server;
editing this copy changes nothing except your own understanding.
"""

import jax, jax.numpy as jnp
import numpy as np

N = 10000
E = 320000
IN = 128
H = 128


def setup_inputs(seed: int = 0) -> dict:
    key = jax.random.key(seed)
    ks = jax.random.split(key, 12)
    features = jax.random.normal(ks[0], (N, IN), dtype=jnp.float32)
    mask = (jax.random.uniform(ks[1], (N, IN)) > 0.2).astype(jnp.float32)
    edge_index_g = jax.random.randint(ks[2], (2, E), 0, N, dtype=jnp.int32)
    edge_index_f = jax.random.randint(ks[3], (2, E), 0, N, dtype=jnp.int32)
    norm_g = jax.random.uniform(ks[4], (N, 1), minval=0.01, maxval=1.0, dtype=jnp.float32)
    norm_f = jax.random.uniform(ks[5], (N, 1), minval=0.01, maxval=1.0, dtype=jnp.float32)
    s1 = 1.0 / np.sqrt(H)
    s2 = 1.0 / np.sqrt(IN)
    W1 = jax.random.uniform(ks[6], (IN, H), minval=-s1, maxval=s1, dtype=jnp.float32)
    b1 = jax.random.uniform(ks[7], (H,), minval=-s1, maxval=s1, dtype=jnp.float32)
    wh = jax.random.uniform(ks[8], (H, IN), minval=-s2, maxval=s2, dtype=jnp.float32)
    ws = jax.random.uniform(ks[9], (IN, IN), minval=-s2, maxval=s2, dtype=jnp.float32)
    bh = jax.random.uniform(ks[10], (IN,), minval=-s2, maxval=s2, dtype=jnp.float32)
    bs = jax.random.uniform(ks[11], (IN,), minval=-s2, maxval=s2, dtype=jnp.float32)
    return {"features": features, "mask": mask, "edge_index_g": edge_index_g,
            "edge_index_f": edge_index_f, "norm_g": norm_g, "norm_f": norm_f,
            "W1": W1, "b1": b1, "wh": wh, "ws": ws, "bh": bh, "bs": bs}


def _gcn_agg(h, edge_index, n_nodes):
    # DGL update_all(copy_src, sum): out[dst] = sum over edges of h[src]
    src = edge_index[0]
    dst = edge_index[1]
    return jax.ops.segment_sum(jnp.take(h, src, axis=0), dst, num_segments=n_nodes)


def reference(features, mask, edge_index_g, edge_index_f, norm_g, norm_f,
              W1, b1, wh, ws, bh, bs):
    # ginn_autoencoder_skip.forward (dropout=0.0, so no dropout applied)
    x = features * mask
    # masked_gcn (GCL): relu activation
    h = jnp.matmul(x, W1)
    h = h * norm_g
    h = _gcn_agg(h, edge_index_g, N)
    h = h * norm_g
    h = h + b1
    h = jax.nn.relu(h)
    # output_gcn (GCL_skip): sigmoid activation, skip input s = masked features
    h2 = jnp.matmul(h, wh)
    s = jnp.matmul(x, ws)
    h2 = h2 * norm_g
    s = s * norm_f
    h2 = _gcn_agg(h2, edge_index_g, N)
    s = _gcn_agg(s, edge_index_f, N)
    h2 = h2 * norm_g
    s = s * norm_f
    h2 = h2 + bh
    s = s + bs
    out = jax.nn.sigmoid(h2 + s)
    return out

if __name__ == "__main__":
    import jax
    _d = setup_inputs()
    print(jax.jit(kernel)(*tuple(_d.values())))

</pallas_src>

<mosaic_0001>
#map = affine_map<(d0, d1) -> (0, 0)>
#map1 = affine_map<(d0, d1) -> (0, 0, 0)>
#map2 = affine_map<(d0, d1) -> (0, 0, 0, 0)>
module attributes {stable_mosaic.version = 14 : i64} {
  func.func @_sc_agg(%arg0: i32, %arg1: i32, %arg2: memref<10112x128xf32, #tpu.memory_space<hbm>>, %arg3: memref<16x4x5120xi32, #tpu.memory_space<hbm>>, %arg4: memref<16x4x40x128xi32, #tpu.memory_space<hbm>>, %arg5: memref<10112x128xf32, #tpu.memory_space<hbm>>, %arg6: memref<2x10112x128xf32, #tpu.memory_space<hbm>>, %arg7: memref<5120xi32, #tpu.memory_space<vmem>>, %arg8: memref<40x128xi32, #tpu.memory_space<vmem>>, %arg9: memref<128x128xf32, #tpu.memory_space<vmem>>, %arg10: memref<128x128xf32, #tpu.memory_space<vmem>>, %arg11: memref<10112x128xf32, #tpu.memory_space<vmem_shared>>, %arg12: memref<!tpu.dma_semaphore, #tpu.memory_space<semaphore_mem>>, %arg13: memref<!tpu.dma_semaphore, #tpu.memory_space<semaphore_mem>>, %arg14: memref<!tpu.dma_semaphore, #tpu.memory_space<semaphore_mem>>, %arg15: memref<!tpu.dma_semaphore, #tpu.memory_space<semaphore_mem>>) attributes {dimension_semantics = [#tpu.dimension_semantics<core_parallel>, #tpu.dimension_semantics<subcore_parallel>], iteration_bounds = array<i64: 2, 16>, scalar_prefetch = 0 : i64, scratch_operands = 9 : i64, tpu.core_type = #tpu.core_type<sc_vector_subcore>, window_params = [{transform_indices = #map}, {transform_indices = #map1}, {transform_indices = #map2}, {transform_indices = #map}, {transform_indices = #map1}]} {
    %mul3A = arith.constant 632 : i32
    %mul3A_0 = arith.muli %arg1, %mul3A : i32
    %mul3A_1 = arith.constant 632 : i32
    %mul3A_2 = arith.muli %arg1, %mul3A_1 : i32
    "tpu.region"() ({
      %run_scoped3A = tpu.sem_alloc : memref<!tpu.dma_semaphore, #tpu.memory_space<semaphore_mem>>
      %dma_start3A = arith.constant 0 : i32
      %dma_start3A_15 = tpu.memref_slice %arg11[%mul3A_2, %dma_start3A] : memref<10112x128xf32, #tpu.memory_space<vmem_shared>> -> memref<632x128xf32, #tpu.memory_space<vmem_shared>>
      %dma_start3A_16 = arith.constant 0 : i32
      %dma_start3A_17 = tpu.memref_slice %arg5[%mul3A_0, %dma_start3A_16] : memref<10112x128xf32, #tpu.memory_space<hbm>> -> memref<632x128xf32, #tpu.memory_space<hbm>>
      tpu.enqueue_dma source(%dma_start3A_17 : memref<632x128xf32, #tpu.memory_space<hbm>>) target(%dma_start3A_15 : memref<632x128xf32, #tpu.memory_space<vmem_shared>>) target_semaphore(%run_scoped3A : memref<!tpu.dma_semaphore, #tpu.memory_space<semaphore_mem>>)
      %dma_wait3A = arith.constant 0 : i32
      %dma_wait3A_18 = tpu.memref_slice %arg11[%mul3A_2, %dma_wait3A] : memref<10112x128xf32, #tpu.memory_space<vmem_shared>> -> memref<632x128xf32, #tpu.memory_space<vmem_shared>>
      %dma_wait3A_19 = arith.constant 0 : i32
      %dma_wait3A_20 = tpu.memref_slice %arg5[%mul3A_0, %dma_wait3A_19] : memref<10112x128xf32, #tpu.memory_space<hbm>> -> memref<632x128xf32, #tpu.memory_space<hbm>>
      tpu.wait_dma2 semaphore(%run_scoped3A : memref<!tpu.dma_semaphore, #tpu.memory_space<semaphore_mem>>) src(%dma_wait3A_20 : memref<632x128xf32, #tpu.memory_space<hbm>>) dst(%dma_wait3A_18 : memref<632x128xf32, #tpu.memory_space<vmem_shared>>)
      tpu.yield
    }) : () -> ()
    %barrier3A = arith.constant 0 : index
    tpu.barrier barrier_id(%barrier3A)
    %eq3A = arith.constant 0 : i32
    %eq3A_3 = arith.cmpi eq, %arg0, %eq3A : i32
    %convert_element_type3A = arith.extui %eq3A_3 : i1 to i32
    %cond3A = arith.constant 0 : i32
    %cond3A_4 = arith.cmpi ne, %convert_element_type3A, %cond3A : i32
    scf.if %cond3A_4 {
      %run_scoped3A = arith.constant 0 : i32
      "tpu.region"() ({
        %run_scoped3A_215 = tpu.sem_alloc : memref<!tpu.dma_semaphore, #tpu.memory_space<semaphore_mem>>
        %dma_start3A_216 = arith.constant 0 : i32
        %dma_start3A_217 = tpu.memref_slice %arg3[%arg1, %run_scoped3A, %dma_start3A_216] : memref<16x4x5120xi32, #tpu.memory_space<hbm>> -> memref<1x1x5120xi32, #tpu.memory_space<hbm>>
        %dma_start3A_218 = tpu.memref_squeeze %dma_start3A_217 : memref<1x1x5120xi32, #tpu.memory_space<hbm>> -> memref<5120xi32, #tpu.memory_space<hbm>>
        %dma_start3A_219 = arith.constant 0 : i32
        %dma_start3A_220 = tpu.memref_slice %arg3[%arg1, %run_scoped3A, %dma_start3A_219] : memref<16x4x5120xi32, #tpu.memory_space<hbm>> -> memref<1x1x5120xi32, #tpu.memory_space<hbm>>
        %dma_start3A_221 = tpu.memref_squeeze %dma_start3A_220 : memref<1x1x5120xi32, #tpu.memory_space<hbm>> -> memref<5120xi32, #tpu.memory_space<hbm>>
        tpu.enqueue_dma source(%dma_start3A_221 : memref<5120xi32, #tpu.memory_space<hbm>>) target(%arg7 : memref<5120xi32, #tpu.memory_space<vmem>>) target_semaphore(%run_scoped3A_215 : memref<!tpu.dma_semaphore, #tpu.memory_space<semaphore_mem>>)
        %dma_wait3A_222 = arith.constant 0 : i32
        %dma_wait3A_223 = tpu.memref_slice %arg3[%arg1, %run_scoped3A, %dma_wait3A_222] : memref<16x4x5120xi32, #tpu.memory_space<hbm>> -> memref<1x1x5120xi32, #tpu.memory_space<hbm>>
        %dma_wait3A_224 = tpu.memref_squeeze %dma_wait3A_223 : memref<1x1x5120xi32, #tpu.memory_space<hbm>> -> memref<5120xi32, #tpu.memory_space<hbm>>
        %dma_wait3A_225 = arith.constant 0 : i32
        %dma_wait3A_226 = tpu.memref_slice %arg3[%arg1, %run_scoped3A, %dma_wait3A_225] : memref<16x4x5120xi32, #tpu.memory_space<hbm>> -> memref<1x1x5120xi32, #tpu.memory_space<hbm>>
        %dma_wait3A_227 = tpu.memref_squeeze %dma_wait3A_226 : memref<1x1x5120xi32, #tpu.memory_space<hbm>> -> memref<5120xi32, #tpu.memory_space<hbm>>
        tpu.wait_dma2 semaphore(%run_scoped3A_215 : memref<!tpu.dma_semaphore, #tpu.memory_space<semaphore_mem>>) src(%dma_wait3A_227 : memref<5120xi32, #tpu.memory_space<hbm>>) dst(%arg7 : memref<5120xi32, #tpu.memory_space<vmem>>)
        tpu.yield
      }) : () -> ()
      %run_scoped3A_15 = arith.constant 0 : i32
      "tpu.region"() ({
        %run_scoped3A_215 = tpu.sem_alloc : memref<!tpu.dma_semaphore, #tpu.memory_space<semaphore_mem>>
        %dma_start3A_216 = arith.constant 0 : i32
        %dma_start3A_217 = arith.constant 0 : i32
        %dma_start3A_218 = tpu.memref_slice %arg4[%arg1, %run_scoped3A_15, %dma_start3A_216, %dma_start3A_217] : memref<16x4x40x128xi32, #tpu.memory_space<hbm>> -> memref<1x1x40x128xi32, #tpu.memory_space<hbm>>
        %dma_start3A_219 = tpu.memref_squeeze %dma_start3A_218 : memref<1x1x40x128xi32, #tpu.memory_space<hbm>> -> memref<40x128xi32, #tpu.memory_space<hbm>>
        %dma_start3A_220 = arith.constant 0 : i32
        %dma_start3A_221 = arith.constant 0 : i32
        %dma_start3A_222 = tpu.memref_slice %arg4[%arg1, %run_scoped3A_15, %dma_start3A_220, %dma_start3A_221] : memref<16x4x40x128xi32, #tpu.memory_space<hbm>> -> memref<1x1x40x128xi32, #tpu.memory_space<hbm>>
        %dma_start3A_223 = tpu.memref_squeeze %dma_start3A_222 : memref<1x1x40x128xi32, #tpu.memory_space<hbm>> -> memref<40x128xi32, #tpu.memory_space<hbm>>
        tpu.enqueue_dma source(%dma_start3A_223 : memref<40x128xi32, #tpu.memory_space<hbm>>) target(%arg8 : memref<40x128xi32, #tpu.memory_space<vmem>>) target_semaphore(%run_scoped3A_215 : memref<!tpu.dma_semaphore, #tpu.memory_space<semaphore_mem>>)
        %dma_wait3A_224 = arith.constant 0 : i32
        %dma_wait3A_225 = arith.constant 0 : i32
        %dma_wait3A_226 = tpu.memref_slice %arg4[%arg1, %run_scoped3A_15, %dma_wait3A_224, %dma_wait3A_225] : memref<16x4x40x128xi32, #tpu.memory_space<hbm>> -> memref<1x1x40x128xi32, #tpu.memory_space<hbm>>
        %dma_wait3A_227 = tpu.memref_squeeze %dma_wait3A_226 : memref<1x1x40x128xi32, #tpu.memory_space<hbm>> -> memref<40x128xi32, #tpu.memory_space<hbm>>
        %dma_wait3A_228 = arith.constant 0 : i32
        %dma_wait3A_229 = arith.constant 0 : i32
        %dma_wait3A_230 = tpu.memref_slice %arg4[%arg1, %run_scoped3A_15, %dma_wait3A_228, %dma_wait3A_229] : memref<16x4x40x128xi32, #tpu.memory_space<hbm>> -> memref<1x1x40x128xi32, #tpu.memory_space<hbm>>
        %dma_wait3A_231 = tpu.memref_squeeze %dma_wait3A_230 : memref<1x1x40x128xi32, #tpu.memory_space<hbm>> -> memref<40x128xi32, #tpu.memory_space<hbm>>
        tpu.wait_dma2 semaphore(%run_scoped3A_215 : memref<!tpu.dma_semaphore, #tpu.memory_space<semaphore_mem>>) src(%dma_wait3A_231 : memref<40x128xi32, #tpu.memory_space<hbm>>) dst(%arg8 : memref<40x128xi32, #tpu.memory_space<vmem>>)
        tpu.yield
      }) : () -> ()
      %dma_start3A = arith.constant 0 : i32
      %dma_start3A_16 = tpu.memref_slice %arg7[%dma_start3A] : memref<5120xi32, #tpu.memory_space<vmem>> -> memref<128xi32, #tpu.memory_space<vmem>>
      %dma_start3A_17 = arith.constant 0 : i32
      %dma_start3A_18 = arith.constant 0 : i32
      %dma_start3A_19 = tpu.memref_slice %arg2[%dma_start3A_17, %dma_start3A_18] : memref<10112x128xf32, #tpu.memory_space<hbm>> -> memref<10112x128xf32, #tpu.memory_space<hbm>>
      tpu.enqueue_indirect_dma source(%dma_start3A_19 : memref<10112x128xf32, #tpu.memory_space<hbm>>) target(%arg9 : memref<128x128xf32, #tpu.memory_space<vmem>>) offsets(%dma_start3A_16 : memref<128xi32, #tpu.memory_space<vmem>>) semaphore(%arg12 : memref<!tpu.dma_semaphore, #tpu.memory_space<semaphore_mem>>)
      %dma_wait3A = arith.constant 0 : i32
      %dma_wait3A_20 = tpu.memref_slice %arg7[%dma_wait3A] : memref<5120xi32, #tpu.memory_space<vmem>> -> memref<128xi32, #tpu.memory_space<vmem>>
      %dma_wait3A_21 = arith.constant 0 : i32
      %dma_wait3A_22 = arith.constant 0 : i32
      %dma_wait3A_23 = tpu.memref_slice %arg2[%dma_wait3A_21, %dma_wait3A_22] : memref<10112x128xf32, #tpu.memory_space<hbm>> -> memref<10112x128xf32, #tpu.memory_space<hbm>>
      tpu.wait_indirect_dma semaphore(%arg12 : memref<!tpu.dma_semaphore, #tpu.memory_space<semaphore_mem>>) src(%dma_wait3A_23 : memref<10112x128xf32, #tpu.memory_space<hbm>>) dst(%arg9 : memref<128x128xf32, #tpu.memory_space<vmem>>)
      %dma_start3A_24 = arith.constant 0 : i32
      %dma_start3A_25 = arith.constant 0 : i32
      %dma_start3A_26 = tpu.memref_slice %arg8[%dma_start3A_24, %dma_start3A_25] : memref<40x128xi32, #tpu.memory_space<vmem>> -> memref<1x128xi32, #tpu.memory_space<vmem>>
      %dma_start3A_27 = tpu.memref_squeeze %dma_start3A_26 : memref<1x128xi32, #tpu.memory_space<vmem>> -> memref<128xi32, #tpu.memory_space<vmem>>
      %dma_start3A_28 = arith.constant 0 : i32
      %dma_start3A_29 = arith.constant 0 : i32
      %dma_start3A_30 = tpu.memref_slice %arg11[%dma_start3A_28, %dma_start3A_29] : memref<10112x128xf32, #tpu.memory_space<vmem_shared>> -> memref<10112x128xf32, #tpu.memory_space<vmem_shared>>
      tpu.enqueue_indirect_dma source(%arg9 : memref<128x128xf32, #tpu.memory_space<vmem>>) target(%dma_start3A_30 : memref<10112x128xf32, #tpu.memory_space<vmem_shared>>) offsets(%dma_start3A_27 : memref<128xi32, #tpu.memory_space<vmem>>) semaphore(%arg14 : memref<!tpu.dma_semaphore, #tpu.memory_space<semaphore_mem>>) {add = true}
      %dma_start3A_31 = arith.constant 128 : i32
      %dma_start3A_32 = tpu.memref_slice %arg7[%dma_start3A_31] : memref<5120xi32, #tpu.memory_space<vmem>> -> memref<128xi32, #tpu.memory_space<vmem>>
      %dma_start3A_33 = arith.constant 0 : i32
      %dma_start3A_34 = arith.constant 0 : i32
      %dma_start3A_35 = tpu.memref_slice %arg2[%dma_start3A_33, %dma_start3A_34] : memref<10112x128xf32, #tpu.memory_space<hbm>> -> memref<10112x128xf32, #tpu.memory_space<hbm>>
      tpu.enqueue_indirect_dma source(%dma_start3A_35 : memref<10112x128xf32, #tpu.memory_space<hbm>>) target(%arg10 : memref<128x128xf32, #tpu.memory_space<vmem>>) offsets(%dma_start3A_32 : memref<128xi32, #tpu.memory_space<vmem>>) semaphore(%arg13 : memref<!tpu.dma_semaphore, #tpu.memory_space<semaphore_mem>>)
      %dma_wait3A_36 = arith.constant 128 : i32
      %dma_wait3A_37 = tpu.memref_slice %arg7[%dma_wait3A_36] : memref<5120xi32, #tpu.memory_space<vmem>> -> memref<128xi32, #tpu.memory_space<vmem>>
      %dma_wait3A_38 = arith.constant 0 : i32
      %dma_wait3A_39 = arith.constant 0 : i32
      %dma_wait3A_40 = tpu.memref_slice %arg2[%dma_wait3A_38, %dma_wait3A_39] : memref<10112x128xf32, #tpu.memory_space<hbm>> -> memref<10112x128xf32, #tpu.memory_space<hbm>>
      tpu.wait_indirect_dma semaphore(%arg13 : memref<!tpu.dma_semaphore, #tpu.memory_space<semaphore_mem>>) src(%dma_wait3A_40 : memref<10112x128xf32, #tpu.memory_space<hbm>>) dst(%arg10 : memref<128x128xf32, #tpu.memory_space<vmem>>)
      %dma_start3A_41 = arith.constant 1 : i32
      %dma_start3A_42 = arith.constant 0 : i32
      %dma_start3A_43 = tpu.memref_slice %arg8[%dma_start3A_41, %dma_start3A_42] : memref<40x128xi32, #tpu.memory_space<vmem>> -> memref<1x128xi32, #tpu.memory_space<vmem>>
      %dma_start3A_44 = tpu.memref_squeeze %dma_start3A_43 : memref<1x128xi32, #tpu.memory_space<vmem>> -> memref<128xi32, #tpu.memory_space<vmem>>
      %dma_start3A_45 = arith.constant 0 : i32
      %dma_start3A_46 = arith.constant 0 : i32
      %dma_start3A_47 = tpu.memref_slice %arg11[%dma_start3A_45, %dma_start3A_46] : memref<10112x128xf32, #tpu.memory_space<vmem_shared>> -> memref<10112x128xf32, #tpu.memory_space<vmem_shared>>
      tpu.enqueue_indirect_dma source(%arg10 : memref<128x128xf32, #tpu.memory_space<vmem>>) target(%dma_start3A_47 : memref<10112x128xf32, #tpu.memory_space<vmem_shared>>) offsets(%dma_start3A_44 : memref<128xi32, #tpu.memory_space<vmem>>) semaphore(%arg15 : memref<!tpu.dma_semaphore, #tpu.memory_space<semaphore_mem>>) {add = true}
      %dma_wait3A_48 = arith.constant 0 : i32
      %dma_wait3A_49 = arith.constant 0 : i32
      %dma_wait3A_50 = tpu.memref_slice %arg8[%dma_wait3A_48, %dma_wait3A_49] : memref<40x128xi32, #tpu.memory_space<vmem>> -> memref<1x128xi32, #tpu.memory_space<vmem>>
      %dma_wait3A_51 = tpu.memref_squeeze %dma_wait3A_50 : memref<1x128xi32, #tpu.memory_space<vmem>> -> memref<128xi32, #tpu.memory_space<vmem>>
      %dma_wait3A_52 = arith.constant 0 : i32
      %dma_wait3A_53 = arith.constant 0 : i32
      %dma_wait3A_54 = tpu.memref_slice %arg11[%dma_wait3A_52, %dma_wait3A_53] : memref<10112x128xf32, #tpu.memory_space<vmem_shared>> -> memref<10112x128xf32, #tpu.memory_space<vmem_shared>>
      tpu.wait_indirect_dma semaphore(%arg14 : memref<!tpu.dma_semaphore, #tpu.memory_space<semaphore_mem>>) src(%arg9 : memref<128x128xf32, #tpu.memory_space<vmem>>) dst(%dma_wait3A_54 : memref<10112x128xf32, #tpu.memory_space<vmem_shared>>)
      %dma_start3A_55 = arith.constant 256 : i32
      %dma_start3A_56 = tpu.memref_slice %arg7[%dma_start3A_55] : memref<5120xi32, #tpu.memory_space<vmem>> -> memref<128xi32, #tpu.memory_space<vmem>>
      %dma_start3A_57 = arith.constant 0 : i32
      %dma_start3A_58 = arith.constant 0 : i32
      %dma_start3A_59 = tpu.memref_slice %arg2[%dma_start3A_57, %dma_start3A_58] : memref<10112x128xf32, #tpu.memory_space<hbm>> -> memref<10112x128xf32, #tpu.memory_space<hbm>>
      tpu.enqueue_indirect_dma source(%dma_start3A_59 : memref<10112x128xf32, #tpu.memory_space<hbm>>) target(%arg9 : memref<128x128xf32, #tpu.memory_space<vmem>>) offsets(%dma_start3A_56 : memref<128xi32, #tpu.memory_space<vmem>>) semaphore(%arg12 : memref<!tpu.dma_semaphore, #tpu.memory_space<semaphore_mem>>)
      %scan3A = arith.constant 0 : i32
      %scan3A_60 = arith.constant 1 : i32
      %scan3A_61 = arith.constant 19 : i32
      %scan3A_62 = arith.addi %scan3A_60, %scan3A_61 : i32
      %scan3A_63 = arith.constant 1 : i32
      scf.for %scan3A_215 = %scan3A_60 to %scan3A_62 step %scan3A_63  : i32 {
        %mul3A_216 = arith.constant 2 : i32
        %mul3A_217 = arith.muli %scan3A_215, %mul3A_216 : i32
        %add3A = arith.constant 0 : i32
        %add3A_218 = arith.addi %mul3A_217, %add3A : i32
        %mul3A_219 = arith.constant 128 : i32
        %mul3A_220 = arith.muli %add3A_218, %mul3A_219 : i32
        %dma_wait3A_221 = tpu.memref_slice %arg7[%mul3A_220] : memref<5120xi32, #tpu.memory_space<vmem>> -> memref<128xi32, #tpu.memory_space<vmem>>
        %dma_wait3A_222 = arith.constant 0 : i32
        %dma_wait3A_223 = arith.constant 0 : i32
        %dma_wait3A_224 = tpu.memref_slice %arg2[%dma_wait3A_222, %dma_wait3A_223] : memref<10112x128xf32, #tpu.memory_space<hbm>> -> memref<10112x128xf32, #tpu.memory_space<hbm>>
        tpu.wait_indirect_dma semaphore(%arg12 : memref<!tpu.dma_semaphore, #tpu.memory_space<semaphore_mem>>) src(%dma_wait3A_224 : memref<10112x128xf32, #tpu.memory_space<hbm>>) dst(%arg9 : memref<128x128xf32, #tpu.memory_space<vmem>>)
        %dma_start3A_225 = arith.constant 0 : i32
        %dma_start3A_226 = tpu.memref_slice %arg8[%add3A_218, %dma_start3A_225] : memref<40x128xi32, #tpu.memory_space<vmem>> -> memref<1x128xi32, #tpu.memory_space<vmem>>
        %dma_start3A_227 = tpu.memref_squeeze %dma_start3A_226 : memref<1x128xi32, #tpu.memory_space<vmem>> -> memref<128xi32, #tpu.memory_space<vmem>>
        %dma_start3A_228 = arith.constant 0 : i32
        %dma_start3A_229 = arith.constant 0 : i32
        %dma_start3A_230 = tpu.memref_slice %arg11[%dma_start3A_228, %dma_start3A_229] : memref<10112x128xf32, #tpu.memory_space<vmem_shared>> -> memref<10112x128xf32, #tpu.memory_space<vmem_shared>>
        tpu.enqueue_indirect_dma source(%arg9 : memref<128x128xf32, #tpu.memory_space<vmem>>) target(%dma_start3A_230 : memref<10112x128xf32, #tpu.memory_space<vmem_shared>>) offsets(%dma_start3A_227 : memref<128xi32, #tpu.memory_space<vmem>>) semaphore(%arg14 : memref<!tpu.dma_semaphore, #tpu.memory_space<semaphore_mem>>) {add = true}
        %add3A_231 = arith.constant 1 : i32
        %add3A_232 = arith.addi %add3A_218, %add3A_231 : i32
        %lt3A = arith.constant 40 : i32
        %lt3A_233 = arith.cmpi slt, %add3A_232, %lt3A : i32
        %convert_element_type3A_234 = arith.extui %lt3A_233 : i1 to i32
        %cond3A_235 = arith.constant 0 : i32
        %cond3A_236 = arith.cmpi ne, %convert_element_type3A_234, %cond3A_235 : i32
        scf.if %cond3A_236 {
          %sub3A = arith.constant 1 : i32
          %sub3A_260 = arith.subi %add3A_218, %sub3A : i32
          %dma_wait3A_261 = arith.constant 0 : i32
          %dma_wait3A_262 = tpu.memref_slice %arg8[%sub3A_260, %dma_wait3A_261] : memref<40x128xi32, #tpu.memory_space<vmem>> -> memref<1x128xi32, #tpu.memory_space<vmem>>
          %dma_wait3A_263 = tpu.memref_squeeze %dma_wait3A_262 : memref<1x128xi32, #tpu.memory_space<vmem>> -> memref<128xi32, #tpu.memory_space<vmem>>
          %dma_wait3A_264 = arith.constant 0 : i32
          %dma_wait3A_265 = arith.constant 0 : i32
          %dma_wait3A_266 = tpu.memref_slice %arg11[%dma_wait3A_264, %dma_wait3A_265] : memref<10112x128xf32, #tpu.memory_space<vmem_shared>> -> memref<10112x128xf32, #tpu.memory_space<vmem_shared>>
          tpu.wait_indirect_dma semaphore(%arg15 : memref<!tpu.dma_semaphore, #tpu.memory_space<semaphore_mem>>) src(%arg10 : memref<128x128xf32, #tpu.memory_space<vmem>>) dst(%dma_wait3A_266 : memref<10112x128xf32, #tpu.memory_space<vmem_shared>>)
          %add3A_267 = arith.constant 1 : i32
          %add3A_268 = arith.addi %add3A_218, %add3A_267 : i32
          %mul3A_269 = arith.constant 128 : i32
          %mul3A_270 = arith.muli %add3A_268, %mul3A_269 : i32
          %dma_start3A_271 = tpu.memref_slice %arg7[%mul3A_270] : memref<5120xi32, #tpu.memory_space<vmem>> -> memref<128xi32, #tpu.memory_space<vmem>>
          %dma_start3A_272 = arith.constant 0 : i32
          %dma_start3A_273 = arith.constant 0 : i32
          %dma_start3A_274 = tpu.memref_slice %arg2[%dma_start3A_272, %dma_start3A_273] : memref<10112x128xf32, #tpu.memory_space<hbm>> -> memref<10112x128xf32, #tpu.memory_space<hbm>>
          tpu.enqueue_indirect_dma source(%dma_start3A_274 : memref<10112x128xf32, #tpu.memory_space<hbm>>) target(%arg10 : memref<128x128xf32, #tpu.memory_space<vmem>>) offsets(%dma_start3A_271 : memref<128xi32, #tpu.memory_space<vmem>>) semaphore(%arg13 : memref<!tpu.dma_semaphore, #tpu.memory_space<semaphore_mem>>)
        } else {
        }
        %mul3A_237 = arith.constant 2 : i32
        %mul3A_238 = arith.muli %scan3A_215, %mul3A_237 : i32
        %add3A_239 = arith.constant 1 : i32
        %add3A_240 = arith.addi %mul3A_238, %add3A_239 : i32
        %mul3A_241 = arith.constant 128 : i32
        %mul3A_242 = arith.muli %add3A_240, %mul3A_241 : i32
        %dma_wait3A_243 = tpu.memref_slice %arg7[%mul3A_242] : memref<5120xi32, #tpu.memory_space<vmem>> -> memref<128xi32, #tpu.memory_space<vmem>>
        %dma_wait3A_244 = arith.constant 0 : i32
        %dma_wait3A_245 = arith.constant 0 : i32
        %dma_wait3A_246 = tpu.memref_slice %arg2[%dma_wait3A_244, %dma_wait3A_245] : memref<10112x128xf32, #tpu.memory_space<hbm>> -> memref<10112x128xf32, #tpu.memory_space<hbm>>
        tpu.wait_indirect_dma semaphore(%arg13 : memref<!tpu.dma_semaphore, #tpu.memory_space<semaphore_mem>>) src(%dma_wait3A_246 : memref<10112x128xf32, #tpu.memory_space<hbm>>) dst(%arg10 : memref<128x128xf32, #tpu.memory_space<vmem>>)
        %dma_start3A_247 = arith.constant 0 : i32
        %dma_start3A_248 = tpu.memref_slice %arg8[%add3A_240, %dma_start3A_247] : memref<40x128xi32, #tpu.memory_space<vmem>> -> memref<1x128xi32, #tpu.memory_space<vmem>>
        %dma_start3A_249 = tpu.memref_squeeze %dma_start3A_248 : memref<1x128xi32, #tpu.memory_space<vmem>> -> memref<128xi32, #tpu.memory_space<vmem>>
        %dma_start3A_250 = arith.constant 0 : i32
        %dma_start3A_251 = arith.constant 0 : i32
        %dma_start3A_252 = tpu.memref_slice %arg11[%dma_start3A_250, %dma_start3A_251] : memref<10112x128xf32, #tpu.memory_space<vmem_shared>> -> memref<10112x128xf32, #tpu.memory_space<vmem_shared>>
        tpu.enqueue_indirect_dma source(%arg10 : memref<128x128xf32, #tpu.memory_space<vmem>>) target(%dma_start3A_252 : memref<10112x128xf32, #tpu.memory_space<vmem_shared>>) offsets(%dma_start3A_249 : memref<128xi32, #tpu.memory_space<vmem>>) semaphore(%arg15 : memref<!tpu.dma_semaphore, #tpu.memory_space<semaphore_mem>>) {add = true}
        %add3A_253 = arith.constant 1 : i32
        %add3A_254 = arith.addi %add3A_240, %add3A_253 : i32
        %lt3A_255 = arith.constant 40 : i32
        %lt3A_256 = arith.cmpi slt, %add3A_254, %lt3A_255 : i32
        %convert_element_type3A_257 = arith.extui %lt3A_256 : i1 to i32
        %cond3A_258 = arith.constant 0 : i32
        %cond3A_259 = arith.cmpi ne, %convert_element_type3A_257, %cond3A_258 : i32
        scf.if %cond3A_259 {
          %sub3A = arith.constant 1 : i32
          %sub3A_260 = arith.subi %add3A_240, %sub3A : i32
          %dma_wait3A_261 = arith.constant 0 : i32
          %dma_wait3A_262 = tpu.memref_slice %arg8[%sub3A_260, %dma_wait3A_261] : memref<40x128xi32, #tpu.memory_space<vmem>> -> memref<1x128xi32, #tpu.memory_space<vmem>>
          %dma_wait3A_263 = tpu.memref_squeeze %dma_wait3A_262 : memref<1x128xi32, #tpu.memory_space<vmem>> -> memref<128xi32, #tpu.memory_space<vmem>>
          %dma_wait3A_264 = arith.constant 0 : i32
          %dma_wait3A_265 = arith.constant 0 : i32
          %dma_wait3A_266 = tpu.memref_slice %arg11[%dma_wait3A_264, %dma_wait3A_265] : memref<10112x128xf32, #tpu.memory_space<vmem_shared>> -> memref<10112x128xf32, #tpu.memory_space<vmem_shared>>
          tpu.wait_indirect_dma semaphore(%arg14 : memref<!tpu.dma_semaphore, #tpu.memory_space<semaphore_mem>>) src(%arg9 : memref<128x128xf32, #tpu.memory_space<vmem>>) dst(%dma_wait3A_266 : memref<10112x128xf32, #tpu.memory_space<vmem_shared>>)
          %add3A_267 = arith.constant 1 : i32
          %add3A_268 = arith.addi %add3A_240, %add3A_267 : i32
          %mul3A_269 = arith.constant 128 : i32
          %mul3A_270 = arith.muli %add3A_268, %mul3A_269 : i32
          %dma_start3A_271 = tpu.memref_slice %arg7[%mul3A_270] : memref<5120xi32, #tpu.memory_space<vmem>> -> memref<128xi32, #tpu.memory_space<vmem>>
          %dma_start3A_272 = arith.constant 0 : i32
          %dma_start3A_273 = arith.constant 0 : i32
          %dma_start3A_274 = tpu.memref_slice %arg2[%dma_start3A_272, %dma_start3A_273] : memref<10112x128xf32, #tpu.memory_space<hbm>> -> memref<10112x128xf32, #tpu.memory_space<hbm>>
          tpu.enqueue_indirect_dma source(%dma_start3A_274 : memref<10112x128xf32, #tpu.memory_space<hbm>>) target(%arg9 : memref<128x128xf32, #tpu.memory_space<vmem>>) offsets(%dma_start3A_271 : memref<128xi32, #tpu.memory_space<vmem>>) semaphore(%arg12 : memref<!tpu.dma_semaphore, #tpu.memory_space<semaphore_mem>>)
        } else {
        }
      }
      %scan3A_64 = arith.constant 19 : i32
      %dma_wait3A_65 = arith.constant 38 : i32
      %dma_wait3A_66 = arith.constant 0 : i32
      %dma_wait3A_67 = tpu.memref_slice %arg8[%dma_wait3A_65, %dma_wait3A_66] : memref<40x128xi32, #tpu.memory_space<vmem>> -> memref<1x128xi32, #tpu.memory_space<vmem>>
      %dma_wait3A_68 = tpu.memref_squeeze %dma_wait3A_67 : memref<1x128xi32, #tpu.memory_space<vmem>> -> memref<128xi32, #tpu.memory_space<vmem>>
      %dma_wait3A_69 = arith.constant 0 : i32
      %dma_wait3A_70 = arith.constant 0 : i32
      %dma_wait3A_71 = tpu.memref_slice %arg11[%dma_wait3A_69, %dma_wait3A_70] : memref<10112x128xf32, #tpu.memory_space<vmem_shared>> -> memref<10112x128xf32, #tpu.memory_space<vmem_shared>>
      tpu.wait_indirect_dma semaphore(%arg14 : memref<!tpu.dma_semaphore, #tpu.memory_space<semaphore_mem>>) src(%arg9 : memref<128x128xf32, #tpu.memory_space<vmem>>) dst(%dma_wait3A_71 : memref<10112x128xf32, #tpu.memory_space<vmem_shared>>)
      %dma_wait3A_72 = arith.constant 39 : i32
      %dma_wait3A_73 = arith.constant 0 : i32
      %dma_wait3A_74 = tpu.memref_slice %arg8[%dma_wait3A_72, %dma_wait3A_73] : memref<40x128xi32, #tpu.memory_space<vmem>> -> memref<1x128xi32, #tpu.memory_space<vmem>>
      %dma_wait3A_75 = tpu.memref_squeeze %dma_wait3A_74 : memref<1x128xi32, #tpu.memory_space<vmem>> -> memref<128xi32, #tpu.memory_space<vmem>>
      %dma_wait3A_76 = arith.constant 0 : i32
      %dma_wait3A_77 = arith.constant 0 : i32
      %dma_wait3A_78 = tpu.memref_slice %arg11[%dma_wait3A_76, %dma_wait3A_77] : memref<10112x128xf32, #tpu.memory_space<vmem_shared>> -> memref<10112x128xf32, #tpu.memory_space<vmem_shared>>
      tpu.wait_indirect_dma semaphore(%arg15 : memref<!tpu.dma_semaphore, #tpu.memory_space<semaphore_mem>>) src(%arg10 : memref<128x128xf32, #tpu.memory_space<vmem>>) dst(%dma_wait3A_78 : memref<10112x128xf32, #tpu.memory_space<vmem_shared>>)
      %run_scoped3A_79 = arith.constant 1 : i32
      "tpu.region"() ({
        %run_scoped3A_215 = tpu.sem_alloc : memref<!tpu.dma_semaphore, #tpu.memory_space<semaphore_mem>>
        %dma_start3A_216 = arith.constant 0 : i32
        %dma_start3A_217 = tpu.memref_slice %arg3[%arg1, %run_scoped3A_79, %dma_start3A_216] : memref<16x4x5120xi32, #tpu.memory_space<hbm>> -> memref<1x1x5120xi32, #tpu.memory_space<hbm>>
        %dma_start3A_218 = tpu.memref_squeeze %dma_start3A_217 : memref<1x1x5120xi32, #tpu.memory_space<hbm>> -> memref<5120xi32, #tpu.memory_space<hbm>>
        %dma_start3A_219 = arith.constant 0 : i32
        %dma_start3A_220 = tpu.memref_slice %arg3[%arg1, %run_scoped3A_79, %dma_start3A_219] : memref<16x4x5120xi32, #tpu.memory_space<hbm>> -> memref<1x1x5120xi32, #tpu.memory_space<hbm>>
        %dma_start3A_221 = tpu.memref_squeeze %dma_start3A_220 : memref<1x1x5120xi32, #tpu.memory_space<hbm>> -> memref<5120xi32, #tpu.memory_space<hbm>>
        tpu.enqueue_dma source(%dma_start3A_221 : memref<5120xi32, #tpu.memory_space<hbm>>) target(%arg7 : memref<5120xi32, #tpu.memory_space<vmem>>) target_semaphore(%run_scoped3A_215 : memref<!tpu.dma_semaphore, #tpu.memory_space<semaphore_mem>>)
        %dma_wait3A_222 = arith.constant 0 : i32
        %dma_wait3A_223 = tpu.memref_slice %arg3[%arg1, %run_scoped3A_79, %dma_wait3A_222] : memref<16x4x5120xi32, #tpu.memory_space<hbm>> -> memref<1x1x5120xi32, #tpu.memory_space<hbm>>
        %dma_wait3A_224 = tpu.memref_squeeze %dma_wait3A_223 : memref<1x1x5120xi32, #tpu.memory_space<hbm>> -> memref<5120xi32, #tpu.memory_space<hbm>>
        %dma_wait3A_225 = arith.constant 0 : i32
        %dma_wait3A_226 = tpu.memref_slice %arg3[%arg1, %run_scoped3A_79, %dma_wait3A_225] : memref<16x4x5120xi32, #tpu.memory_space<hbm>> -> memref<1x1x5120xi32, #tpu.memory_space<hbm>>
        %dma_wait3A_227 = tpu.memref_squeeze %dma_wait3A_226 : memref<1x1x5120xi32, #tpu.memory_space<hbm>> -> memref<5120xi32, #tpu.memory_space<hbm>>
        tpu.wait_dma2 semaphore(%run_scoped3A_215 : memref<!tpu.dma_semaphore, #tpu.memory_space<semaphore_mem>>) src(%dma_wait3A_227 : memref<5120xi32, #tpu.memory_space<hbm>>) dst(%arg7 : memref<5120xi32, #tpu.memory_space<vmem>>)
        tpu.yield
      }) : () -> ()
      %run_scoped3A_80 = arith.constant 1 : i32
      "tpu.region"() ({
        %run_scoped3A_215 = tpu.sem_alloc : memref<!tpu.dma_semaphore, #tpu.memory_space<semaphore_mem>>
        %dma_start3A_216 = arith.constant 0 : i32
        %dma_start3A_217 = arith.constant 0 : i32
        %dma_start3A_218 = tpu.memref_slice %arg4[%arg1, %run_scoped3A_80, %dma_start3A_216, %dma_start3A_217] : memref<16x4x40x128xi32, #tpu.memory_space<hbm>> -> memref<1x1x40x128xi32, #tpu.memory_space<hbm>>
        %dma_start3A_219 = tpu.memref_squeeze %dma_start3A_218 : memref<1x1x40x128xi32, #tpu.memory_space<hbm>> -> memref<40x128xi32, #tpu.memory_space<hbm>>
        %dma_start3A_220 = arith.constant 0 : i32
        %dma_start3A_221 = arith.constant 0 : i32
        %dma_start3A_222 = tpu.memref_slice %arg4[%arg1, %run_scoped3A_80, %dma_start3A_220, %dma_start3A_221] : memref<16x4x40x128xi32, #tpu.memory_space<hbm>> -> memref<1x1x40x128xi32, #tpu.memory_space<hbm>>
        %dma_start3A_223 = tpu.memref_squeeze %dma_start3A_222 : memref<1x1x40x128xi32, #tpu.memory_space<hbm>> -> memref<40x128xi32, #tpu.memory_space<hbm>>
        tpu.enqueue_dma source(%dma_start3A_223 : memref<40x128xi32, #tpu.memory_space<hbm>>) target(%arg8 : memref<40x128xi32, #tpu.memory_space<vmem>>) target_semaphore(%run_scoped3A_215 : memref<!tpu.dma_semaphore, #tpu.memory_space<semaphore_mem>>)
        %dma_wait3A_224 = arith.constant 0 : i32
        %dma_wait3A_225 = arith.constant 0 : i32
        %dma_wait3A_226 = tpu.memref_slice %arg4[%arg1, %run_scoped3A_80, %dma_wait3A_224, %dma_wait3A_225] : memref<16x4x40x128xi32, #tpu.memory_space<hbm>> -> memref<1x1x40x128xi32, #tpu.memory_space<hbm>>
        %dma_wait3A_227 = tpu.memref_squeeze %dma_wait3A_226 : memref<1x1x40x128xi32, #tpu.memory_space<hbm>> -> memref<40x128xi32, #tpu.memory_space<hbm>>
        %dma_wait3A_228 = arith.constant 0 : i32
        %dma_wait3A_229 = arith.constant 0 : i32
        %dma_wait3A_230 = tpu.memref_slice %arg4[%arg1, %run_scoped3A_80, %dma_wait3A_228, %dma_wait3A_229] : memref<16x4x40x128xi32, #tpu.memory_space<hbm>> -> memref<1x1x40x128xi32, #tpu.memory_space<hbm>>
        %dma_wait3A_231 = tpu.memref_squeeze %dma_wait3A_230 : memref<1x1x40x128xi32, #tpu.memory_space<hbm>> -> memref<40x128xi32, #tpu.memory_space<hbm>>
        tpu.wait_dma2 semaphore(%run_scoped3A_215 : memref<!tpu.dma_semaphore, #tpu.memory_space<semaphore_mem>>) src(%dma_wait3A_231 : memref<40x128xi32, #tpu.memory_space<hbm>>) dst(%arg8 : memref<40x128xi32, #tpu.memory_space<vmem>>)
        tpu.yield
      }) : () -> ()
      %dma_start3A_81 = arith.constant 0 : i32
      %dma_start3A_82 = tpu.memref_slice %arg7[%dma_start3A_81] : memref<5120xi32, #tpu.memory_space<vmem>> -> memref<128xi32, #tpu.memory_space<vmem>>
      %dma_start3A_83 = arith.constant 0 : i32
      %dma_start3A_84 = arith.constant 0 : i32
      %dma_start3A_85 = tpu.memref_slice %arg2[%dma_start3A_83, %dma_start3A_84] : memref<10112x128xf32, #tpu.memory_space<hbm>> -> memref<10112x128xf32, #tpu.memory_space<hbm>>
      tpu.enqueue_indirect_dma source(%dma_start3A_85 : memref<10112x128xf32, #tpu.memory_space<hbm>>) target(%arg9 : memref<128x128xf32, #tpu.memory_space<vmem>>) offsets(%dma_start3A_82 : memref<128xi32, #tpu.memory_space<vmem>>) semaphore(%arg12 : memref<!tpu.dma_semaphore, #tpu.memory_space<semaphore_mem>>)
      %dma_wait3A_86 = arith.constant 0 : i32
      %dma_wait3A_87 = tpu.memref_slice %arg7[%dma_wait3A_86] : memref<5120xi32, #tpu.memory_space<vmem>> -> memref<128xi32, #tpu.memory_space<vmem>>
      %dma_wait3A_88 = arith.constant 0 : i32
      %dma_wait3A_89 = arith.constant 0 : i32
      %dma_wait3A_90 = tpu.memref_slice %arg2[%dma_wait3A_88, %dma_wait3A_89] : memref<10112x128xf32, #tpu.memory_space<hbm>> -> memref<10112x128xf32, #tpu.memory_space<hbm>>
      tpu.wait_indirect_dma semaphore(%arg12 : memref<!tpu.dma_semaphore, #tpu.memory_space<semaphore_mem>>) src(%dma_wait3A_90 : memref<10112x128xf32, #tpu.memory_space<hbm>>) dst(%arg9 : memref<128x128xf32, #tpu.memory_space<vmem>>)
      %dma_start3A_91 = arith.constant 0 : i32
      %dma_start3A_92 = arith.constant 0 : i32
      %dma_start3A_93 = tpu.memref_slice %arg8[%dma_start3A_91, %dma_start3A_92] : memref<40x128xi32, #tpu.memory_space<vmem>> -> memref<1x128xi32, #tpu.memory_space<vmem>>
      %dma_start3A_94 = tpu.memref_squeeze %dma_start3A_93 : memref<1x128xi32, #tpu.memory_space<vmem>> -> memref<128xi32, #tpu.memory_space<vmem>>
      %dma_start3A_95 = arith.constant 0 : i32
      %dma_start3A_96 = arith.constant 0 : i32
      %dma_start3A_97 = tpu.memref_slice %arg11[%dma_start3A_95, %dma_start3A_96] : memref<10112x128xf32, #tpu.memory_space<vmem_shared>> -> memref<10112x128xf32, #tpu.memory_space<vmem_shared>>
      tpu.enqueue_indirect_dma source(%arg9 : memref<128x128xf32, #tpu.memory_space<vmem>>) target(%dma_start3A_97 : memref<10112x128xf32, #tpu.memory_space<vmem_shared>>) offsets(%dma_start3A_94 : memref<128xi32, #tpu.memory_space<vmem>>) semaphore(%arg14 : memref<!tpu.dma_semaphore, #tpu.memory_space<semaphore_mem>>) {add = true}
      %dma_start3A_98 = arith.constant 128 : i32
      %dma_start3A_99 = tpu.memref_slice %arg7[%dma_start3A_98] : memref<5120xi32, #tpu.memory_space<vmem>> -> memref<128xi32, #tpu.memory_space<vmem>>
      %dma_start3A_100 = arith.constant 0 : i32
      %dma_start3A_101 = arith.constant 0 : i32
      %dma_start3A_102 = tpu.memref_slice %arg2[%dma_start3A_100, %dma_start3A_101] : memref<10112x128xf32, #tpu.memory_space<hbm>> -> memref<10112x128xf32, #tpu.memory_space<hbm>>
      tpu.enqueue_indirect_dma source(%dma_start3A_102 : memref<10112x128xf32, #tpu.memory_space<hbm>>) target(%arg10 : memref<128x128xf32, #tpu.memory_space<vmem>>) offsets(%dma_start3A_99 : memref<128xi32, #tpu.memory_space<vmem>>) semaphore(%arg13 : memref<!tpu.dma_semaphore, #tpu.memory_space<semaphore_mem>>)
      %dma_wait3A_103 = arith.constant 128 : i32
      %dma_wait3A_104 = tpu.memref_slice %arg7[%dma_wait3A_103] : memref<5120xi32, #tpu.memory_space<vmem>> -> memref<128xi32, #tpu.memory_space<vmem>>
      %dma_wait3A_105 = arith.constant 0 : i32
      %dma_wait3A_106 = arith.constant 0 : i32
      %dma_wait3A_107 = tpu.memref_slice %arg2[%dma_wait3A_105, %dma_wait3A_106] : memref<10112x128xf32, #tpu.memory_space<hbm>> -> memref<10112x128xf32, #tpu.memory_space<hbm>>
      tpu.wait_indirect_dma semaphore(%arg13 : memref<!tpu.dma_semaphore, #tpu.memory_space<semaphore_mem>>) src(%dma_wait3A_107 : memref<10112x128xf32, #tpu.memory_space<hbm>>) dst(%arg10 : memref<128x128xf32, #tpu.memory_space<vmem>>)
      %dma_start3A_108 = arith.constant 1 : i32
      %dma_start3A_109 = arith.constant 0 : i32
      %dma_start3A_110 = tpu.memref_slice %arg8[%dma_start3A_108, %dma_start3A_109] : memref<40x128xi32, #tpu.memory_space<vmem>> -> memref<1x128xi32, #tpu.memory_space<vmem>>
      %dma_start3A_111 = tpu.memref_squeeze %dma_start3A_110 : memref<1x128xi32, #tpu.memory_space<vmem>> -> memref<128xi32, #tpu.memory_space<vmem>>
      %dma_start3A_112 = arith.constant 0 : i32
      %dma_start3A_113 = arith.constant 0 : i32
      %dma_start3A_114 = tpu.memref_slice %arg11[%dma_start3A_112, %dma_start3A_113] : memref<10112x128xf32, #tpu.memory_space<vmem_shared>> -> memref<10112x128xf32, #tpu.memory_space<vmem_shared>>
      tpu.enqueue_indirect_dma source(%arg10 : memref<128x128xf32, #tpu.memory_space<vmem>>) target(%dma_start3A_114 : memref<10112x128xf32, #tpu.memory_space<vmem_shared>>) offsets(%dma_start3A_111 : memref<128xi32, #tpu.memory_space<vmem>>) semaphore(%arg15 : memref<!tpu.dma_semaphore, #tpu.memory_space<semaphore_mem>>) {add = true}
      %dma_wait3A_115 = arith.constant 0 : i32
      %dma_wait3A_116 = arith.constant 0 : i32
      %dma_wait3A_117 = tpu.memref_slice %arg8[%dma_wait3A_115, %dma_wait3A_116] : memref<40x128xi32, #tpu.memory_space<vmem>> -> memref<1x128xi32, #tpu.memory_space<vmem>>
      %dma_wait3A_118 = tpu.memref_squeeze %dma_wait3A_117 : memref<1x128xi32, #tpu.memory_space<vmem>> -> memref<128xi32, #tpu.memory_space<vmem>>
      %dma_wait3A_119 = arith.constant 0 : i32
      %dma_wait3A_120 = arith.constant 0 : i32
      %dma_wait3A_121 = tpu.memref_slice %arg11[%dma_wait3A_119, %dma_wait3A_120] : memref<10112x128xf32, #tpu.memory_space<vmem_shared>> -> memref<10112x128xf32, #tpu.memory_space<vmem_shared>>
      tpu.wait_indirect_dma semaphore(%arg14 : memref<!tpu.dma_semaphore, #tpu.memory_space<semaphore_mem>>) src(%arg9 : memref<128x128xf32, #tpu.memory_space<vmem>>) dst(%dma_wait3A_121 : memref<10112x128xf32, #tpu.memory_space<vmem_shared>>)
      %dma_start3A_122 = arith.constant 256 : i32
      %dma_start3A_123 = tpu.memref_slice %arg7[%dma_start3A_122] : memref<5120xi32, #tpu.memory_space<vmem>> -> memref<128xi32, #tpu.memory_space<vmem>>
      %dma_start3A_124 = arith.constant 0 : i32
      %dma_start3A_125 = arith.constant 0 : i32
      %dma_start3A_126 = tpu.memref_slice %arg2[%dma_start3A_124, %dma_start3A_125] : memref<10112x128xf32, #tpu.memory_space<hbm>> -> memref<10112x128xf32, #tpu.memory_space<hbm>>
      tpu.enqueue_indirect_dma source(%dma_start3A_126 : memref<10112x128xf32, #tpu.memory_space<hbm>>) target(%arg9 : memref<128x128xf32, #tpu.memory_space<vmem>>) offsets(%dma_start3A_123 : memref<128xi32, #tpu.memory_space<vmem>>) semaphore(%arg12 : memref<!tpu.dma_semaphore, #tpu.memory_space<semaphore_mem>>)
      %scan3A_127 = arith.constant 0 : i32
      %scan3A_128 = arith.constant 1 : i32
      %scan3A_129 = arith.constant 19 : i32
      %scan3A_130 = arith.addi %scan3A_128, %scan3A_129 : i32
      %scan3A_131 = arith.constant 1 : i32
      scf.for %scan3A_215 = %scan3A_128 to %scan3A_130 step %scan3A_131  : i32 {
        %mul3A_216 = arith.constant 2 : i32
        %mul3A_217 = arith.muli %scan3A_215, %mul3A_216 : i32
        %add3A = arith.constant 0 : i32
        %add3A_218 = arith.addi %mul3A_217, %add3A : i32
        %mul3A_219 = arith.constant 128 : i32
        %mul3A_220 = arith.muli %add3A_218, %mul3A_219 : i32
        %dma_wait3A_221 = tpu.memref_slice %arg7[%mul3A_220] : memref<5120xi32, #tpu.memory_space<vmem>> -> memref<128xi32, #tpu.memory_space<vmem>>
        %dma_wait3A_222 = arith.constant 0 : i32
        %dma_wait3A_223 = arith.constant 0 : i32
        %dma_wait3A_224 = tpu.memref_slice %arg2[%dma_wait3A_222, %dma_wait3A_223] : memref<10112x128xf32, #tpu.memory_space<hbm>> -> memref<10112x128xf32, #tpu.memory_space<hbm>>
        tpu.wait_indirect_dma semaphore(%arg12 : memref<!tpu.dma_semaphore, #tpu.memory_space<semaphore_mem>>) src(%dma_wait3A_224 : memref<10112x128xf32, #tpu.memory_space<hbm>>) dst(%arg9 : memref<128x128xf32, #tpu.memory_space<vmem>>)
        %dma_start3A_225 = arith.constant 0 : i32
        %dma_start3A_226 = tpu.memref_slice %arg8[%add3A_218, %dma_start3A_225] : memref<40x128xi32, #tpu.memory_space<vmem>> -> memref<1x128xi32, #tpu.memory_space<vmem>>
        %dma_start3A_227 = tpu.memref_squeeze %dma_start3A_226 : memref<1x128xi32, #tpu.memory_space<vmem>> -> memref<128xi32, #tpu.memory_space<vmem>>
        %dma_start3A_228 = arith.constant 0 : i32
        %dma_start3A_229 = arith.constant 0 : i32
        %dma_start3A_230 = tpu.memref_slice %arg11[%dma_start3A_228, %dma_start3A_229] : memref<10112x128xf32, #tpu.memory_space<vmem_shared>> -> memref<10112x128xf32, #tpu.memory_space<vmem_shared>>
        tpu.enqueue_indirect_dma source(%arg9 : memref<128x128xf32, #tpu.memory_space<vmem>>) target(%dma_start3A_230 : memref<10112x128xf32, #tpu.memory_space<vmem_shared>>) offsets(%dma_start3A_227 : memref<128xi32, #tpu.memory_space<vmem>>) semaphore(%arg14 : memref<!tpu.dma_semaphore, #tpu.memory_space<semaphore_mem>>) {add = true}
        %add3A_231 = arith.constant 1 : i32
        %add3A_232 = arith.addi %add3A_218, %add3A_231 : i32
        %lt3A = arith.constant 40 : i32
        %lt3A_233 = arith.cmpi slt, %add3A_232, %lt3A : i32
        %convert_element_type3A_234 = arith.extui %lt3A_233 : i1 to i32
        %cond3A_235 = arith.constant 0 : i32
        %cond3A_236 = arith.cmpi ne, %convert_element_type3A_234, %cond3A_235 : i32
        scf.if %cond3A_236 {
          %sub3A = arith.constant 1 : i32
          %sub3A_260 = arith.subi %add3A_218, %sub3A : i32
          %dma_wait3A_261 = arith.constant 0 : i32
          %dma_wait3A_262 = tpu.memref_slice %arg8[%sub3A_260, %dma_wait3A_261] : memref<40x128xi32, #tpu.memory_space<vmem>> -> memref<1x128xi32, #tpu.memory_space<vmem>>
          %dma_wait3A_263 = tpu.memref_squeeze %dma_wait3A_262 : memref<1x128xi32, #tpu.memory_space<vmem>> -> memref<128xi32, #tpu.memory_space<vmem>>
          %dma_wait3A_264 = arith.constant 0 : i32
          %dma_wait3A_265 = arith.constant 0 : i32
          %dma_wait3A_266 = tpu.memref_slice %arg11[%dma_wait3A_264, %dma_wait3A_265] : memref<10112x128xf32, #tpu.memory_space<vmem_shared>> -> memref<10112x128xf32, #tpu.memory_space<vmem_shared>>
          tpu.wait_indirect_dma semaphore(%arg15 : memref<!tpu.dma_semaphore, #tpu.memory_space<semaphore_mem>>) src(%arg10 : memref<128x128xf32, #tpu.memory_space<vmem>>) dst(%dma_wait3A_266 : memref<10112x128xf32, #tpu.memory_space<vmem_shared>>)
          %add3A_267 = arith.constant 1 : i32
          %add3A_268 = arith.addi %add3A_218, %add3A_267 : i32
          %mul3A_269 = arith.constant 128 : i32
          %mul3A_270 = arith.muli %add3A_268, %mul3A_269 : i32
          %dma_start3A_271 = tpu.memref_slice %arg7[%mul3A_270] : memref<5120xi32, #tpu.memory_space<vmem>> -> memref<128xi32, #tpu.memory_space<vmem>>
          %dma_start3A_272 = arith.constant 0 : i32
          %dma_start3A_273 = arith.constant 0 : i32
          %dma_start3A_274 = tpu.memref_slice %arg2[%dma_start3A_272, %dma_start3A_273] : memref<10112x128xf32, #tpu.memory_space<hbm>> -> memref<10112x128xf32, #tpu.memory_space<hbm>>
          tpu.enqueue_indirect_dma source(%dma_start3A_274 : memref<10112x128xf32, #tpu.memory_space<hbm>>) target(%arg10 : memref<128x128xf32, #tpu.memory_space<vmem>>) offsets(%dma_start3A_271 : memref<128xi32, #tpu.memory_space<vmem>>) semaphore(%arg13 : memref<!tpu.dma_semaphore, #tpu.memory_space<semaphore_mem>>)
        } else {
        }
        %mul3A_237 = arith.constant 2 : i32
        %mul3A_238 = arith.muli %scan3A_215, %mul3A_237 : i32
        %add3A_239 = arith.constant 1 : i32
        %add3A_240 = arith.addi %mul3A_238, %add3A_239 : i32
        %mul3A_241 = arith.constant 128 : i32
        %mul3A_242 = arith.muli %add3A_240, %mul3A_241 : i32
        %dma_wait3A_243 = tpu.memref_slice %arg7[%mul3A_242] : memref<5120xi32, #tpu.memory_space<vmem>> -> memref<128xi32, #tpu.memory_space<vmem>>
        %dma_wait3A_244 = arith.constant 0 : i32
        %dma_wait3A_245 = arith.constant 0 : i32
        %dma_wait3A_246 = tpu.memref_slice %arg2[%dma_wait3A_244, %dma_wait3A_245] : memref<10112x128xf32, #tpu.memory_space<hbm>> -> memref<10112x128xf32, #tpu.memory_space<hbm>>
        tpu.wait_indirect_dma semaphore(%arg13 : memref<!tpu.dma_semaphore, #tpu.memory_space<semaphore_mem>>) src(%dma_wait3A_246 : memref<10112x128xf32, #tpu.memory_space<hbm>>) dst(%arg10 : memref<128x128xf32, #tpu.memory_space<vmem>>)
        %dma_start3A_247 = arith.constant 0 : i32
        %dma_start3A_248 = tpu.memref_slice %arg8[%add3A_240, %dma_start3A_247] : memref<40x128xi32, #tpu.memory_space<vmem>> -> memref<1x128xi32, #tpu.memory_space<vmem>>
        %dma_start3A_249 = tpu.memref_squeeze %dma_start3A_248 : memref<1x128xi32, #tpu.memory_space<vmem>> -> memref<128xi32, #tpu.memory_space<vmem>>
        %dma_start3A_250 = arith.constant 0 : i32
        %dma_start3A_251 = arith.constant 0 : i32
        %dma_start3A_252 = tpu.memref_slice %arg11[%dma_start3A_250, %dma_start3A_251] : memref<10112x128xf32, #tpu.memory_space<vmem_shared>> -> memref<10112x128xf32, #tpu.memory_space<vmem_shared>>
        tpu.enqueue_indirect_dma source(%arg10 : memref<128x128xf32, #tpu.memory_space<vmem>>) target(%dma_start3A_252 : memref<10112x128xf32, #tpu.memory_space<vmem_shared>>) offsets(%dma_start3A_249 : memref<128xi32, #tpu.memory_space<vmem>>) semaphore(%arg15 : memref<!tpu.dma_semaphore, #tpu.memory_space<semaphore_mem>>) {add = true}
        %add3A_253 = arith.constant 1 : i32
        %add3A_254 = arith.addi %add3A_240, %add3A_253 : i32
        %lt3A_255 = arith.constant 40 : i32
        %lt3A_256 = arith.cmpi slt, %add3A_254, %lt3A_255 : i32
        %convert_element_type3A_257 = arith.extui %lt3A_256 : i1 to i32
        %cond3A_258 = arith.constant 0 : i32
        %cond3A_259 = arith.cmpi ne, %convert_element_type3A_257, %cond3A_258 : i32
        scf.if %cond3A_259 {
          %sub3A = arith.constant 1 : i32
          %sub3A_260 = arith.subi %add3A_240, %sub3A : i32
          %dma_wait3A_261 = arith.constant 0 : i32
          %dma_wait3A_262 = tpu.memref_slice %arg8[%sub3A_260, %dma_wait3A_261] : memref<40x128xi32, #tpu.memory_space<vmem>> -> memref<1x128xi32, #tpu.memory_space<vmem>>
          %dma_wait3A_263 = tpu.memref_squeeze %dma_wait3A_262 : memref<1x128xi32, #tpu.memory_space<vmem>> -> memref<128xi32, #tpu.memory_space<vmem>>
          %dma_wait3A_264 = arith.constant 0 : i32
          %dma_wait3A_265 = arith.constant 0 : i32
          %dma_wait3A_266 = tpu.memref_slice %arg11[%dma_wait3A_264, %dma_wait3A_265] : memref<10112x128xf32, #tpu.memory_space<vmem_shared>> -> memref<10112x128xf32, #tpu.memory_space<vmem_shared>>
          tpu.wait_indirect_dma semaphore(%arg14 : memref<!tpu.dma_semaphore, #tpu.memory_space<semaphore_mem>>) src(%arg9 : memref<128x128xf32, #tpu.memory_space<vmem>>) dst(%dma_wait3A_266 : memref<10112x128xf32, #tpu.memory_space<vmem_shared>>)
          %add3A_267 = arith.constant 1 : i32
          %add3A_268 = arith.addi %add3A_240, %add3A_267 : i32
          %mul3A_269 = arith.constant 128 : i32
          %mul3A_270 = arith.muli %add3A_268, %mul3A_269 : i32
          %dma_start3A_271 = tpu.memref_slice %arg7[%mul3A_270] : memref<5120xi32, #tpu.memory_space<vmem>> -> memref<128xi32, #tpu.memory_space<vmem>>
          %dma_start3A_272 = arith.constant 0 : i32
          %dma_start3A_273 = arith.constant 0 : i32
          %dma_start3A_274 = tpu.memref_slice %arg2[%dma_start3A_272, %dma_start3A_273] : memref<10112x128xf32, #tpu.memory_space<hbm>> -> memref<10112x128xf32, #tpu.memory_space<hbm>>
          tpu.enqueue_indirect_dma source(%dma_start3A_274 : memref<10112x128xf32, #tpu.memory_space<hbm>>) target(%arg9 : memref<128x128xf32, #tpu.memory_space<vmem>>) offsets(%dma_start3A_271 : memref<128xi32, #tpu.memory_space<vmem>>) semaphore(%arg12 : memref<!tpu.dma_semaphore, #tpu.memory_space<semaphore_mem>>)
        } else {
        }
      }
      %scan3A_132 = arith.constant 19 : i32
      %dma_wait3A_133 = arith.constant 38 : i32
      %dma_wait3A_134 = arith.constant 0 : i32
      %dma_wait3A_135 = tpu.memref_slice %arg8[%dma_wait3A_133, %dma_wait3A_134] : memref<40x128xi32, #tpu.memory_space<vmem>> -> memref<1x128xi32, #tpu.memory_space<vmem>>
      %dma_wait3A_136 = tpu.memref_squeeze %dma_wait3A_135 : memref<1x128xi32, #tpu.memory_space<vmem>> -> memref<128xi32, #tpu.memory_space<vmem>>
      %dma_wait3A_137 = arith.constant 0 : i32
      %dma_wait3A_138 = arith.constant 0 : i32
      %dma_wait3A_139 = tpu.memref_slice %arg11[%dma_wait3A_137, %dma_wait3A_138] : memref<10112x128xf32, #tpu.memory_space<vmem_shared>> -> memref<10112x128xf32, #tpu.memory_space<vmem_shared>>
      tpu.wait_indirect_dma semaphore(%arg14 : memref<!tpu.dma_semaphore, #tpu.memory_space<semaphore_mem>>) src(%arg9 : memref<128x128xf32, #tpu.memory_space<vmem>>) dst(%dma_wait3A_139 : memref<10112x128xf32, #tpu.memory_space<vmem_shared>>)
      %dma_wait3A_140 = arith.constant 39 : i32
      %dma_wait3A_141 = arith.constant 0 : i32
      %dma_wait3A_142 = tpu.memref_slice %arg8[%dma_wait3A_140, %dma_wait3A_141] : memref<40x128xi32, #tpu.memory_space<vmem>> -> memref<1x128xi32, #tpu.memory_space<vmem>>
      %dma_wait3A_143 = tpu.memref_squeeze %dma_wait3A_142 : memref<1x128xi32, #tpu.memory_space<vmem>> -> memref<128xi32, #tpu.memory_space<vmem>>
      %dma_wait3A_144 = arith.constant 0 : i32
      %dma_wait3A_145 = arith.constant 0 : i32
      %dma_wait3A_146 = tpu.memref_slice %arg11[%dma_wait3A_144, %dma_wait3A_145] : memref<10112x128xf32, #tpu.memory_space<vmem_shared>> -> memref<10112x128xf32, #tpu.memory_space<vmem_shared>>
      tpu.wait_indirect_dma semaphore(%arg15 : memref<!tpu.dma_semaphore, #tpu.memory_space<semaphore_mem>>) src(%arg10 : memref<128x128xf32, #tpu.memory_space<vmem>>) dst(%dma_wait3A_146 : memref<10112x128xf32, #tpu.memory_space<vmem_shared>>)
      %run_scoped3A_147 = arith.constant 2 : i32
      "tpu.region"() ({
        %run_scoped3A_215 = tpu.sem_alloc : memref<!tpu.dma_semaphore, #tpu.memory_space<semaphore_mem>>
        %dma_start3A_216 = arith.constant 0 : i32
        %dma_start3A_217 = tpu.memref_slice %arg3[%arg1, %run_scoped3A_147, %dma_start3A_216] : memref<16x4x5120xi32, #tpu.memory_space<hbm>> -> memref<1x1x5120xi32, #tpu.memory_space<hbm>>
        %dma_start3A_218 = tpu.memref_squeeze %dma_start3A_217 : memref<1x1x5120xi32, #tpu.memory_space<hbm>> -> memref<5120xi32, #tpu.memory_space<hbm>>
        %dma_start3A_219 = arith.constant 0 : i32
        %dma_start3A_220 = tpu.memref_slice %arg3[%arg1, %run_scoped3A_147, %dma_start3A_219] : memref<16x4x5120xi32, #tpu.memory_space<hbm>> -> memref<1x1x5120xi32, #tpu.memory_space<hbm>>
        %dma_start3A_221 = tpu.memref_squeeze %dma_start3A_220 : memref<1x1x5120xi32, #tpu.memory_space<hbm>> -> memref<5120xi32, #tpu.memory_space<hbm>>
        tpu.enqueue_dma source(%dma_start3A_221 : memref<5120xi32, #tpu.memory_space<hbm>>) target(%arg7 : memref<5120xi32, #tpu.memory_space<vmem>>) target_semaphore(%run_scoped3A_215 : memref<!tpu.dma_semaphore, #tpu.memory_space<semaphore_mem>>)
        %dma_wait3A_222 = arith.constant 0 : i32
        %dma_wait3A_223 = tpu.memref_slice %arg3[%arg1, %run_scoped3A_147, %dma_wait3A_222] : memref<16x4x5120xi32, #tpu.memory_space<hbm>> -> memref<1x1x5120xi32, #tpu.memory_space<hbm>>
        %dma_wait3A_224 = tpu.memref_squeeze %dma_wait3A_223 : memref<1x1x5120xi32, #tpu.memory_space<hbm>> -> memref<5120xi32, #tpu.memory_space<hbm>>
        %dma_wait3A_225 = arith.constant 0 : i32
        %dma_wait3A_226 = tpu.memref_slice %arg3[%arg1, %run_scoped3A_147, %dma_wait3A_225] : memref<16x4x5120xi32, #tpu.memory_space<hbm>> -> memref<1x1x5120xi32, #tpu.memory_space<hbm>>
        %dma_wait3A_227 = tpu.memref_squeeze %dma_wait3A_226 : memref<1x1x5120xi32, #tpu.memory_space<hbm>> -> memref<5120xi32, #tpu.memory_space<hbm>>
        tpu.wait_dma2 semaphore(%run_scoped3A_215 : memref<!tpu.dma_semaphore, #tpu.memory_space<semaphore_mem>>) src(%dma_wait3A_227 : memref<5120xi32, #tpu.memory_space<hbm>>) dst(%arg7 : memref<5120xi32, #tpu.memory_space<vmem>>)
        tpu.yield
      }) : () -> ()
      %run_scoped3A_148 = arith.constant 2 : i32
      "tpu.region"() ({
        %run_scoped3A_215 = tpu.sem_alloc : memref<!tpu.dma_semaphore, #tpu.memory_space<semaphore_mem>>
        %dma_start3A_216 = arith.constant 0 : i32
        %dma_start3A_217 = arith.constant 0 : i32
        %dma_start3A_218 = tpu.memref_slice %arg4[%arg1, %run_scoped3A_148, %dma_start3A_216, %dma_start3A_217] : memref<16x4x40x128xi32, #tpu.memory_space<hbm>> -> memref<1x1x40x128xi32, #tpu.memory_space<hbm>>
        %dma_start3A_219 = tpu.memref_squeeze %dma_start3A_218 : memref<1x1x40x128xi32, #tpu.memory_space<hbm>> -> memref<40x128xi32, #tpu.memory_space<hbm>>
        %dma_start3A_220 = arith.constant 0 : i32
        %dma_start3A_221 = arith.constant 0 : i32
        %dma_start3A_222 = tpu.memref_slice %arg4[%arg1, %run_scoped3A_148, %dma_start3A_220, %dma_start3A_221] : memref<16x4x40x128xi32, #tpu.memory_space<hbm>> -> memref<1x1x40x128xi32, #tpu.memory_space<hbm>>
        %dma_start3A_223 = tpu.memref_squeeze %dma_start3A_222 : memref<1x1x40x128xi32, #tpu.memory_space<hbm>> -> memref<40x128xi32, #tpu.memory_space<hbm>>
        tpu.enqueue_dma source(%dma_start3A_223 : memref<40x128xi32, #tpu.memory_space<hbm>>) target(%arg8 : memref<40x128xi32, #tpu.memory_space<vmem>>) target_semaphore(%run_scoped3A_215 : memref<!tpu.dma_semaphore, #tpu.memory_space<semaphore_mem>>)
        %dma_wait3A_224 = arith.constant 0 : i32
        %dma_wait3A_225 = arith.constant 0 : i32
        %dma_wait3A_226 = tpu.memref_slice %arg4[%arg1, %run_scoped3A_148, %dma_wait3A_224, %dma_wait3A_225] : memref<16x4x40x128xi32, #tpu.memory_space<hbm>> -> memref<1x1x40x128xi32, #tpu.memory_space<hbm>>
        %dma_wait3A_227 = tpu.memref_squeeze %dma_wait3A_226 : memref<1x1x40x128xi32, #tpu.memory_space<hbm>> -> memref<40x128xi32, #tpu.memory_space<hbm>>
        %dma_wait3A_228 = arith.constant 0 : i32
        %dma_wait3A_229 = arith.constant 0 : i32
        %dma_wait3A_230 = tpu.memref_slice %arg4[%arg1, %run_scoped3A_148, %dma_wait3A_228, %dma_wait3A_229] : memref<16x4x40x128xi32, #tpu.memory_space<hbm>> -> memref<1x1x40x128xi32, #tpu.memory_space<hbm>>
        %dma_wait3A_231 = tpu.memref_squeeze %dma_wait3A_230 : memref<1x1x40x128xi32, #tpu.memory_space<hbm>> -> memref<40x128xi32, #tpu.memory_space<hbm>>
        tpu.wait_dma2 semaphore(%run_scoped3A_215 : memref<!tpu.dma_semaphore, #tpu.memory_space<semaphore_mem>>) src(%dma_wait3A_231 : memref<40x128xi32, #tpu.memory_space<hbm>>) dst(%arg8 : memref<40x128xi32, #tpu.memory_space<vmem>>)
        tpu.yield
      }) : () -> ()
      %dma_start3A_149 = arith.constant 0 : i32
      %dma_start3A_150 = tpu.memref_slice %arg7[%dma_start3A_149] : memref<5120xi32, #tpu.memory_space<vmem>> -> memref<128xi32, #tpu.memory_space<vmem>>
      %dma_start3A_151 = arith.constant 0 : i32
      %dma_start3A_152 = arith.constant 0 : i32
      %dma_start3A_153 = tpu.memref_slice %arg2[%dma_start3A_151, %dma_start3A_152] : memref<10112x128xf32, #tpu.memory_space<hbm>> -> memref<10112x128xf32, #tpu.memory_space<hbm>>
      tpu.enqueue_indirect_dma source(%dma_start3A_153 : memref<10112x128xf32, #tpu.memory_space<hbm>>) target(%arg9 : memref<128x128xf32, #tpu.memory_space<vmem>>) offsets(%dma_start3A_150 : memref<128xi32, #tpu.memory_space<vmem>>) semaphore(%arg12 : memref<!tpu.dma_semaphore, #tpu.memory_space<semaphore_mem>>)
      %dma_wait3A_154 = arith.constant 0 : i32
      %dma_wait3A_155 = tpu.memref_slice %arg7[%dma_wait3A_154] : memref<5120xi32, #tpu.memory_space<vmem>> -> memref<128xi32, #tpu.memory_space<vmem>>
      %dma_wait3A_156 = arith.constant 0 : i32
      %dma_wait3A_157 = arith.constant 0 : i32
      %dma_wait3A_158 = tpu.memref_slice %arg2[%dma_wait3A_156, %dma_wait3A_157] : memref<10112x128xf32, #tpu.memory_space<hbm>> -> memref<10112x128xf32, #tpu.memory_space<hbm>>
      tpu.wait_indirect_dma semaphore(%arg12 : memref<!tpu.dma_semaphore, #tpu.memory_space<semaphore_mem>>) src(%dma_wait3A_158 : memref<10112x128xf32, #tpu.memory_space<hbm>>) dst(%arg9 : memref<128x128xf32, #tpu.memory_space<vmem>>)
      %dma_start3A_159 = arith.constant 0 : i32
      %dma_start3A_160 = arith.constant 0 : i32
      %dma_start3A_161 = tpu.memref_slice %arg8[%dma_start3A_159, %dma_start3A_160] : memref<40x128xi32, #tpu.memory_space<vmem>> -> memref<1x128xi32, #tpu.memory_space<vmem>>
      %dma_start3A_162 = tpu.memref_squeeze %dma_start3A_161 : memref<1x128xi32, #tpu.memory_space<vmem>> -> memref<128xi32, #tpu.memory_space<vmem>>
      %dma_start3A_163 = arith.constant 0 : i32
      %dma_start3A_164 = arith.constant 0 : i32
      %dma_start3A_165 = tpu.memref_slice %arg11[%dma_start3A_163, %dma_start3A_164] : memref<10112x128xf32, #tpu.memory_space<vmem_shared>> -> memref<10112x128xf32, #tpu.memory_space<vmem_shared>>
      tpu.enqueue_indirect_dma source(%arg9 : memref<128x128xf32, #tpu.memory_space<vmem>>) target(%dma_start3A_165 : memref<10112x128xf32, #tpu.memory_space<vmem_shared>>) offsets(%dma_start3A_162 : memref<128xi32, #tpu.memory_space<vmem>>) semaphore(%arg14 : memref<!tpu.dma_semaphore, #tpu.memory_space<semaphore_mem>>) {add = true}
      %dma_start3A_166 = arith.constant 128 : i32
      %dma_start3A_167 = tpu.memref_slice %arg7[%dma_start3A_166] : memref<5120xi32, #tpu.memory_space<vmem>> -> memref<128xi32, #tpu.memory_space<vmem>>
      %dma_start3A_168 = arith.constant 0 : i32
      %dma_start3A_169 = arith.constant 0 : i32
      %dma_start3A_170 = tpu.memref_slice %arg2[%dma_start3A_168, %dma_start3A_169] : memref<10112x128xf32, #tpu.memory_space<hbm>> -> memref<10112x128xf32, #tpu.memory_space<hbm>>
      tpu.enqueue_indirect_dma source(%dma_start3A_170 : memref<10112x128xf32, #tpu.memory_space<hbm>>) target(%arg10 : memref<128x128xf32, #tpu.memory_space<vmem>>) offsets(%dma_start3A_167 : memref<128xi32, #tpu.memory_space<vmem>>) semaphore(%arg13 : memref<!tpu.dma_semaphore, #tpu.memory_space<semaphore_mem>>)
      %dma_wait3A_171 = arith.constant 128 : i32
      %dma_wait3A_172 = tpu.memref_slice %arg7[%dma_wait3A_171] : memref<5120xi32, #tpu.memory_space<vmem>> -> memref<128xi32, #tpu.memory_space<vmem>>
      %dma_wait3A_173 = arith.constant 0 : i32
      %dma_wait3A_174 = arith.constant 0 : i32
      %dma_wait3A_175 = tpu.memref_slice %arg2[%dma_wait3A_173, %dma_wait3A_174] : memref<10112x128xf32, #tpu.memory_space<hbm>> -> memref<10112x128xf32, #tpu.memory_space<hbm>>
      tpu.wait_indirect_dma semaphore(%arg13 : memref<!tpu.dma_semaphore, #tpu.memory_space<semaphore_mem>>) src(%dma_wait3A_175 : memref<10112x128xf32, #tpu.memory_space<hbm>>) dst(%arg10 : memref<128x128xf32, #tpu.memory_space<vmem>>)
      %dma_start3A_176 = arith.constant 1 : i32
      %dma_start3A_177 = arith.constant 0 : i32
      %dma_start3A_178 = tpu.memref_slice %arg8[%dma_start3A_176, %dma_start3A_177] : memref<40x128xi32, #tpu.memory_space<vmem>> -> memref<1x128xi32, #tpu.memory_space<vmem>>
      %dma_start3A_179 = tpu.memref_squeeze %dma_start3A_178 : memref<1x128xi32, #tpu.memory_space<vmem>> -> memref<128xi32, #tpu.memory_space<vmem>>
      %dma_start3A_180 = arith.constant 0 : i32
      %dma_start3A_181 = arith.constant 0 : i32
      %dma_start3A_182 = tpu.memref_slice %arg11[%dma_start3A_180, %dma_start3A_181] : memref<10112x128xf32, #tpu.memory_space<vmem_shared>> -> memref<10112x128xf32, #tpu.memory_space<vmem_shared>>
      tpu.enqueue_indirect_dma source(%arg10 : memref<128x128xf32, #tpu.memory_space<vmem>>) target(%dma_start3A_182 : memref<10112x128xf32, #tpu.memory_space<vmem_shared>>) offsets(%dma_start3A_179 : memref<128xi32, #tpu.memory_space<vmem>>) semaphore(%arg15 : memref<!tpu.dma_semaphore, #tpu.memory_space<semaphore_mem>>) {add = true}
      %dma_wait3A_183 = arith.constant 0 : i32
      %dma_wait3A_184 = arith.constant 0 : i32
      %dma_wait3A_185 = tpu.memref_slice %arg8[%dma_wait3A_183, %dma_wait3A_184] : memref<40x128xi32, #tpu.memory_space<vmem>> -> memref<1x128xi32, #tpu.memory_space<vmem>>
      %dma_wait3A_186 = tpu.memref_squeeze %dma_wait3A_185 : memref<1x128xi32, #tpu.memory_space<vmem>> -> memref<128xi32, #tpu.memory_space<vmem>>
      %dma_wait3A_187 = arith.constant 0 : i32
      %dma_wait3A_188 = arith.constant 0 : i32
      %dma_wait3A_189 = tpu.memref_slice %arg11[%dma_wait3A_187, %dma_wait3A_188] : memref<10112x128xf32, #tpu.memory_space<vmem_shared>> -> memref<10112x128xf32, #tpu.memory_space<vmem_shared>>
      tpu.wait_indirect_dma semaphore(%arg14 : memref<!tpu.dma_semaphore, #tpu.memory_space<semaphore_mem>>) src(%arg9 : memref<128x128xf32, #tpu.memory_space<vmem>>) dst(%dma_wait3A_189 : memref<10112x128xf32, #tpu.memory_space<vmem_shared>>)
      %dma_start3A_190 = arith.constant 256 : i32
      %dma_start3A_191 = tpu.memref_slice %arg7[%dma_start3A_190] : memref<5120xi32, #tpu.memory_space<vmem>> -> memref<128xi32, #tpu.memory_space<vmem>>
      %dma_start3A_192 = arith.constant 0 : i32
      %dma_start3A_193 = arith.constant 0 : i32
      %dma_start3A_194 = tpu.memref_slice %arg2[%dma_start3A_192, %dma_start3A_193] : memref<10112x128xf32, #tpu.memory_space<hbm>> -> memref<10112x128xf32, #tpu.memory_space<hbm>>
      tpu.enqueue_indirect_dma source(%dma_start3A_194 : memref<10112x128xf32, #tpu.memory_space<hbm>>) target(%arg9 : memref<128x128xf32, #tpu.memory_space<vmem>>) offsets(%dma_start3A_191 : memref<128xi32, #tpu.memory_space<vmem>>) semaphore(%arg12 : memref<!tpu.dma_semaphore, #tpu.memory_space<semaphore_mem>>)
      %scan3A_195 = arith.constant 0 : i32
      %scan3A_196 = arith.constant 1 : i32
      %scan3A_197 = arith.constant 19 : i32
      %scan3A_198 = arith.addi %scan3A_196, %scan3A_197 : i32
      %scan3A_199 = arith.constant 1 : i32
      scf.for %scan3A_215 = %scan3A_196 to %scan3A_198 step %scan3A_199  : i32 {
        %mul3A_216 = arith.constant 2 : i32
        %mul3A_217 = arith.muli %scan3A_215, %mul3A_216 : i32
        %add3A = arith.constant 0 : i32
        %add3A_218 = arith.addi %mul3A_217, %add3A : i32
        %mul3A_219 = arith.constant 128 : i32
        %mul3A_220 = arith.muli %add3A_218, %mul3A_219 : i32
        %dma_wait3A_221 = tpu.memref_slice %arg7[%mul3A_220] : memref<5120xi32, #tpu.memory_space<vmem>> -> memref<128xi32, #tpu.memory_space<vmem>>
        %dma_wait3A_222 = arith.constant 0 : i32
        %dma_wait3A_223 = arith.constant 0 : i32
        %dma_wait3A_224 = tpu.memref_slice %arg2[%dma_wait3A_222, %dma_wait3A_223] : memref<10112x128xf32, #tpu.memory_space<hbm>> -> memref<10112x128xf32, #tpu.memory_space<hbm>>
        tpu.wait_indirect_dma semaphore(%arg12 : memref<!tpu.dma_semaphore, #tpu.memory_space<semaphore_mem>>) src(%dma_wait3A_224 : memref<10112x128xf32, #tpu.memory_space<hbm>>) dst(%arg9 : memref<128x128xf32, #tpu.memory_space<vmem>>)
        %dma_start3A_225 = arith.constant 0 : i32
        %dma_start3A_226 = tpu.memref_slice %arg8[%add3A_218, %dma_start3A_225] : memref<40x128xi32, #tpu.memory_space<vmem>> -> memref<1x128xi32, #tpu.memory_space<vmem>>
        %dma_start3A_227 = tpu.memref_squeeze %dma_start3A_226 : memref<1x128xi32, #tpu.memory_space<vmem>> -> memref<128xi32, #tpu.memory_space<vmem>>
        %dma_start3A_228 = arith.constant 0 : i32
        %dma_start3A_229 = arith.constant 0 : i32
        %dma_start3A_230 = tpu.memref_slice %arg11[%dma_start3A_228, %dma_start3A_229] : memref<10112x128xf32, #tpu.memory_space<vmem_shared>> -> memref<10112x128xf32, #tpu.memory_space<vmem_shared>>
        tpu.enqueue_indirect_dma source(%arg9 : memref<128x128xf32, #tpu.memory_space<vmem>>) target(%dma_start3A_230 : memref<10112x128xf32, #tpu.memory_space<vmem_shared>>) offsets(%dma_start3A_227 : memref<128xi32, #tpu.memory_space<vmem>>) semaphore(%arg14 : memref<!tpu.dma_semaphore, #tpu.memory_space<semaphore_mem>>) {add = true}
        %add3A_231 = arith.constant 1 : i32
        %add3A_232 = arith.addi %add3A_218, %add3A_231 : i32
        %lt3A = arith.constant 40 : i32
        %lt3A_233 = arith.cmpi slt, %add3A_232, %lt3A : i32
        %convert_element_type3A_234 = arith.extui %lt3A_233 : i1 to i32
        %cond3A_235 = arith.constant 0 : i32
        %cond3A_236 = arith.cmpi ne, %convert_element_type3A_234, %cond3A_235 : i32
        scf.if %cond3A_236 {
          %sub3A = arith.constant 1 : i32
          %sub3A_260 = arith.subi %add3A_218, %sub3A : i32
          %dma_wait3A_261 = arith.constant 0 : i32
          %dma_wait3A_262 = tpu.memref_slice %arg8[%sub3A_260, %dma_wait3A_261] : memref<40x128xi32, #tpu.memory_space<vmem>> -> memref<1x128xi32, #tpu.memory_space<vmem>>
          %dma_wait3A_263 = tpu.memref_squeeze %dma_wait3A_262 : memref<1x128xi32, #tpu.memory_space<vmem>> -> memref<128xi32, #tpu.memory_space<vmem>>
          %dma_wait3A_264 = arith.constant 0 : i32
          %dma_wait3A_265 = arith.constant 0 : i32
          %dma_wait3A_266 = tpu.memref_slice %arg11[%dma_wait3A_264, %dma_wait3A_265] : memref<10112x128xf32, #tpu.memory_space<vmem_shared>> -> memref<10112x128xf32, #tpu.memory_space<vmem_shared>>
          tpu.wait_indirect_dma semaphore(%arg15 : memref<!tpu.dma_semaphore, #tpu.memory_space<semaphore_mem>>) src(%arg10 : memref<128x128xf32, #tpu.memory_space<vmem>>) dst(%dma_wait3A_266 : memref<10112x128xf32, #tpu.memory_space<vmem_shared>>)
          %add3A_267 = arith.constant 1 : i32
          %add3A_268 = arith.addi %add3A_218, %add3A_267 : i32
          %mul3A_269 = arith.constant 128 : i32
          %mul3A_270 = arith.muli %add3A_268, %mul3A_269 : i32
          %dma_start3A_271 = tpu.memref_slice %arg7[%mul3A_270] : memref<5120xi32, #tpu.memory_space<vmem>> -> memref<128xi32, #tpu.memory_space<vmem>>
          %dma_start3A_272 = arith.constant 0 : i32
          %dma_start3A_273 = arith.constant 0 : i32
          %dma_start3A_274 = tpu.memref_slice %arg2[%dma_start3A_272, %dma_start3A_273] : memref<10112x128xf32, #tpu.memory_space<hbm>> -> memref<10112x128xf32, #tpu.memory_space<hbm>>
          tpu.enqueue_indirect_dma source(%dma_start3A_274 : memref<10112x128xf32, #tpu.memory_space<hbm>>) target(%arg10 : memref<128x128xf32, #tpu.memory_space<vmem>>) offsets(%dma_start3A_271 : memref<128xi32, #tpu.memory_space<vmem>>) semaphore(%arg13 : memref<!tpu.dma_semaphore, #tpu.memory_space<semaphore_mem>>)
        } else {
        }
        %mul3A_237 = arith.constant 2 : i32
        %mul3A_238 = arith.muli %scan3A_215, %mul3A_237 : i32
        %add3A_239 = arith.constant 1 : i32
        %add3A_240 = arith.addi %mul3A_238, %add3A_239 : i32
        %mul3A_241 = arith.constant 128 : i32
        %mul3A_242 = arith.muli %add3A_240, %mul3A_241 : i32
        %dma_wait3A_243 = tpu.memref_slice %arg7[%mul3A_242] : memref<5120xi32, #tpu.memory_space<vmem>> -> memref<128xi32, #tpu.memory_space<vmem>>
        %dma_wait3A_244 = arith.constant 0 : i32
        %dma_wait3A_245 = arith.constant 0 : i32
        %dma_wait3A_246 = tpu.memref_slice %arg2[%dma_wait3A_244, %dma_wait3A_245] : memref<10112x128xf32, #tpu.memory_space<hbm>> -> memref<10112x128xf32, #tpu.memory_space<hbm>>
        tpu.wait_indirect_dma semaphore(%arg13 : memref<!tpu.dma_semaphore, #tpu.memory_space<semaphore_mem>>) src(%dma_wait3A_246 : memref<10112x128xf32, #tpu.memory_space<hbm>>) dst(%arg10 : memref<128x128xf32, #tpu.memory_space<vmem>>)
        %dma_start3A_247 = arith.constant 0 : i32
        %dma_start3A_248 = tpu.memref_slice %arg8[%add3A_240, %dma_start3A_247] : memref<40x128xi32, #tpu.memory_space<vmem>> -> memref<1x128xi32, #tpu.memory_space<vmem>>
        %dma_start3A_249 = tpu.memref_squeeze %dma_start3A_248 : memref<1x128xi32, #tpu.memory_space<vmem>> -> memref<128xi32, #tpu.memory_space<vmem>>
        %dma_start3A_250 = arith.constant 0 : i32
        %dma_start3A_251 = arith.constant 0 : i32
        %dma_start3A_252 = tpu.memref_slice %arg11[%dma_start3A_250, %dma_start3A_251] : memref<10112x128xf32, #tpu.memory_space<vmem_shared>> -> memref<10112x128xf32, #tpu.memory_space<vmem_shared>>
        tpu.enqueue_indirect_dma source(%arg10 : memref<128x128xf32, #tpu.memory_space<vmem>>) target(%dma_start3A_252 : memref<10112x128xf32, #tpu.memory_space<vmem_shared>>) offsets(%dma_start3A_249 : memref<128xi32, #tpu.memory_space<vmem>>) semaphore(%arg15 : memref<!tpu.dma_semaphore, #tpu.memory_space<semaphore_mem>>) {add = true}
        %add3A_253 = arith.constant 1 : i32
        %add3A_254 = arith.addi %add3A_240, %add3A_253 : i32
        %lt3A_255 = arith.constant 40 : i32
        %lt3A_256 = arith.cmpi slt, %add3A_254, %lt3A_255 : i32
        %convert_element_type3A_257 = arith.extui %lt3A_256 : i1 to i32
        %cond3A_258 = arith.constant 0 : i32
        %cond3A_259 = arith.cmpi ne, %convert_element_type3A_257, %cond3A_258 : i32
        scf.if %cond3A_259 {
          %sub3A = arith.constant 1 : i32
          %sub3A_260 = arith.subi %add3A_240, %sub3A : i32
          %dma_wait3A_261 = arith.constant 0 : i32
          %dma_wait3A_262 = tpu.memref_slice %arg8[%sub3A_260, %dma_wait3A_261] : memref<40x128xi32, #tpu.memory_space<vmem>> -> memref<1x128xi32, #tpu.memory_space<vmem>>
          %dma_wait3A_263 = tpu.memref_squeeze %dma_wait3A_262 : memref<1x128xi32, #tpu.memory_space<vmem>> -> memref<128xi32, #tpu.memory_space<vmem>>
          %dma_wait3A_264 = arith.constant 0 : i32
          %dma_wait3A_265 = arith.constant 0 : i32
          %dma_wait3A_266 = tpu.memref_slice %arg11[%dma_wait3A_264, %dma_wait3A_265] : memref<10112x128xf32, #tpu.memory_space<vmem_shared>> -> memref<10112x128xf32, #tpu.memory_space<vmem_shared>>
          tpu.wait_indirect_dma semaphore(%arg14 : memref<!tpu.dma_semaphore, #tpu.memory_space<semaphore_mem>>) src(%arg9 : memref<128x128xf32, #tpu.memory_space<vmem>>) dst(%dma_wait3A_266 : memref<10112x128xf32, #tpu.memory_space<vmem_shared>>)
          %add3A_267 = arith.constant 1 : i32
          %add3A_268 = arith.addi %add3A_240, %add3A_267 : i32
          %mul3A_269 = arith.constant 128 : i32
          %mul3A_270 = arith.muli %add3A_268, %mul3A_269 : i32
          %dma_start3A_271 = tpu.memref_slice %arg7[%mul3A_270] : memref<5120xi32, #tpu.memory_space<vmem>> -> memref<128xi32, #tpu.memory_space<vmem>>
          %dma_start3A_272 = arith.constant 0 : i32
          %dma_start3A_273 = arith.constant 0 : i32
          %dma_start3A_274 = tpu.memref_slice %arg2[%dma_start3A_272, %dma_start3A_273] : memref<10112x128xf32, #tpu.memory_space<hbm>> -> memref<10112x128xf32, #tpu.memory_space<hbm>>
          tpu.enqueue_indirect_dma source(%dma_start3A_274 : memref<10112x128xf32, #tpu.memory_space<hbm>>) target(%arg9 : memref<128x128xf32, #tpu.memory_space<vmem>>) offsets(%dma_start3A_271 : memref<128xi32, #tpu.memory_space<vmem>>) semaphore(%arg12 : memref<!tpu.dma_semaphore, #tpu.memory_space<semaphore_mem>>)
        } else {
        }
      }
      %scan3A_200 = arith.constant 19 : i32
      %dma_wait3A_201 = arith.constant 38 : i32
      %dma_wait3A_202 = arith.constant 0 : i32
      %dma_wait3A_203 = tpu.memref_slice %arg8[%dma_wait3A_201, %dma_wait3A_202] : memref<40x128xi32, #tpu.memory_space<vmem>> -> memref<1x128xi32, #tpu.memory_space<vmem>>
      %dma_wait3A_204 = tpu.memref_squeeze %dma_wait3A_203 : memref<1x128xi32, #tpu.memory_space<vmem>> -> memref<128xi32, #tpu.memory_space<vmem>>
      %dma_wait3A_205 = arith.constant 0 : i32
      %dma_wait3A_206 = arith.constant 0 : i32
      %dma_wait3A_207 = tpu.memref_slice %arg11[%dma_wait3A_205, %dma_wait3A_206] : memref<10112x128xf32, #tpu.memory_space<vmem_shared>> -> memref<10112x128xf32, #tpu.memory_space<vmem_shared>>
      tpu.wait_indirect_dma semaphore(%arg14 : memref<!tpu.dma_semaphore, #tpu.memory_space<semaphore_mem>>) src(%arg9 : memref<128x128xf32, #tpu.memory_space<vmem>>) dst(%dma_wait3A_207 : memref<10112x128xf32, #tpu.memory_space<vmem_shared>>)
      %dma_wait3A_208 = arith.constant 39 : i32
      %dma_wait3A_209 = arith.constant 0 : i32
      %dma_wait3A_210 = tpu.memref_slice %arg8[%dma_wait3A_208, %dma_wait3A_209] : memref<40x128xi32, #tpu.memory_space<vmem>> -> memref<1x128xi32, #tpu.memory_space<vmem>>
      %dma_wait3A_211 = tpu.memref_squeeze %dma_wait3A_210 : memref<1x128xi32, #tpu.memory_space<vmem>> -> memref<128xi32, #tpu.memory_space<vmem>>
      %dma_wait3A_212 = arith.constant 0 : i32
      %dma_wait3A_213 = arith.constant 0 : i32
      %dma_wait3A_214 = tpu.memref_slice %arg11[%dma_wait3A_212, %dma_wait3A_213] : memref<10112x128xf32, #tpu.memory_space<vmem_shared>> -> memref<10112x128xf32, #tpu.memory_space<vmem_shared>>
      tpu.wait_indirect_dma semaphore(%arg15 : memref<!tpu.dma_semaphore, #tpu.memory_space<semaphore_mem>>) src(%arg10 : memref<128x128xf32, #tpu.memory_space<vmem>>) dst(%dma_wait3A_214 : memref<10112x128xf32, #tpu.memory_space<vmem_shared>>)
    } else {
    }
    %eq3A_5 = arith.constant 1 : i32
    %eq3A_6 = arith.cmpi eq, %arg0, %eq3A_5 : i32
    %convert_element_type3A_7 = arith.extui %eq3A_6 : i1 to i32
    %cond3A_8 = arith.constant 0 : i32
    %cond3A_9 = arith.cmpi ne, %convert_element_type3A_7, %cond3A_8 : i32
    scf.if %cond3A_9 {
      %run_scoped3A = arith.constant 3 : i32
      "tpu.region"() ({
        %run_scoped3A_79 = tpu.sem_alloc : memref<!tpu.dma_semaphore, #tpu.memory_space<semaphore_mem>>
        %dma_start3A_80 = arith.constant 0 : i32
        %dma_start3A_81 = tpu.memref_slice %arg3[%arg1, %run_scoped3A, %dma_start3A_80] : memref<16x4x5120xi32, #tpu.memory_space<hbm>> -> memref<1x1x5120xi32, #tpu.memory_space<hbm>>
        %dma_start3A_82 = tpu.memref_squeeze %dma_start3A_81 : memref<1x1x5120xi32, #tpu.memory_space<hbm>> -> memref<5120xi32, #tpu.memory_space<hbm>>
        %dma_start3A_83 = arith.constant 0 : i32
        %dma_start3A_84 = tpu.memref_slice %arg3[%arg1, %run_scoped3A, %dma_start3A_83] : memref<16x4x5120xi32, #tpu.memory_space<hbm>> -> memref<1x1x5120xi32, #tpu.memory_space<hbm>>
        %dma_start3A_85 = tpu.memref_squeeze %dma_start3A_84 : memref<1x1x5120xi32, #tpu.memory_space<hbm>> -> memref<5120xi32, #tpu.memory_space<hbm>>
        tpu.enqueue_dma source(%dma_start3A_85 : memref<5120xi32, #tpu.memory_space<hbm>>) target(%arg7 : memref<5120xi32, #tpu.memory_space<vmem>>) target_semaphore(%run_scoped3A_79 : memref<!tpu.dma_semaphore, #tpu.memory_space<semaphore_mem>>)
        %dma_wait3A_86 = arith.constant 0 : i32
        %dma_wait3A_87 = tpu.memref_slice %arg3[%arg1, %run_scoped3A, %dma_wait3A_86] : memref<16x4x5120xi32, #tpu.memory_space<hbm>> -> memref<1x1x5120xi32, #tpu.memory_space<hbm>>
        %dma_wait3A_88 = tpu.memref_squeeze %dma_wait3A_87 : memref<1x1x5120xi32, #tpu.memory_space<hbm>> -> memref<5120xi32, #tpu.memory_space<hbm>>
        %dma_wait3A_89 = arith.constant 0 : i32
        %dma_wait3A_90 = tpu.memref_slice %arg3[%arg1, %run_scoped3A, %dma_wait3A_89] : memref<16x4x5120xi32, #tpu.memory_space<hbm>> -> memref<1x1x5120xi32, #tpu.memory_space<hbm>>
        %dma_wait3A_91 = tpu.memref_squeeze %dma_wait3A_90 : memref<1x1x5120xi32, #tpu.memory_space<hbm>> -> memref<5120xi32, #tpu.memory_space<hbm>>
        tpu.wait_dma2 semaphore(%run_scoped3A_79 : memref<!tpu.dma_semaphore, #tpu.memory_space<semaphore_mem>>) src(%dma_wait3A_91 : memref<5120xi32, #tpu.memory_space<hbm>>) dst(%arg7 : memref<5120xi32, #tpu.memory_space<vmem>>)
        tpu.yield
      }) : () -> ()
      %run_scoped3A_15 = arith.constant 3 : i32
      "tpu.region"() ({
        %run_scoped3A_79 = tpu.sem_alloc : memref<!tpu.dma_semaphore, #tpu.memory_space<semaphore_mem>>
        %dma_start3A_80 = arith.constant 0 : i32
        %dma_start3A_81 = arith.constant 0 : i32
        %dma_start3A_82 = tpu.memref_slice %arg4[%arg1, %run_scoped3A_15, %dma_start3A_80, %dma_start3A_81] : memref<16x4x40x128xi32, #tpu.memory_space<hbm>> -> memref<1x1x40x128xi32, #tpu.memory_space<hbm>>
        %dma_start3A_83 = tpu.memref_squeeze %dma_start3A_82 : memref<1x1x40x128xi32, #tpu.memory_space<hbm>> -> memref<40x128xi32, #tpu.memory_space<hbm>>
        %dma_start3A_84 = arith.constant 0 : i32
        %dma_start3A_85 = arith.constant 0 : i32
        %dma_start3A_86 = tpu.memref_slice %arg4[%arg1, %run_scoped3A_15, %dma_start3A_84, %dma_start3A_85] : memref<16x4x40x128xi32, #tpu.memory_space<hbm>> -> memref<1x1x40x128xi32, #tpu.memory_space<hbm>>
        %dma_start3A_87 = tpu.memref_squeeze %dma_start3A_86 : memref<1x1x40x128xi32, #tpu.memory_space<hbm>> -> memref<40x128xi32, #tpu.memory_space<hbm>>
        tpu.enqueue_dma source(%dma_start3A_87 : memref<40x128xi32, #tpu.memory_space<hbm>>) target(%arg8 : memref<40x128xi32, #tpu.memory_space<vmem>>) target_semaphore(%run_scoped3A_79 : memref<!tpu.dma_semaphore, #tpu.memory_space<semaphore_mem>>)
        %dma_wait3A_88 = arith.constant 0 : i32
        %dma_wait3A_89 = arith.constant 0 : i32
        %dma_wait3A_90 = tpu.memref_slice %arg4[%arg1, %run_scoped3A_15, %dma_wait3A_88, %dma_wait3A_89] : memref<16x4x40x128xi32, #tpu.memory_space<hbm>> -> memref<1x1x40x128xi32, #tpu.memory_space<hbm>>
        %dma_wait3A_91 = tpu.memref_squeeze %dma_wait3A_90 : memref<1x1x40x128xi32, #tpu.memory_space<hbm>> -> memref<40x128xi32, #tpu.memory_space<hbm>>
        %dma_wait3A_92 = arith.constant 0 : i32
        %dma_wait3A_93 = arith.constant 0 : i32
        %dma_wait3A_94 = tpu.memref_slice %arg4[%arg1, %run_scoped3A_15, %dma_wait3A_92, %dma_wait3A_93] : memref<16x4x40x128xi32, #tpu.memory_space<hbm>> -> memref<1x1x40x128xi32, #tpu.memory_space<hbm>>
        %dma_wait3A_95 = tpu.memref_squeeze %dma_wait3A_94 : memref<1x1x40x128xi32, #tpu.memory_space<hbm>> -> memref<40x128xi32, #tpu.memory_space<hbm>>
        tpu.wait_dma2 semaphore(%run_scoped3A_79 : memref<!tpu.dma_semaphore, #tpu.memory_space<semaphore_mem>>) src(%dma_wait3A_95 : memref<40x128xi32, #tpu.memory_space<hbm>>) dst(%arg8 : memref<40x128xi32, #tpu.memory_space<vmem>>)
        tpu.yield
      }) : () -> ()
      %dma_start3A = arith.constant 0 : i32
      %dma_start3A_16 = tpu.memref_slice %arg7[%dma_start3A] : memref<5120xi32, #tpu.memory_space<vmem>> -> memref<128xi32, #tpu.memory_space<vmem>>
      %dma_start3A_17 = arith.constant 0 : i32
      %dma_start3A_18 = arith.constant 0 : i32
      %dma_start3A_19 = tpu.memref_slice %arg2[%dma_start3A_17, %dma_start3A_18] : memref<10112x128xf32, #tpu.memory_space<hbm>> -> memref<10112x128xf32, #tpu.memory_space<hbm>>
      tpu.enqueue_indirect_dma source(%dma_start3A_19 : memref<10112x128xf32, #tpu.memory_space<hbm>>) target(%arg9 : memref<128x128xf32, #tpu.memory_space<vmem>>) offsets(%dma_start3A_16 : memref<128xi32, #tpu.memory_space<vmem>>) semaphore(%arg12 : memref<!tpu.dma_semaphore, #tpu.memory_space<semaphore_mem>>)
      %dma_wait3A = arith.constant 0 : i32
      %dma_wait3A_20 = tpu.memref_slice %arg7[%dma_wait3A] : memref<5120xi32, #tpu.memory_space<vmem>> -> memref<128xi32, #tpu.memory_space<vmem>>
      %dma_wait3A_21 = arith.constant 0 : i32
      %dma_wait3A_22 = arith.constant 0 : i32
      %dma_wait3A_23 = tpu.memref_slice %arg2[%dma_wait3A_21, %dma_wait3A_22] : memref<10112x128xf32, #tpu.memory_space<hbm>> -> memref<10112x128xf32, #tpu.memory_space<hbm>>
      tpu.wait_indirect_dma semaphore(%arg12 : memref<!tpu.dma_semaphore, #tpu.memory_space<semaphore_mem>>) src(%dma_wait3A_23 : memref<10112x128xf32, #tpu.memory_space<hbm>>) dst(%arg9 : memref<128x128xf32, #tpu.memory_space<vmem>>)
      %dma_start3A_24 = arith.constant 0 : i32
      %dma_start3A_25 = arith.constant 0 : i32
      %dma_start3A_26 = tpu.memref_slice %arg8[%dma_start3A_24, %dma_start3A_25] : memref<40x128xi32, #tpu.memory_space<vmem>> -> memref<1x128xi32, #tpu.memory_space<vmem>>
      %dma_start3A_27 = tpu.memref_squeeze %dma_start3A_26 : memref<1x128xi32, #tpu.memory_space<vmem>> -> memref<128xi32, #tpu.memory_space<vmem>>
      %dma_start3A_28 = arith.constant 0 : i32
      %dma_start3A_29 = arith.constant 0 : i32
      %dma_start3A_30 = tpu.memref_slice %arg11[%dma_start3A_28, %dma_start3A_29] : memref<10112x128xf32, #tpu.memory_space<vmem_shared>> -> memref<10112x128xf32, #tpu.memory_space<vmem_shared>>
      tpu.enqueue_indirect_dma source(%arg9 : memref<128x128xf32, #tpu.memory_space<vmem>>) target(%dma_start3A_30 : memref<10112x128xf32, #tpu.memory_space<vmem_shared>>) offsets(%dma_start3A_27 : memref<128xi32, #tpu.memory_space<vmem>>) semaphore(%arg14 : memref<!tpu.dma_semaphore, #tpu.memory_space<semaphore_mem>>) {add = true}
      %dma_start3A_31 = arith.constant 128 : i32
      %dma_start3A_32 = tpu.memref_slice %arg7[%dma_start3A_31] : memref<5120xi32, #tpu.memory_space<vmem>> -> memref<128xi32, #tpu.memory_space<vmem>>
      %dma_start3A_33 = arith.constant 0 : i32
      %dma_start3A_34 = arith.constant 0 : i32
      %dma_start3A_35 = tpu.memref_slice %arg2[%dma_start3A_33, %dma_start3A_34] : memref<10112x128xf32, #tpu.memory_space<hbm>> -> memref<10112x128xf32, #tpu.memory_space<hbm>>
      tpu.enqueue_indirect_dma source(%dma_start3A_35 : memref<10112x128xf32, #tpu.memory_space<hbm>>) target(%arg10 : memref<128x128xf32, #tpu.memory_space<vmem>>) offsets(%dma_start3A_32 : memref<128xi32, #tpu.memory_space<vmem>>) semaphore(%arg13 : memref<!tpu.dma_semaphore, #tpu.memory_space<semaphore_mem>>)
      %dma_wait3A_36 = arith.constant 128 : i32
      %dma_wait3A_37 = tpu.memref_slice %arg7[%dma_wait3A_36] : memref<5120xi32, #tpu.memory_space<vmem>> -> memref<128xi32, #tpu.memory_space<vmem>>
      %dma_wait3A_38 = arith.constant 0 : i32
      %dma_wait3A_39 = arith.constant 0 : i32
      %dma_wait3A_40 = tpu.memref_slice %arg2[%dma_wait3A_38, %dma_wait3A_39] : memref<10112x128xf32, #tpu.memory_space<hbm>> -> memref<10112x128xf32, #tpu.memory_space<hbm>>
      tpu.wait_indirect_dma semaphore(%arg13 : memref<!tpu.dma_semaphore, #tpu.memory_space<semaphore_mem>>) src(%dma_wait3A_40 : memref<10112x128xf32, #tpu.memory_space<hbm>>) dst(%arg10 : memref<128x128xf32, #tpu.memory_space<vmem>>)
      %dma_start3A_41 = arith.constant 1 : i32
      %dma_start3A_42 = arith.constant 0 : i32
      %dma_start3A_43 = tpu.memref_slice %arg8[%dma_start3A_41, %dma_start3A_42] : memref<40x128xi32, #tpu.memory_space<vmem>> -> memref<1x128xi32, #tpu.memory_space<vmem>>
      %dma_start3A_44 = tpu.memref_squeeze %dma_start3A_43 : memref<1x128xi32, #tpu.memory_space<vmem>> -> memref<128xi32, #tpu.memory_space<vmem>>
      %dma_start3A_45 = arith.constant 0 : i32
      %dma_start3A_46 = arith.constant 0 : i32
      %dma_start3A_47 = tpu.memref_slice %arg11[%dma_start3A_45, %dma_start3A_46] : memref<10112x128xf32, #tpu.memory_space<vmem_shared>> -> memref<10112x128xf32, #tpu.memory_space<vmem_shared>>
      tpu.enqueue_indirect_dma source(%arg10 : memref<128x128xf32, #tpu.memory_space<vmem>>) target(%dma_start3A_47 : memref<10112x128xf32, #tpu.memory_space<vmem_shared>>) offsets(%dma_start3A_44 : memref<128xi32, #tpu.memory_space<vmem>>) semaphore(%arg15 : memref<!tpu.dma_semaphore, #tpu.memory_space<semaphore_mem>>) {add = true}
      %dma_wait3A_48 = arith.constant 0 : i32
      %dma_wait3A_49 = arith.constant 0 : i32
      %dma_wait3A_50 = tpu.memref_slice %arg8[%dma_wait3A_48, %dma_wait3A_49] : memref<40x128xi32, #tpu.memory_space<vmem>> -> memref<1x128xi32, #tpu.memory_space<vmem>>
      %dma_wait3A_51 = tpu.memref_squeeze %dma_wait3A_50 : memref<1x128xi32, #tpu.memory_space<vmem>> -> memref<128xi32, #tpu.memory_space<vmem>>
      %dma_wait3A_52 = arith.constant 0 : i32
      %dma_wait3A_53 = arith.constant 0 : i32
      %dma_wait3A_54 = tpu.memref_slice %arg11[%dma_wait3A_52, %dma_wait3A_53] : memref<10112x128xf32, #tpu.memory_space<vmem_shared>> -> memref<10112x128xf32, #tpu.memory_space<vmem_shared>>
      tpu.wait_indirect_dma semaphore(%arg14 : memref<!tpu.dma_semaphore, #tpu.memory_space<semaphore_mem>>) src(%arg9 : memref<128x128xf32, #tpu.memory_space<vmem>>) dst(%dma_wait3A_54 : memref<10112x128xf32, #tpu.memory_space<vmem_shared>>)
      %dma_start3A_55 = arith.constant 256 : i32
      %dma_start3A_56 = tpu.memref_slice %arg7[%dma_start3A_55] : memref<5120xi32, #tpu.memory_space<vmem>> -> memref<128xi32, #tpu.memory_space<vmem>>
      %dma_start3A_57 = arith.constant 0 : i32
      %dma_start3A_58 = arith.constant 0 : i32
      %dma_start3A_59 = tpu.memref_slice %arg2[%dma_start3A_57, %dma_start3A_58] : memref<10112x128xf32, #tpu.memory_space<hbm>> -> memref<10112x128xf32, #tpu.memory_space<hbm>>
      tpu.enqueue_indirect_dma source(%dma_start3A_59 : memref<10112x128xf32, #tpu.memory_space<hbm>>) target(%arg9 : memref<128x128xf32, #tpu.memory_space<vmem>>) offsets(%dma_start3A_56 : memref<128xi32, #tpu.memory_space<vmem>>) semaphore(%arg12 : memref<!tpu.dma_semaphore, #tpu.memory_space<semaphore_mem>>)
      %scan3A = arith.constant 0 : i32
      %scan3A_60 = arith.constant 1 : i32
      %scan3A_61 = arith.constant 19 : i32
      %scan3A_62 = arith.addi %scan3A_60, %scan3A_61 : i32
      %scan3A_63 = arith.constant 1 : i32
      scf.for %scan3A_79 = %scan3A_60 to %scan3A_62 step %scan3A_63  : i32 {
        %mul3A_80 = arith.constant 2 : i32
        %mul3A_81 = arith.muli %scan3A_79, %mul3A_80 : i32
        %add3A = arith.constant 0 : i32
        %add3A_82 = arith.addi %mul3A_81, %add3A : i32
        %mul3A_83 = arith.constant 128 : i32
        %mul3A_84 = arith.muli %add3A_82, %mul3A_83 : i32
        %dma_wait3A_85 = tpu.memref_slice %arg7[%mul3A_84] : memref<5120xi32, #tpu.memory_space<vmem>> -> memref<128xi32, #tpu.memory_space<vmem>>
        %dma_wait3A_86 = arith.constant 0 : i32
        %dma_wait3A_87 = arith.constant 0 : i32
        %dma_wait3A_88 = tpu.memref_slice %arg2[%dma_wait3A_86, %dma_wait3A_87] : memref<10112x128xf32, #tpu.memory_space<hbm>> -> memref<10112x128xf32, #tpu.memory_space<hbm>>
        tpu.wait_indirect_dma semaphore(%arg12 : memref<!tpu.dma_semaphore, #tpu.memory_space<semaphore_mem>>) src(%dma_wait3A_88 : memref<10112x128xf32, #tpu.memory_space<hbm>>) dst(%arg9 : memref<128x128xf32, #tpu.memory_space<vmem>>)
        %dma_start3A_89 = arith.constant 0 : i32
        %dma_start3A_90 = tpu.memref_slice %arg8[%add3A_82, %dma_start3A_89] : memref<40x128xi32, #tpu.memory_space<vmem>> -> memref<1x128xi32, #tpu.memory_space<vmem>>
        %dma_start3A_91 = tpu.memref_squeeze %dma_start3A_90 : memref<1x128xi32, #tpu.memory_space<vmem>> -> memref<128xi32, #tpu.memory_space<vmem>>
        %dma_start3A_92 = arith.constant 0 : i32
        %dma_start3A_93 = arith.constant 0 : i32
        %dma_start3A_94 = tpu.memref_slice %arg11[%dma_start3A_92, %dma_start3A_93] : memref<10112x128xf32, #tpu.memory_space<vmem_shared>> -> memref<10112x128xf32, #tpu.memory_space<vmem_shared>>
        tpu.enqueue_indirect_dma source(%arg9 : memref<128x128xf32, #tpu.memory_space<vmem>>) target(%dma_start3A_94 : memref<10112x128xf32, #tpu.memory_space<vmem_shared>>) offsets(%dma_start3A_91 : memref<128xi32, #tpu.memory_space<vmem>>) semaphore(%arg14 : memref<!tpu.dma_semaphore, #tpu.memory_space<semaphore_mem>>) {add = true}
        %add3A_95 = arith.constant 1 : i32
        %add3A_96 = arith.addi %add3A_82, %add3A_95 : i32
        %lt3A = arith.constant 40 : i32
        %lt3A_97 = arith.cmpi slt, %add3A_96, %lt3A : i32
        %convert_element_type3A_98 = arith.extui %lt3A_97 : i1 to i32
        %cond3A_99 = arith.constant 0 : i32
        %cond3A_100 = arith.cmpi ne, %convert_element_type3A_98, %cond3A_99 : i32
        scf.if %cond3A_100 {
          %sub3A = arith.constant 1 : i32
          %sub3A_124 = arith.subi %add3A_82, %sub3A : i32
          %dma_wait3A_125 = arith.constant 0 : i32
          %dma_wait3A_126 = tpu.memref_slice %arg8[%sub3A_124, %dma_wait3A_125] : memref<40x128xi32, #tpu.memory_space<vmem>> -> memref<1x128xi32, #tpu.memory_space<vmem>>
          %dma_wait3A_127 = tpu.memref_squeeze %dma_wait3A_126 : memref<1x128xi32, #tpu.memory_space<vmem>> -> memref<128xi32, #tpu.memory_space<vmem>>
          %dma_wait3A_128 = arith.constant 0 : i32
          %dma_wait3A_129 = arith.constant 0 : i32
          %dma_wait3A_130 = tpu.memref_slice %arg11[%dma_wait3A_128, %dma_wait3A_129] : memref<10112x128xf32, #tpu.memory_space<vmem_shared>> -> memref<10112x128xf32, #tpu.memory_space<vmem_shared>>
          tpu.wait_indirect_dma semaphore(%arg15 : memref<!tpu.dma_semaphore, #tpu.memory_space<semaphore_mem>>) src(%arg10 : memref<128x128xf32, #tpu.memory_space<vmem>>) dst(%dma_wait3A_130 : memref<10112x128xf32, #tpu.memory_space<vmem_shared>>)
          %add3A_131 = arith.constant 1 : i32
          %add3A_132 = arith.addi %add3A_82, %add3A_131 : i32
          %mul3A_133 = arith.constant 128 : i32
          %mul3A_134 = arith.muli %add3A_132, %mul3A_133 : i32
          %dma_start3A_135 = tpu.memref_slice %arg7[%mul3A_134] : memref<5120xi32, #tpu.memory_space<vmem>> -> memref<128xi32, #tpu.memory_space<vmem>>
          %dma_start3A_136 = arith.constant 0 : i32
          %dma_start3A_137 = arith.constant 0 : i32
          %dma_start3A_138 = tpu.memref_slice %arg2[%dma_start3A_136, %dma_start3A_137] : memref<10112x128xf32, #tpu.memory_space<hbm>> -> memref<10112x128xf32, #tpu.memory_space<hbm>>
          tpu.enqueue_indirect_dma source(%dma_start3A_138 : memref<10112x128xf32, #tpu.memory_space<hbm>>) target(%arg10 : memref<128x128xf32, #tpu.memory_space<vmem>>) offsets(%dma_start3A_135 : memref<128xi32, #tpu.memory_space<vmem>>) semaphore(%arg13 : memref<!tpu.dma_semaphore, #tpu.memory_space<semaphore_mem>>)
        } else {
        }
        %mul3A_101 = arith.constant 2 : i32
        %mul3A_102 = arith.muli %scan3A_79, %mul3A_101 : i32
        %add3A_103 = arith.constant 1 : i32
        %add3A_104 = arith.addi %mul3A_102, %add3A_103 : i32
        %mul3A_105 = arith.constant 128 : i32
        %mul3A_106 = arith.muli %add3A_104, %mul3A_105 : i32
        %dma_wait3A_107 = tpu.memref_slice %arg7[%mul3A_106] : memref<5120xi32, #tpu.memory_space<vmem>> -> memref<128xi32, #tpu.memory_space<vmem>>
        %dma_wait3A_108 = arith.constant 0 : i32
        %dma_wait3A_109 = arith.constant 0 : i32
        %dma_wait3A_110 = tpu.memref_slice %arg2[%dma_wait3A_108, %dma_wait3A_109] : memref<10112x128xf32, #tpu.memory_space<hbm>> -> memref<10112x128xf32, #tpu.memory_space<hbm>>
        tpu.wait_indirect_dma semaphore(%arg13 : memref<!tpu.dma_semaphore, #tpu.memory_space<semaphore_mem>>) src(%dma_wait3A_110 : memref<10112x128xf32, #tpu.memory_space<hbm>>) dst(%arg10 : memref<128x128xf32, #tpu.memory_space<vmem>>)
        %dma_start3A_111 = arith.constant 0 : i32
        %dma_start3A_112 = tpu.memref_slice %arg8[%add3A_104, %dma_start3A_111] : memref<40x128xi32, #tpu.memory_space<vmem>> -> memref<1x128xi32, #tpu.memory_space<vmem>>
        %dma_start3A_113 = tpu.memref_squeeze %dma_start3A_112 : memref<1x128xi32, #tpu.memory_space<vmem>> -> memref<128xi32, #tpu.memory_space<vmem>>
        %dma_start3A_114 = arith.constant 0 : i32
        %dma_start3A_115 = arith.constant 0 : i32
        %dma_start3A_116 = tpu.memref_slice %arg11[%dma_start3A_114, %dma_start3A_115] : memref<10112x128xf32, #tpu.memory_space<vmem_shared>> -> memref<10112x128xf32, #tpu.memory_space<vmem_shared>>
        tpu.enqueue_indirect_dma source(%arg10 : memref<128x128xf32, #tpu.memory_space<vmem>>) target(%dma_start3A_116 : memref<10112x128xf32, #tpu.memory_space<vmem_shared>>) offsets(%dma_start3A_113 : memref<128xi32, #tpu.memory_space<vmem>>) semaphore(%arg15 : memref<!tpu.dma_semaphore, #tpu.memory_space<semaphore_mem>>) {add = true}
        %add3A_117 = arith.constant 1 : i32
        %add3A_118 = arith.addi %add3A_104, %add3A_117 : i32
        %lt3A_119 = arith.constant 40 : i32
        %lt3A_120 = arith.cmpi slt, %add3A_118, %lt3A_119 : i32
        %convert_element_type3A_121 = arith.extui %lt3A_120 : i1 to i32
        %cond3A_122 = arith.constant 0 : i32
        %cond3A_123 = arith.cmpi ne, %convert_element_type3A_121, %cond3A_122 : i32
        scf.if %cond3A_123 {
          %sub3A = arith.constant 1 : i32
          %sub3A_124 = arith.subi %add3A_104, %sub3A : i32
          %dma_wait3A_125 = arith.constant 0 : i32
          %dma_wait3A_126 = tpu.memref_slice %arg8[%sub3A_124, %dma_wait3A_125] : memref<40x128xi32, #tpu.memory_space<vmem>> -> memref<1x128xi32, #tpu.memory_space<vmem>>
          %dma_wait3A_127 = tpu.memref_squeeze %dma_wait3A_126 : memref<1x128xi32, #tpu.memory_space<vmem>> -> memref<128xi32, #tpu.memory_space<vmem>>
          %dma_wait3A_128 = arith.constant 0 : i32
          %dma_wait3A_129 = arith.constant 0 : i32
          %dma_wait3A_130 = tpu.memref_slice %arg11[%dma_wait3A_128, %dma_wait3A_129] : memref<10112x128xf32, #tpu.memory_space<vmem_shared>> -> memref<10112x128xf32, #tpu.memory_space<vmem_shared>>
          tpu.wait_indirect_dma semaphore(%arg14 : memref<!tpu.dma_semaphore, #tpu.memory_space<semaphore_mem>>) src(%arg9 : memref<128x128xf32, #tpu.memory_space<vmem>>) dst(%dma_wait3A_130 : memref<10112x128xf32, #tpu.memory_space<vmem_shared>>)
          %add3A_131 = arith.constant 1 : i32
          %add3A_132 = arith.addi %add3A_104, %add3A_131 : i32
          %mul3A_133 = arith.constant 128 : i32
          %mul3A_134 = arith.muli %add3A_132, %mul3A_133 : i32
          %dma_start3A_135 = tpu.memref_slice %arg7[%mul3A_134] : memref<5120xi32, #tpu.memory_space<vmem>> -> memref<128xi32, #tpu.memory_space<vmem>>
          %dma_start3A_136 = arith.constant 0 : i32
          %dma_start3A_137 = arith.constant 0 : i32
          %dma_start3A_138 = tpu.memref_slice %arg2[%dma_start3A_136, %dma_start3A_137] : memref<10112x128xf32, #tpu.memory_space<hbm>> -> memref<10112x128xf32, #tpu.memory_space<hbm>>
          tpu.enqueue_indirect_dma source(%dma_start3A_138 : memref<10112x128xf32, #tpu.memory_space<hbm>>) target(%arg9 : memref<128x128xf32, #tpu.memory_space<vmem>>) offsets(%dma_start3A_135 : memref<128xi32, #tpu.memory_space<vmem>>) semaphore(%arg12 : memref<!tpu.dma_semaphore, #tpu.memory_space<semaphore_mem>>)
        } else {
        }
      }
      %scan3A_64 = arith.constant 19 : i32
      %dma_wait3A_65 = arith.constant 38 : i32
      %dma_wait3A_66 = arith.constant 0 : i32
      %dma_wait3A_67 = tpu.memref_slice %arg8[%dma_wait3A_65, %dma_wait3A_66] : memref<40x128xi32, #tpu.memory_space<vmem>> -> memref<1x128xi32, #tpu.memory_space<vmem>>
      %dma_wait3A_68 = tpu.memref_squeeze %dma_wait3A_67 : memref<1x128xi32, #tpu.memory_space<vmem>> -> memref<128xi32, #tpu.memory_space<vmem>>
      %dma_wait3A_69 = arith.constant 0 : i32
      %dma_wait3A_70 = arith.constant 0 : i32
      %dma_wait3A_71 = tpu.memref_slice %arg11[%dma_wait3A_69, %dma_wait3A_70] : memref<10112x128xf32, #tpu.memory_space<vmem_shared>> -> memref<10112x128xf32, #tpu.memory_space<vmem_shared>>
      tpu.wait_indirect_dma semaphore(%arg14 : memref<!tpu.dma_semaphore, #tpu.memory_space<semaphore_mem>>) src(%arg9 : memref<128x128xf32, #tpu.memory_space<vmem>>) dst(%dma_wait3A_71 : memref<10112x128xf32, #tpu.memory_space<vmem_shared>>)
      %dma_wait3A_72 = arith.constant 39 : i32
      %dma_wait3A_73 = arith.constant 0 : i32
      %dma_wait3A_74 = tpu.memref_slice %arg8[%dma_wait3A_72, %dma_wait3A_73] : memref<40x128xi32, #tpu.memory_space<vmem>> -> memref<1x128xi32, #tpu.memory_space<vmem>>
      %dma_wait3A_75 = tpu.memref_squeeze %dma_wait3A_74 : memref<1x128xi32, #tpu.memory_space<vmem>> -> memref<128xi32, #tpu.memory_space<vmem>>
      %dma_wait3A_76 = arith.constant 0 : i32
      %dma_wait3A_77 = arith.constant 0 : i32
      %dma_wait3A_78 = tpu.memref_slice %arg11[%dma_wait3A_76, %dma_wait3A_77] : memref<10112x128xf32, #tpu.memory_space<vmem_shared>> -> memref<10112x128xf32, #tpu.memory_space<vmem_shared>>
      tpu.wait_indirect_dma semaphore(%arg15 : memref<!tpu.dma_semaphore, #tpu.memory_space<semaphore_mem>>) src(%arg10 : memref<128x128xf32, #tpu.memory_space<vmem>>) dst(%dma_wait3A_78 : memref<10112x128xf32, #tpu.memory_space<vmem_shared>>)
    } else {
    }
    %barrier3A_10 = arith.constant 0 : index
    tpu.barrier barrier_id(%barrier3A_10)
    %mul3A_11 = arith.constant 632 : i32
    %mul3A_12 = arith.muli %arg1, %mul3A_11 : i32
    %mul3A_13 = arith.constant 632 : i32
    %mul3A_14 = arith.muli %arg1, %mul3A_13 : i32
    "tpu.region"() ({
      %run_scoped3A = tpu.sem_alloc : memref<!tpu.dma_semaphore, #tpu.memory_space<semaphore_mem>>
      %dma_start3A = arith.constant 0 : i32
      %dma_start3A_15 = tpu.memref_slice %arg6[%arg0, %mul3A_14, %dma_start3A] : memref<2x10112x128xf32, #tpu.memory_space<hbm>> -> memref<1x632x128xf32, #tpu.memory_space<hbm>>
      %dma_start3A_16 = tpu.memref_squeeze %dma_start3A_15 : memref<1x632x128xf32, #tpu.memory_space<hbm>> -> memref<632x128xf32, #tpu.memory_space<hbm>>
      %dma_start3A_17 = arith.constant 0 : i32
      %dma_start3A_18 = tpu.memref_slice %arg11[%mul3A_12, %dma_start3A_17] : memref<10112x128xf32, #tpu.memory_space<vmem_shared>> -> memref<632x128xf32, #tpu.memory_space<vmem_shared>>
      tpu.enqueue_dma source(%dma_start3A_18 : memref<632x128xf32, #tpu.memory_space<vmem_shared>>) target(%dma_start3A_16 : memref<632x128xf32, #tpu.memory_space<hbm>>) target_semaphore(%run_scoped3A : memref<!tpu.dma_semaphore, #tpu.memory_space<semaphore_mem>>)
      %dma_wait3A = arith.constant 0 : i32
      %dma_wait3A_19 = tpu.memref_slice %arg6[%arg0, %mul3A_14, %dma_wait3A] : memref<2x10112x128xf32, #tpu.memory_space<hbm>> -> memref<1x632x128xf32, #tpu.memory_space<hbm>>
      %dma_wait3A_20 = tpu.memref_squeeze %dma_wait3A_19 : memref<1x632x128xf32, #tpu.memory_space<hbm>> -> memref<632x128xf32, #tpu.memory_space<hbm>>
      %dma_wait3A_21 = arith.constant 0 : i32
      %dma_wait3A_22 = tpu.memref_slice %arg11[%mul3A_12, %dma_wait3A_21] : memref<10112x128xf32, #tpu.memory_space<vmem_shared>> -> memref<632x128xf32, #tpu.memory_space<vmem_shared>>
      tpu.wait_dma2 semaphore(%run_scoped3A : memref<!tpu.dma_semaphore, #tpu.memory_space<semaphore_mem>>) src(%dma_wait3A_22 : memref<632x128xf32, #tpu.memory_space<vmem_shared>>) dst(%dma_wait3A_20 : memref<632x128xf32, #tpu.memory_space<hbm>>)
      tpu.yield
    }) : () -> ()
    return
  }
}

#map = affine_map<(d0, d1) -> (0, 0)>
#map1 = affine_map<(d0, d1) -> (0, 0, 0)>
#map2 = affine_map<(d0, d1) -> (0, 0, 0, 0)>
module attributes {stable_mosaic.version = 14 : i64} {
  func.func @_sc_agg(%arg0: i32, %arg1: i32, %arg2: memref<10112x128xf32, #tpu.memory_space<hbm>>, %arg3: memref<16x4x5120xi32, #tpu.memory_space<hbm>>, %arg4: memref<16x4x40x128xi32, #tpu.memory_space<hbm>>, %arg5: memref<10112x128xf32, #tpu.memory_space<hbm>>, %arg6: memref<2x10112x128xf32, #tpu.memory_space<hbm>>, %arg7: memref<5120xi32, #tpu.memory_space<vmem>>, %arg8: memref<40x128xi32, #tpu.memory_space<vmem>>, %arg9: memref<128x128xf32, #tpu.memory_space<vmem>>, %arg10: memref<128x128xf32, #tpu.memory_space<vmem>>, %arg11: memref<10112x128xf32, #tpu.memory_space<vmem_shared>>, %arg12: memref<!tpu.dma_semaphore, #tpu.memory_space<semaphore_mem>>, %arg13: memref<!tpu.dma_semaphore, #tpu.memory_space<semaphore_mem>>, %arg14: memref<!tpu.dma_semaphore, #tpu.memory_space<semaphore_mem>>, %arg15: memref<!tpu.dma_semaphore, #tpu.memory_space<semaphore_mem>>) attributes {dimension_semantics = [#tpu.dimension_semantics<core_parallel>, #tpu.dimension_semantics<subcore_parallel>], iteration_bounds = array<i64: 2, 16>, scalar_prefetch = 0 : i64, scratch_operands = 9 : i64, tpu.core_type = #tpu.core_type<sc_vector_subcore>, window_params = [{transform_indices = #map}, {transform_indices = #map1}, {transform_indices = #map2}, {transform_indices = #map}, {transform_indices = #map1}]} {
    %mul3A = arith.constant 632 : i32
    %mul3A_0 = arith.muli %arg1, %mul3A : i32
    %mul3A_1 = arith.constant 632 : i32
    %mul3A_2 = arith.muli %arg1, %mul3A_1 : i32
    "tpu.region"() ({
      %run_scoped3A = tpu.sem_alloc : memref<!tpu.dma_semaphore, #tpu.memory_space<semaphore_mem>>
      %dma_start3A = arith.constant 0 : i32
      %dma_start3A_15 = tpu.memref_slice %arg11[%mul3A_2, %dma_start3A] : memref<10112x128xf32, #tpu.memory_space<vmem_shared>> -> memref<632x128xf32, #tpu.memory_space<vmem_shared>>
      %dma_start3A_16 = arith.constant 0 : i32
      %dma_start3A_17 = tpu.memref_slice %arg5[%mul3A_0, %dma_start3A_16] : memref<10112x128xf32, #tpu.memory_space<hbm>> -> memref<632x128xf32, #tpu.memory_space<hbm>>
      tpu.enqueue_dma source(%dma_start3A_17 : memref<632x128xf32, #tpu.memory_space<hbm>>) target(%dma_start3A_15 : memref<632x128xf32, #tpu.memory_space<vmem_shared>>) target_semaphore(%run_scoped3A : memref<!tpu.dma_semaphore, #tpu.memory_space<semaphore_mem>>)
      %dma_wait3A = arith.constant 0 : i32
      %dma_wait3A_18 = tpu.memref_slice %arg11[%mul3A_2, %dma_wait3A] : memref<10112x128xf32, #tpu.memory_space<vmem_shared>> -> memref<632x128xf32, #tpu.memory_space<vmem_shared>>
      %dma_wait3A_19 = arith.constant 0 : i32
      %dma_wait3A_20 = tpu.memref_slice %arg5[%mul3A_0, %dma_wait3A_19] : memref<10112x128xf32, #tpu.memory_space<hbm>> -> memref<632x128xf32, #tpu.memory_space<hbm>>
      tpu.wait_dma2 semaphore(%run_scoped3A : memref<!tpu.dma_semaphore, #tpu.memory_space<semaphore_mem>>) src(%dma_wait3A_20 : memref<632x128xf32, #tpu.memory_space<hbm>>) dst(%dma_wait3A_18 : memref<632x128xf32, #tpu.memory_space<vmem_shared>>)
      tpu.yield
    }) : () -> ()
    %barrier3A = arith.constant 0 : index
    tpu.barrier barrier_id(%barrier3A)
    %eq3A = arith.constant 0 : i32
    %eq3A_3 = arith.cmpi eq, %arg0, %eq3A : i32
    %convert_element_type3A = arith.extui %eq3A_3 : i1 to i32
    %cond3A = arith.constant 0 : i32
    %cond3A_4 = arith.cmpi ne, %convert_element_type3A, %cond3A : i32
    scf.if %cond3A_4 {
      %run_scoped3A = arith.constant 0 : i32
      "tpu.region"() ({
        %run_scoped3A_215 = tpu.sem_alloc : memref<!tpu.dma_semaphore, #tpu.memory_space<semaphore_mem>>
        %dma_start3A_216 = arith.constant 0 : i32
        %dma_start3A_217 = tpu.memref_slice %arg3[%arg1, %run_scoped3A, %dma_start3A_216] : memref<16x4x5120xi32, #tpu.memory_space<hbm>> -> memref<1x1x5120xi32, #tpu.memory_space<hbm>>
        %dma_start3A_218 = tpu.memref_squeeze %dma_start3A_217 : memref<1x1x5120xi32, #tpu.memory_space<hbm>> -> memref<5120xi32, #tpu.memory_space<hbm>>
        %dma_start3A_219 = arith.constant 0 : i32
        %dma_start3A_220 = tpu.memref_slice %arg3[%arg1, %run_scoped3A, %dma_start3A_219] : memref<16x4x5120xi32, #tpu.memory_space<hbm>> -> memref<1x1x5120xi32, #tpu.memory_space<hbm>>
        %dma_start3A_221 = tpu.memref_squeeze %dma_start3A_220 : memref<1x1x5120xi32, #tpu.memory_space<hbm>> -> memref<5120xi32, #tpu.memory_space<hbm>>
        tpu.enqueue_dma source(%dma_start3A_221 : memref<5120xi32, #tpu.memory_space<hbm>>) target(%arg7 : memref<5120xi32, #tpu.memory_space<vmem>>) target_semaphore(%run_scoped3A_215 : memref<!tpu.dma_semaphore, #tpu.memory_space<semaphore_mem>>)
        %dma_wait3A_222 = arith.constant 0 : i32
        %dma_wait3A_223 = tpu.memref_slice %arg3[%arg1, %run_scoped3A, %dma_wait3A_222] : memref<16x4x5120xi32, #tpu.memory_space<hbm>> -> memref<1x1x5120xi32, #tpu.memory_space<hbm>>
        %dma_wait3A_224 = tpu.memref_squeeze %dma_wait3A_223 : memref<1x1x5120xi32, #tpu.memory_space<hbm>> -> memref<5120xi32, #tpu.memory_space<hbm>>
        %dma_wait3A_225 = arith.constant 0 : i32
        %dma_wait3A_226 = tpu.memref_slice %arg3[%arg1, %run_scoped3A, %dma_wait3A_225] : memref<16x4x5120xi32, #tpu.memory_space<hbm>> -> memref<1x1x5120xi32, #tpu.memory_space<hbm>>
        %dma_wait3A_227 = tpu.memref_squeeze %dma_wait3A_226 : memref<1x1x5120xi32, #tpu.memory_space<hbm>> -> memref<5120xi32, #tpu.memory_space<hbm>>
        tpu.wait_dma2 semaphore(%run_scoped3A_215 : memref<!tpu.dma_semaphore, #tpu.memory_space<semaphore_mem>>) src(%dma_wait3A_227 : memref<5120xi32, #tpu.memory_space<hbm>>) dst(%arg7 : memref<5120xi32, #tpu.memory_space<vmem>>)
        tpu.yield
      }) : () -> ()
      %run_scoped3A_15 = arith.constant 0 : i32
      "tpu.region"() ({
        %run_scoped3A_215 = tpu.sem_alloc : memref<!tpu.dma_semaphore, #tpu.memory_space<semaphore_mem>>
        %dma_start3A_216 = arith.constant 0 : i32
        %dma_start3A_217 = arith.constant 0 : i32
        %dma_start3A_218 = tpu.memref_slice %arg4[%arg1, %run_scoped3A_15, %dma_start3A_216, %dma_start3A_217] : memref<16x4x40x128xi32, #tpu.memory_space<hbm>> -> memref<1x1x40x128xi32, #tpu.memory_space<hbm>>
        %dma_start3A_219 = tpu.memref_squeeze %dma_start3A_218 : memref<1x1x40x128xi32, #tpu.memory_space<hbm>> -> memref<40x128xi32, #tpu.memory_space<hbm>>
        %dma_start3A_220 = arith.constant 0 : i32
        %dma_start3A_221 = arith.constant 0 : i32
        %dma_start3A_222 = tpu.memref_slice %arg4[%arg1, %run_scoped3A_15, %dma_start3A_220, %dma_start3A_221] : memref<16x4x40x128xi32, #tpu.memory_space<hbm>> -> memref<1x1x40x128xi32, #tpu.memory_space<hbm>>
        %dma_start3A_223 = tpu.memref_squeeze %dma_start3A_222 : memref<1x1x40x128xi32, #tpu.memory_space<hbm>> -> memref<40x128xi32, #tpu.memory_space<hbm>>
        tpu.enqueue_dma source(%dma_start3A_223 : memref<40x128xi32, #tpu.memory_space<hbm>>) target(%arg8 : memref<40x128xi32, #tpu.memory_space<vmem>>) target_semaphore(%run_scoped3A_215 : memref<!tpu.dma_semaphore, #tpu.memory_space<semaphore_mem>>)
        %dma_wait3A_224 = arith.constant 0 : i32
        %dma_wait3A_225 = arith.constant 0 : i32
        %dma_wait3A_226 = tpu.memref_slice %arg4[%arg1, %run_scoped3A_15, %dma_wait3A_224, %dma_wait3A_225] : memref<16x4x40x128xi32, #tpu.memory_space<hbm>> -> memref<1x1x40x128xi32, #tpu.memory_space<hbm>>
        %dma_wait3A_227 = tpu.memref_squeeze %dma_wait3A_226 : memref<1x1x40x128xi32, #tpu.memory_space<hbm>> -> memref<40x128xi32, #tpu.memory_space<hbm>>
        %dma_wait3A_228 = arith.constant 0 : i32
        %dma_wait3A_229 = arith.constant 0 : i32
        %dma_wait3A_230 = tpu.memref_slice %arg4[%arg1, %run_scoped3A_15, %dma_wait3A_228, %dma_wait3A_229] : memref<16x4x40x128xi32, #tpu.memory_space<hbm>> -> memref<1x1x40x128xi32, #tpu.memory_space<hbm>>
        %dma_wait3A_231 = tpu.memref_squeeze %dma_wait3A_230 : memref<1x1x40x128xi32, #tpu.memory_space<hbm>> -> memref<40x128xi32, #tpu.memory_space<hbm>>
        tpu.wait_dma2 semaphore(%run_scoped3A_215 : memref<!tpu.dma_semaphore, #tpu.memory_space<semaphore_mem>>) src(%dma_wait3A_231 : memref<40x128xi32, #tpu.memory_space<hbm>>) dst(%arg8 : memref<40x128xi32, #tpu.memory_space<vmem>>)
        tpu.yield
      }) : () -> ()
      %dma_start3A = arith.constant 0 : i32
      %dma_start3A_16 = tpu.memref_slice %arg7[%dma_start3A] : memref<5120xi32, #tpu.memory_space<vmem>> -> memref<128xi32, #tpu.memory_space<vmem>>
      %dma_start3A_17 = arith.constant 0 : i32
      %dma_start3A_18 = arith.constant 0 : i32
      %dma_start3A_19 = tpu.memref_slice %arg2[%dma_start3A_17, %dma_start3A_18] : memref<10112x128xf32, #tpu.memory_space<hbm>> -> memref<10112x128xf32, #tpu.memory_space<hbm>>
      tpu.enqueue_indirect_dma source(%dma_start3A_19 : memref<10112x128xf32, #tpu.memory_space<hbm>>) target(%arg9 : memref<128x128xf32, #tpu.memory_space<vmem>>) offsets(%dma_start3A_16 : memref<128xi32, #tpu.memory_space<vmem>>) semaphore(%arg12 : memref<!tpu.dma_semaphore, #tpu.memory_space<semaphore_mem>>)
      %dma_wait3A = arith.constant 0 : i32
      %dma_wait3A_20 = tpu.memref_slice %arg7[%dma_wait3A] : memref<5120xi32, #tpu.memory_space<vmem>> -> memref<128xi32, #tpu.memory_space<vmem>>
      %dma_wait3A_21 = arith.constant 0 : i32
      %dma_wait3A_22 = arith.constant 0 : i32
      %dma_wait3A_23 = tpu.memref_slice %arg2[%dma_wait3A_21, %dma_wait3A_22] : memref<10112x128xf32, #tpu.memory_space<hbm>> -> memref<10112x128xf32, #tpu.memory_space<hbm>>
      tpu.wait_indirect_dma semaphore(%arg12 : memref<!tpu.dma_semaphore, #tpu.memory_space<semaphore_mem>>) src(%dma_wait3A_23 : memref<10112x128xf32, #tpu.memory_space<hbm>>) dst(%arg9 : memref<128x128xf32, #tpu.memory_space<vmem>>)
      %dma_start3A_24 = arith.constant 0 : i32
      %dma_start3A_25 = arith.constant 0 : i32
      %dma_start3A_26 = tpu.memref_slice %arg8[%dma_start3A_24, %dma_start3A_25] : memref<40x128xi32, #tpu.memory_space<vmem>> -> memref<1x128xi32, #tpu.memory_space<vmem>>
      %dma_start3A_27 = tpu.memref_squeeze %dma_start3A_26 : memref<1x128xi32, #tpu.memory_space<vmem>> -> memref<128xi32, #tpu.memory_space<vmem>>
      %dma_start3A_28 = arith.constant 0 : i32
      %dma_start3A_29 = arith.constant 0 : i32
      %dma_start3A_30 = tpu.memref_slice %arg11[%dma_start3A_28, %dma_start3A_29] : memref<10112x128xf32, #tpu.memory_space<vmem_shared>> -> memref<10112x128xf32, #tpu.memory_space<vmem_shared>>
      tpu.enqueue_indirect_dma source(%arg9 : memref<128x128xf32, #tpu.memory_space<vmem>>) target(%dma_start3A_30 : memref<10112x128xf32, #tpu.memory_space<vmem_shared>>) offsets(%dma_start3A_27 : memref<128xi32, #tpu.memory_space<vmem>>) semaphore(%arg14 : memref<!tpu.dma_semaphore, #tpu.memory_space<semaphore_mem>>) {add = true}
      %dma_start3A_31 = arith.constant 128 : i32
      %dma_start3A_32 = tpu.memref_slice %arg7[%dma_start3A_31] : memref<5120xi32, #tpu.memory_space<vmem>> -> memref<128xi32, #tpu.memory_space<vmem>>
      %dma_start3A_33 = arith.constant 0 : i32
      %dma_start3A_34 = arith.constant 0 : i32
      %dma_start3A_35 = tpu.memref_slice %arg2[%dma_start3A_33, %dma_start3A_34] : memref<10112x128xf32, #tpu.memory_space<hbm>> -> memref<10112x128xf32, #tpu.memory_space<hbm>>
      tpu.enqueue_indirect_dma source(%dma_start3A_35 : memref<10112x128xf32, #tpu.memory_space<hbm>>) target(%arg10 : memref<128x128xf32, #tpu.memory_space<vmem>>) offsets(%dma_start3A_32 : memref<128xi32, #tpu.memory_space<vmem>>) semaphore(%arg13 : memref<!tpu.dma_semaphore, #tpu.memory_space<semaphore_mem>>)
      %dma_wait3A_36 = arith.constant 128 : i32
      %dma_wait3A_37 = tpu.memref_slice %arg7[%dma_wait3A_36] : memref<5120xi32, #tpu.memory_space<vmem>> -> memref<128xi32, #tpu.memory_space<vmem>>
      %dma_wait3A_38 = arith.constant 0 : i32
      %dma_wait3A_39 = arith.constant 0 : i32
      %dma_wait3A_40 = tpu.memref_slice %arg2[%dma_wait3A_38, %dma_wait3A_39] : memref<10112x128xf32, #tpu.memory_space<hbm>> -> memref<10112x128xf32, #tpu.memory_space<hbm>>
      tpu.wait_indirect_dma semaphore(%arg13 : memref<!tpu.dma_semaphore, #tpu.memory_space<semaphore_mem>>) src(%dma_wait3A_40 : memref<10112x128xf32, #tpu.memory_space<hbm>>) dst(%arg10 : memref<128x128xf32, #tpu.memory_space<vmem>>)
      %dma_start3A_41 = arith.constant 1 : i32
      %dma_start3A_42 = arith.constant 0 : i32
      %dma_start3A_43 = tpu.memref_slice %arg8[%dma_start3A_41, %dma_start3A_42] : memref<40x128xi32, #tpu.memory_space<vmem>> -> memref<1x128xi32, #tpu.memory_space<vmem>>
      %dma_start3A_44 = tpu.memref_squeeze %dma_start3A_43 : memref<1x128xi32, #tpu.memory_space<vmem>> -> memref<128xi32, #tpu.memory_space<vmem>>
      %dma_start3A_45 = arith.constant 0 : i32
      %dma_start3A_46 = arith.constant 0 : i32
      %dma_start3A_47 = tpu.memref_slice %arg11[%dma_start3A_45, %dma_start3A_46] : memref<10112x128xf32, #tpu.memory_space<vmem_shared>> -> memref<10112x128xf32, #tpu.memory_space<vmem_shared>>
      tpu.enqueue_indirect_dma source(%arg10 : memref<128x128xf32, #tpu.memory_space<vmem>>) target(%dma_start3A_47 : memref<10112x128xf32, #tpu.memory_space<vmem_shared>>) offsets(%dma_start3A_44 : memref<128xi32, #tpu.memory_space<vmem>>) semaphore(%arg15 : memref<!tpu.dma_semaphore, #tpu.memory_space<semaphore_mem>>) {add = true}
      %dma_wait3A_48 = arith.constant 0 : i32
      %dma_wait3A_49 = arith.constant 0 : i32
      %dma_wait3A_50 = tpu.memref_slice %arg8[%dma_wait3A_48, %dma_wait3A_49] : memref<40x128xi32, #tpu.memory_space<vmem>> -> memref<1x128xi32, #tpu.memory_space<vmem>>
      %dma_wait3A_51 = tpu.memref_squeeze %dma_wait3A_50 : memref<1x128xi32, #tpu.memory_space<vmem>> -> memref<128xi32, #tpu.memory_space<vmem>>
      %dma_wait3A_52 = arith.constant 0 : i32
      %dma_wait3A_53 = arith.constant 0 : i32
      %dma_wait3A_54 = tpu.memref_slice %arg11[%dma_wait3A_52, %dma_wait3A_53] : memref<10112x128xf32, #tpu.memory_space<vmem_shared>> -> memref<10112x128xf32, #tpu.memory_space<vmem_shared>>
      tpu.wait_indirect_dma semaphore(%arg14 : memref<!tpu.dma_semaphore, #tpu.memory_space<semaphore_mem>>) src(%arg9 : memref<128x128xf32, #tpu.memory_space<vmem>>) dst(%dma_wait3A_54 : memref<10112x128xf32, #tpu.memory_space<vmem_shared>>)
      %dma_start3A_55 = arith.constant 256 : i32
      %dma_start3A_56 = tpu.memref_slice %arg7[%dma_start3A_55] : memref<5120xi32, #tpu.memory_space<vmem>> -> memref<128xi32, #tpu.memory_space<vmem>>
      %dma_start3A_57 = arith.constant 0 : i32
      %dma_start3A_58 = arith.constant 0 : i32
      %dma_start3A_59 = tpu.memref_slice %arg2[%dma_start3A_57, %dma_start3A_58] : memref<10112x128xf32, #tpu.memory_space<hbm>> -> memref<10112x128xf32, #tpu.memory_space<hbm>>
      tpu.enqueue_indirect_dma source(%dma_start3A_59 : memref<10112x128xf32, #tpu.memory_space<hbm>>) target(%arg9 : memref<128x128xf32, #tpu.memory_space<vmem>>) offsets(%dma_start3A_56 : memref<128xi32, #tpu.memory_space<vmem>>) semaphore(%arg12 : memref<!tpu.dma_semaphore, #tpu.memory_space<semaphore_mem>>)
      %scan3A = arith.constant 0 : i32
      %scan3A_60 = arith.constant 1 : i32
      %scan3A_61 = arith.constant 19 : i32
      %scan3A_62 = arith.addi %scan3A_60, %scan3A_61 : i32
      %scan3A_63 = arith.constant 1 : i32
      scf.for %scan3A_215 = %scan3A_60 to %scan3A_62 step %scan3A_63  : i32 {
        %mul3A_216 = arith.constant 2 : i32
        %mul3A_217 = arith.muli %scan3A_215, %mul3A_216 : i32
        %add3A = arith.constant 0 : i32
        %add3A_218 = arith.addi %mul3A_217, %add3A : i32
        %mul3A_219 = arith.constant 128 : i32
        %mul3A_220 = arith.muli %add3A_218, %mul3A_219 : i32
        %dma_wait3A_221 = tpu.memref_slice %arg7[%mul3A_220] : memref<5120xi32, #tpu.memory_space<vmem>> -> memref<128xi32, #tpu.memory_space<vmem>>
        %dma_wait3A_222 = arith.constant 0 : i32
        %dma_wait3A_223 = arith.constant 0 : i32
        %dma_wait3A_224 = tpu.memref_slice %arg2[%dma_wait3A_222, %dma_wait3A_223] : memref<10112x128xf32, #tpu.memory_space<hbm>> -> memref<10112x128xf32, #tpu.memory_space<hbm>>
        tpu.wait_indirect_dma semaphore(%arg12 : memref<!tpu.dma_semaphore, #tpu.memory_space<semaphore_mem>>) src(%dma_wait3A_224 : memref<10112x128xf32, #tpu.memory_space<hbm>>) dst(%arg9 : memref<128x128xf32, #tpu.memory_space<vmem>>)
        %dma_start3A_225 = arith.constant 0 : i32
        %dma_start3A_226 = tpu.memref_slice %arg8[%add3A_218, %dma_start3A_225] : memref<40x128xi32, #tpu.memory_space<vmem>> -> memref<1x128xi32, #tpu.memory_space<vmem>>
        %dma_start3A_227 = tpu.memref_squeeze %dma_start3A_226 : memref<1x128xi32, #tpu.memory_space<vmem>> -> memref<128xi32, #tpu.memory_space<vmem>>
        %dma_start3A_228 = arith.constant 0 : i32
        %dma_start3A_229 = arith.constant 0 : i32
        %dma_start3A_230 = tpu.memref_slice %arg11[%dma_start3A_228, %dma_start3A_229] : memref<10112x128xf32, #tpu.memory_space<vmem_shared>> -> memref<10112x128xf32, #tpu.memory_space<vmem_shared>>
        tpu.enqueue_indirect_dma source(%arg9 : memref<128x128xf32, #tpu.memory_space<vmem>>) target(%dma_start3A_230 : memref<10112x128xf32, #tpu.memory_space<vmem_shared>>) offsets(%dma_start3A_227 : memref<128xi32, #tpu.memory_space<vmem>>) semaphore(%arg14 : memref<!tpu.dma_semaphore, #tpu.memory_space<semaphore_mem>>) {add = true}
        %add3A_231 = arith.constant 1 : i32
        %add3A_232 = arith.addi %add3A_218, %add3A_231 : i32
        %lt3A = arith.constant 40 : i32
        %lt3A_233 = arith.cmpi slt, %add3A_232, %lt3A : i32
        %convert_element_type3A_234 = arith.extui %lt3A_233 : i1 to i32
        %cond3A_235 = arith.constant 0 : i32
        %cond3A_236 = arith.cmpi ne, %convert_element_type3A_234, %cond3A_235 : i32
        scf.if %cond3A_236 {
          %sub3A = arith.constant 1 : i32
          %sub3A_260 = arith.subi %add3A_218, %sub3A : i32
          %dma_wait3A_261 = arith.constant 0 : i32
          %dma_wait3A_262 = tpu.memref_slice %arg8[%sub3A_260, %dma_wait3A_261] : memref<40x128xi32, #tpu.memory_space<vmem>> -> memref<1x128xi32, #tpu.memory_space<vmem>>
          %dma_wait3A_263 = tpu.memref_squeeze %dma_wait3A_262 : memref<1x128xi32, #tpu.memory_space<vmem>> -> memref<128xi32, #tpu.memory_space<vmem>>
          %dma_wait3A_264 = arith.constant 0 : i32
          %dma_wait3A_265 = arith.constant 0 : i32
          %dma_wait3A_266 = tpu.memref_slice %arg11[%dma_wait3A_264, %dma_wait3A_265] : memref<10112x128xf32, #tpu.memory_space<vmem_shared>> -> memref<10112x128xf32, #tpu.memory_space<vmem_shared>>
          tpu.wait_indirect_dma semaphore(%arg15 : memref<!tpu.dma_semaphore, #tpu.memory_space<semaphore_mem>>) src(%arg10 : memref<128x128xf32, #tpu.memory_space<vmem>>) dst(%dma_wait3A_266 : memref<10112x128xf32, #tpu.memory_space<vmem_shared>>)
          %add3A_267 = arith.constant 1 : i32
          %add3A_268 = arith.addi %add3A_218, %add3A_267 : i32
          %mul3A_269 = arith.constant 128 : i32
          %mul3A_270 = arith.muli %add3A_268, %mul3A_269 : i32
          %dma_start3A_271 = tpu.memref_slice %arg7[%mul3A_270] : memref<5120xi32, #tpu.memory_space<vmem>> -> memref<128xi32, #tpu.memory_space<vmem>>
          %dma_start3A_272 = arith.constant 0 : i32
          %dma_start3A_273 = arith.constant 0 : i32
          %dma_start3A_274 = tpu.memref_slice %arg2[%dma_start3A_272, %dma_start3A_273] : memref<10112x128xf32, #tpu.memory_space<hbm>> -> memref<10112x128xf32, #tpu.memory_space<hbm>>
          tpu.enqueue_indirect_dma source(%dma_start3A_274 : memref<10112x128xf32, #tpu.memory_space<hbm>>) target(%arg10 : memref<128x128xf32, #tpu.memory_space<vmem>>) offsets(%dma_start3A_271 : memref<128xi32, #tpu.memory_space<vmem>>) semaphore(%arg13 : memref<!tpu.dma_semaphore, #tpu.memory_space<semaphore_mem>>)
        } else {
        }
        %mul3A_237 = arith.constant 2 : i32
        %mul3A_238 = arith.muli %scan3A_215, %mul3A_237 : i32
        %add3A_239 = arith.constant 1 : i32
        %add3A_240 = arith.addi %mul3A_238, %add3A_239 : i32
        %mul3A_241 = arith.constant 128 : i32
        %mul3A_242 = arith.muli %add3A_240, %mul3A_241 : i32
        %dma_wait3A_243 = tpu.memref_slice %arg7[%mul3A_242] : memref<5120xi32, #tpu.memory_space<vmem>> -> memref<128xi32, #tpu.memory_space<vmem>>
        %dma_wait3A_244 = arith.constant 0 : i32
        %dma_wait3A_245 = arith.constant 0 : i32
        %dma_wait3A_246 = tpu.memref_slice %arg2[%dma_wait3A_244, %dma_wait3A_245] : memref<10112x128xf32, #tpu.memory_space<hbm>> -> memref<10112x128xf32, #tpu.memory_space<hbm>>
        tpu.wait_indirect_dma semaphore(%arg13 : memref<!tpu.dma_semaphore, #tpu.memory_space<semaphore_mem>>) src(%dma_wait3A_246 : memref<10112x128xf32, #tpu.memory_space<hbm>>) dst(%arg10 : memref<128x128xf32, #tpu.memory_space<vmem>>)
        %dma_start3A_247 = arith.constant 0 : i32
        %dma_start3A_248 = tpu.memref_slice %arg8[%add3A_240, %dma_start3A_247] : memref<40x128xi32, #tpu.memory_space<vmem>> -> memref<1x128xi32, #tpu.memory_space<vmem>>
        %dma_start3A_249 = tpu.memref_squeeze %dma_start3A_248 : memref<1x128xi32, #tpu.memory_space<vmem>> -> memref<128xi32, #tpu.memory_space<vmem>>
        %dma_start3A_250 = arith.constant 0 : i32
        %dma_start3A_251 = arith.constant 0 : i32
        %dma_start3A_252 = tpu.memref_slice %arg11[%dma_start3A_250, %dma_start3A_251] : memref<10112x128xf32, #tpu.memory_space<vmem_shared>> -> memref<10112x128xf32, #tpu.memory_space<vmem_shared>>
        tpu.enqueue_indirect_dma source(%arg10 : memref<128x128xf32, #tpu.memory_space<vmem>>) target(%dma_start3A_252 : memref<10112x128xf32, #tpu.memory_space<vmem_shared>>) offsets(%dma_start3A_249 : memref<128xi32, #tpu.memory_space<vmem>>) semaphore(%arg15 : memref<!tpu.dma_semaphore, #tpu.memory_space<semaphore_mem>>) {add = true}
        %add3A_253 = arith.constant 1 : i32
        %add3A_254 = arith.addi %add3A_240, %add3A_253 : i32
        %lt3A_255 = arith.constant 40 : i32
        %lt3A_256 = arith.cmpi slt, %add3A_254, %lt3A_255 : i32
        %convert_element_type3A_257 = arith.extui %lt3A_256 : i1 to i32
        %cond3A_258 = arith.constant 0 : i32
        %cond3A_259 = arith.cmpi ne, %convert_element_type3A_257, %cond3A_258 : i32
        scf.if %cond3A_259 {
          %sub3A = arith.constant 1 : i32
          %sub3A_260 = arith.subi %add3A_240, %sub3A : i32
          %dma_wait3A_261 = arith.constant 0 : i32
          %dma_wait3A_262 = tpu.memref_slice %arg8[%sub3A_260, %dma_wait3A_261] : memref<40x128xi32, #tpu.memory_space<vmem>> -> memref<1x128xi32, #tpu.memory_space<vmem>>
          %dma_wait3A_263 = tpu.memref_squeeze %dma_wait3A_262 : memref<1x128xi32, #tpu.memory_space<vmem>> -> memref<128xi32, #tpu.memory_space<vmem>>
          %dma_wait3A_264 = arith.constant 0 : i32
          %dma_wait3A_265 = arith.constant 0 : i32
          %dma_wait3A_266 = tpu.memref_slice %arg11[%dma_wait3A_264, %dma_wait3A_265] : memref<10112x128xf32, #tpu.memory_space<vmem_shared>> -> memref<10112x128xf32, #tpu.memory_space<vmem_shared>>
          tpu.wait_indirect_dma semaphore(%arg14 : memref<!tpu.dma_semaphore, #tpu.memory_space<semaphore_mem>>) src(%arg9 : memref<128x128xf32, #tpu.memory_space<vmem>>) dst(%dma_wait3A_266 : memref<10112x128xf32, #tpu.memory_space<vmem_shared>>)
          %add3A_267 = arith.constant 1 : i32
          %add3A_268 = arith.addi %add3A_240, %add3A_267 : i32
          %mul3A_269 = arith.constant 128 : i32
          %mul3A_270 = arith.muli %add3A_268, %mul3A_269 : i32
          %dma_start3A_271 = tpu.memref_slice %arg7[%mul3A_270] : memref<5120xi32, #tpu.memory_space<vmem>> -> memref<128xi32, #tpu.memory_space<vmem>>
          %dma_start3A_272 = arith.constant 0 : i32
          %dma_start3A_273 = arith.constant 0 : i32
          %dma_start3A_274 = tpu.memref_slice %arg2[%dma_start3A_272, %dma_start3A_273] : memref<10112x128xf32, #tpu.memory_space<hbm>> -> memref<10112x128xf32, #tpu.memory_space<hbm>>
          tpu.enqueue_indirect_dma source(%dma_start3A_274 : memref<10112x128xf32, #tpu.memory_space<hbm>>) target(%arg9 : memref<128x128xf32, #tpu.memory_space<vmem>>) offsets(%dma_start3A_271 : memref<128xi32, #tpu.memory_space<vmem>>) semaphore(%arg12 : memref<!tpu.dma_semaphore, #tpu.memory_space<semaphore_mem>>)
        } else {
        }
      }
      %scan3A_64 = arith.constant 19 : i32
      %dma_wait3A_65 = arith.constant 38 : i32
      %dma_wait3A_66 = arith.constant 0 : i32
      %dma_wait3A_67 = tpu.memref_slice %arg8[%dma_wait3A_65, %dma_wait3A_66] : memref<40x128xi32, #tpu.memory_space<vmem>> -> memref<1x128xi32, #tpu.memory_space<vmem>>
      %dma_wait3A_68 = tpu.memref_squeeze %dma_wait3A_67 : memref<1x128xi32, #tpu.memory_space<vmem>> -> memref<128xi32, #tpu.memory_space<vmem>>
      %dma_wait3A_69 = arith.constant 0 : i32
      %dma_wait3A_70 = arith.constant 0 : i32
      %dma_wait3A_71 = tpu.memref_slice %arg11[%dma_wait3A_69, %dma_wait3A_70] : memref<10112x128xf32, #tpu.memory_space<vmem_shared>> -> memref<10112x128xf32, #tpu.memory_space<vmem_shared>>
      tpu.wait_indirect_dma semaphore(%arg14 : memref<!tpu.dma_semaphore, #tpu.memory_space<semaphore_mem>>) src(%arg9 : memref<128x128xf32, #tpu.memory_space<vmem>>) dst(%dma_wait3A_71 : memref<10112x128xf32, #tpu.memory_space<vmem_shared>>)
      %dma_wait3A_72 = arith.constant 39 : i32
      %dma_wait3A_73 = arith.constant 0 : i32
      %dma_wait3A_74 = tpu.memref_slice %arg8[%dma_wait3A_72, %dma_wait3A_73] : memref<40x128xi32, #tpu.memory_space<vmem>> -> memref<1x128xi32, #tpu.memory_space<vmem>>
      %dma_wait3A_75 = tpu.memref_squeeze %dma_wait3A_74 : memref<1x128xi32, #tpu.memory_space<vmem>> -> memref<128xi32, #tpu.memory_space<vmem>>
      %dma_wait3A_76 = arith.constant 0 : i32
      %dma_wait3A_77 = arith.constant 0 : i32
      %dma_wait3A_78 = tpu.memref_slice %arg11[%dma_wait3A_76, %dma_wait3A_77] : memref<10112x128xf32, #tpu.memory_space<vmem_shared>> -> memref<10112x128xf32, #tpu.memory_space<vmem_shared>>
      tpu.wait_indirect_dma semaphore(%arg15 : memref<!tpu.dma_semaphore, #tpu.memory_space<semaphore_mem>>) src(%arg10 : memref<128x128xf32, #tpu.memory_space<vmem>>) dst(%dma_wait3A_78 : memref<10112x128xf32, #tpu.memory_space<vmem_shared>>)
      %run_scoped3A_79 = arith.constant 1 : i32
      "tpu.region"() ({
        %run_scoped3A_215 = tpu.sem_alloc : memref<!tpu.dma_semaphore, #tpu.memory_space<semaphore_mem>>
        %dma_start3A_216 = arith.constant 0 : i32
        %dma_start3A_217 = tpu.memref_slice %arg3[%arg1, %run_scoped3A_79, %dma_start3A_216] : memref<16x4x5120xi32, #tpu.memory_space<hbm>> -> memref<1x1x5120xi32, #tpu.memory_space<hbm>>
        %dma_start3A_218 = tpu.memref_squeeze %dma_start3A_217 : memref<1x1x5120xi32, #tpu.memory_space<hbm>> -> memref<5120xi32, #tpu.memory_space<hbm>>
        %dma_start3A_219 = arith.constant 0 : i32
        %dma_start3A_220 = tpu.memref_slice %arg3[%arg1, %run_scoped3A_79, %dma_start3A_219] : memref<16x4x5120xi32, #tpu.memory_space<hbm>> -> memref<1x1x5120xi32, #tpu.memory_space<hbm>>
        %dma_start3A_221 = tpu.memref_squeeze %dma_start3A_220 : memref<1x1x5120xi32, #tpu.memory_space<hbm>> -> memref<5120xi32, #tpu.memory_space<hbm>>
        tpu.enqueue_dma source(%dma_start3A_221 : memref<5120xi32, #tpu.memory_space<hbm>>) target(%arg7 : memref<5120xi32, #tpu.memory_space<vmem>>) target_semaphore(%run_scoped3A_215 : memref<!tpu.dma_semaphore, #tpu.memory_space<semaphore_mem>>)
        %dma_wait3A_222 = arith.constant 0 : i32
        %dma_wait3A_223 = tpu.memref_slice %arg3[%arg1, %run_scoped3A_79, %dma_wait3A_222] : memref<16x4x5120xi32, #tpu.memory_space<hbm>> -> memref<1x1x5120xi32, #tpu.memory_space<hbm>>
        %dma_wait3A_224 = tpu.memref_squeeze %dma_wait3A_223 : memref<1x1x5120xi32, #tpu.memory_space<hbm>> -> memref<5120xi32, #tpu.memory_space<hbm>>
        %dma_wait3A_225 = arith.constant 0 : i32
        %dma_wait3A_226 = tpu.memref_slice %arg3[%arg1, %run_scoped3A_79, %dma_wait3A_225] : memref<16x4x5120xi32, #tpu.memory_space<hbm>> -> memref<1x1x5120xi32, #tpu.memory_space<hbm>>
        %dma_wait3A_227 = tpu.memref_squeeze %dma_wait3A_226 : memref<1x1x5120xi32, #tpu.memory_space<hbm>> -> memref<5120xi32, #tpu.memory_space<hbm>>
        tpu.wait_dma2 semaphore(%run_scoped3A_215 : memref<!tpu.dma_semaphore, #tpu.memory_space<semaphore_mem>>) src(%dma_wait3A_227 : memref<5120xi32, #tpu.memory_space<hbm>>) dst(%arg7 : memref<5120xi32, #tpu.memory_space<vmem>>)
        tpu.yield
      }) : () -> ()
      %run_scoped3A_80 = arith.constant 1 : i32
      "tpu.region"() ({
        %run_scoped3A_215 = tpu.sem_alloc : memref<!tpu.dma_semaphore, #tpu.memory_space<semaphore_mem>>
        %dma_start3A_216 = arith.constant 0 : i32
        %dma_start3A_217 = arith.constant 0 : i32
        %dma_start3A_218 = tpu.memref_slice %arg4[%arg1, %run_scoped3A_80, %dma_start3A_216, %dma_start3A_217] : memref<16x4x40x128xi32, #tpu.memory_space<hbm>> -> memref<1x1x40x128xi32, #tpu.memory_space<hbm>>
        %dma_start3A_219 = tpu.memref_squeeze %dma_start3A_218 : memref<1x1x40x128xi32, #tpu.memory_space<hbm>> -> memref<40x128xi32, #tpu.memory_space<hbm>>
        %dma_start3A_220 = arith.constant 0 : i32
        %dma_start3A_221 = arith.constant 0 : i32
        %dma_start3A_222 = tpu.memref_slice %arg4[%arg1, %run_scoped3A_80, %dma_start3A_220, %dma_start3A_221] : memref<16x4x40x128xi32, #tpu.memory_space<hbm>> -> memref<1x1x40x128xi32, #tpu.memory_space<hbm>>
        %dma_start3A_223 = tpu.memref_squeeze %dma_start3A_222 : memref<1x1x40x128xi32, #tpu.memory_space<hbm>> -> memref<40x128xi32, #tpu.memory_space<hbm>>
        tpu.enqueue_dma source(%dma_start3A_223 : memref<40x128xi32, #tpu.memory_space<hbm>>) target(%arg8 : memref<40x128xi32, #tpu.memory_space<vmem>>) target_semaphore(%run_scoped3A_215 : memref<!tpu.dma_semaphore, #tpu.memory_space<semaphore_mem>>)
        %dma_wait3A_224 = arith.constant 0 : i32
        %dma_wait3A_225 = arith.constant 0 : i32
        %dma_wait3A_226 = tpu.memref_slice %arg4[%arg1, %run_scoped3A_80, %dma_wait3A_224, %dma_wait3A_225] : memref<16x4x40x128xi32, #tpu.memory_space<hbm>> -> memref<1x1x40x128xi32, #tpu.memory_space<hbm>>
        %dma_wait3A_227 = tpu.memref_squeeze %dma_wait3A_226 : memref<1x1x40x128xi32, #tpu.memory_space<hbm>> -> memref<40x128xi32, #tpu.memory_space<hbm>>
        %dma_wait3A_228 = arith.constant 0 : i32
        %dma_wait3A_229 = arith.constant 0 : i32
        %dma_wait3A_230 = tpu.memref_slice %arg4[%arg1, %run_scoped3A_80, %dma_wait3A_228, %dma_wait3A_229] : memref<16x4x40x128xi32, #tpu.memory_space<hbm>> -> memref<1x1x40x128xi32, #tpu.memory_space<hbm>>
        %dma_wait3A_231 = tpu.memref_squeeze %dma_wait3A_230 : memref<1x1x40x128xi32, #tpu.memory_space<hbm>> -> memref<40x128xi32, #tpu.memory_space<hbm>>
        tpu.wait_dma2 semaphore(%run_scoped3A_215 : memref<!tpu.dma_semaphore, #tpu.memory_space<semaphore_mem>>) src(%dma_wait3A_231 : memref<40x128xi32, #tpu.memory_space<hbm>>) dst(%arg8 : memref<40x128xi32, #tpu.memory_space<vmem>>)
        tpu.yield
      }) : () -> ()
      %dma_start3A_81 = arith.constant 0 : i32
      %dma_start3A_82 = tpu.memref_slice %arg7[%dma_start3A_81] : memref<5120xi32, #tpu.memory_space<vmem>> -> memref<128xi32, #tpu.memory_space<vmem>>
      %dma_start3A_83 = arith.constant 0 : i32
      %dma_start3A_84 = arith.constant 0 : i32
      %dma_start3A_85 = tpu.memref_slice %arg2[%dma_start3A_83, %dma_start3A_84] : memref<10112x128xf32, #tpu.memory_space<hbm>> -> memref<10112x128xf32, #tpu.memory_space<hbm>>
      tpu.enqueue_indirect_dma source(%dma_start3A_85 : memref<10112x128xf32, #tpu.memory_space<hbm>>) target(%arg9 : memref<128x128xf32, #tpu.memory_space<vmem>>) offsets(%dma_start3A_82 : memref<128xi32, #tpu.memory_space<vmem>>) semaphore(%arg12 : memref<!tpu.dma_semaphore, #tpu.memory_space<semaphore_mem>>)
      %dma_wait3A_86 = arith.constant 0 : i32
      %dma_wait3A_87 = tpu.memref_slice %arg7[%dma_wait3A_86] : memref<5120xi32, #tpu.memory_space<vmem>> -> memref<128xi32, #tpu.memory_space<vmem>>
      %dma_wait3A_88 = arith.constant 0 : i32
      %dma_wait3A_89 = arith.constant 0 : i32
      %dma_wait3A_90 = tpu.memref_slice %arg2[%dma_wait3A_88, %dma_wait3A_89] : memref<10112x128xf32, #tpu.memory_space<hbm>> -> memref<10112x128xf32, #tpu.memory_space<hbm>>
      tpu.wait_indirect_dma semaphore(%arg12 : memref<!tpu.dma_semaphore, #tpu.memory_space<semaphore_mem>>) src(%dma_wait3A_90 : memref<10112x128xf32, #tpu.memory_space<hbm>>) dst(%arg9 : memref<128x128xf32, #tpu.memory_space<vmem>>)
      %dma_start3A_91 = arith.constant 0 : i32
      %dma_start3A_92 = arith.constant 0 : i32
      %dma_start3A_93 = tpu.memref_slice %arg8[%dma_start3A_91, %dma_start3A_92] : memref<40x128xi32, #tpu.memory_space<vmem>> -> memref<1x128xi32, #tpu.memory_space<vmem>>
      %dma_start3A_94 = tpu.memref_squeeze %dma_start3A_93 : memref<1x128xi32, #tpu.memory_space<vmem>> -> memref<128xi32, #tpu.memory_space<vmem>>
      %dma_start3A_95 = arith.constant 0 : i32
      %dma_start3A_96 = arith.constant 0 : i32
      %dma_start3A_97 = tpu.memref_slice %arg11[%dma_start3A_95, %dma_start3A_96] : memref<10112x128xf32, #tpu.memory_space<vmem_shared>> -> memref<10112x128xf32, #tpu.memory_space<vmem_shared>>
      tpu.enqueue_indirect_dma source(%arg9 : memref<128x128xf32, #tpu.memory_space<vmem>>) target(%dma_start3A_97 : memref<10112x128xf32, #tpu.memory_space<vmem_shared>>) offsets(%dma_start3A_94 : memref<128xi32, #tpu.memory_space<vmem>>) semaphore(%arg14 : memref<!tpu.dma_semaphore, #tpu.memory_space<semaphore_mem>>) {add = true}
      %dma_start3A_98 = arith.constant 128 : i32
      %dma_start3A_99 = tpu.memref_slice %arg7[%dma_start3A_98] : memref<5120xi32, #tpu.memory_space<vmem>> -> memref<128xi32, #tpu.memory_space<vmem>>
      %dma_start3A_100 = arith.constant 0 : i32
      %dma_start3A_101 = arith.constant 0 : i32
      %dma_start3A_102 = tpu.memref_slice %arg2[%dma_start3A_100, %dma_start3A_101] : memref<10112x128xf32, #tpu.memory_space<hbm>> -> memref<10112x128xf32, #tpu.memory_space<hbm>>
      tpu.enqueue_indirect_dma source(%dma_start3A_102 : memref<10112x128xf32, #tpu.memory_space<hbm>>) target(%arg10 : memref<128x128xf32, #tpu.memory_space<vmem>>) offsets(%dma_start3A_99 : memref<128xi32, #tpu.memory_space<vmem>>) semaphore(%arg13 : memref<!tpu.dma_semaphore, #tpu.memory_space<semaphore_mem>>)
      %dma_wait3A_103 = arith.constant 128 : i32
      %dma_wait3A_104 = tpu.memref_slice %arg7[%dma_wait3A_103] : memref<5120xi32, #tpu.memory_space<vmem>> -> memref<128xi32, #tpu.memory_space<vmem>>
      %dma_wait3A_105 = arith.constant 0 : i32
      %dma_wait3A_106 = arith.constant 0 : i32
      %dma_wait3A_107 = tpu.memref_slice %arg2[%dma_wait3A_105, %dma_wait3A_106] : memref<10112x128xf32, #tpu.memory_space<hbm>> -> memref<10112x128xf32, #tpu.memory_space<hbm>>
      tpu.wait_indirect_dma semaphore(%arg13 : memref<!tpu.dma_semaphore, #tpu.memory_space<semaphore_mem>>) src(%dma_wait3A_107 : memref<10112x128xf32, #tpu.memory_space<hbm>>) dst(%arg10 : memref<128x128xf32, #tpu.memory_space<vmem>>)
      %dma_start3A_108 = arith.constant 1 : i32
      %dma_start3A_109 = arith.constant 0 : i32
      %dma_start3A_110 = tpu.memref_slice %arg8[%dma_start3A_108, %dma_start3A_109] : memref<40x128xi32, #tpu.memory_space<vmem>> -> memref<1x128xi32, #tpu.memory_space<vmem>>
      %dma_start3A_111 = tpu.memref_squeeze %dma_start3A_110 : memref<1x128xi32, #tpu.memory_space<vmem>> -> memref<128xi32, #tpu.memory_space<vmem>>
      %dma_start3A_112 = arith.constant 0 : i32
      %dma_start3A_113 = arith.constant 0 : i32
      %dma_start3A_114 = tpu.memref_slice %arg11[%dma_start3A_112, %dma_start3A_113] : memref<10112x128xf32, #tpu.memory_space<vmem_shared>> -> memref<10112x128xf32, #tpu.memory_space<vmem_shared>>
      tpu.enqueue_indirect_dma source(%arg10 : memref<128x128xf32, #tpu.memory_space<vmem>>) target(%dma_start3A_114 : memref<10112x128xf32, #tpu.memory_space<vmem_shared>>) offsets(%dma_start3A_111 : memref<128xi32, #tpu.memory_space<vmem>>) semaphore(%arg15 : memref<!tpu.dma_semaphore, #tpu.memory_space<semaphore_mem>>) {add = true}
      %dma_wait3A_115 = arith.constant 0 : i32
      %dma_wait3A_116 = arith.constant 0 : i32
      %dma_wait3A_117 = tpu.memref_slice %arg8[%dma_wait3A_115, %dma_wait3A_116] : memref<40x128xi32, #tpu.memory_space<vmem>> -> memref<1x128xi32, #tpu.memory_space<vmem>>
      %dma_wait3A_118 = tpu.memref_squeeze %dma_wait3A_117 : memref<1x128xi32, #tpu.memory_space<vmem>> -> memref<128xi32, #tpu.memory_space<vmem>>
      %dma_wait3A_119 = arith.constant 0 : i32
      %dma_wait3A_120 = arith.constant 0 : i32
      %dma_wait3A_121 = tpu.memref_slice %arg11[%dma_wait3A_119, %dma_wait3A_120] : memref<10112x128xf32, #tpu.memory_space<vmem_shared>> -> memref<10112x128xf32, #tpu.memory_space<vmem_shared>>
      tpu.wait_indirect_dma semaphore(%arg14 : memref<!tpu.dma_semaphore, #tpu.memory_space<semaphore_mem>>) src(%arg9 : memref<128x128xf32, #tpu.memory_space<vmem>>) dst(%dma_wait3A_121 : memref<10112x128xf32, #tpu.memory_space<vmem_shared>>)
      %dma_start3A_122 = arith.constant 256 : i32
      %dma_start3A_123 = tpu.memref_slice %arg7[%dma_start3A_122] : memref<5120xi32, #tpu.memory_space<vmem>> -> memref<128xi32, #tpu.memory_space<vmem>>
      %dma_start3A_124 = arith.constant 0 : i32
      %dma_start3A_125 = arith.constant 0 : i32
      %dma_start3A_126 = tpu.memref_slice %arg2[%dma_start3A_124, %dma_start3A_125] : memref<10112x128xf32, #tpu.memory_space<hbm>> -> memref<10112x128xf32, #tpu.memory_space<hbm>>
      tpu.enqueue_indirect_dma source(%dma_start3A_126 : memref<10112x128xf32, #tpu.memory_space<hbm>>) target(%arg9 : memref<128x128xf32, #tpu.memory_space<vmem>>) offsets(%dma_start3A_123 : memref<128xi32, #tpu.memory_space<vmem>>) semaphore(%arg12 : memref<!tpu.dma_semaphore, #tpu.memory_space<semaphore_mem>>)
      %scan3A_127 = arith.constant 0 : i32
      %scan3A_128 = arith.constant 1 : i32
      %scan3A_129 = arith.constant 19 : i32
      %scan3A_130 = arith.addi %scan3A_128, %scan3A_129 : i32
      %scan3A_131 = arith.constant 1 : i32
      scf.for %scan3A_215 = %scan3A_128 to %scan3A_130 step %scan3A_131  : i32 {
        %mul3A_216 = arith.constant 2 : i32
        %mul3A_217 = arith.muli %scan3A_215, %mul3A_216 : i32
        %add3A = arith.constant 0 : i32
        %add3A_218 = arith.addi %mul3A_217, %add3A : i32
        %mul3A_219 = arith.constant 128 : i32
        %mul3A_220 = arith.muli %add3A_218, %mul3A_219 : i32
        %dma_wait3A_221 = tpu.memref_slice %arg7[%mul3A_220] : memref<5120xi32, #tpu.memory_space<vmem>> -> memref<128xi32, #tpu.memory_space<vmem>>
        %dma_wait3A_222 = arith.constant 0 : i32
        %dma_wait3A_223 = arith.constant 0 : i32
        %dma_wait3A_224 = tpu.memref_slice %arg2[%dma_wait3A_222, %dma_wait3A_223] : memref<10112x128xf32, #tpu.memory_space<hbm>> -> memref<10112x128xf32, #tpu.memory_space<hbm>>
        tpu.wait_indirect_dma semaphore(%arg12 : memref<!tpu.dma_semaphore, #tpu.memory_space<semaphore_mem>>) src(%dma_wait3A_224 : memref<10112x128xf32, #tpu.memory_space<hbm>>) dst(%arg9 : memref<128x128xf32, #tpu.memory_space<vmem>>)
        %dma_start3A_225 = arith.constant 0 : i32
        %dma_start3A_226 = tpu.memref_slice %arg8[%add3A_218, %dma_start3A_225] : memref<40x128xi32, #tpu.memory_space<vmem>> -> memref<1x128xi32, #tpu.memory_space<vmem>>
        %dma_start3A_227 = tpu.memref_squeeze %dma_start3A_226 : memref<1x128xi32, #tpu.memory_space<vmem>> -> memref<128xi32, #tpu.memory_space<vmem>>
        %dma_start3A_228 = arith.constant 0 : i32
        %dma_start3A_229 = arith.constant 0 : i32
        %dma_start3A_230 = tpu.memref_slice %arg11[%dma_start3A_228, %dma_start3A_229] : memref<10112x128xf32, #tpu.memory_space<vmem_shared>> -> memref<10112x128xf32, #tpu.memory_space<vmem_shared>>
        tpu.enqueue_indirect_dma source(%arg9 : memref<128x128xf32, #tpu.memory_space<vmem>>) target(%dma_start3A_230 : memref<10112x128xf32, #tpu.memory_space<vmem_shared>>) offsets(%dma_start3A_227 : memref<128xi32, #tpu.memory_space<vmem>>) semaphore(%arg14 : memref<!tpu.dma_semaphore, #tpu.memory_space<semaphore_mem>>) {add = true}
        %add3A_231 = arith.constant 1 : i32
        %add3A_232 = arith.addi %add3A_218, %add3A_231 : i32
        %lt3A = arith.constant 40 : i32
        %lt3A_233 = arith.cmpi slt, %add3A_232, %lt3A : i32
        %convert_element_type3A_234 = arith.extui %lt3A_233 : i1 to i32
        %cond3A_235 = arith.constant 0 : i32
        %cond3A_236 = arith.cmpi ne, %convert_element_type3A_234, %cond3A_235 : i32
        scf.if %cond3A_236 {
          %sub3A = arith.constant 1 : i32
          %sub3A_260 = arith.subi %add3A_218, %sub3A : i32
          %dma_wait3A_261 = arith.constant 0 : i32
          %dma_wait3A_262 = tpu.memref_slice %arg8[%sub3A_260, %dma_wait3A_261] : memref<40x128xi32, #tpu.memory_space<vmem>> -> memref<1x128xi32, #tpu.memory_space<vmem>>
          %dma_wait3A_263 = tpu.memref_squeeze %dma_wait3A_262 : memref<1x128xi32, #tpu.memory_space<vmem>> -> memref<128xi32, #tpu.memory_space<vmem>>
          %dma_wait3A_264 = arith.constant 0 : i32
          %dma_wait3A_265 = arith.constant 0 : i32
          %dma_wait3A_266 = tpu.memref_slice %arg11[%dma_wait3A_264, %dma_wait3A_265] : memref<10112x128xf32, #tpu.memory_space<vmem_shared>> -> memref<10112x128xf32, #tpu.memory_space<vmem_shared>>
          tpu.wait_indirect_dma semaphore(%arg15 : memref<!tpu.dma_semaphore, #tpu.memory_space<semaphore_mem>>) src(%arg10 : memref<128x128xf32, #tpu.memory_space<vmem>>) dst(%dma_wait3A_266 : memref<10112x128xf32, #tpu.memory_space<vmem_shared>>)
          %add3A_267 = arith.constant 1 : i32
          %add3A_268 = arith.addi %add3A_218, %add3A_267 : i32
          %mul3A_269 = arith.constant 128 : i32
          %mul3A_270 = arith.muli %add3A_268, %mul3A_269 : i32
          %dma_start3A_271 = tpu.memref_slice %arg7[%mul3A_270] : memref<5120xi32, #tpu.memory_space<vmem>> -> memref<128xi32, #tpu.memory_space<vmem>>
          %dma_start3A_272 = arith.constant 0 : i32
          %dma_start3A_273 = arith.constant 0 : i32
          %dma_start3A_274 = tpu.memref_slice %arg2[%dma_start3A_272, %dma_start3A_273] : memref<10112x128xf32, #tpu.memory_space<hbm>> -> memref<10112x128xf32, #tpu.memory_space<hbm>>
          tpu.enqueue_indirect_dma source(%dma_start3A_274 : memref<10112x128xf32, #tpu.memory_space<hbm>>) target(%arg10 : memref<128x128xf32, #tpu.memory_space<vmem>>) offsets(%dma_start3A_271 : memref<128xi32, #tpu.memory_space<vmem>>) semaphore(%arg13 : memref<!tpu.dma_semaphore, #tpu.memory_space<semaphore_mem>>)
        } else {
        }
        %mul3A_237 = arith.constant 2 : i32
        %mul3A_238 = arith.muli %scan3A_215, %mul3A_237 : i32
        %add3A_239 = arith.constant 1 : i32
        %add3A_240 = arith.addi %mul3A_238, %add3A_239 : i32
        %mul3A_241 = arith.constant 128 : i32
        %mul3A_242 = arith.muli %add3A_240, %mul3A_241 : i32
        %dma_wait3A_243 = tpu.memref_slice %arg7[%mul3A_242] : memref<5120xi32, #tpu.memory_space<vmem>> -> memref<128xi32, #tpu.memory_space<vmem>>
        %dma_wait3A_244 = arith.constant 0 : i32
        %dma_wait3A_245 = arith.constant 0 : i32
        %dma_wait3A_246 = tpu.memref_slice %arg2[%dma_wait3A_244, %dma_wait3A_245] : memref<10112x128xf32, #tpu.memory_space<hbm>> -> memref<10112x128xf32, #tpu.memory_space<hbm>>
        tpu.wait_indirect_dma semaphore(%arg13 : memref<!tpu.dma_semaphore, #tpu.memory_space<semaphore_mem>>) src(%dma_wait3A_246 : memref<10112x128xf32, #tpu.memory_space<hbm>>) dst(%arg10 : memref<128x128xf32, #tpu.memory_space<vmem>>)
        %dma_start3A_247 = arith.constant 0 : i32
        %dma_start3A_248 = tpu.memref_slice %arg8[%add3A_240, %dma_start3A_247] : memref<40x128xi32, #tpu.memory_space<vmem>> -> memref<1x128xi32, #tpu.memory_space<vmem>>
        %dma_start3A_249 = tpu.memref_squeeze %dma_start3A_248 : memref<1x128xi32, #tpu.memory_space<vmem>> -> memref<128xi32, #tpu.memory_space<vmem>>
        %dma_start3A_250 = arith.constant 0 : i32
        %dma_start3A_251 = arith.constant 0 : i32
        %dma_start3A_252 = tpu.memref_slice %arg11[%dma_start3A_250, %dma_start3A_251] : memref<10112x128xf32, #tpu.memory_space<vmem_shared>> -> memref<10112x128xf32, #tpu.memory_space<vmem_shared>>
        tpu.enqueue_indirect_dma source(%arg10 : memref<128x128xf32, #tpu.memory_space<vmem>>) target(%dma_start3A_252 : memref<10112x128xf32, #tpu.memory_space<vmem_shared>>) offsets(%dma_start3A_249 : memref<128xi32, #tpu.memory_space<vmem>>) semaphore(%arg15 : memref<!tpu.dma_semaphore, #tpu.memory_space<semaphore_mem>>) {add = true}
        %add3A_253 = arith.constant 1 : i32
        %add3A_254 = arith.addi %add3A_240, %add3A_253 : i32
        %lt3A_255 = arith.constant 40 : i32
        %lt3A_256 = arith.cmpi slt, %add3A_254, %lt3A_255 : i32
        %convert_element_type3A_257 = arith.extui %lt3A_256 : i1 to i32
        %cond3A_258 = arith.constant 0 : i32
        %cond3A_259 = arith.cmpi ne, %convert_element_type3A_257, %cond3A_258 : i32
        scf.if %cond3A_259 {
          %sub3A = arith.constant 1 : i32
          %sub3A_260 = arith.subi %add3A_240, %sub3A : i32
          %dma_wait3A_261 = arith.constant 0 : i32
          %dma_wait3A_262 = tpu.memref_slice %arg8[%sub3A_260, %dma_wait3A_261] : memref<40x128xi32, #tpu.memory_space<vmem>> -> memref<1x128xi32, #tpu.memory_space<vmem>>
          %dma_wait3A_263 = tpu.memref_squeeze %dma_wait3A_262 : memref<1x128xi32, #tpu.memory_space<vmem>> -> memref<128xi32, #tpu.memory_space<vmem>>
          %dma_wait3A_264 = arith.constant 0 : i32
          %dma_wait3A_265 = arith.constant 0 : i32
          %dma_wait3A_266 = tpu.memref_slice %arg11[%dma_wait3A_264, %dma_wait3A_265] : memref<10112x128xf32, #tpu.memory_space<vmem_shared>> -> memref<10112x128xf32, #tpu.memory_space<vmem_shared>>
          tpu.wait_indirect_dma semaphore(%arg14 : memref<!tpu.dma_semaphore, #tpu.memory_space<semaphore_mem>>) src(%arg9 : memref<128x128xf32, #tpu.memory_space<vmem>>) dst(%dma_wait3A_266 : memref<10112x128xf32, #tpu.memory_space<vmem_shared>>)
          %add3A_267 = arith.constant 1 : i32
          %add3A_268 = arith.addi %add3A_240, %add3A_267 : i32
          %mul3A_269 = arith.constant 128 : i32
          %mul3A_270 = arith.muli %add3A_268, %mul3A_269 : i32
          %dma_start3A_271 = tpu.memref_slice %arg7[%mul3A_270] : memref<5120xi32, #tpu.memory_space<vmem>> -> memref<128xi32, #tpu.memory_space<vmem>>
          %dma_start3A_272 = arith.constant 0 : i32
          %dma_start3A_273 = arith.constant 0 : i32
          %dma_start3A_274 = tpu.memref_slice %arg2[%dma_start3A_272, %dma_start3A_273] : memref<10112x128xf32, #tpu.memory_space<hbm>> -> memref<10112x128xf32, #tpu.memory_space<hbm>>
          tpu.enqueue_indirect_dma source(%dma_start3A_274 : memref<10112x128xf32, #tpu.memory_space<hbm>>) target(%arg9 : memref<128x128xf32, #tpu.memory_space<vmem>>) offsets(%dma_start3A_271 : memref<128xi32, #tpu.memory_space<vmem>>) semaphore(%arg12 : memref<!tpu.dma_semaphore, #tpu.memory_space<semaphore_mem>>)
        } else {
        }
      }
      %scan3A_132 = arith.constant 19 : i32
      %dma_wait3A_133 = arith.constant 38 : i32
      %dma_wait3A_134 = arith.constant 0 : i32
      %dma_wait3A_135 = tpu.memref_slice %arg8[%dma_wait3A_133, %dma_wait3A_134] : memref<40x128xi32, #tpu.memory_space<vmem>> -> memref<1x128xi32, #tpu.memory_space<vmem>>
      %dma_wait3A_136 = tpu.memref_squeeze %dma_wait3A_135 : memref<1x128xi32, #tpu.memory_space<vmem>> -> memref<128xi32, #tpu.memory_space<vmem>>
      %dma_wait3A_137 = arith.constant 0 : i32
      %dma_wait3A_138 = arith.constant 0 : i32
      %dma_wait3A_139 = tpu.memref_slice %arg11[%dma_wait3A_137, %dma_wait3A_138] : memref<10112x128xf32, #tpu.memory_space<vmem_shared>> -> memref<10112x128xf32, #tpu.memory_space<vmem_shared>>
      tpu.wait_indirect_dma semaphore(%arg14 : memref<!tpu.dma_semaphore, #tpu.memory_space<semaphore_mem>>) src(%arg9 : memref<128x128xf32, #tpu.memory_space<vmem>>) dst(%dma_wait3A_139 : memref<10112x128xf32, #tpu.memory_space<vmem_shared>>)
      %dma_wait3A_140 = arith.constant 39 : i32
      %dma_wait3A_141 = arith.constant 0 : i32
      %dma_wait3A_142 = tpu.memref_slice %arg8[%dma_wait3A_140, %dma_wait3A_141] : memref<40x128xi32, #tpu.memory_space<vmem>> -> memref<1x128xi32, #tpu.memory_space<vmem>>
      %dma_wait3A_143 = tpu.memref_squeeze %dma_wait3A_142 : memref<1x128xi32, #tpu.memory_space<vmem>> -> memref<128xi32, #tpu.memory_space<vmem>>
      %dma_wait3A_144 = arith.constant 0 : i32
      %dma_wait3A_145 = arith.constant 0 : i32
      %dma_wait3A_146 = tpu.memref_slice %arg11[%dma_wait3A_144, %dma_wait3A_145] : memref<10112x128xf32, #tpu.memory_space<vmem_shared>> -> memref<10112x128xf32, #tpu.memory_space<vmem_shared>>
      tpu.wait_indirect_dma semaphore(%arg15 : memref<!tpu.dma_semaphore, #tpu.memory_space<semaphore_mem>>) src(%arg10 : memref<128x128xf32, #tpu.memory_space<vmem>>) dst(%dma_wait3A_146 : memref<10112x128xf32, #tpu.memory_space<vmem_shared>>)
      %run_scoped3A_147 = arith.constant 2 : i32
      "tpu.region"() ({
        %run_scoped3A_215 = tpu.sem_alloc : memref<!tpu.dma_semaphore, #tpu.memory_space<semaphore_mem>>
        %dma_start3A_216 = arith.constant 0 : i32
        %dma_start3A_217 = tpu.memref_slice %arg3[%arg1, %run_scoped3A_147, %dma_start3A_216] : memref<16x4x5120xi32, #tpu.memory_space<hbm>> -> memref<1x1x5120xi32, #tpu.memory_space<hbm>>
        %dma_start3A_218 = tpu.memref_squeeze %dma_start3A_217 : memref<1x1x5120xi32, #tpu.memory_space<hbm>> -> memref<5120xi32, #tpu.memory_space<hbm>>
        %dma_start3A_219 = arith.constant 0 : i32
        %dma_start3A_220 = tpu.memref_slice %arg3[%arg1, %run_scoped3A_147, %dma_start3A_219] : memref<16x4x5120xi32, #tpu.memory_space<hbm>> -> memref<1x1x5120xi32, #tpu.memory_space<hbm>>
        %dma_start3A_221 = tpu.memref_squeeze %dma_start3A_220 : memref<1x1x5120xi32, #tpu.memory_space<hbm>> -> memref<5120xi32, #tpu.memory_space<hbm>>
        tpu.enqueue_dma source(%dma_start3A_221 : memref<5120xi32, #tpu.memory_space<hbm>>) target(%arg7 : memref<5120xi32, #tpu.memory_space<vmem>>) target_semaphore(%run_scoped3A_215 : memref<!tpu.dma_semaphore, #tpu.memory_space<semaphore_mem>>)
        %dma_wait3A_222 = arith.constant 0 : i32
        %dma_wait3A_223 = tpu.memref_slice %arg3[%arg1, %run_scoped3A_147, %dma_wait3A_222] : memref<16x4x5120xi32, #tpu.memory_space<hbm>> -> memref<1x1x5120xi32, #tpu.memory_space<hbm>>
        %dma_wait3A_224 = tpu.memref_squeeze %dma_wait3A_223 : memref<1x1x5120xi32, #tpu.memory_space<hbm>> -> memref<5120xi32, #tpu.memory_space<hbm>>
        %dma_wait3A_225 = arith.constant 0 : i32
        %dma_wait3A_226 = tpu.memref_slice %arg3[%arg1, %run_scoped3A_147, %dma_wait3A_225] : memref<16x4x5120xi32, #tpu.memory_space<hbm>> -> memref<1x1x5120xi32, #tpu.memory_space<hbm>>
        %dma_wait3A_227 = tpu.memref_squeeze %dma_wait3A_226 : memref<1x1x5120xi32, #tpu.memory_space<hbm>> -> memref<5120xi32, #tpu.memory_space<hbm>>
        tpu.wait_dma2 semaphore(%run_scoped3A_215 : memref<!tpu.dma_semaphore, #tpu.memory_space<semaphore_mem>>) src(%dma_wait3A_227 : memref<5120xi32, #tpu.memory_space<hbm>>) dst(%arg7 : memref<5120xi32, #tpu.memory_space<vmem>>)
        tpu.yield
      }) : () -> ()
      %run_scoped3A_148 = arith.constant 2 : i32
      "tpu.region"() ({
        %run_scoped3A_215 = tpu.sem_alloc : memref<!tpu.dma_semaphore, #tpu.memory_space<semaphore_mem>>
        %dma_start3A_216 = arith.constant 0 : i32
        %dma_start3A_217 = arith.constant 0 : i32
        %dma_start3A_218 = tpu.memref_slice %arg4[%arg1, %run_scoped3A_148, %dma_start3A_216, %dma_start3A_217] : memref<16x4x40x128xi32, #tpu.memory_space<hbm>> -> memref<1x1x40x128xi32, #tpu.memory_space<hbm>>
        %dma_start3A_219 = tpu.memref_squeeze %dma_start3A_218 : memref<1x1x40x128xi32, #tpu.memory_space<hbm>> -> memref<40x128xi32, #tpu.memory_space<hbm>>
        %dma_start3A_220 = arith.constant 0 : i32
        %dma_start3A_221 = arith.constant 0 : i32
        %dma_start3A_222 = tpu.memref_slice %arg4[%arg1, %run_scoped3A_148, %dma_start3A_220, %dma_start3A_221] : memref<16x4x40x128xi32, #tpu.memory_space<hbm>> -> memref<1x1x40x128xi32, #tpu.memory_space<hbm>>
        %dma_start3A_223 = tpu.memref_squeeze %dma_start3A_222 : memref<1x1x40x128xi32, #tpu.memory_space<hbm>> -> memref<40x128xi32, #tpu.memory_space<hbm>>
        tpu.enqueue_dma source(%dma_start3A_223 : memref<40x128xi32, #tpu.memory_space<hbm>>) target(%arg8 : memref<40x128xi32, #tpu.memory_space<vmem>>) target_semaphore(%run_scoped3A_215 : memref<!tpu.dma_semaphore, #tpu.memory_space<semaphore_mem>>)
        %dma_wait3A_224 = arith.constant 0 : i32
        %dma_wait3A_225 = arith.constant 0 : i32
        %dma_wait3A_226 = tpu.memref_slice %arg4[%arg1, %run_scoped3A_148, %dma_wait3A_224, %dma_wait3A_225] : memref<16x4x40x128xi32, #tpu.memory_space<hbm>> -> memref<1x1x40x128xi32, #tpu.memory_space<hbm>>
        %dma_wait3A_227 = tpu.memref_squeeze %dma_wait3A_226 : memref<1x1x40x128xi32, #tpu.memory_space<hbm>> -> memref<40x128xi32, #tpu.memory_space<hbm>>
        %dma_wait3A_228 = arith.constant 0 : i32
        %dma_wait3A_229 = arith.constant 0 : i32
        %dma_wait3A_230 = tpu.memref_slice %arg4[%arg1, %run_scoped3A_148, %dma_wait3A_228, %dma_wait3A_229] : memref<16x4x40x128xi32, #tpu.memory_space<hbm>> -> memref<1x1x40x128xi32, #tpu.memory_space<hbm>>
        %dma_wait3A_231 = tpu.memref_squeeze %dma_wait3A_230 : memref<1x1x40x128xi32, #tpu.memory_space<hbm>> -> memref<40x128xi32, #tpu.memory_space<hbm>>
        tpu.wait_dma2 semaphore(%run_scoped3A_215 : memref<!tpu.dma_semaphore, #tpu.memory_space<semaphore_mem>>) src(%dma_wait3A_231 : memref<40x128xi32, #tpu.memory_space<hbm>>) dst(%arg8 : memref<40x128xi32, #tpu.memory_space<vmem>>)
        tpu.yield
      }) : () -> ()
      %dma_start3A_149 = arith.constant 0 : i32
      %dma_start3A_150 = tpu.memref_slice %arg7[%dma_start3A_149] : memref<5120xi32, #tpu.memory_space<vmem>> -> memref<128xi32, #tpu.memory_space<vmem>>
      %dma_start3A_151 = arith.constant 0 : i32
      %dma_start3A_152 = arith.constant 0 : i32
      %dma_start3A_153 = tpu.memref_slice %arg2[%dma_start3A_151, %dma_start3A_152] : memref<10112x128xf32, #tpu.memory_space<hbm>> -> memref<10112x128xf32, #tpu.memory_space<hbm>>
      tpu.enqueue_indirect_dma source(%dma_start3A_153 : memref<10112x128xf32, #tpu.memory_space<hbm>>) target(%arg9 : memref<128x128xf32, #tpu.memory_space<vmem>>) offsets(%dma_start3A_150 : memref<128xi32, #tpu.memory_space<vmem>>) semaphore(%arg12 : memref<!tpu.dma_semaphore, #tpu.memory_space<semaphore_mem>>)
      %dma_wait3A_154 = arith.constant 0 : i32
      %dma_wait3A_155 = tpu.memref_slice %arg7[%dma_wait3A_154] : memref<5120xi32, #tpu.memory_space<vmem>> -> memref<128xi32, #tpu.memory_space<vmem>>
      %dma_wait3A_156 = arith.constant 0 : i32
      %dma_wait3A_157 = arith.constant 0 : i32
      %dma_wait3A_158 = tpu.memref_slice %arg2[%dma_wait3A_156, %dma_wait3A_157] : memref<10112x128xf32, #tpu.memory_space<hbm>> -> memref<10112x128xf32, #tpu.memory_space<hbm>>
      tpu.wait_indirect_dma semaphore(%arg12 : memref<!tpu.dma_semaphore, #tpu.memory_space<semaphore_mem>>) src(%dma_wait3A_158 : memref<10112x128xf32, #tpu.memory_space<hbm>>) dst(%arg9 : memref<128x128xf32, #tpu.memory_space<vmem>>)
      %dma_start3A_159 = arith.constant 0 : i32
      %dma_start3A_160 = arith.constant 0 : i32
      %dma_start3A_161 = tpu.memref_slice %arg8[%dma_start3A_159, %dma_start3A_160] : memref<40x128xi32, #tpu.memory_space<vmem>> -> memref<1x128xi32, #tpu.memory_space<vmem>>
      %dma_start3A_162 = tpu.memref_squeeze %dma_start3A_161 : memref<1x128xi32, #tpu.memory_space<vmem>> -> memref<128xi32, #tpu.memory_space<vmem>>
      %dma_start3A_163 = arith.constant 0 : i32
      %dma_start3A_164 = arith.constant 0 : i32
      %dma_start3A_165 = tpu.memref_slice %arg11[%dma_start3A_163, %dma_start3A_164] : memref<10112x128xf32, #tpu.memory_space<vmem_shared>> -> memref<10112x128xf32, #tpu.memory_space<vmem_shared>>
      tpu.enqueue_indirect_dma source(%arg9 : memref<128x128xf32, #tpu.memory_space<vmem>>) target(%dma_start3A_165 : memref<10112x128xf32, #tpu.memory_space<vmem_shared>>) offsets(%dma_start3A_162 : memref<128xi32, #tpu.memory_space<vmem>>) semaphore(%arg14 : memref<!tpu.dma_semaphore, #tpu.memory_space<semaphore_mem>>) {add = true}
      %dma_start3A_166 = arith.constant 128 : i32
      %dma_start3A_167 = tpu.memref_slice %arg7[%dma_start3A_166] : memref<5120xi32, #tpu.memory_space<vmem>> -> memref<128xi32, #tpu.memory_space<vmem>>
      %dma_start3A_168 = arith.constant 0 : i32
      %dma_start3A_169 = arith.constant 0 : i32
      %dma_start3A_170 = tpu.memref_slice %arg2[%dma_start3A_168, %dma_start3A_169] : memref<10112x128xf32, #tpu.memory_space<hbm>> -> memref<10112x128xf32, #tpu.memory_space<hbm>>
      tpu.enqueue_indirect_dma source(%dma_start3A_170 : memref<10112x128xf32, #tpu.memory_space<hbm>>) target(%arg10 : memref<128x128xf32, #tpu.memory_space<vmem>>) offsets(%dma_start3A_167 : memref<128xi32, #tpu.memory_space<vmem>>) semaphore(%arg13 : memref<!tpu.dma_semaphore, #tpu.memory_space<semaphore_mem>>)
      %dma_wait3A_171 = arith.constant 128 : i32
      %dma_wait3A_172 = tpu.memref_slice %arg7[%dma_wait3A_171] : memref<5120xi32, #tpu.memory_space<vmem>> -> memref<128xi32, #tpu.memory_space<vmem>>
      %dma_wait3A_173 = arith.constant 0 : i32
      %dma_wait3A_174 = arith.constant 0 : i32
      %dma_wait3A_175 = tpu.memref_slice %arg2[%dma_wait3A_173, %dma_wait3A_174] : memref<10112x128xf32, #tpu.memory_space<hbm>> -> memref<10112x128xf32, #tpu.memory_space<hbm>>
      tpu.wait_indirect_dma semaphore(%arg13 : memref<!tpu.dma_semaphore, #tpu.memory_space<semaphore_mem>>) src(%dma_wait3A_175 : memref<10112x128xf32, #tpu.memory_space<hbm>>) dst(%arg10 : memref<128x128xf32, #tpu.memory_space<vmem>>)
      %dma_start3A_176 = arith.constant 1 : i32
      %dma_start3A_177 = arith.constant 0 : i32
      %dma_start3A_178 = tpu.memref_slice %arg8[%dma_start3A_176, %dma_start3A_177] : memref<40x128xi32, #tpu.memory_space<vmem>> -> memref<1x128xi32, #tpu.memory_space<vmem>>
      %dma_start3A_179 = tpu.memref_squeeze %dma_start3A_178 : memref<1x128xi32, #tpu.memory_space<vmem>> -> memref<128xi32, #tpu.memory_space<vmem>>
      %dma_start3A_180 = arith.constant 0 : i32
      %dma_start3A_181 = arith.constant 0 : i32
      %dma_start3A_182 = tpu.memref_slice %arg11[%dma_start3A_180, %dma_start3A_181] : memref<10112x128xf32, #tpu.memory_space<vmem_shared>> -> memref<10112x128xf32, #tpu.memory_space<vmem_shared>>
      tpu.enqueue_indirect_dma source(%arg10 : memref<128x128xf32, #tpu.memory_space<vmem>>) target(%dma_start3A_182 : memref<10112x128xf32, #tpu.memory_space<vmem_shared>>) offsets(%dma_start3A_179 : memref<128xi32, #tpu.memory_space<vmem>>) semaphore(%arg15 : memref<!tpu.dma_semaphore, #tpu.memory_space<semaphore_mem>>) {add = true}
      %dma_wait3A_183 = arith.constant 0 : i32
      %dma_wait3A_184 = arith.constant 0 : i32
      %dma_wait3A_185 = tpu.memref_slice %arg8[%dma_wait3A_183, %dma_wait3A_184] : memref<40x128xi32, #tpu.memory_space<vmem>> -> memref<1x128xi32, #tpu.memory_space<vmem>>
      %dma_wait3A_186 = tpu.memref_squeeze %dma_wait3A_185 : memref<1x128xi32, #tpu.memory_space<vmem>> -> memref<128xi32, #tpu.memory_space<vmem>>
      %dma_wait3A_187 = arith.constant 0 : i32
      %dma_wait3A_188 = arith.constant 0 : i32
      %dma_wait3A_189 = tpu.memref_slice %arg11[%dma_wait3A_187, %dma_wait3A_188] : memref<10112x128xf32, #tpu.memory_space<vmem_shared>> -> memref<10112x128xf32, #tpu.memory_space<vmem_shared>>
      tpu.wait_indirect_dma semaphore(%arg14 : memref<!tpu.dma_semaphore, #tpu.memory_space<semaphore_mem>>) src(%arg9 : memref<128x128xf32, #tpu.memory_space<vmem>>) dst(%dma_wait3A_189 : memref<10112x128xf32, #tpu.memory_space<vmem_shared>>)
      %dma_start3A_190 = arith.constant 256 : i32
      %dma_start3A_191 = tpu.memref_slice %arg7[%dma_start3A_190] : memref<5120xi32, #tpu.memory_space<vmem>> -> memref<128xi32, #tpu.memory_space<vmem>>
      %dma_start3A_192 = arith.constant 0 : i32
      %dma_start3A_193 = arith.constant 0 : i32
      %dma_start3A_194 = tpu.memref_slice %arg2[%dma_start3A_192, %dma_start3A_193] : memref<10112x128xf32, #tpu.memory_space<hbm>> -> memref<10112x128xf32, #tpu.memory_space<hbm>>
      tpu.enqueue_indirect_dma source(%dma_start3A_194 : memref<10112x128xf32, #tpu.memory_space<hbm>>) target(%arg9 : memref<128x128xf32, #tpu.memory_space<vmem>>) offsets(%dma_start3A_191 : memref<128xi32, #tpu.memory_space<vmem>>) semaphore(%arg12 : memref<!tpu.dma_semaphore, #tpu.memory_space<semaphore_mem>>)
      %scan3A_195 = arith.constant 0 : i32
      %scan3A_196 = arith.constant 1 : i32
      %scan3A_197 = arith.constant 19 : i32
      %scan3A_198 = arith.addi %scan3A_196, %scan3A_197 : i32
      %scan3A_199 = arith.constant 1 : i32
      scf.for %scan3A_215 = %scan3A_196 to %scan3A_198 step %scan3A_199  : i32 {
        %mul3A_216 = arith.constant 2 : i32
        %mul3A_217 = arith.muli %scan3A_215, %mul3A_216 : i32
        %add3A = arith.constant 0 : i32
        %add3A_218 = arith.addi %mul3A_217, %add3A : i32
        %mul3A_219 = arith.constant 128 : i32
        %mul3A_220 = arith.muli %add3A_218, %mul3A_219 : i32
        %dma_wait3A_221 = tpu.memref_slice %arg7[%mul3A_220] : memref<5120xi32, #tpu.memory_space<vmem>> -> memref<128xi32, #tpu.memory_space<vmem>>
        %dma_wait3A_222 = arith.constant 0 : i32
        %dma_wait3A_223 = arith.constant 0 : i32
        %dma_wait3A_224 = tpu.memref_slice %arg2[%dma_wait3A_222, %dma_wait3A_223] : memref<10112x128xf32, #tpu.memory_space<hbm>> -> memref<10112x128xf32, #tpu.memory_space<hbm>>
        tpu.wait_indirect_dma semaphore(%arg12 : memref<!tpu.dma_semaphore, #tpu.memory_space<semaphore_mem>>) src(%dma_wait3A_224 : memref<10112x128xf32, #tpu.memory_space<hbm>>) dst(%arg9 : memref<128x128xf32, #tpu.memory_space<vmem>>)
        %dma_start3A_225 = arith.constant 0 : i32
        %dma_start3A_226 = tpu.memref_slice %arg8[%add3A_218, %dma_start3A_225] : memref<40x128xi32, #tpu.memory_space<vmem>> -> memref<1x128xi32, #tpu.memory_space<vmem>>
        %dma_start3A_227 = tpu.memref_squeeze %dma_start3A_226 : memref<1x128xi32, #tpu.memory_space<vmem>> -> memref<128xi32, #tpu.memory_space<vmem>>
        %dma_start3A_228 = arith.constant 0 : i32
        %dma_start3A_229 = arith.constant 0 : i32
        %dma_start3A_230 = tpu.memref_slice %arg11[%dma_start3A_228, %dma_start3A_229] : memref<10112x128xf32, #tpu.memory_space<vmem_shared>> -> memref<10112x128xf32, #tpu.memory_space<vmem_shared>>
        tpu.enqueue_indirect_dma source(%arg9 : memref<128x128xf32, #tpu.memory_space<vmem>>) target(%dma_start3A_230 : memref<10112x128xf32, #tpu.memory_space<vmem_shared>>) offsets(%dma_start3A_227 : memref<128xi32, #tpu.memory_space<vmem>>) semaphore(%arg14 : memref<!tpu.dma_semaphore, #tpu.memory_space<semaphore_mem>>) {add = true}
        %add3A_231 = arith.constant 1 : i32
        %add3A_232 = arith.addi %add3A_218, %add3A_231 : i32
        %lt3A = arith.constant 40 : i32
        %lt3A_233 = arith.cmpi slt, %add3A_232, %lt3A : i32
        %convert_element_type3A_234 = arith.extui %lt3A_233 : i1 to i32
        %cond3A_235 = arith.constant 0 : i32
        %cond3A_236 = arith.cmpi ne, %convert_element_type3A_234, %cond3A_235 : i32
        scf.if %cond3A_236 {
          %sub3A = arith.constant 1 : i32
          %sub3A_260 = arith.subi %add3A_218, %sub3A : i32
          %dma_wait3A_261 = arith.constant 0 : i32
          %dma_wait3A_262 = tpu.memref_slice %arg8[%sub3A_260, %dma_wait3A_261] : memref<40x128xi32, #tpu.memory_space<vmem>> -> memref<1x128xi32, #tpu.memory_space<vmem>>
          %dma_wait3A_263 = tpu.memref_squeeze %dma_wait3A_262 : memref<1x128xi32, #tpu.memory_space<vmem>> -> memref<128xi32, #tpu.memory_space<vmem>>
          %dma_wait3A_264 = arith.constant 0 : i32
          %dma_wait3A_265 = arith.constant 0 : i32
          %dma_wait3A_266 = tpu.memref_slice %arg11[%dma_wait3A_264, %dma_wait3A_265] : memref<10112x128xf32, #tpu.memory_space<vmem_shared>> -> memref<10112x128xf32, #tpu.memory_space<vmem_shared>>
          tpu.wait_indirect_dma semaphore(%arg15 : memref<!tpu.dma_semaphore, #tpu.memory_space<semaphore_mem>>) src(%arg10 : memref<128x128xf32, #tpu.memory_space<vmem>>) dst(%dma_wait3A_266 : memref<10112x128xf32, #tpu.memory_space<vmem_shared>>)
          %add3A_267 = arith.constant 1 : i32
          %add3A_268 = arith.addi %add3A_218, %add3A_267 : i32
          %mul3A_269 = arith.constant 128 : i32
          %mul3A_270 = arith.muli %add3A_268, %mul3A_269 : i32
          %dma_start3A_271 = tpu.memref_slice %arg7[%mul3A_270] : memref<5120xi32, #tpu.memory_space<vmem>> -> memref<128xi32, #tpu.memory_space<vmem>>
          %dma_start3A_272 = arith.constant 0 : i32
          %dma_start3A_273 = arith.constant 0 : i32
          %dma_start3A_274 = tpu.memref_slice %arg2[%dma_start3A_272, %dma_start3A_273] : memref<10112x128xf32, #tpu.memory_space<hbm>> -> memref<10112x128xf32, #tpu.memory_space<hbm>>
          tpu.enqueue_indirect_dma source(%dma_start3A_274 : memref<10112x128xf32, #tpu.memory_space<hbm>>) target(%arg10 : memref<128x128xf32, #tpu.memory_space<vmem>>) offsets(%dma_start3A_271 : memref<128xi32, #tpu.memory_space<vmem>>) semaphore(%arg13 : memref<!tpu.dma_semaphore, #tpu.memory_space<semaphore_mem>>)
        } else {
        }
        %mul3A_237 = arith.constant 2 : i32
        %mul3A_238 = arith.muli %scan3A_215, %mul3A_237 : i32
        %add3A_239 = arith.constant 1 : i32
        %add3A_240 = arith.addi %mul3A_238, %add3A_239 : i32
        %mul3A_241 = arith.constant 128 : i32
        %mul3A_242 = arith.muli %add3A_240, %mul3A_241 : i32
        %dma_wait3A_243 = tpu.memref_slice %arg7[%mul3A_242] : memref<5120xi32, #tpu.memory_space<vmem>> -> memref<128xi32, #tpu.memory_space<vmem>>
        %dma_wait3A_244 = arith.constant 0 : i32
        %dma_wait3A_245 = arith.constant 0 : i32
        %dma_wait3A_246 = tpu.memref_slice %arg2[%dma_wait3A_244, %dma_wait3A_245] : memref<10112x128xf32, #tpu.memory_space<hbm>> -> memref<10112x128xf32, #tpu.memory_space<hbm>>
        tpu.wait_indirect_dma semaphore(%arg13 : memref<!tpu.dma_semaphore, #tpu.memory_space<semaphore_mem>>) src(%dma_wait3A_246 : memref<10112x128xf32, #tpu.memory_space<hbm>>) dst(%arg10 : memref<128x128xf32, #tpu.memory_space<vmem>>)
        %dma_start3A_247 = arith.constant 0 : i32
        %dma_start3A_248 = tpu.memref_slice %arg8[%add3A_240, %dma_start3A_247] : memref<40x128xi32, #tpu.memory_space<vmem>> -> memref<1x128xi32, #tpu.memory_space<vmem>>
        %dma_start3A_249 = tpu.memref_squeeze %dma_start3A_248 : memref<1x128xi32, #tpu.memory_space<vmem>> -> memref<128xi32, #tpu.memory_space<vmem>>
        %dma_start3A_250 = arith.constant 0 : i32
        %dma_start3A_251 = arith.constant 0 : i32
        %dma_start3A_252 = tpu.memref_slice %arg11[%dma_start3A_250, %dma_start3A_251] : memref<10112x128xf32, #tpu.memory_space<vmem_shared>> -> memref<10112x128xf32, #tpu.memory_space<vmem_shared>>
        tpu.enqueue_indirect_dma source(%arg10 : memref<128x128xf32, #tpu.memory_space<vmem>>) target(%dma_start3A_252 : memref<10112x128xf32, #tpu.memory_space<vmem_shared>>) offsets(%dma_start3A_249 : memref<128xi32, #tpu.memory_space<vmem>>) semaphore(%arg15 : memref<!tpu.dma_semaphore, #tpu.memory_space<semaphore_mem>>) {add = true}
        %add3A_253 = arith.constant 1 : i32
        %add3A_254 = arith.addi %add3A_240, %add3A_253 : i32
        %lt3A_255 = arith.constant 40 : i32
        %lt3A_256 = arith.cmpi slt, %add3A_254, %lt3A_255 : i32
        %convert_element_type3A_257 = arith.extui %lt3A_256 : i1 to i32
        %cond3A_258 = arith.constant 0 : i32
        %cond3A_259 = arith.cmpi ne, %convert_element_type3A_257, %cond3A_258 : i32
        scf.if %cond3A_259 {
          %sub3A = arith.constant 1 : i32
          %sub3A_260 = arith.subi %add3A_240, %sub3A : i32
          %dma_wait3A_261 = arith.constant 0 : i32
          %dma_wait3A_262 = tpu.memref_slice %arg8[%sub3A_260, %dma_wait3A_261] : memref<40x128xi32, #tpu.memory_space<vmem>> -> memref<1x128xi32, #tpu.memory_space<vmem>>
          %dma_wait3A_263 = tpu.memref_squeeze %dma_wait3A_262 : memref<1x128xi32, #tpu.memory_space<vmem>> -> memref<128xi32, #tpu.memory_space<vmem>>
          %dma_wait3A_264 = arith.constant 0 : i32
          %dma_wait3A_265 = arith.constant 0 : i32
          %dma_wait3A_266 = tpu.memref_slice %arg11[%dma_wait3A_264, %dma_wait3A_265] : memref<10112x128xf32, #tpu.memory_space<vmem_shared>> -> memref<10112x128xf32, #tpu.memory_space<vmem_shared>>
          tpu.wait_indirect_dma semaphore(%arg14 : memref<!tpu.dma_semaphore, #tpu.memory_space<semaphore_mem>>) src(%arg9 : memref<128x128xf32, #tpu.memory_space<vmem>>) dst(%dma_wait3A_266 : memref<10112x128xf32, #tpu.memory_space<vmem_shared>>)
          %add3A_267 = arith.constant 1 : i32
          %add3A_268 = arith.addi %add3A_240, %add3A_267 : i32
          %mul3A_269 = arith.constant 128 : i32
          %mul3A_270 = arith.muli %add3A_268, %mul3A_269 : i32
          %dma_start3A_271 = tpu.memref_slice %arg7[%mul3A_270] : memref<5120xi32, #tpu.memory_space<vmem>> -> memref<128xi32, #tpu.memory_space<vmem>>
          %dma_start3A_272 = arith.constant 0 : i32
          %dma_start3A_273 = arith.constant 0 : i32
          %dma_start3A_274 = tpu.memref_slice %arg2[%dma_start3A_272, %dma_start3A_273] : memref<10112x128xf32, #tpu.memory_space<hbm>> -> memref<10112x128xf32, #tpu.memory_space<hbm>>
          tpu.enqueue_indirect_dma source(%dma_start3A_274 : memref<10112x128xf32, #tpu.memory_space<hbm>>) target(%arg9 : memref<128x128xf32, #tpu.memory_space<vmem>>) offsets(%dma_start3A_271 : memref<128xi32, #tpu.memory_space<vmem>>) semaphore(%arg12 : memref<!tpu.dma_semaphore, #tpu.memory_space<semaphore_mem>>)
        } else {
        }
      }
      %scan3A_200 = arith.constant 19 : i32
      %dma_wait3A_201 = arith.constant 38 : i32
      %dma_wait3A_202 = arith.constant 0 : i32
      %dma_wait3A_203 = tpu.memref_slice %arg8[%dma_wait3A_201, %dma_wait3A_202] : memref<40x128xi32, #tpu.memory_space<vmem>> -> memref<1x128xi32, #tpu.memory_space<vmem>>
      %dma_wait3A_204 = tpu.memref_squeeze %dma_wait3A_203 : memref<1x128xi32, #tpu.memory_space<vmem>> -> memref<128xi32, #tpu.memory_space<vmem>>
      %dma_wait3A_205 = arith.constant 0 : i32
      %dma_wait3A_206 = arith.constant 0 : i32
      %dma_wait3A_207 = tpu.memref_slice %arg11[%dma_wait3A_205, %dma_wait3A_206] : memref<10112x128xf32, #tpu.memory_space<vmem_shared>> -> memref<10112x128xf32, #tpu.memory_space<vmem_shared>>
      tpu.wait_indirect_dma semaphore(%arg14 : memref<!tpu.dma_semaphore, #tpu.memory_space<semaphore_mem>>) src(%arg9 : memref<128x128xf32, #tpu.memory_space<vmem>>) dst(%dma_wait3A_207 : memref<10112x128xf32, #tpu.memory_space<vmem_shared>>)
      %dma_wait3A_208 = arith.constant 39 : i32
      %dma_wait3A_209 = arith.constant 0 : i32
      %dma_wait3A_210 = tpu.memref_slice %arg8[%dma_wait3A_208, %dma_wait3A_209] : memref<40x128xi32, #tpu.memory_space<vmem>> -> memref<1x128xi32, #tpu.memory_space<vmem>>
      %dma_wait3A_211 = tpu.memref_squeeze %dma_wait3A_210 : memref<1x128xi32, #tpu.memory_space<vmem>> -> memref<128xi32, #tpu.memory_space<vmem>>
      %dma_wait3A_212 = arith.constant 0 : i32
      %dma_wait3A_213 = arith.constant 0 : i32
      %dma_wait3A_214 = tpu.memref_slice %arg11[%dma_wait3A_212, %dma_wait3A_213] : memref<10112x128xf32, #tpu.memory_space<vmem_shared>> -> memref<10112x128xf32, #tpu.memory_space<vmem_shared>>
      tpu.wait_indirect_dma semaphore(%arg15 : memref<!tpu.dma_semaphore, #tpu.memory_space<semaphore_mem>>) src(%arg10 : memref<128x128xf32, #tpu.memory_space<vmem>>) dst(%dma_wait3A_214 : memref<10112x128xf32, #tpu.memory_space<vmem_shared>>)
    } else {
    }
    %eq3A_5 = arith.constant 1 : i32
    %eq3A_6 = arith.cmpi eq, %arg0, %eq3A_5 : i32
    %convert_element_type3A_7 = arith.extui %eq3A_6 : i1 to i32
    %cond3A_8 = arith.constant 0 : i32
    %cond3A_9 = arith.cmpi ne, %convert_element_type3A_7, %cond3A_8 : i32
    scf.if %cond3A_9 {
      %run_scoped3A = arith.constant 3 : i32
      "tpu.region"() ({
        %run_scoped3A_79 = tpu.sem_alloc : memref<!tpu.dma_semaphore, #tpu.memory_space<semaphore_mem>>
        %dma_start3A_80 = arith.constant 0 : i32
        %dma_start3A_81 = tpu.memref_slice %arg3[%arg1, %run_scoped3A, %dma_start3A_80] : memref<16x4x5120xi32, #tpu.memory_space<hbm>> -> memref<1x1x5120xi32, #tpu.memory_space<hbm>>
        %dma_start3A_82 = tpu.memref_squeeze %dma_start3A_81 : memref<1x1x5120xi32, #tpu.memory_space<hbm>> -> memref<5120xi32, #tpu.memory_space<hbm>>
        %dma_start3A_83 = arith.constant 0 : i32
        %dma_start3A_84 = tpu.memref_slice %arg3[%arg1, %run_scoped3A, %dma_start3A_83] : memref<16x4x5120xi32, #tpu.memory_space<hbm>> -> memref<1x1x5120xi32, #tpu.memory_space<hbm>>
        %dma_start3A_85 = tpu.memref_squeeze %dma_start3A_84 : memref<1x1x5120xi32, #tpu.memory_space<hbm>> -> memref<5120xi32, #tpu.memory_space<hbm>>
        tpu.enqueue_dma source(%dma_start3A_85 : memref<5120xi32, #tpu.memory_space<hbm>>) target(%arg7 : memref<5120xi32, #tpu.memory_space<vmem>>) target_semaphore(%run_scoped3A_79 : memref<!tpu.dma_semaphore, #tpu.memory_space<semaphore_mem>>)
        %dma_wait3A_86 = arith.constant 0 : i32
        %dma_wait3A_87 = tpu.memref_slice %arg3[%arg1, %run_scoped3A, %dma_wait3A_86] : memref<16x4x5120xi32, #tpu.memory_space<hbm>> -> memref<1x1x5120xi32, #tpu.memory_space<hbm>>
        %dma_wait3A_88 = tpu.memref_squeeze %dma_wait3A_87 : memref<1x1x5120xi32, #tpu.memory_space<hbm>> -> memref<5120xi32, #tpu.memory_space<hbm>>
        %dma_wait3A_89 = arith.constant 0 : i32
        %dma_wait3A_90 = tpu.memref_slice %arg3[%arg1, %run_scoped3A, %dma_wait3A_89] : memref<16x4x5120xi32, #tpu.memory_space<hbm>> -> memref<1x1x5120xi32, #tpu.memory_space<hbm>>
        %dma_wait3A_91 = tpu.memref_squeeze %dma_wait3A_90 : memref<1x1x5120xi32, #tpu.memory_space<hbm>> -> memref<5120xi32, #tpu.memory_space<hbm>>
        tpu.wait_dma2 semaphore(%run_scoped3A_79 : memref<!tpu.dma_semaphore, #tpu.memory_space<semaphore_mem>>) src(%dma_wait3A_91 : memref<5120xi32, #tpu.memory_space<hbm>>) dst(%arg7 : memref<5120xi32, #tpu.memory_space<vmem>>)
        tpu.yield
      }) : () -> ()
      %run_scoped3A_15 = arith.constant 3 : i32
      "tpu.region"() ({
        %run_scoped3A_79 = tpu.sem_alloc : memref<!tpu.dma_semaphore, #tpu.memory_space<semaphore_mem>>
        %dma_start3A_80 = arith.constant 0 : i32
        %dma_start3A_81 = arith.constant 0 : i32
        %dma_start3A_82 = tpu.memref_slice %arg4[%arg1, %run_scoped3A_15, %dma_start3A_80, %dma_start3A_81] : memref<16x4x40x128xi32, #tpu.memory_space<hbm>> -> memref<1x1x40x128xi32, #tpu.memory_space<hbm>>
        %dma_start3A_83 = tpu.memref_squeeze %dma_start3A_82 : memref<1x1x40x128xi32, #tpu.memory_space<hbm>> -> memref<40x128xi32, #tpu.memory_space<hbm>>
        %dma_start3A_84 = arith.constant 0 : i32
        %dma_start3A_85 = arith.constant 0 : i32
        %dma_start3A_86 = tpu.memref_slice %arg4[%arg1, %run_scoped3A_15, %dma_start3A_84, %dma_start3A_85] : memref<16x4x40x128xi32, #tpu.memory_space<hbm>> -> memref<1x1x40x128xi32, #tpu.memory_space<hbm>>
        %dma_start3A_87 = tpu.memref_squeeze %dma_start3A_86 : memref<1x1x40x128xi32, #tpu.memory_space<hbm>> -> memref<40x128xi32, #tpu.memory_space<hbm>>
        tpu.enqueue_dma source(%dma_start3A_87 : memref<40x128xi32, #tpu.memory_space<hbm>>) target(%arg8 : memref<40x128xi32, #tpu.memory_space<vmem>>) target_semaphore(%run_scoped3A_79 : memref<!tpu.dma_semaphore, #tpu.memory_space<semaphore_mem>>)
        %dma_wait3A_88 = arith.constant 0 : i32
        %dma_wait3A_89 = arith.constant 0 : i32
        %dma_wait3A_90 = tpu.memref_slice %arg4[%arg1, %run_scoped3A_15, %dma_wait3A_88, %dma_wait3A_89] : memref<16x4x40x128xi32, #tpu.memory_space<hbm>> -> memref<1x1x40x128xi32, #tpu.memory_space<hbm>>
        %dma_wait3A_91 = tpu.memref_squeeze %dma_wait3A_90 : memref<1x1x40x128xi32, #tpu.memory_space<hbm>> -> memref<40x128xi32, #tpu.memory_space<hbm>>
        %dma_wait3A_92 = arith.constant 0 : i32
        %dma_wait3A_93 = arith.constant 0 : i32
        %dma_wait3A_94 = tpu.memref_slice %arg4[%arg1, %run_scoped3A_15, %dma_wait3A_92, %dma_wait3A_93] : memref<16x4x40x128xi32, #tpu.memory_space<hbm>> -> memref<1x1x40x128xi32, #tpu.memory_space<hbm>>
        %dma_wait3A_95 = tpu.memref_squeeze %dma_wait3A_94 : memref<1x1x40x128xi32, #tpu.memory_space<hbm>> -> memref<40x128xi32, #tpu.memory_space<hbm>>
        tpu.wait_dma2 semaphore(%run_scoped3A_79 : memref<!tpu.dma_semaphore, #tpu.memory_space<semaphore_mem>>) src(%dma_wait3A_95 : memref<40x128xi32, #tpu.memory_space<hbm>>) dst(%arg8 : memref<40x128xi32, #tpu.memory_space<vmem>>)
        tpu.yield
      }) : () -> ()
      %dma_start3A = arith.constant 0 : i32
      %dma_start3A_16 = tpu.memref_slice %arg7[%dma_start3A] : memref<5120xi32, #tpu.memory_space<vmem>> -> memref<128xi32, #tpu.memory_space<vmem>>
      %dma_start3A_17 = arith.constant 0 : i32
      %dma_start3A_18 = arith.constant 0 : i32
      %dma_start3A_19 = tpu.memref_slice %arg2[%dma_start3A_17, %dma_start3A_18] : memref<10112x128xf32, #tpu.memory_space<hbm>> -> memref<10112x128xf32, #tpu.memory_space<hbm>>
      tpu.enqueue_indirect_dma source(%dma_start3A_19 : memref<10112x128xf32, #tpu.memory_space<hbm>>) target(%arg9 : memref<128x128xf32, #tpu.memory_space<vmem>>) offsets(%dma_start3A_16 : memref<128xi32, #tpu.memory_space<vmem>>) semaphore(%arg12 : memref<!tpu.dma_semaphore, #tpu.memory_space<semaphore_mem>>)
      %dma_wait3A = arith.constant 0 : i32
      %dma_wait3A_20 = tpu.memref_slice %arg7[%dma_wait3A] : memref<5120xi32, #tpu.memory_space<vmem>> -> memref<128xi32, #tpu.memory_space<vmem>>
      %dma_wait3A_21 = arith.constant 0 : i32
      %dma_wait3A_22 = arith.constant 0 : i32
      %dma_wait3A_23 = tpu.memref_slice %arg2[%dma_wait3A_21, %dma_wait3A_22] : memref<10112x128xf32, #tpu.memory_space<hbm>> -> memref<10112x128xf32, #tpu.memory_space<hbm>>
      tpu.wait_indirect_dma semaphore(%arg12 : memref<!tpu.dma_semaphore, #tpu.memory_space<semaphore_mem>>) src(%dma_wait3A_23 : memref<10112x128xf32, #tpu.memory_space<hbm>>) dst(%arg9 : memref<128x128xf32, #tpu.memory_space<vmem>>)
      %dma_start3A_24 = arith.constant 0 : i32
      %dma_start3A_25 = arith.constant 0 : i32
      %dma_start3A_26 = tpu.memref_slice %arg8[%dma_start3A_24, %dma_start3A_25] : memref<40x128xi32, #tpu.memory_space<vmem>> -> memref<1x128xi32, #tpu.memory_space<vmem>>
      %dma_start3A_27 = tpu.memref_squeeze %dma_start3A_26 : memref<1x128xi32, #tpu.memory_space<vmem>> -> memref<128xi32, #tpu.memory_space<vmem>>
      %dma_start3A_28 = arith.constant 0 : i32
      %dma_start3A_29 = arith.constant 0 : i32
      %dma_start3A_30 = tpu.memref_slice %arg11[%dma_start3A_28, %dma_start3A_29] : memref<10112x128xf32, #tpu.memory_space<vmem_shared>> -> memref<10112x128xf32, #tpu.memory_space<vmem_shared>>
      tpu.enqueue_indirect_dma source(%arg9 : memref<128x128xf32, #tpu.memory_space<vmem>>) target(%dma_start3A_30 : memref<10112x128xf32, #tpu.memory_space<vmem_shared>>) offsets(%dma_start3A_27 : memref<128xi32, #tpu.memory_space<vmem>>) semaphore(%arg14 : memref<!tpu.dma_semaphore, #tpu.memory_space<semaphore_mem>>) {add = true}
      %dma_start3A_31 = arith.constant 128 : i32
      %dma_start3A_32 = tpu.memref_slice %arg7[%dma_start3A_31] : memref<5120xi32, #tpu.memory_space<vmem>> -> memref<128xi32, #tpu.memory_space<vmem>>
      %dma_start3A_33 = arith.constant 0 : i32
      %dma_start3A_34 = arith.constant 0 : i32
      %dma_start3A_35 = tpu.memref_slice %arg2[%dma_start3A_33, %dma_start3A_34] : memref<10112x128xf32, #tpu.memory_space<hbm>> -> memref<10112x128xf32, #tpu.memory_space<hbm>>
      tpu.enqueue_indirect_dma source(%dma_start3A_35 : memref<10112x128xf32, #tpu.memory_space<hbm>>) target(%arg10 : memref<128x128xf32, #tpu.memory_space<vmem>>) offsets(%dma_start3A_32 : memref<128xi32, #tpu.memory_space<vmem>>) semaphore(%arg13 : memref<!tpu.dma_semaphore, #tpu.memory_space<semaphore_mem>>)
      %dma_wait3A_36 = arith.constant 128 : i32
      %dma_wait3A_37 = tpu.memref_slice %arg7[%dma_wait3A_36] : memref<5120xi32, #tpu.memory_space<vmem>> -> memref<128xi32, #tpu.memory_space<vmem>>
      %dma_wait3A_38 = arith.constant 0 : i32
      %dma_wait3A_39 = arith.constant 0 : i32
      %dma_wait3A_40 = tpu.memref_slice %arg2[%dma_wait3A_38, %dma_wait3A_39] : memref<10112x128xf32, #tpu.memory_space<hbm>> -> memref<10112x128xf32, #tpu.memory_space<hbm>>
      tpu.wait_indirect_dma semaphore(%arg13 : memref<!tpu.dma_semaphore, #tpu.memory_space<semaphore_mem>>) src(%dma_wait3A_40 : memref<10112x128xf32, #tpu.memory_space<hbm>>) dst(%arg10 : memref<128x128xf32, #tpu.memory_space<vmem>>)
      %dma_start3A_41 = arith.constant 1 : i32
      %dma_start3A_42 = arith.constant 0 : i32
      %dma_start3A_43 = tpu.memref_slice %arg8[%dma_start3A_41, %dma_start3A_42] : memref<40x128xi32, #tpu.memory_space<vmem>> -> memref<1x128xi32, #tpu.memory_space<vmem>>
      %dma_start3A_44 = tpu.memref_squeeze %dma_start3A_43 : memref<1x128xi32, #tpu.memory_space<vmem>> -> memref<128xi32, #tpu.memory_space<vmem>>
      %dma_start3A_45 = arith.constant 0 : i32
      %dma_start3A_46 = arith.constant 0 : i32
      %dma_start3A_47 = tpu.memref_slice %arg11[%dma_start3A_45, %dma_start3A_46] : memref<10112x128xf32, #tpu.memory_space<vmem_shared>> -> memref<10112x128xf32, #tpu.memory_space<vmem_shared>>
      tpu.enqueue_indirect_dma source(%arg10 : memref<128x128xf32, #tpu.memory_space<vmem>>) target(%dma_start3A_47 : memref<10112x128xf32, #tpu.memory_space<vmem_shared>>) offsets(%dma_start3A_44 : memref<128xi32, #tpu.memory_space<vmem>>) semaphore(%arg15 : memref<!tpu.dma_semaphore, #tpu.memory_space<semaphore_mem>>) {add = true}
      %dma_wait3A_48 = arith.constant 0 : i32
      %dma_wait3A_49 = arith.constant 0 : i32
      %dma_wait3A_50 = tpu.memref_slice %arg8[%dma_wait3A_48, %dma_wait3A_49] : memref<40x128xi32, #tpu.memory_space<vmem>> -> memref<1x128xi32, #tpu.memory_space<vmem>>
      %dma_wait3A_51 = tpu.memref_squeeze %dma_wait3A_50 : memref<1x128xi32, #tpu.memory_space<vmem>> -> memref<128xi32, #tpu.memory_space<vmem>>
      %dma_wait3A_52 = arith.constant 0 : i32
      %dma_wait3A_53 = arith.constant 0 : i32
      %dma_wait3A_54 = tpu.memref_slice %arg11[%dma_wait3A_52, %dma_wait3A_53] : memref<10112x128xf32, #tpu.memory_space<vmem_shared>> -> memref<10112x128xf32, #tpu.memory_space<vmem_shared>>
      tpu.wait_indirect_dma semaphore(%arg14 : memref<!tpu.dma_semaphore, #tpu.memory_space<semaphore_mem>>) src(%arg9 : memref<128x128xf32, #tpu.memory_space<vmem>>) dst(%dma_wait3A_54 : memref<10112x128xf32, #tpu.memory_space<vmem_shared>>)
      %dma_start3A_55 = arith.constant 256 : i32
      %dma_start3A_56 = tpu.memref_slice %arg7[%dma_start3A_55] : memref<5120xi32, #tpu.memory_space<vmem>> -> memref<128xi32, #tpu.memory_space<vmem>>
      %dma_start3A_57 = arith.constant 0 : i32
      %dma_start3A_58 = arith.constant 0 : i32
      %dma_start3A_59 = tpu.memref_slice %arg2[%dma_start3A_57, %dma_start3A_58] : memref<10112x128xf32, #tpu.memory_space<hbm>> -> memref<10112x128xf32, #tpu.memory_space<hbm>>
      tpu.enqueue_indirect_dma source(%dma_start3A_59 : memref<10112x128xf32, #tpu.memory_space<hbm>>) target(%arg9 : memref<128x128xf32, #tpu.memory_space<vmem>>) offsets(%dma_start3A_56 : memref<128xi32, #tpu.memory_space<vmem>>) semaphore(%arg12 : memref<!tpu.dma_semaphore, #tpu.memory_space<semaphore_mem>>)
      %scan3A = arith.constant 0 : i32
      %scan3A_60 = arith.constant 1 : i32
      %scan3A_61 = arith.constant 19 : i32
      %scan3A_62 = arith.addi %scan3A_60, %scan3A_61 : i32
      %scan3A_63 = arith.constant 1 : i32
      scf.for %scan3A_79 = %scan3A_60 to %scan3A_62 step %scan3A_63  : i32 {
        %mul3A_80 = arith.constant 2 : i32
        %mul3A_81 = arith.muli %scan3A_79, %mul3A_80 : i32
        %add3A = arith.constant 0 : i32
        %add3A_82 = arith.addi %mul3A_81, %add3A : i32
        %mul3A_83 = arith.constant 128 : i32
        %mul3A_84 = arith.muli %add3A_82, %mul3A_83 : i32
        %dma_wait3A_85 = tpu.memref_slice %arg7[%mul3A_84] : memref<5120xi32, #tpu.memory_space<vmem>> -> memref<128xi32, #tpu.memory_space<vmem>>
        %dma_wait3A_86 = arith.constant 0 : i32
        %dma_wait3A_87 = arith.constant 0 : i32
        %dma_wait3A_88 = tpu.memref_slice %arg2[%dma_wait3A_86, %dma_wait3A_87] : memref<10112x128xf32, #tpu.memory_space<hbm>> -> memref<10112x128xf32, #tpu.memory_space<hbm>>
        tpu.wait_indirect_dma semaphore(%arg12 : memref<!tpu.dma_semaphore, #tpu.memory_space<semaphore_mem>>) src(%dma_wait3A_88 : memref<10112x128xf32, #tpu.memory_space<hbm>>) dst(%arg9 : memref<128x128xf32, #tpu.memory_space<vmem>>)
        %dma_start3A_89 = arith.constant 0 : i32
        %dma_start3A_90 = tpu.memref_slice %arg8[%add3A_82, %dma_start3A_89] : memref<40x128xi32, #tpu.memory_space<vmem>> -> memref<1x128xi32, #tpu.memory_space<vmem>>
        %dma_start3A_91 = tpu.memref_squeeze %dma_start3A_90 : memref<1x128xi32, #tpu.memory_space<vmem>> -> memref<128xi32, #tpu.memory_space<vmem>>
        %dma_start3A_92 = arith.constant 0 : i32
        %dma_start3A_93 = arith.constant 0 : i32
        %dma_start3A_94 = tpu.memref_slice %arg11[%dma_start3A_92, %dma_start3A_93] : memref<10112x128xf32, #tpu.memory_space<vmem_shared>> -> memref<10112x128xf32, #tpu.memory_space<vmem_shared>>
        tpu.enqueue_indirect_dma source(%arg9 : memref<128x128xf32, #tpu.memory_space<vmem>>) target(%dma_start3A_94 : memref<10112x128xf32, #tpu.memory_space<vmem_shared>>) offsets(%dma_start3A_91 : memref<128xi32, #tpu.memory_space<vmem>>) semaphore(%arg14 : memref<!tpu.dma_semaphore, #tpu.memory_space<semaphore_mem>>) {add = true}
        %add3A_95 = arith.constant 1 : i32
        %add3A_96 = arith.addi %add3A_82, %add3A_95 : i32
        %lt3A = arith.constant 40 : i32
        %lt3A_97 = arith.cmpi slt, %add3A_96, %lt3A : i32
        %convert_element_type3A_98 = arith.extui %lt3A_97 : i1 to i32
        %cond3A_99 = arith.constant 0 : i32
        %cond3A_100 = arith.cmpi ne, %convert_element_type3A_98, %cond3A_99 : i32
        scf.if %cond3A_100 {
          %sub3A = arith.constant 1 : i32
          %sub3A_124 = arith.subi %add3A_82, %sub3A : i32
          %dma_wait3A_125 = arith.constant 0 : i32
          %dma_wait3A_126 = tpu.memref_slice %arg8[%sub3A_124, %dma_wait3A_125] : memref<40x128xi32, #tpu.memory_space<vmem>> -> memref<1x128xi32, #tpu.memory_space<vmem>>
          %dma_wait3A_127 = tpu.memref_squeeze %dma_wait3A_126 : memref<1x128xi32, #tpu.memory_space<vmem>> -> memref<128xi32, #tpu.memory_space<vmem>>
          %dma_wait3A_128 = arith.constant 0 : i32
          %dma_wait3A_129 = arith.constant 0 : i32
          %dma_wait3A_130 = tpu.memref_slice %arg11[%dma_wait3A_128, %dma_wait3A_129] : memref<10112x128xf32, #tpu.memory_space<vmem_shared>> -> memref<10112x128xf32, #tpu.memory_space<vmem_shared>>
          tpu.wait_indirect_dma semaphore(%arg15 : memref<!tpu.dma_semaphore, #tpu.memory_space<semaphore_mem>>) src(%arg10 : memref<128x128xf32, #tpu.memory_space<vmem>>) dst(%dma_wait3A_130 : memref<10112x128xf32, #tpu.memory_space<vmem_shared>>)
          %add3A_131 = arith.constant 1 : i32
          %add3A_132 = arith.addi %add3A_82, %add3A_131 : i32
          %mul3A_133 = arith.constant 128 : i32
          %mul3A_134 = arith.muli %add3A_132, %mul3A_133 : i32
          %dma_start3A_135 = tpu.memref_slice %arg7[%mul3A_134] : memref<5120xi32, #tpu.memory_space<vmem>> -> memref<128xi32, #tpu.memory_space<vmem>>
          %dma_start3A_136 = arith.constant 0 : i32
          %dma_start3A_137 = arith.constant 0 : i32
          %dma_start3A_138 = tpu.memref_slice %arg2[%dma_start3A_136, %dma_start3A_137] : memref<10112x128xf32, #tpu.memory_space<hbm>> -> memref<10112x128xf32, #tpu.memory_space<hbm>>
          tpu.enqueue_indirect_dma source(%dma_start3A_138 : memref<10112x128xf32, #tpu.memory_space<hbm>>) target(%arg10 : memref<128x128xf32, #tpu.memory_space<vmem>>) offsets(%dma_start3A_135 : memref<128xi32, #tpu.memory_space<vmem>>) semaphore(%arg13 : memref<!tpu.dma_semaphore, #tpu.memory_space<semaphore_mem>>)
        } else {
        }
        %mul3A_101 = arith.constant 2 : i32
        %mul3A_102 = arith.muli %scan3A_79, %mul3A_101 : i32
        %add3A_103 = arith.constant 1 : i32
        %add3A_104 = arith.addi %mul3A_102, %add3A_103 : i32
        %mul3A_105 = arith.constant 128 : i32
        %mul3A_106 = arith.muli %add3A_104, %mul3A_105 : i32
        %dma_wait3A_107 = tpu.memref_slice %arg7[%mul3A_106] : memref<5120xi32, #tpu.memory_space<vmem>> -> memref<128xi32, #tpu.memory_space<vmem>>
        %dma_wait3A_108 = arith.constant 0 : i32
        %dma_wait3A_109 = arith.constant 0 : i32
        %dma_wait3A_110 = tpu.memref_slice %arg2[%dma_wait3A_108, %dma_wait3A_109] : memref<10112x128xf32, #tpu.memory_space<hbm>> -> memref<10112x128xf32, #tpu.memory_space<hbm>>
        tpu.wait_indirect_dma semaphore(%arg13 : memref<!tpu.dma_semaphore, #tpu.memory_space<semaphore_mem>>) src(%dma_wait3A_110 : memref<10112x128xf32, #tpu.memory_space<hbm>>) dst(%arg10 : memref<128x128xf32, #tpu.memory_space<vmem>>)
        %dma_start3A_111 = arith.constant 0 : i32
        %dma_start3A_112 = tpu.memref_slice %arg8[%add3A_104, %dma_start3A_111] : memref<40x128xi32, #tpu.memory_space<vmem>> -> memref<1x128xi32, #tpu.memory_space<vmem>>
        %dma_start3A_113 = tpu.memref_squeeze %dma_start3A_112 : memref<1x128xi32, #tpu.memory_space<vmem>> -> memref<128xi32, #tpu.memory_space<vmem>>
        %dma_start3A_114 = arith.constant 0 : i32
        %dma_start3A_115 = arith.constant 0 : i32
        %dma_start3A_116 = tpu.memref_slice %arg11[%dma_start3A_114, %dma_start3A_115] : memref<10112x128xf32, #tpu.memory_space<vmem_shared>> -> memref<10112x128xf32, #tpu.memory_space<vmem_shared>>
        tpu.enqueue_indirect_dma source(%arg10 : memref<128x128xf32, #tpu.memory_space<vmem>>) target(%dma_start3A_116 : memref<10112x128xf32, #tpu.memory_space<vmem_shared>>) offsets(%dma_start3A_113 : memref<128xi32, #tpu.memory_space<vmem>>) semaphore(%arg15 : memref<!tpu.dma_semaphore, #tpu.memory_space<semaphore_mem>>) {add = true}
        %add3A_117 = arith.constant 1 : i32
        %add3A_118 = arith.addi %add3A_104, %add3A_117 : i32
        %lt3A_119 = arith.constant 40 : i32
        %lt3A_120 = arith.cmpi slt, %add3A_118, %lt3A_119 : i32
        %convert_element_type3A_121 = arith.extui %lt3A_120 : i1 to i32
        %cond3A_122 = arith.constant 0 : i32
        %cond3A_123 = arith.cmpi ne, %convert_element_type3A_121, %cond3A_122 : i32
        scf.if %cond3A_123 {
          %sub3A = arith.constant 1 : i32
          %sub3A_124 = arith.subi %add3A_104, %sub3A : i32
          %dma_wait3A_125 = arith.constant 0 : i32
          %dma_wait3A_126 = tpu.memref_slice %arg8[%sub3A_124, %dma_wait3A_125] : memref<40x128xi32, #tpu.memory_space<vmem>> -> memref<1x128xi32, #tpu.memory_space<vmem>>
          %dma_wait3A_127 = tpu.memref_squeeze %dma_wait3A_126 : memref<1x128xi32, #tpu.memory_space<vmem>> -> memref<128xi32, #tpu.memory_space<vmem>>
          %dma_wait3A_128 = arith.constant 0 : i32
          %dma_wait3A_129 = arith.constant 0 : i32
          %dma_wait3A_130 = tpu.memref_slice %arg11[%dma_wait3A_128, %dma_wait3A_129] : memref<10112x128xf32, #tpu.memory_space<vmem_shared>> -> memref<10112x128xf32, #tpu.memory_space<vmem_shared>>
          tpu.wait_indirect_dma semaphore(%arg14 : memref<!tpu.dma_semaphore, #tpu.memory_space<semaphore_mem>>) src(%arg9 : memref<128x128xf32, #tpu.memory_space<vmem>>) dst(%dma_wait3A_130 : memref<10112x128xf32, #tpu.memory_space<vmem_shared>>)
          %add3A_131 = arith.constant 1 : i32
          %add3A_132 = arith.addi %add3A_104, %add3A_131 : i32
          %mul3A_133 = arith.constant 128 : i32
          %mul3A_134 = arith.muli %add3A_132, %mul3A_133 : i32
          %dma_start3A_135 = tpu.memref_slice %arg7[%mul3A_134] : memref<5120xi32, #tpu.memory_space<vmem>> -> memref<128xi32, #tpu.memory_space<vmem>>
          %dma_start3A_136 = arith.constant 0 : i32
          %dma_start3A_137 = arith.constant 0 : i32
          %dma_start3A_138 = tpu.memref_slice %arg2[%dma_start3A_136, %dma_start3A_137] : memref<10112x128xf32, #tpu.memory_space<hbm>> -> memref<10112x128xf32, #tpu.memory_space<hbm>>
          tpu.enqueue_indirect_dma source(%dma_start3A_138 : memref<10112x128xf32, #tpu.memory_space<hbm>>) target(%arg9 : memref<128x128xf32, #tpu.memory_space<vmem>>) offsets(%dma_start3A_135 : memref<128xi32, #tpu.memory_space<vmem>>) semaphore(%arg12 : memref<!tpu.dma_semaphore, #tpu.memory_space<semaphore_mem>>)
        } else {
        }
      }
      %scan3A_64 = arith.constant 19 : i32
      %dma_wait3A_65 = arith.constant 38 : i32
      %dma_wait3A_66 = arith.constant 0 : i32
      %dma_wait3A_67 = tpu.memref_slice %arg8[%dma_wait3A_65, %dma_wait3A_66] : memref<40x128xi32, #tpu.memory_space<vmem>> -> memref<1x128xi32, #tpu.memory_space<vmem>>
      %dma_wait3A_68 = tpu.memref_squeeze %dma_wait3A_67 : memref<1x128xi32, #tpu.memory_space<vmem>> -> memref<128xi32, #tpu.memory_space<vmem>>
      %dma_wait3A_69 = arith.constant 0 : i32
      %dma_wait3A_70 = arith.constant 0 : i32
      %dma_wait3A_71 = tpu.memref_slice %arg11[%dma_wait3A_69, %dma_wait3A_70] : memref<10112x128xf32, #tpu.memory_space<vmem_shared>> -> memref<10112x128xf32, #tpu.memory_space<vmem_shared>>
      tpu.wait_indirect_dma semaphore(%arg14 : memref<!tpu.dma_semaphore, #tpu.memory_space<semaphore_mem>>) src(%arg9 : memref<128x128xf32, #tpu.memory_space<vmem>>) dst(%dma_wait3A_71 : memref<10112x128xf32, #tpu.memory_space<vmem_shared>>)
      %dma_wait3A_72 = arith.constant 39 : i32
      %dma_wait3A_73 = arith.constant 0 : i32
      %dma_wait3A_74 = tpu.memref_slice %arg8[%dma_wait3A_72, %dma_wait3A_73] : memref<40x128xi32, #tpu.memory_space<vmem>> -> memref<1x128xi32, #tpu.memory_space<vmem>>
      %dma_wait3A_75 = tpu.memref_squeeze %dma_wait3A_74 : memref<1x128xi32, #tpu.memory_space<vmem>> -> memref<128xi32, #tpu.memory_space<vmem>>
      %dma_wait3A_76 = arith.constant 0 : i32
      %dma_wait3A_77 = arith.constant 0 : i32
      %dma_wait3A_78 = tpu.memref_slice %arg11[%dma_wait3A_76, %dma_wait3A_77] : memref<10112x128xf32, #tpu.memory_space<vmem_shared>> -> memref<10112x128xf32, #tpu.memory_space<vmem_shared>>
      tpu.wait_indirect_dma semaphore(%arg15 : memref<!tpu.dma_semaphore, #tpu.memory_space<semaphore_mem>>) src(%arg10 : memref<128x128xf32, #tpu.memory_space<vmem>>) dst(%dma_wait3A_78 : memref<10112x128xf32, #tpu.memory_space<vmem_shared>>)
    } else {
    }
    %barrier3A_10 = arith.constant 0 : index
    tpu.barrier barrier_id(%barrier3A_10)
    %mul3A_11 = arith.constant 632 : i32
    %mul3A_12 = arith.muli %arg1, %mul3A_11 : i32
    %mul3A_13 = arith.constant 632 : i32
    %mul3A_14 = arith.muli %arg1, %mul3A_13 : i32
    "tpu.region"() ({
      %run_scoped3A = tpu.sem_alloc : memref<!tpu.dma_semaphore, #tpu.memory_space<semaphore_mem>>
      %dma_start3A = arith.constant 0 : i32
      %dma_start3A_15 = tpu.memref_slice %arg6[%arg0, %mul3A_14, %dma_start3A] : memref<2x10112x128xf32, #tpu.memory_space<hbm>> -> memref<1x632x128xf32, #tpu.memory_space<hbm>>
      %dma_start3A_16 = tpu.memref_squeeze %dma_start3A_15 : memref<1x632x128xf32, #tpu.memory_space<hbm>> -> memref<632x128xf32, #tpu.memory_space<hbm>>
      %dma_start3A_17 = arith.constant 0 : i32
      %dma_start3A_18 = tpu.memref_slice %arg11[%mul3A_12, %dma_start3A_17] : memref<10112x128xf32, #tpu.memory_space<vmem_shared>> -> memref<632x128xf32, #tpu.memory_space<vmem_shared>>
      tpu.enqueue_dma source(%dma_start3A_18 : memref<632x128xf32, #tpu.memory_space<vmem_shared>>) target(%dma_start3A_16 : memref<632x128xf32, #tpu.memory_space<hbm>>) target_semaphore(%run_scoped3A : memref<!tpu.dma_semaphore, #tpu.memory_space<semaphore_mem>>)
      %dma_wait3A = arith.constant 0 : i32
      %dma_wait3A_19 = tpu.memref_slice %arg6[%arg0, %mul3A_14, %dma_wait3A] : memref<2x10112x128xf32, #tpu.memory_space<hbm>> -> memref<1x632x128xf32, #tpu.memory_space<hbm>>
      %dma_wait3A_20 = tpu.memref_squeeze %dma_wait3A_19 : memref<1x632x128xf32, #tpu.memory_space<hbm>> -> memref<632x128xf32, #tpu.memory_space<hbm>>
      %dma_wait3A_21 = arith.constant 0 : i32
      %dma_wait3A_22 = tpu.memref_slice %arg11[%mul3A_12, %dma_wait3A_21] : memref<10112x128xf32, #tpu.memory_space<vmem_shared>> -> memref<632x128xf32, #tpu.memory_space<vmem_shared>>
      tpu.wait_dma2 semaphore(%run_scoped3A : memref<!tpu.dma_semaphore, #tpu.memory_space<semaphore_mem>>) src(%dma_wait3A_22 : memref<632x128xf32, #tpu.memory_space<vmem_shared>>) dst(%dma_wait3A_20 : memref<632x128xf32, #tpu.memory_space<hbm>>)
      tpu.yield
    }) : () -> ()
    return
  }
}

#map = affine_map<(d0, d1) -> (0, 0)>
#map1 = affine_map<(d0, d1) -> (0, 0, 0)>
#map2 = affine_map<(d0, d1) -> (0, 0, 0, 0)>
module attributes {stable_mosaic.version = 14 : i64} {
  func.func @_sc_agg(%arg0: i32, %arg1: i32, %arg2: memref<10112x128xf32, #tpu.memory_space<hbm>>, %arg3: memref<16x4x5120xi32, #tpu.memory_space<hbm>>, %arg4: memref<16x4x40x128xi32, #tpu.memory_space<hbm>>, %arg5: memref<10112x128xf32, #tpu.memory_space<hbm>>, %arg6: memref<2x10112x128xf32, #tpu.memory_space<hbm>>, %arg7: memref<5120xi32, #tpu.memory_space<vmem>>, %arg8: memref<40x128xi32, #tpu.memory_space<vmem>>, %arg9: memref<128x128xf32, #tpu.memory_space<vmem>>, %arg10: memref<128x128xf32, #tpu.memory_space<vmem>>, %arg11: memref<10112x128xf32, #tpu.memory_space<vmem_shared>>, %arg12: memref<!tpu.dma_semaphore, #tpu.memory_space<semaphore_mem>>, %arg13: memref<!tpu.dma_semaphore, #tpu.memory_space<semaphore_mem>>, %arg14: memref<!tpu.dma_semaphore, #tpu.memory_space<semaphore_mem>>, %arg15: memref<!tpu.dma_semaphore, #tpu.memory_space<semaphore_mem>>) attributes {dimension_semantics = [#tpu.dimension_semantics<core_parallel>, #tpu.dimension_semantics<subcore_parallel>], iteration_bounds = array<i64: 2, 16>, scalar_prefetch = 0 : i64, scratch_operands = 9 : i64, tpu.core_type = #tpu.core_type<sc_vector_subcore>, window_params = [{transform_indices = #map}, {transform_indices = #map1}, {transform_indices = #map2}, {transform_indices = #map}, {transform_indices = #map1}]} {
    %mul3A = arith.constant 632 : i32
    %mul3A_0 = arith.muli %arg1, %mul3A : i32
    %mul3A_1 = arith.constant 632 : i32
    %mul3A_2 = arith.muli %arg1, %mul3A_1 : i32
    "tpu.region"() ({
      %run_scoped3A = tpu.sem_alloc : memref<!tpu.dma_semaphore, #tpu.memory_space<semaphore_mem>>
      %dma_start3A = arith.constant 0 : i32
      %dma_start3A_15 = tpu.memref_slice %arg11[%mul3A_2, %dma_start3A] : memref<10112x128xf32, #tpu.memory_space<vmem_shared>> -> memref<632x128xf32, #tpu.memory_space<vmem_shared>>
      %dma_start3A_16 = arith.constant 0 : i32
      %dma_start3A_17 = tpu.memref_slice %arg5[%mul3A_0, %dma_start3A_16] : memref<10112x128xf32, #tpu.memory_space<hbm>> -> memref<632x128xf32, #tpu.memory_space<hbm>>
      tpu.enqueue_dma source(%dma_start3A_17 : memref<632x128xf32, #tpu.memory_space<hbm>>) target(%dma_start3A_15 : memref<632x128xf32, #tpu.memory_space<vmem_shared>>) target_semaphore(%run_scoped3A : memref<!tpu.dma_semaphore, #tpu.memory_space<semaphore_mem>>)
      %dma_wait3A = arith.constant 0 : i32
      %dma_wait3A_18 = tpu.memref_slice %arg11[%mul3A_2, %dma_wait3A] : memref<10112x128xf32, #tpu.memory_space<vmem_shared>> -> memref<632x128xf32, #tpu.memory_space<vmem_shared>>
      %dma_wait3A_19 = arith.constant 0 : i32
      %dma_wait3A_20 = tpu.memref_slice %arg5[%mul3A_0, %dma_wait3A_19] : memref<10112x128xf32, #tpu.memory_space<hbm>> -> memref<632x128xf32, #tpu.memory_space<hbm>>
      tpu.wait_dma2 semaphore(%run_scoped3A : memref<!tpu.dma_semaphore, #tpu.memory_space<semaphore_mem>>) src(%dma_wait3A_20 : memref<632x128xf32, #tpu.memory_space<hbm>>) dst(%dma_wait3A_18 : memref<632x128xf32, #tpu.memory_space<vmem_shared>>)
      tpu.yield
    }) : () -> ()
    %barrier3A = arith.constant 0 : index
    tpu.barrier barrier_id(%barrier3A)
    %eq3A = arith.constant 0 : i32
    %eq3A_3 = arith.cmpi eq, %arg0, %eq3A : i32
    %convert_element_type3A = arith.extui %eq3A_3 : i1 to i32
    %cond3A = arith.constant 0 : i32
    %cond3A_4 = arith.cmpi ne, %convert_element_type3A, %cond3A : i32
    scf.if %cond3A_4 {
      %run_scoped3A = arith.constant 0 : i32
      "tpu.region"() ({
        %run_scoped3A_215 = tpu.sem_alloc : memref<!tpu.dma_semaphore, #tpu.memory_space<semaphore_mem>>
        %dma_start3A_216 = arith.constant 0 : i32
        %dma_start3A_217 = tpu.memref_slice %arg3[%arg1, %run_scoped3A, %dma_start3A_216] : memref<16x4x5120xi32, #tpu.memory_space<hbm>> -> memref<1x1x5120xi32, #tpu.memory_space<hbm>>
        %dma_start3A_218 = tpu.memref_squeeze %dma_start3A_217 : memref<1x1x5120xi32, #tpu.memory_space<hbm>> -> memref<5120xi32, #tpu.memory_space<hbm>>
        %dma_start3A_219 = arith.constant 0 : i32
        %dma_start3A_220 = tpu.memref_slice %arg3[%arg1, %run_scoped3A, %dma_start3A_219] : memref<16x4x5120xi32, #tpu.memory_space<hbm>> -> memref<1x1x5120xi32, #tpu.memory_space<hbm>>
        %dma_start3A_221 = tpu.memref_squeeze %dma_start3A_220 : memref<1x1x5120xi32, #tpu.memory_space<hbm>> -> memref<5120xi32, #tpu.memory_space<hbm>>
        tpu.enqueue_dma source(%dma_start3A_221 : memref<5120xi32, #tpu.memory_space<hbm>>) target(%arg7 : memref<5120xi32, #tpu.memory_space<vmem>>) target_semaphore(%run_scoped3A_215 : memref<!tpu.dma_semaphore, #tpu.memory_space<semaphore_mem>>)
        %dma_wait3A_222 = arith.constant 0 : i32
        %dma_wait3A_223 = tpu.memref_slice %arg3[%arg1, %run_scoped3A, %dma_wait3A_222] : memref<16x4x5120xi32, #tpu.memory_space<hbm>> -> memref<1x1x5120xi32, #tpu.memory_space<hbm>>
        %dma_wait3A_224 = tpu.memref_squeeze %dma_wait3A_223 : memref<1x1x5120xi32, #tpu.memory_space<hbm>> -> memref<5120xi32, #tpu.memory_space<hbm>>
        %dma_wait3A_225 = arith.constant 0 : i32
        %dma_wait3A_226 = tpu.memref_slice %arg3[%arg1, %run_scoped3A, %dma_wait3A_225] : memref<16x4x5120xi32, #tpu.memory_space<hbm>> -> memref<1x1x5120xi32, #tpu.memory_space<hbm>>
        %dma_wait3A_227 = tpu.memref_squeeze %dma_wait3A_226 : memref<1x1x5120xi32, #tpu.memory_space<hbm>> -> memref<5120xi32, #tpu.memory_space<hbm>>
        tpu.wait_dma2 semaphore(%run_scoped3A_215 : memref<!tpu.dma_semaphore, #tpu.memory_space<semaphore_mem>>) src(%dma_wait3A_227 : memref<5120xi32, #tpu.memory_space<hbm>>) dst(%arg7 : memref<5120xi32, #tpu.memory_space<vmem>>)
        tpu.yield
      }) : () -> ()
      %run_scoped3A_15 = arith.constant 0 : i32
      "tpu.region"() ({
        %run_scoped3A_215 = tpu.sem_alloc : memref<!tpu.dma_semaphore, #tpu.memory_space<semaphore_mem>>
        %dma_start3A_216 = arith.constant 0 : i32
        %dma_start3A_217 = arith.constant 0 : i32
        %dma_start3A_218 = tpu.memref_slice %arg4[%arg1, %run_scoped3A_15, %dma_start3A_216, %dma_start3A_217] : memref<16x4x40x128xi32, #tpu.memory_space<hbm>> -> memref<1x1x40x128xi32, #tpu.memory_space<hbm>>
        %dma_start3A_219 = tpu.memref_squeeze %dma_start3A_218 : memref<1x1x40x128xi32, #tpu.memory_space<hbm>> -> memref<40x128xi32, #tpu.memory_space<hbm>>
        %dma_start3A_220 = arith.constant 0 : i32
        %dma_start3A_221 = arith.constant 0 : i32
        %dma_start3A_222 = tpu.memref_slice %arg4[%arg1, %run_scoped3A_15, %dma_start3A_220, %dma_start3A_221] : memref<16x4x40x128xi32, #tpu.memory_space<hbm>> -> memref<1x1x40x128xi32, #tpu.memory_space<hbm>>
        %dma_start3A_223 = tpu.memref_squeeze %dma_start3A_222 : memref<1x1x40x128xi32, #tpu.memory_space<hbm>> -> memref<40x128xi32, #tpu.memory_space<hbm>>
        tpu.enqueue_dma source(%dma_start3A_223 : memref<40x128xi32, #tpu.memory_space<hbm>>) target(%arg8 : memref<40x128xi32, #tpu.memory_space<vmem>>) target_semaphore(%run_scoped3A_215 : memref<!tpu.dma_semaphore, #tpu.memory_space<semaphore_mem>>)
        %dma_wait3A_224 = arith.constant 0 : i32
        %dma_wait3A_225 = arith.constant 0 : i32
        %dma_wait3A_226 = tpu.memref_slice %arg4[%arg1, %run_scoped3A_15, %dma_wait3A_224, %dma_wait3A_225] : memref<16x4x40x128xi32, #tpu.memory_space<hbm>> -> memref<1x1x40x128xi32, #tpu.memory_space<hbm>>
        %dma_wait3A_227 = tpu.memref_squeeze %dma_wait3A_226 : memref<1x1x40x128xi32, #tpu.memory_space<hbm>> -> memref<40x128xi32, #tpu.memory_space<hbm>>
        %dma_wait3A_228 = arith.constant 0 : i32
        %dma_wait3A_229 = arith.constant 0 : i32
        %dma_wait3A_230 = tpu.memref_slice %arg4[%arg1, %run_scoped3A_15, %dma_wait3A_228, %dma_wait3A_229] : memref<16x4x40x128xi32, #tpu.memory_space<hbm>> -> memref<1x1x40x128xi32, #tpu.memory_space<hbm>>
        %dma_wait3A_231 = tpu.memref_squeeze %dma_wait3A_230 : memref<1x1x40x128xi32, #tpu.memory_space<hbm>> -> memref<40x128xi32, #tpu.memory_space<hbm>>
        tpu.wait_dma2 semaphore(%run_scoped3A_215 : memref<!tpu.dma_semaphore, #tpu.memory_space<semaphore_mem>>) src(%dma_wait3A_231 : memref<40x128xi32, #tpu.memory_space<hbm>>) dst(%arg8 : memref<40x128xi32, #tpu.memory_space<vmem>>)
        tpu.yield
      }) : () -> ()
      %dma_start3A = arith.constant 0 : i32
      %dma_start3A_16 = tpu.memref_slice %arg7[%dma_start3A] : memref<5120xi32, #tpu.memory_space<vmem>> -> memref<128xi32, #tpu.memory_space<vmem>>
      %dma_start3A_17 = arith.constant 0 : i32
      %dma_start3A_18 = arith.constant 0 : i32
      %dma_start3A_19 = tpu.memref_slice %arg2[%dma_start3A_17, %dma_start3A_18] : memref<10112x128xf32, #tpu.memory_space<hbm>> -> memref<10112x128xf32, #tpu.memory_space<hbm>>
      tpu.enqueue_indirect_dma source(%dma_start3A_19 : memref<10112x128xf32, #tpu.memory_space<hbm>>) target(%arg9 : memref<128x128xf32, #tpu.memory_space<vmem>>) offsets(%dma_start3A_16 : memref<128xi32, #tpu.memory_space<vmem>>) semaphore(%arg12 : memref<!tpu.dma_semaphore, #tpu.memory_space<semaphore_mem>>)
      %dma_wait3A = arith.constant 0 : i32
      %dma_wait3A_20 = tpu.memref_slice %arg7[%dma_wait3A] : memref<5120xi32, #tpu.memory_space<vmem>> -> memref<128xi32, #tpu.memory_space<vmem>>
      %dma_wait3A_21 = arith.constant 0 : i32
      %dma_wait3A_22 = arith.constant 0 : i32
      %dma_wait3A_23 = tpu.memref_slice %arg2[%dma_wait3A_21, %dma_wait3A_22] : memref<10112x128xf32, #tpu.memory_space<hbm>> -> memref<10112x128xf32, #tpu.memory_space<hbm>>
      tpu.wait_indirect_dma semaphore(%arg12 : memref<!tpu.dma_semaphore, #tpu.memory_space<semaphore_mem>>) src(%dma_wait3A_23 : memref<10112x128xf32, #tpu.memory_space<hbm>>) dst(%arg9 : memref<128x128xf32, #tpu.memory_space<vmem>>)
      %dma_start3A_24 = arith.constant 0 : i32
      %dma_start3A_25 = arith.constant 0 : i32
      %dma_start3A_26 = tpu.memref_slice %arg8[%dma_start3A_24, %dma_start3A_25] : memref<40x128xi32, #tpu.memory_space<vmem>> -> memref<1x128xi32, #tpu.memory_space<vmem>>
      %dma_start3A_27 = tpu.memref_squeeze %dma_start3A_26 : memref<1x128xi32, #tpu.memory_space<vmem>> -> memref<128xi32, #tpu.memory_space<vmem>>
      %dma_start3A_28 = arith.constant 0 : i32
      %dma_start3A_29 = arith.constant 0 : i32
      %dma_start3A_30 = tpu.memref_slice %arg11[%dma_start3A_28, %dma_start3A_29] : memref<10112x128xf32, #tpu.memory_space<vmem_shared>> -> memref<10112x128xf32, #tpu.memory_space<vmem_shared>>
      tpu.enqueue_indirect_dma source(%arg9 : memref<128x128xf32, #tpu.memory_space<vmem>>) target(%dma_start3A_30 : memref<10112x128xf32, #tpu.memory_space<vmem_shared>>) offsets(%dma_start3A_27 : memref<128xi32, #tpu.memory_space<vmem>>) semaphore(%arg14 : memref<!tpu.dma_semaphore, #tpu.memory_space<semaphore_mem>>) {add = true}
      %dma_start3A_31 = arith.constant 128 : i32
      %dma_start3A_32 = tpu.memref_slice %arg7[%dma_start3A_31] : memref<5120xi32, #tpu.memory_space<vmem>> -> memref<128xi32, #tpu.memory_space<vmem>>
      %dma_start3A_33 = arith.constant 0 : i32
      %dma_start3A_34 = arith.constant 0 : i32
      %dma_start3A_35 = tpu.memref_slice %arg2[%dma_start3A_33, %dma_start3A_34] : memref<10112x128xf32, #tpu.memory_space<hbm>> -> memref<10112x128xf32, #tpu.memory_space<hbm>>
      tpu.enqueue_indirect_dma source(%dma_start3A_35 : memref<10112x128xf32, #tpu.memory_space<hbm>>) target(%arg10 : memref<128x128xf32, #tpu.memory_space<vmem>>) offsets(%dma_start3A_32 : memref<128xi32, #tpu.memory_space<vmem>>) semaphore(%arg13 : memref<!tpu.dma_semaphore, #tpu.memory_space<semaphore_mem>>)
      %dma_wait3A_36 = arith.constant 128 : i32
      %dma_wait3A_37 = tpu.memref_slice %arg7[%dma_wait3A_36] : memref<5120xi32, #tpu.memory_space<vmem>> -> memref<128xi32, #tpu.memory_space<vmem>>
      %dma_wait3A_38 = arith.constant 0 : i32
      %dma_wait3A_39 = arith.constant 0 : i32
      %dma_wait3A_40 = tpu.memref_slice %arg2[%dma_wait3A_38, %dma_wait3A_39] : memref<10112x128xf32, #tpu.memory_space<hbm>> -> memref<10112x128xf32, #tpu.memory_space<hbm>>
      tpu.wait_indirect_dma semaphore(%arg13 : memref<!tpu.dma_semaphore, #tpu.memory_space<semaphore_mem>>) src(%dma_wait3A_40 : memref<10112x128xf32, #tpu.memory_space<hbm>>) dst(%arg10 : memref<128x128xf32, #tpu.memory_space<vmem>>)
      %dma_start3A_41 = arith.constant 1 : i32
      %dma_start3A_42 = arith.constant 0 : i32
      %dma_start3A_43 = tpu.memref_slice %arg8[%dma_start3A_41, %dma_start3A_42] : memref<40x128xi32, #tpu.memory_space<vmem>> -> memref<1x128xi32, #tpu.memory_space<vmem>>
      %dma_start3A_44 = tpu.memref_squeeze %dma_start3A_43 : memref<1x128xi32, #tpu.memory_space<vmem>> -> memref<128xi32, #tpu.memory_space<vmem>>
      %dma_start3A_45 = arith.constant 0 : i32
      %dma_start3A_46 = arith.constant 0 : i32
      %dma_start3A_47 = tpu.memref_slice %arg11[%dma_start3A_45, %dma_start3A_46] : memref<10112x128xf32, #tpu.memory_space<vmem_shared>> -> memref<10112x128xf32, #tpu.memory_space<vmem_shared>>
      tpu.enqueue_indirect_dma source(%arg10 : memref<128x128xf32, #tpu.memory_space<vmem>>) target(%dma_start3A_47 : memref<10112x128xf32, #tpu.memory_space<vmem_shared>>) offsets(%dma_start3A_44 : memref<128xi32, #tpu.memory_space<vmem>>) semaphore(%arg15 : memref<!tpu.dma_semaphore, #tpu.memory_space<semaphore_mem>>) {add = true}
      %dma_wait3A_48 = arith.constant 0 : i32
      %dma_wait3A_49 = arith.constant 0 : i32
      %dma_wait3A_50 = tpu.memref_slice %arg8[%dma_wait3A_48, %dma_wait3A_49] : memref<40x128xi32, #tpu.memory_space<vmem>> -> memref<1x128xi32, #tpu.memory_space<vmem>>
      %dma_wait3A_51 = tpu.memref_squeeze %dma_wait3A_50 : memref<1x128xi32, #tpu.memory_space<vmem>> -> memref<128xi32, #tpu.memory_space<vmem>>
      %dma_wait3A_52 = arith.constant 0 : i32
      %dma_wait3A_53 = arith.constant 0 : i32
      %dma_wait3A_54 = tpu.memref_slice %arg11[%dma_wait3A_52, %dma_wait3A_53] : memref<10112x128xf32, #tpu.memory_space<vmem_shared>> -> memref<10112x128xf32, #tpu.memory_space<vmem_shared>>
      tpu.wait_indirect_dma semaphore(%arg14 : memref<!tpu.dma_semaphore, #tpu.memory_space<semaphore_mem>>) src(%arg9 : memref<128x128xf32, #tpu.memory_space<vmem>>) dst(%dma_wait3A_54 : memref<10112x128xf32, #tpu.memory_space<vmem_shared>>)
      %dma_start3A_55 = arith.constant 256 : i32
      %dma_start3A_56 = tpu.memref_slice %arg7[%dma_start3A_55] : memref<5120xi32, #tpu.memory_space<vmem>> -> memref<128xi32, #tpu.memory_space<vmem>>
      %dma_start3A_57 = arith.constant 0 : i32
      %dma_start3A_58 = arith.constant 0 : i32
      %dma_start3A_59 = tpu.memref_slice %arg2[%dma_start3A_57, %dma_start3A_58] : memref<10112x128xf32, #tpu.memory_space<hbm>> -> memref<10112x128xf32, #tpu.memory_space<hbm>>
      tpu.enqueue_indirect_dma source(%dma_start3A_59 : memref<10112x128xf32, #tpu.memory_space<hbm>>) target(%arg9 : memref<128x128xf32, #tpu.memory_space<vmem>>) offsets(%dma_start3A_56 : memref<128xi32, #tpu.memory_space<vmem>>) semaphore(%arg12 : memref<!tpu.dma_semaphore, #tpu.memory_space<semaphore_mem>>)
      %scan3A = arith.constant 0 : i32
      %scan3A_60 = arith.constant 1 : i32
      %scan3A_61 = arith.constant 19 : i32
      %scan3A_62 = arith.addi %scan3A_60, %scan3A_61 : i32
      %scan3A_63 = arith.constant 1 : i32
      scf.for %scan3A_215 = %scan3A_60 to %scan3A_62 step %scan3A_63  : i32 {
        %mul3A_216 = arith.constant 2 : i32
        %mul3A_217 = arith.muli %scan3A_215, %mul3A_216 : i32
        %add3A = arith.constant 0 : i32
        %add3A_218 = arith.addi %mul3A_217, %add3A : i32
        %mul3A_219 = arith.constant 128 : i32
        %mul3A_220 = arith.muli %add3A_218, %mul3A_219 : i32
        %dma_wait3A_221 = tpu.memref_slice %arg7[%mul3A_220] : memref<5120xi32, #tpu.memory_space<vmem>> -> memref<128xi32, #tpu.memory_space<vmem>>
        %dma_wait3A_222 = arith.constant 0 : i32
        %dma_wait3A_223 = arith.constant 0 : i32
        %dma_wait3A_224 = tpu.memref_slice %arg2[%dma_wait3A_222, %dma_wait3A_223] : memref<10112x128xf32, #tpu.memory_space<hbm>> -> memref<10112x128xf32, #tpu.memory_space<hbm>>
        tpu.wait_indirect_dma semaphore(%arg12 : memref<!tpu.dma_semaphore, #tpu.memory_space<semaphore_mem>>) src(%dma_wait3A_224 : memref<10112x128xf32, #tpu.memory_space<hbm>>) dst(%arg9 : memref<128x128xf32, #tpu.memory_space<vmem>>)
        %dma_start3A_225 = arith.constant 0 : i32
        %dma_start3A_226 = tpu.memref_slice %arg8[%add3A_218, %dma_start3A_225] : memref<40x128xi32, #tpu.memory_space<vmem>> -> memref<1x128xi32, #tpu.memory_space<vmem>>
        %dma_start3A_227 = tpu.memref_squeeze %dma_start3A_226 : memref<1x128xi32, #tpu.memory_space<vmem>> -> memref<128xi32, #tpu.memory_space<vmem>>
        %dma_start3A_228 = arith.constant 0 : i32
        %dma_start3A_229 = arith.constant 0 : i32
        %dma_start3A_230 = tpu.memref_slice %arg11[%dma_start3A_228, %dma_start3A_229] : memref<10112x128xf32, #tpu.memory_space<vmem_shared>> -> memref<10112x128xf32, #tpu.memory_space<vmem_shared>>
        tpu.enqueue_indirect_dma source(%arg9 : memref<128x128xf32, #tpu.memory_space<vmem>>) target(%dma_start3A_230 : memref<10112x128xf32, #tpu.memory_space<vmem_shared>>) offsets(%dma_start3A_227 : memref<128xi32, #tpu.memory_space<vmem>>) semaphore(%arg14 : memref<!tpu.dma_semaphore, #tpu.memory_space<semaphore_mem>>) {add = true}
        %add3A_231 = arith.constant 1 : i32
        %add3A_232 = arith.addi %add3A_218, %add3A_231 : i32
        %lt3A = arith.constant 40 : i32
        %lt3A_233 = arith.cmpi slt, %add3A_232, %lt3A : i32
        %convert_element_type3A_234 = arith.extui %lt3A_233 : i1 to i32
        %cond3A_235 = arith.constant 0 : i32
        %cond3A_236 = arith.cmpi ne, %convert_element_type3A_234, %cond3A_235 : i32
        scf.if %cond3A_236 {
          %sub3A = arith.constant 1 : i32
          %sub3A_260 = arith.subi %add3A_218, %sub3A : i32
          %dma_wait3A_261 = arith.constant 0 : i32
          %dma_wait3A_262 = tpu.memref_slice %arg8[%sub3A_260, %dma_wait3A_261] : memref<40x128xi32, #tpu.memory_space<vmem>> -> memref<1x128xi32, #tpu.memory_space<vmem>>
          %dma_wait3A_263 = tpu.memref_squeeze %dma_wait3A_262 : memref<1x128xi32, #tpu.memory_space<vmem>> -> memref<128xi32, #tpu.memory_space<vmem>>
          %dma_wait3A_264 = arith.constant 0 : i32
          %dma_wait3A_265 = arith.constant 0 : i32
          %dma_wait3A_266 = tpu.memref_slice %arg11[%dma_wait3A_264, %dma_wait3A_265] : memref<10112x128xf32, #tpu.memory_space<vmem_shared>> -> memref<10112x128xf32, #tpu.memory_space<vmem_shared>>
          tpu.wait_indirect_dma semaphore(%arg15 : memref<!tpu.dma_semaphore, #tpu.memory_space<semaphore_mem>>) src(%arg10 : memref<128x128xf32, #tpu.memory_space<vmem>>) dst(%dma_wait3A_266 : memref<10112x128xf32, #tpu.memory_space<vmem_shared>>)
          %add3A_267 = arith.constant 1 : i32
          %add3A_268 = arith.addi %add3A_218, %add3A_267 : i32
          %mul3A_269 = arith.constant 128 : i32
          %mul3A_270 = arith.muli %add3A_268, %mul3A_269 : i32
          %dma_start3A_271 = tpu.memref_slice %arg7[%mul3A_270] : memref<5120xi32, #tpu.memory_space<vmem>> -> memref<128xi32, #tpu.memory_space<vmem>>
          %dma_start3A_272 = arith.constant 0 : i32
          %dma_start3A_273 = arith.constant 0 : i32
          %dma_start3A_274 = tpu.memref_slice %arg2[%dma_start3A_272, %dma_start3A_273] : memref<10112x128xf32, #tpu.memory_space<hbm>> -> memref<10112x128xf32, #tpu.memory_space<hbm>>
          tpu.enqueue_indirect_dma source(%dma_start3A_274 : memref<10112x128xf32, #tpu.memory_space<hbm>>) target(%arg10 : memref<128x128xf32, #tpu.memory_space<vmem>>) offsets(%dma_start3A_271 : memref<128xi32, #tpu.memory_space<vmem>>) semaphore(%arg13 : memref<!tpu.dma_semaphore, #tpu.memory_space<semaphore_mem>>)
        } else {
        }
        %mul3A_237 = arith.constant 2 : i32
        %mul3A_238 = arith.muli %scan3A_215, %mul3A_237 : i32
        %add3A_239 = arith.constant 1 : i32
        %add3A_240 = arith.addi %mul3A_238, %add3A_239 : i32
        %mul3A_241 = arith.constant 128 : i32
        %mul3A_242 = arith.muli %add3A_240, %mul3A_241 : i32
        %dma_wait3A_243 = tpu.memref_slice %arg7[%mul3A_242] : memref<5120xi32, #tpu.memory_space<vmem>> -> memref<128xi32, #tpu.memory_space<vmem>>
        %dma_wait3A_244 = arith.constant 0 : i32
        %dma_wait3A_245 = arith.constant 0 : i32
        %dma_wait3A_246 = tpu.memref_slice %arg2[%dma_wait3A_244, %dma_wait3A_245] : memref<10112x128xf32, #tpu.memory_space<hbm>> -> memref<10112x128xf32, #tpu.memory_space<hbm>>
        tpu.wait_indirect_dma semaphore(%arg13 : memref<!tpu.dma_semaphore, #tpu.memory_space<semaphore_mem>>) src(%dma_wait3A_246 : memref<10112x128xf32, #tpu.memory_space<hbm>>) dst(%arg10 : memref<128x128xf32, #tpu.memory_space<vmem>>)
        %dma_start3A_247 = arith.constant 0 : i32
        %dma_start3A_248 = tpu.memref_slice %arg8[%add3A_240, %dma_start3A_247] : memref<40x128xi32, #tpu.memory_space<vmem>> -> memref<1x128xi32, #tpu.memory_space<vmem>>
        %dma_start3A_249 = tpu.memref_squeeze %dma_start3A_248 : memref<1x128xi32, #tpu.memory_space<vmem>> -> memref<128xi32, #tpu.memory_space<vmem>>
        %dma_start3A_250 = arith.constant 0 : i32
        %dma_start3A_251 = arith.constant 0 : i32
        %dma_start3A_252 = tpu.memref_slice %arg11[%dma_start3A_250, %dma_start3A_251] : memref<10112x128xf32, #tpu.memory_space<vmem_shared>> -> memref<10112x128xf32, #tpu.memory_space<vmem_shared>>
        tpu.enqueue_indirect_dma source(%arg10 : memref<128x128xf32, #tpu.memory_space<vmem>>) target(%dma_start3A_252 : memref<10112x128xf32, #tpu.memory_space<vmem_shared>>) offsets(%dma_start3A_249 : memref<128xi32, #tpu.memory_space<vmem>>) semaphore(%arg15 : memref<!tpu.dma_semaphore, #tpu.memory_space<semaphore_mem>>) {add = true}
        %add3A_253 = arith.constant 1 : i32
        %add3A_254 = arith.addi %add3A_240, %add3A_253 : i32
        %lt3A_255 = arith.constant 40 : i32
        %lt3A_256 = arith.cmpi slt, %add3A_254, %lt3A_255 : i32
        %convert_element_type3A_257 = arith.extui %lt3A_256 : i1 to i32
        %cond3A_258 = arith.constant 0 : i32
        %cond3A_259 = arith.cmpi ne, %convert_element_type3A_257, %cond3A_258 : i32
        scf.if %cond3A_259 {
          %sub3A = arith.constant 1 : i32
          %sub3A_260 = arith.subi %add3A_240, %sub3A : i32
          %dma_wait3A_261 = arith.constant 0 : i32
          %dma_wait3A_262 = tpu.memref_slice %arg8[%sub3A_260, %dma_wait3A_261] : memref<40x128xi32, #tpu.memory_space<vmem>> -> memref<1x128xi32, #tpu.memory_space<vmem>>
          %dma_wait3A_263 = tpu.memref_squeeze %dma_wait3A_262 : memref<1x128xi32, #tpu.memory_space<vmem>> -> memref<128xi32, #tpu.memory_space<vmem>>
          %dma_wait3A_264 = arith.constant 0 : i32
          %dma_wait3A_265 = arith.constant 0 : i32
          %dma_wait3A_266 = tpu.memref_slice %arg11[%dma_wait3A_264, %dma_wait3A_265] : memref<10112x128xf32, #tpu.memory_space<vmem_shared>> -> memref<10112x128xf32, #tpu.memory_space<vmem_shared>>
          tpu.wait_indirect_dma semaphore(%arg14 : memref<!tpu.dma_semaphore, #tpu.memory_space<semaphore_mem>>) src(%arg9 : memref<128x128xf32, #tpu.memory_space<vmem>>) dst(%dma_wait3A_266 : memref<10112x128xf32, #tpu.memory_space<vmem_shared>>)
          %add3A_267 = arith.constant 1 : i32
          %add3A_268 = arith.addi %add3A_240, %add3A_267 : i32
          %mul3A_269 = arith.constant 128 : i32
          %mul3A_270 = arith.muli %add3A_268, %mul3A_269 : i32
          %dma_start3A_271 = tpu.memref_slice %arg7[%mul3A_270] : memref<5120xi32, #tpu.memory_space<vmem>> -> memref<128xi32, #tpu.memory_space<vmem>>
          %dma_start3A_272 = arith.constant 0 : i32
          %dma_start3A_273 = arith.constant 0 : i32
          %dma_start3A_274 = tpu.memref_slice %arg2[%dma_start3A_272, %dma_start3A_273] : memref<10112x128xf32, #tpu.memory_space<hbm>> -> memref<10112x128xf32, #tpu.memory_space<hbm>>
          tpu.enqueue_indirect_dma source(%dma_start3A_274 : memref<10112x128xf32, #tpu.memory_space<hbm>>) target(%arg9 : memref<128x128xf32, #tpu.memory_space<vmem>>) offsets(%dma_start3A_271 : memref<128xi32, #tpu.memory_space<vmem>>) semaphore(%arg12 : memref<!tpu.dma_semaphore, #tpu.memory_space<semaphore_mem>>)
        } else {
        }
      }
      %scan3A_64 = arith.constant 19 : i32
      %dma_wait3A_65 = arith.constant 38 : i32
      %dma_wait3A_66 = arith.constant 0 : i32
      %dma_wait3A_67 = tpu.memref_slice %arg8[%dma_wait3A_65, %dma_wait3A_66] : memref<40x128xi32, #tpu.memory_space<vmem>> -> memref<1x128xi32, #tpu.memory_space<vmem>>
      %dma_wait3A_68 = tpu.memref_squeeze %dma_wait3A_67 : memref<1x128xi32, #tpu.memory_space<vmem>> -> memref<128xi32, #tpu.memory_space<vmem>>
      %dma_wait3A_69 = arith.constant 0 : i32
      %dma_wait3A_70 = arith.constant 0 : i32
      %dma_wait3A_71 = tpu.memref_slice %arg11[%dma_wait3A_69, %dma_wait3A_70] : memref<10112x128xf32, #tpu.memory_space<vmem_shared>> -> memref<10112x128xf32, #tpu.memory_space<vmem_shared>>
      tpu.wait_indirect_dma semaphore(%arg14 : memref<!tpu.dma_semaphore, #tpu.memory_space<semaphore_mem>>) src(%arg9 : memref<128x128xf32, #tpu.memory_space<vmem>>) dst(%dma_wait3A_71 : memref<10112x128xf32, #tpu.memory_space<vmem_shared>>)
      %dma_wait3A_72 = arith.constant 39 : i32
      %dma_wait3A_73 = arith.constant 0 : i32
      %dma_wait3A_74 = tpu.memref_slice %arg8[%dma_wait3A_72, %dma_wait3A_73] : memref<40x128xi32, #tpu.memory_space<vmem>> -> memref<1x128xi32, #tpu.memory_space<vmem>>
      %dma_wait3A_75 = tpu.memref_squeeze %dma_wait3A_74 : memref<1x128xi32, #tpu.memory_space<vmem>> -> memref<128xi32, #tpu.memory_space<vmem>>
      %dma_wait3A_76 = arith.constant 0 : i32
      %dma_wait3A_77 = arith.constant 0 : i32
      %dma_wait3A_78 = tpu.memref_slice %arg11[%dma_wait3A_76, %dma_wait3A_77] : memref<10112x128xf32, #tpu.memory_space<vmem_shared>> -> memref<10112x128xf32, #tpu.memory_space<vmem_shared>>
      tpu.wait_indirect_dma semaphore(%arg15 : memref<!tpu.dma_semaphore, #tpu.memory_space<semaphore_mem>>) src(%arg10 : memref<128x128xf32, #tpu.memory_space<vmem>>) dst(%dma_wait3A_78 : memref<10112x128xf32, #tpu.memory_space<vmem_shared>>)
      %run_scoped3A_79 = arith.constant 1 : i32
      "tpu.region"() ({
        %run_scoped3A_215 = tpu.sem_alloc : memref<!tpu.dma_semaphore, #tpu.memory_space<semaphore_mem>>
        %dma_start3A_216 = arith.constant 0 : i32
        %dma_start3A_217 = tpu.memref_slice %arg3[%arg1, %run_scoped3A_79, %dma_start3A_216] : memref<16x4x5120xi32, #tpu.memory_space<hbm>> -> memref<1x1x5120xi32, #tpu.memory_space<hbm>>
        %dma_start3A_218 = tpu.memref_squeeze %dma_start3A_217 : memref<1x1x5120xi32, #tpu.memory_space<hbm>> -> memref<5120xi32, #tpu.memory_space<hbm>>
        %dma_start3A_219 = arith.constant 0 : i32
        %dma_start3A_220 = tpu.memref_slice %arg3[%arg1, %run_scoped3A_79, %dma_start3A_219] : memref<16x4x5120xi32, #tpu.memory_space<hbm>> -> memref<1x1x5120xi32, #tpu.memory_space<hbm>>
        %dma_start3A_221 = tpu.memref_squeeze %dma_start3A_220 : memref<1x1x5120xi32, #tpu.memory_space<hbm>> -> memref<5120xi32, #tpu.memory_space<hbm>>
        tpu.enqueue_dma source(%dma_start3A_221 : memref<5120xi32, #tpu.memory_space<hbm>>) target(%arg7 : memref<5120xi32, #tpu.memory_space<vmem>>) target_semaphore(%run_scoped3A_215 : memref<!tpu.dma_semaphore, #tpu.memory_space<semaphore_mem>>)
        %dma_wait3A_222 = arith.constant 0 : i32
        %dma_wait3A_223 = tpu.memref_slice %arg3[%arg1, %run_scoped3A_79, %dma_wait3A_222] : memref<16x4x5120xi32, #tpu.memory_space<hbm>> -> memref<1x1x5120xi32, #tpu.memory_space<hbm>>
        %dma_wait3A_224 = tpu.memref_squeeze %dma_wait3A_223 : memref<1x1x5120xi32, #tpu.memory_space<hbm>> -> memref<5120xi32, #tpu.memory_space<hbm>>
        %dma_wait3A_225 = arith.constant 0 : i32
        %dma_wait3A_226 = tpu.memref_slice %arg3[%arg1, %run_scoped3A_79, %dma_wait3A_225] : memref<16x4x5120xi32, #tpu.memory_space<hbm>> -> memref<1x1x5120xi32, #tpu.memory_space<hbm>>
        %dma_wait3A_227 = tpu.memref_squeeze %dma_wait3A_226 : memref<1x1x5120xi32, #tpu.memory_space<hbm>> -> memref<5120xi32, #tpu.memory_space<hbm>>
        tpu.wait_dma2 semaphore(%run_scoped3A_215 : memref<!tpu.dma_semaphore, #tpu.memory_space<semaphore_mem>>) src(%dma_wait3A_227 : memref<5120xi32, #tpu.memory_space<hbm>>) dst(%arg7 : memref<5120xi32, #tpu.memory_space<vmem>>)
        tpu.yield
      }) : () -> ()
      %run_scoped3A_80 = arith.constant 1 : i32
      "tpu.region"() ({
        %run_scoped3A_215 = tpu.sem_alloc : memref<!tpu.dma_semaphore, #tpu.memory_space<semaphore_mem>>
        %dma_start3A_216 = arith.constant 0 : i32
        %dma_start3A_217 = arith.constant 0 : i32
        %dma_start3A_218 = tpu.memref_slice %arg4[%arg1, %run_scoped3A_80, %dma_start3A_216, %dma_start3A_217] : memref<16x4x40x128xi32, #tpu.memory_space<hbm>> -> memref<1x1x40x128xi32, #tpu.memory_space<hbm>>
        %dma_start3A_219 = tpu.memref_squeeze %dma_start3A_218 : memref<1x1x40x128xi32, #tpu.memory_space<hbm>> -> memref<40x128xi32, #tpu.memory_space<hbm>>
        %dma_start3A_220 = arith.constant 0 : i32
        %dma_start3A_221 = arith.constant 0 : i32
        %dma_start3A_222 = tpu.memref_slice %arg4[%arg1, %run_scoped3A_80, %dma_start3A_220, %dma_start3A_221] : memref<16x4x40x128xi32, #tpu.memory_space<hbm>> -> memref<1x1x40x128xi32, #tpu.memory_space<hbm>>
        %dma_start3A_223 = tpu.memref_squeeze %dma_start3A_222 : memref<1x1x40x128xi32, #tpu.memory_space<hbm>> -> memref<40x128xi32, #tpu.memory_space<hbm>>
        tpu.enqueue_dma source(%dma_start3A_223 : memref<40x128xi32, #tpu.memory_space<hbm>>) target(%arg8 : memref<40x128xi32, #tpu.memory_space<vmem>>) target_semaphore(%run_scoped3A_215 : memref<!tpu.dma_semaphore, #tpu.memory_space<semaphore_mem>>)
        %dma_wait3A_224 = arith.constant 0 : i32
        %dma_wait3A_225 = arith.constant 0 : i32
        %dma_wait3A_226 = tpu.memref_slice %arg4[%arg1, %run_scoped3A_80, %dma_wait3A_224, %dma_wait3A_225] : memref<16x4x40x128xi32, #tpu.memory_space<hbm>> -> memref<1x1x40x128xi32, #tpu.memory_space<hbm>>
        %dma_wait3A_227 = tpu.memref_squeeze %dma_wait3A_226 : memref<1x1x40x128xi32, #tpu.memory_space<hbm>> -> memref<40x128xi32, #tpu.memory_space<hbm>>
        %dma_wait3A_228 = arith.constant 0 : i32
        %dma_wait3A_229 = arith.constant 0 : i32
        %dma_wait3A_230 = tpu.memref_slice %arg4[%arg1, %run_scoped3A_80, %dma_wait3A_228, %dma_wait3A_229] : memref<16x4x40x128xi32, #tpu.memory_space<hbm>> -> memref<1x1x40x128xi32, #tpu.memory_space<hbm>>
        %dma_wait3A_231 = tpu.memref_squeeze %dma_wait3A_230 : memref<1x1x40x128xi32, #tpu.memory_space<hbm>> -> memref<40x128xi32, #tpu.memory_space<hbm>>
        tpu.wait_dma2 semaphore(%run_scoped3A_215 : memref<!tpu.dma_semaphore, #tpu.memory_space<semaphore_mem>>) src(%dma_wait3A_231 : memref<40x128xi32, #tpu.memory_space<hbm>>) dst(%arg8 : memref<40x128xi32, #tpu.memory_space<vmem>>)
        tpu.yield
      }) : () -> ()
      %dma_start3A_81 = arith.constant 0 : i32
      %dma_start3A_82 = tpu.memref_slice %arg7[%dma_start3A_81] : memref<5120xi32, #tpu.memory_space<vmem>> -> memref<128xi32, #tpu.memory_space<vmem>>
      %dma_start3A_83 = arith.constant 0 : i32
      %dma_start3A_84 = arith.constant 0 : i32
      %dma_start3A_85 = tpu.memref_slice %arg2[%dma_start3A_83, %dma_start3A_84] : memref<10112x128xf32, #tpu.memory_space<hbm>> -> memref<10112x128xf32, #tpu.memory_space<hbm>>
      tpu.enqueue_indirect_dma source(%dma_start3A_85 : memref<10112x128xf32, #tpu.memory_space<hbm>>) target(%arg9 : memref<128x128xf32, #tpu.memory_space<vmem>>) offsets(%dma_start3A_82 : memref<128xi32, #tpu.memory_space<vmem>>) semaphore(%arg12 : memref<!tpu.dma_semaphore, #tpu.memory_space<semaphore_mem>>)
      %dma_wait3A_86 = arith.constant 0 : i32
      %dma_wait3A_87 = tpu.memref_slice %arg7[%dma_wait3A_86] : memref<5120xi32, #tpu.memory_space<vmem>> -> memref<128xi32, #tpu.memory_space<vmem>>
      %dma_wait3A_88 = arith.constant 0 : i32
      %dma_wait3A_89 = arith.constant 0 : i32
      %dma_wait3A_90 = tpu.memref_slice %arg2[%dma_wait3A_88, %dma_wait3A_89] : memref<10112x128xf32, #tpu.memory_space<hbm>> -> memref<10112x128xf32, #tpu.memory_space<hbm>>
      tpu.wait_indirect_dma semaphore(%arg12 : memref<!tpu.dma_semaphore, #tpu.memory_space<semaphore_mem>>) src(%dma_wait3A_90 : memref<10112x128xf32, #tpu.memory_space<hbm>>) dst(%arg9 : memref<128x128xf32, #tpu.memory_space<vmem>>)
      %dma_start3A_91 = arith.constant 0 : i32
      %dma_start3A_92 = arith.constant 0 : i32
      %dma_start3A_93 = tpu.memref_slice %arg8[%dma_start3A_91, %dma_start3A_92] : memref<40x128xi32, #tpu.memory_space<vmem>> -> memref<1x128xi32, #tpu.memory_space<vmem>>
      %dma_start3A_94 = tpu.memref_squeeze %dma_start3A_93 : memref<1x128xi32, #tpu.memory_space<vmem>> -> memref<128xi32, #tpu.memory_space<vmem>>
      %dma_start3A_95 = arith.constant 0 : i32
      %dma_start3A_96 = arith.constant 0 : i32
      %dma_start3A_97 = tpu.memref_slice %arg11[%dma_start3A_95, %dma_start3A_96] : memref<10112x128xf32, #tpu.memory_space<vmem_shared>> -> memref<10112x128xf32, #tpu.memory_space<vmem_shared>>
      tpu.enqueue_indirect_dma source(%arg9 : memref<128x128xf32, #tpu.memory_space<vmem>>) target(%dma_start3A_97 : memref<10112x128xf32, #tpu.memory_space<vmem_shared>>) offsets(%dma_start3A_94 : memref<128xi32, #tpu.memory_space<vmem>>) semaphore(%arg14 : memref<!tpu.dma_semaphore, #tpu.memory_space<semaphore_mem>>) {add = true}
      %dma_start3A_98 = arith.constant 128 : i32
      %dma_start3A_99 = tpu.memref_slice %arg7[%dma_start3A_98] : memref<5120xi32, #tpu.memory_space<vmem>> -> memref<128xi32, #tpu.memory_space<vmem>>
      %dma_start3A_100 = arith.constant 0 : i32
      %dma_start3A_101 = arith.constant 0 : i32
      %dma_start3A_102 = tpu.memref_slice %arg2[%dma_start3A_100, %dma_start3A_101] : memref<10112x128xf32, #tpu.memory_space<hbm>> -> memref<10112x128xf32, #tpu.memory_space<hbm>>
      tpu.enqueue_indirect_dma source(%dma_start3A_102 : memref<10112x128xf32, #tpu.memory_space<hbm>>) target(%arg10 : memref<128x128xf32, #tpu.memory_space<vmem>>) offsets(%dma_start3A_99 : memref<128xi32, #tpu.memory_space<vmem>>) semaphore(%arg13 : memref<!tpu.dma_semaphore, #tpu.memory_space<semaphore_mem>>)
      %dma_wait3A_103 = arith.constant 128 : i32
      %dma_wait3A_104 = tpu.memref_slice %arg7[%dma_wait3A_103] : memref<5120xi32, #tpu.memory_space<vmem>> -> memref<128xi32, #tpu.memory_space<vmem>>
      %dma_wait3A_105 = arith.constant 0 : i32
      %dma_wait3A_106 = arith.constant 0 : i32
      %dma_wait3A_107 = tpu.memref_slice %arg2[%dma_wait3A_105, %dma_wait3A_106] : memref<10112x128xf32, #tpu.memory_space<hbm>> -> memref<10112x128xf32, #tpu.memory_space<hbm>>
      tpu.wait_indirect_dma semaphore(%arg13 : memref<!tpu.dma_semaphore, #tpu.memory_space<semaphore_mem>>) src(%dma_wait3A_107 : memref<10112x128xf32, #tpu.memory_space<hbm>>) dst(%arg10 : memref<128x128xf32, #tpu.memory_space<vmem>>)
      %dma_start3A_108 = arith.constant 1 : i32
      %dma_start3A_109 = arith.constant 0 : i32
      %dma_start3A_110 = tpu.memref_slice %arg8[%dma_start3A_108, %dma_start3A_109] : memref<40x128xi32, #tpu.memory_space<vmem>> -> memref<1x128xi32, #tpu.memory_space<vmem>>
      %dma_start3A_111 = tpu.memref_squeeze %dma_start3A_110 : memref<1x128xi32, #tpu.memory_space<vmem>> -> memref<128xi32, #tpu.memory_space<vmem>>
      %dma_start3A_112 = arith.constant 0 : i32
      %dma_start3A_113 = arith.constant 0 : i32
      %dma_start3A_114 = tpu.memref_slice %arg11[%dma_start3A_112, %dma_start3A_113] : memref<10112x128xf32, #tpu.memory_space<vmem_shared>> -> memref<10112x128xf32, #tpu.memory_space<vmem_shared>>
      tpu.enqueue_indirect_dma source(%arg10 : memref<128x128xf32, #tpu.memory_space<vmem>>) target(%dma_start3A_114 : memref<10112x128xf32, #tpu.memory_space<vmem_shared>>) offsets(%dma_start3A_111 : memref<128xi32, #tpu.memory_space<vmem>>) semaphore(%arg15 : memref<!tpu.dma_semaphore, #tpu.memory_space<semaphore_mem>>) {add = true}
      %dma_wait3A_115 = arith.constant 0 : i32
      %dma_wait3A_116 = arith.constant 0 : i32
      %dma_wait3A_117 = tpu.memref_slice %arg8[%dma_wait3A_115, %dma_wait3A_116] : memref<40x128xi32, #tpu.memory_space<vmem>> -> memref<1x128xi32, #tpu.memory_space<vmem>>
      %dma_wait3A_118 = tpu.memref_squeeze %dma_wait3A_117 : memref<1x128xi32, #tpu.memory_space<vmem>> -> memref<128xi32, #tpu.memory_space<vmem>>
      %dma_wait3A_119 = arith.constant 0 : i32
      %dma_wait3A_120 = arith.constant 0 : i32
      %dma_wait3A_121 = tpu.memref_slice %arg11[%dma_wait3A_119, %dma_wait3A_120] : memref<10112x128xf32, #tpu.memory_space<vmem_shared>> -> memref<10112x128xf32, #tpu.memory_space<vmem_shared>>
      tpu.wait_indirect_dma semaphore(%arg14 : memref<!tpu.dma_semaphore, #tpu.memory_space<semaphore_mem>>) src(%arg9 : memref<128x128xf32, #tpu.memory_space<vmem>>) dst(%dma_wait3A_121 : memref<10112x128xf32, #tpu.memory_space<vmem_shared>>)
      %dma_start3A_122 = arith.constant 256 : i32
      %dma_start3A_123 = tpu.memref_slice %arg7[%dma_start3A_122] : memref<5120xi32, #tpu.memory_space<vmem>> -> memref<128xi32, #tpu.memory_space<vmem>>
      %dma_start3A_124 = arith.constant 0 : i32
      %dma_start3A_125 = arith.constant 0 : i32
      %dma_start3A_126 = tpu.memref_slice %arg2[%dma_start3A_124, %dma_start3A_125] : memref<10112x128xf32, #tpu.memory_space<hbm>> -> memref<10112x128xf32, #tpu.memory_space<hbm>>
      tpu.enqueue_indirect_dma source(%dma_start3A_126 : memref<10112x128xf32, #tpu.memory_space<hbm>>) target(%arg9 : memref<128x128xf32, #tpu.memory_space<vmem>>) offsets(%dma_start3A_123 : memref<128xi32, #tpu.memory_space<vmem>>) semaphore(%arg12 : memref<!tpu.dma_semaphore, #tpu.memory_space<semaphore_mem>>)
      %scan3A_127 = arith.constant 0 : i32
      %scan3A_128 = arith.constant 1 : i32
      %scan3A_129 = arith.constant 19 : i32
      %scan3A_130 = arith.addi %scan3A_128, %scan3A_129 : i32
      %scan3A_131 = arith.constant 1 : i32
      scf.for %scan3A_215 = %scan3A_128 to %scan3A_130 step %scan3A_131  : i32 {
        %mul3A_216 = arith.constant 2 : i32
        %mul3A_217 = arith.muli %scan3A_215, %mul3A_216 : i32
        %add3A = arith.constant 0 : i32
        %add3A_218 = arith.addi %mul3A_217, %add3A : i32
        %mul3A_219 = arith.constant 128 : i32
        %mul3A_220 = arith.muli %add3A_218, %mul3A_219 : i32
        %dma_wait3A_221 = tpu.memref_slice %arg7[%mul3A_220] : memref<5120xi32, #tpu.memory_space<vmem>> -> memref<128xi32, #tpu.memory_space<vmem>>
        %dma_wait3A_222 = arith.constant 0 : i32
        %dma_wait3A_223 = arith.constant 0 : i32
        %dma_wait3A_224 = tpu.memref_slice %arg2[%dma_wait3A_222, %dma_wait3A_223] : memref<10112x128xf32, #tpu.memory_space<hbm>> -> memref<10112x128xf32, #tpu.memory_space<hbm>>
        tpu.wait_indirect_dma semaphore(%arg12 : memref<!tpu.dma_semaphore, #tpu.memory_space<semaphore_mem>>) src(%dma_wait3A_224 : memref<10112x128xf32, #tpu.memory_space<hbm>>) dst(%arg9 : memref<128x128xf32, #tpu.memory_space<vmem>>)
        %dma_start3A_225 = arith.constant 0 : i32
        %dma_start3A_226 = tpu.memref_slice %arg8[%add3A_218, %dma_start3A_225] : memref<40x128xi32, #tpu.memory_space<vmem>> -> memref<1x128xi32, #tpu.memory_space<vmem>>
        %dma_start3A_227 = tpu.memref_squeeze %dma_start3A_226 : memref<1x128xi32, #tpu.memory_space<vmem>> -> memref<128xi32, #tpu.memory_space<vmem>>
        %dma_start3A_228 = arith.constant 0 : i32
        %dma_start3A_229 = arith.constant 0 : i32
        %dma_start3A_230 = tpu.memref_slice %arg11[%dma_start3A_228, %dma_start3A_229] : memref<10112x128xf32, #tpu.memory_space<vmem_shared>> -> memref<10112x128xf32, #tpu.memory_space<vmem_shared>>
        tpu.enqueue_indirect_dma source(%arg9 : memref<128x128xf32, #tpu.memory_space<vmem>>) target(%dma_start3A_230 : memref<10112x128xf32, #tpu.memory_space<vmem_shared>>) offsets(%dma_start3A_227 : memref<128xi32, #tpu.memory_space<vmem>>) semaphore(%arg14 : memref<!tpu.dma_semaphore, #tpu.memory_space<semaphore_mem>>) {add = true}
        %add3A_231 = arith.constant 1 : i32
        %add3A_232 = arith.addi %add3A_218, %add3A_231 : i32
        %lt3A = arith.constant 40 : i32
        %lt3A_233 = arith.cmpi slt, %add3A_232, %lt3A : i32
        %convert_element_type3A_234 = arith.extui %lt3A_233 : i1 to i32
        %cond3A_235 = arith.constant 0 : i32
        %cond3A_236 = arith.cmpi ne, %convert_element_type3A_234, %cond3A_235 : i32
        scf.if %cond3A_236 {
          %sub3A = arith.constant 1 : i32
          %sub3A_260 = arith.subi %add3A_218, %sub3A : i32
          %dma_wait3A_261 = arith.constant 0 : i32
          %dma_wait3A_262 = tpu.memref_slice %arg8[%sub3A_260, %dma_wait3A_261] : memref<40x128xi32, #tpu.memory_space<vmem>> -> memref<1x128xi32, #tpu.memory_space<vmem>>
          %dma_wait3A_263 = tpu.memref_squeeze %dma_wait3A_262 : memref<1x128xi32, #tpu.memory_space<vmem>> -> memref<128xi32, #tpu.memory_space<vmem>>
          %dma_wait3A_264 = arith.constant 0 : i32
          %dma_wait3A_265 = arith.constant 0 : i32
          %dma_wait3A_266 = tpu.memref_slice %arg11[%dma_wait3A_264, %dma_wait3A_265] : memref<10112x128xf32, #tpu.memory_space<vmem_shared>> -> memref<10112x128xf32, #tpu.memory_space<vmem_shared>>
          tpu.wait_indirect_dma semaphore(%arg15 : memref<!tpu.dma_semaphore, #tpu.memory_space<semaphore_mem>>) src(%arg10 : memref<128x128xf32, #tpu.memory_space<vmem>>) dst(%dma_wait3A_266 : memref<10112x128xf32, #tpu.memory_space<vmem_shared>>)
          %add3A_267 = arith.constant 1 : i32
          %add3A_268 = arith.addi %add3A_218, %add3A_267 : i32
          %mul3A_269 = arith.constant 128 : i32
          %mul3A_270 = arith.muli %add3A_268, %mul3A_269 : i32
          %dma_start3A_271 = tpu.memref_slice %arg7[%mul3A_270] : memref<5120xi32, #tpu.memory_space<vmem>> -> memref<128xi32, #tpu.memory_space<vmem>>
          %dma_start3A_272 = arith.constant 0 : i32
          %dma_start3A_273 = arith.constant 0 : i32
          %dma_start3A_274 = tpu.memref_slice %arg2[%dma_start3A_272, %dma_start3A_273] : memref<10112x128xf32, #tpu.memory_space<hbm>> -> memref<10112x128xf32, #tpu.memory_space<hbm>>
          tpu.enqueue_indirect_dma source(%dma_start3A_274 : memref<10112x128xf32, #tpu.memory_space<hbm>>) target(%arg10 : memref<128x128xf32, #tpu.memory_space<vmem>>) offsets(%dma_start3A_271 : memref<128xi32, #tpu.memory_space<vmem>>) semaphore(%arg13 : memref<!tpu.dma_semaphore, #tpu.memory_space<semaphore_mem>>)
        } else {
        }
        %mul3A_237 = arith.constant 2 : i32
        %mul3A_238 = arith.muli %scan3A_215, %mul3A_237 : i32
        %add3A_239 = arith.constant 1 : i32
        %add3A_240 = arith.addi %mul3A_238, %add3A_239 : i32
        %mul3A_241 = arith.constant 128 : i32
        %mul3A_242 = arith.muli %add3A_240, %mul3A_241 : i32
        %dma_wait3A_243 = tpu.memref_slice %arg7[%mul3A_242] : memref<5120xi32, #tpu.memory_space<vmem>> -> memref<128xi32, #tpu.memory_space<vmem>>
        %dma_wait3A_244 = arith.constant 0 : i32
        %dma_wait3A_245 = arith.constant 0 : i32
        %dma_wait3A_246 = tpu.memref_slice %arg2[%dma_wait3A_244, %dma_wait3A_245] : memref<10112x128xf32, #tpu.memory_space<hbm>> -> memref<10112x128xf32, #tpu.memory_space<hbm>>
        tpu.wait_indirect_dma semaphore(%arg13 : memref<!tpu.dma_semaphore, #tpu.memory_space<semaphore_mem>>) src(%dma_wait3A_246 : memref<10112x128xf32, #tpu.memory_space<hbm>>) dst(%arg10 : memref<128x128xf32, #tpu.memory_space<vmem>>)
        %dma_start3A_247 = arith.constant 0 : i32
        %dma_start3A_248 = tpu.memref_slice %arg8[%add3A_240, %dma_start3A_247] : memref<40x128xi32, #tpu.memory_space<vmem>> -> memref<1x128xi32, #tpu.memory_space<vmem>>
        %dma_start3A_249 = tpu.memref_squeeze %dma_start3A_248 : memref<1x128xi32, #tpu.memory_space<vmem>> -> memref<128xi32, #tpu.memory_space<vmem>>
        %dma_start3A_250 = arith.constant 0 : i32
        %dma_start3A_251 = arith.constant 0 : i32
        %dma_start3A_252 = tpu.memref_slice %arg11[%dma_start3A_250, %dma_start3A_251] : memref<10112x128xf32, #tpu.memory_space<vmem_shared>> -> memref<10112x128xf32, #tpu.memory_space<vmem_shared>>
        tpu.enqueue_indirect_dma source(%arg10 : memref<128x128xf32, #tpu.memory_space<vmem>>) target(%dma_start3A_252 : memref<10112x128xf32, #tpu.memory_space<vmem_shared>>) offsets(%dma_start3A_249 : memref<128xi32, #tpu.memory_space<vmem>>) semaphore(%arg15 : memref<!tpu.dma_semaphore, #tpu.memory_space<semaphore_mem>>) {add = true}
        %add3A_253 = arith.constant 1 : i32
        %add3A_254 = arith.addi %add3A_240, %add3A_253 : i32
        %lt3A_255 = arith.constant 40 : i32
        %lt3A_256 = arith.cmpi slt, %add3A_254, %lt3A_255 : i32
        %convert_element_type3A_257 = arith.extui %lt3A_256 : i1 to i32
        %cond3A_258 = arith.constant 0 : i32
        %cond3A_259 = arith.cmpi ne, %convert_element_type3A_257, %cond3A_258 : i32
        scf.if %cond3A_259 {
          %sub3A = arith.constant 1 : i32
          %sub3A_260 = arith.subi %add3A_240, %sub3A : i32
          %dma_wait3A_261 = arith.constant 0 : i32
          %dma_wait3A_262 = tpu.memref_slice %arg8[%sub3A_260, %dma_wait3A_261] : memref<40x128xi32, #tpu.memory_space<vmem>> -> memref<1x128xi32, #tpu.memory_space<vmem>>
          %dma_wait3A_263 = tpu.memref_squeeze %dma_wait3A_262 : memref<1x128xi32, #tpu.memory_space<vmem>> -> memref<128xi32, #tpu.memory_space<vmem>>
          %dma_wait3A_264 = arith.constant 0 : i32
          %dma_wait3A_265 = arith.constant 0 : i32
          %dma_wait3A_266 = tpu.memref_slice %arg11[%dma_wait3A_264, %dma_wait3A_265] : memref<10112x128xf32, #tpu.memory_space<vmem_shared>> -> memref<10112x128xf32, #tpu.memory_space<vmem_shared>>
          tpu.wait_indirect_dma semaphore(%arg14 : memref<!tpu.dma_semaphore, #tpu.memory_space<semaphore_mem>>) src(%arg9 : memref<128x128xf32, #tpu.memory_space<vmem>>) dst(%dma_wait3A_266 : memref<10112x128xf32, #tpu.memory_space<vmem_shared>>)
          %add3A_267 = arith.constant 1 : i32
          %add3A_268 = arith.addi %add3A_240, %add3A_267 : i32
          %mul3A_269 = arith.constant 128 : i32
          %mul3A_270 = arith.muli %add3A_268, %mul3A_269 : i32
          %dma_start3A_271 = tpu.memref_slice %arg7[%mul3A_270] : memref<5120xi32, #tpu.memory_space<vmem>> -> memref<128xi32, #tpu.memory_space<vmem>>
          %dma_start3A_272 = arith.constant 0 : i32
          %dma_start3A_273 = arith.constant 0 : i32
          %dma_start3A_274 = tpu.memref_slice %arg2[%dma_start3A_272, %dma_start3A_273] : memref<10112x128xf32, #tpu.memory_space<hbm>> -> memref<10112x128xf32, #tpu.memory_space<hbm>>
          tpu.enqueue_indirect_dma source(%dma_start3A_274 : memref<10112x128xf32, #tpu.memory_space<hbm>>) target(%arg9 : memref<128x128xf32, #tpu.memory_space<vmem>>) offsets(%dma_start3A_271 : memref<128xi32, #tpu.memory_space<vmem>>) semaphore(%arg12 : memref<!tpu.dma_semaphore, #tpu.memory_space<semaphore_mem>>)
        } else {
        }
      }
      %scan3A_132 = arith.constant 19 : i32
      %dma_wait3A_133 = arith.constant 38 : i32
      %dma_wait3A_134 = arith.constant 0 : i32
      %dma_wait3A_135 = tpu.memref_slice %arg8[%dma_wait3A_133, %dma_wait3A_134] : memref<40x128xi32, #tpu.memory_space<vmem>> -> memref<1x128xi32, #tpu.memory_space<vmem>>
      %dma_wait3A_136 = tpu.memref_squeeze %dma_wait3A_135 : memref<1x128xi32, #tpu.memory_space<vmem>> -> memref<128xi32, #tpu.memory_space<vmem>>
      %dma_wait3A_137 = arith.constant 0 : i32
      %dma_wait3A_138 = arith.constant 0 : i32
      %dma_wait3A_139 = tpu.memref_slice %arg11[%dma_wait3A_137, %dma_wait3A_138] : memref<10112x128xf32, #tpu.memory_space<vmem_shared>> -> memref<10112x128xf32, #tpu.memory_space<vmem_shared>>
      tpu.wait_indirect_dma semaphore(%arg14 : memref<!tpu.dma_semaphore, #tpu.memory_space<semaphore_mem>>) src(%arg9 : memref<128x128xf32, #tpu.memory_space<vmem>>) dst(%dma_wait3A_139 : memref<10112x128xf32, #tpu.memory_space<vmem_shared>>)
      %dma_wait3A_140 = arith.constant 39 : i32
      %dma_wait3A_141 = arith.constant 0 : i32
      %dma_wait3A_142 = tpu.memref_slice %arg8[%dma_wait3A_140, %dma_wait3A_141] : memref<40x128xi32, #tpu.memory_space<vmem>> -> memref<1x128xi32, #tpu.memory_space<vmem>>
      %dma_wait3A_143 = tpu.memref_squeeze %dma_wait3A_142 : memref<1x128xi32, #tpu.memory_space<vmem>> -> memref<128xi32, #tpu.memory_space<vmem>>
      %dma_wait3A_144 = arith.constant 0 : i32
      %dma_wait3A_145 = arith.constant 0 : i32
      %dma_wait3A_146 = tpu.memref_slice %arg11[%dma_wait3A_144, %dma_wait3A_145] : memref<10112x128xf32, #tpu.memory_space<vmem_shared>> -> memref<10112x128xf32, #tpu.memory_space<vmem_shared>>
      tpu.wait_indirect_dma semaphore(%arg15 : memref<!tpu.dma_semaphore, #tpu.memory_space<semaphore_mem>>) src(%arg10 : memref<128x128xf32, #tpu.memory_space<vmem>>) dst(%dma_wait3A_146 : memref<10112x128xf32, #tpu.memory_space<vmem_shared>>)
      %run_scoped3A_147 = arith.constant 2 : i32
      "tpu.region"() ({
        %run_scoped3A_215 = tpu.sem_alloc : memref<!tpu.dma_semaphore, #tpu.memory_space<semaphore_mem>>
        %dma_start3A_216 = arith.constant 0 : i32
        %dma_start3A_217 = tpu.memref_slice %arg3[%arg1, %run_scoped3A_147, %dma_start3A_216] : memref<16x4x5120xi32, #tpu.memory_space<hbm>> -> memref<1x1x5120xi32, #tpu.memory_space<hbm>>
        %dma_start3A_218 = tpu.memref_squeeze %dma_start3A_217 : memref<1x1x5120xi32, #tpu.memory_space<hbm>> -> memref<5120xi32, #tpu.memory_space<hbm>>
        %dma_start3A_219 = arith.constant 0 : i32
        %dma_start3A_220 = tpu.memref_slice %arg3[%arg1, %run_scoped3A_147, %dma_start3A_219] : memref<16x4x5120xi32, #tpu.memory_space<hbm>> -> memref<1x1x5120xi32, #tpu.memory_space<hbm>>
        %dma_start3A_221 = tpu.memref_squeeze %dma_start3A_220 : memref<1x1x5120xi32, #tpu.memory_space<hbm>> -> memref<5120xi32, #tpu.memory_space<hbm>>
        tpu.enqueue_dma source(%dma_start3A_221 : memref<5120xi32, #tpu.memory_space<hbm>>) target(%arg7 : memref<5120xi32, #tpu.memory_space<vmem>>) target_semaphore(%run_scoped3A_215 : memref<!tpu.dma_semaphore, #tpu.memory_space<semaphore_mem>>)
        %dma_wait3A_222 = arith.constant 0 : i32
        %dma_wait3A_223 = tpu.memref_slice %arg3[%arg1, %run_scoped3A_147, %dma_wait3A_222] : memref<16x4x5120xi32, #tpu.memory_space<hbm>> -> memref<1x1x5120xi32, #tpu.memory_space<hbm>>
        %dma_wait3A_224 = tpu.memref_squeeze %dma_wait3A_223 : memref<1x1x5120xi32, #tpu.memory_space<hbm>> -> memref<5120xi32, #tpu.memory_space<hbm>>
        %dma_wait3A_225 = arith.constant 0 : i32
        %dma_wait3A_226 = tpu.memref_slice %arg3[%arg1, %run_scoped3A_147, %dma_wait3A_225] : memref<16x4x5120xi32, #tpu.memory_space<hbm>> -> memref<1x1x5120xi32, #tpu.memory_space<hbm>>
        %dma_wait3A_227 = tpu.memref_squeeze %dma_wait3A_226 : memref<1x1x5120xi32, #tpu.memory_space<hbm>> -> memref<5120xi32, #tpu.memory_space<hbm>>
        tpu.wait_dma2 semaphore(%run_scoped3A_215 : memref<!tpu.dma_semaphore, #tpu.memory_space<semaphore_mem>>) src(%dma_wait3A_227 : memref<5120xi32, #tpu.memory_space<hbm>>) dst(%arg7 : memref<5120xi32, #tpu.memory_space<vmem>>)
        tpu.yield
      }) : () -> ()
      %run_scoped3A_148 = arith.constant 2 : i32
      "tpu.region"() ({
        %run_scoped3A_215 = tpu.sem_alloc : memref<!tpu.dma_semaphore, #tpu.memory_space<semaphore_mem>>
        %dma_start3A_216 = arith.constant 0 : i32
        %dma_start3A_217 = arith.constant 0 : i32
        %dma_start3A_218 = tpu.memref_slice %arg4[%arg1, %run_scoped3A_148, %dma_start3A_216, %dma_start3A_217] : memref<16x4x40x128xi32, #tpu.memory_space<hbm>> -> memref<1x1x40x128xi32, #tpu.memory_space<hbm>>
        %dma_start3A_219 = tpu.memref_squeeze %dma_start3A_218 : memref<1x1x40x128xi32, #tpu.memory_space<hbm>> -> memref<40x128xi32, #tpu.memory_space<hbm>>
        %dma_start3A_220 = arith.constant 0 : i32
        %dma_start3A_221 = arith.constant 0 : i32
        %dma_start3A_222 = tpu.memref_slice %arg4[%arg1, %run_scoped3A_148, %dma_start3A_220, %dma_start3A_221] : memref<16x4x40x128xi32, #tpu.memory_space<hbm>> -> memref<1x1x40x128xi32, #tpu.memory_space<hbm>>
        %dma_start3A_223 = tpu.memref_squeeze %dma_start3A_222 : memref<1x1x40x128xi32, #tpu.memory_space<hbm>> -> memref<40x128xi32, #tpu.memory_space<hbm>>
        tpu.enqueue_dma source(%dma_start3A_223 : memref<40x128xi32, #tpu.memory_space<hbm>>) target(%arg8 : memref<40x128xi32, #tpu.memory_space<vmem>>) target_semaphore(%run_scoped3A_215 : memref<!tpu.dma_semaphore, #tpu.memory_space<semaphore_mem>>)
        %dma_wait3A_224 = arith.constant 0 : i32
        %dma_wait3A_225 = arith.constant 0 : i32
        %dma_wait3A_226 = tpu.memref_slice %arg4[%arg1, %run_scoped3A_148, %dma_wait3A_224, %dma_wait3A_225] : memref<16x4x40x128xi32, #tpu.memory_space<hbm>> -> memref<1x1x40x128xi32, #tpu.memory_space<hbm>>
        %dma_wait3A_227 = tpu.memref_squeeze %dma_wait3A_226 : memref<1x1x40x128xi32, #tpu.memory_space<hbm>> -> memref<40x128xi32, #tpu.memory_space<hbm>>
        %dma_wait3A_228 = arith.constant 0 : i32
        %dma_wait3A_229 = arith.constant 0 : i32
        %dma_wait3A_230 = tpu.memref_slice %arg4[%arg1, %run_scoped3A_148, %dma_wait3A_228, %dma_wait3A_229] : memref<16x4x40x128xi32, #tpu.memory_space<hbm>> -> memref<1x1x40x128xi32, #tpu.memory_space<hbm>>
        %dma_wait3A_231 = tpu.memref_squeeze %dma_wait3A_230 : memref<1x1x40x128xi32, #tpu.memory_space<hbm>> -> memref<40x128xi32, #tpu.memory_space<hbm>>
        tpu.wait_dma2 semaphore(%run_scoped3A_215 : memref<!tpu.dma_semaphore, #tpu.memory_space<semaphore_mem>>) src(%dma_wait3A_231 : memref<40x128xi32, #tpu.memory_space<hbm>>) dst(%arg8 : memref<40x128xi32, #tpu.memory_space<vmem>>)
        tpu.yield
      }) : () -> ()
      %dma_start3A_149 = arith.constant 0 : i32
      %dma_start3A_150 = tpu.memref_slice %arg7[%dma_start3A_149] : memref<5120xi32, #tpu.memory_space<vmem>> -> memref<128xi32, #tpu.memory_space<vmem>>
      %dma_start3A_151 = arith.constant 0 : i32
      %dma_start3A_152 = arith.constant 0 : i32
      %dma_start3A_153 = tpu.memref_slice %arg2[%dma_start3A_151, %dma_start3A_152] : memref<10112x128xf32, #tpu.memory_space<hbm>> -> memref<10112x128xf32, #tpu.memory_space<hbm>>
      tpu.enqueue_indirect_dma source(%dma_start3A_153 : memref<10112x128xf32, #tpu.memory_space<hbm>>) target(%arg9 : memref<128x128xf32, #tpu.memory_space<vmem>>) offsets(%dma_start3A_150 : memref<128xi32, #tpu.memory_space<vmem>>) semaphore(%arg12 : memref<!tpu.dma_semaphore, #tpu.memory_space<semaphore_mem>>)
      %dma_wait3A_154 = arith.constant 0 : i32
      %dma_wait3A_155 = tpu.memref_slice %arg7[%dma_wait3A_154] : memref<5120xi32, #tpu.memory_space<vmem>> -> memref<128xi32, #tpu.memory_space<vmem>>
      %dma_wait3A_156 = arith.constant 0 : i32
      %dma_wait3A_157 = arith.constant 0 : i32
      %dma_wait3A_158 = tpu.memref_slice %arg2[%dma_wait3A_156, %dma_wait3A_157] : memref<10112x128xf32, #tpu.memory_space<hbm>> -> memref<10112x128xf32, #tpu.memory_space<hbm>>
      tpu.wait_indirect_dma semaphore(%arg12 : memref<!tpu.dma_semaphore, #tpu.memory_space<semaphore_mem>>) src(%dma_wait3A_158 : memref<10112x128xf32, #tpu.memory_space<hbm>>) dst(%arg9 : memref<128x128xf32, #tpu.memory_space<vmem>>)
      %dma_start3A_159 = arith.constant 0 : i32
      %dma_start3A_160 = arith.constant 0 : i32
      %dma_start3A_161 = tpu.memref_slice %arg8[%dma_start3A_159, %dma_start3A_160] : memref<40x128xi32, #tpu.memory_space<vmem>> -> memref<1x128xi32, #tpu.memory_space<vmem>>
      %dma_start3A_162 = tpu.memref_squeeze %dma_start3A_161 : memref<1x128xi32, #tpu.memory_space<vmem>> -> memref<128xi32, #tpu.memory_space<vmem>>
      %dma_start3A_163 = arith.constant 0 : i32
      %dma_start3A_164 = arith.constant 0 : i32
      %dma_start3A_165 = tpu.memref_slice %arg11[%dma_start3A_163, %dma_start3A_164] : memref<10112x128xf32, #tpu.memory_space<vmem_shared>> -> memref<10112x128xf32, #tpu.memory_space<vmem_shared>>
      tpu.enqueue_indirect_dma source(%arg9 : memref<128x128xf32, #tpu.memory_space<vmem>>) target(%dma_start3A_165 : memref<10112x128xf32, #tpu.memory_space<vmem_shared>>) offsets(%dma_start3A_162 : memref<128xi32, #tpu.memory_space<vmem>>) semaphore(%arg14 : memref<!tpu.dma_semaphore, #tpu.memory_space<semaphore_mem>>) {add = true}
      %dma_start3A_166 = arith.constant 128 : i32
      %dma_start3A_167 = tpu.memref_slice %arg7[%dma_start3A_166] : memref<5120xi32, #tpu.memory_space<vmem>> -> memref<128xi32, #tpu.memory_space<vmem>>
      %dma_start3A_168 = arith.constant 0 : i32
      %dma_start3A_169 = arith.constant 0 : i32
      %dma_start3A_170 = tpu.memref_slice %arg2[%dma_start3A_168, %dma_start3A_169] : memref<10112x128xf32, #tpu.memory_space<hbm>> -> memref<10112x128xf32, #tpu.memory_space<hbm>>
      tpu.enqueue_indirect_dma source(%dma_start3A_170 : memref<10112x128xf32, #tpu.memory_space<hbm>>) target(%arg10 : memref<128x128xf32, #tpu.memory_space<vmem>>) offsets(%dma_start3A_167 : memref<128xi32, #tpu.memory_space<vmem>>) semaphore(%arg13 : memref<!tpu.dma_semaphore, #tpu.memory_space<semaphore_mem>>)
      %dma_wait3A_171 = arith.constant 128 : i32
      %dma_wait3A_172 = tpu.memref_slice %arg7[%dma_wait3A_171] : memref<5120xi32, #tpu.memory_space<vmem>> -> memref<128xi32, #tpu.memory_space<vmem>>
      %dma_wait3A_173 = arith.constant 0 : i32
      %dma_wait3A_174 = arith.constant 0 : i32
      %dma_wait3A_175 = tpu.memref_slice %arg2[%dma_wait3A_173, %dma_wait3A_174] : memref<10112x128xf32, #tpu.memory_space<hbm>> -> memref<10112x128xf32, #tpu.memory_space<hbm>>
      tpu.wait_indirect_dma semaphore(%arg13 : memref<!tpu.dma_semaphore, #tpu.memory_space<semaphore_mem>>) src(%dma_wait3A_175 : memref<10112x128xf32, #tpu.memory_space<hbm>>) dst(%arg10 : memref<128x128xf32, #tpu.memory_space<vmem>>)
      %dma_start3A_176 = arith.constant 1 : i32
      %dma_start3A_177 = arith.constant 0 : i32
      %dma_start3A_178 = tpu.memref_slice %arg8[%dma_start3A_176, %dma_start3A_177] : memref<40x128xi32, #tpu.memory_space<vmem>> -> memref<1x128xi32, #tpu.memory_space<vmem>>
      %dma_start3A_179 = tpu.memref_squeeze %dma_start3A_178 : memref<1x128xi32, #tpu.memory_space<vmem>> -> memref<128xi32, #tpu.memory_space<vmem>>
      %dma_start3A_180 = arith.constant 0 : i32
      %dma_start3A_181 = arith.constant 0 : i32
      %dma_start3A_182 = tpu.memref_slice %arg11[%dma_start3A_180, %dma_start3A_181] : memref<10112x128xf32, #tpu.memory_space<vmem_shared>> -> memref<10112x128xf32, #tpu.memory_space<vmem_shared>>
      tpu.enqueue_indirect_dma source(%arg10 : memref<128x128xf32, #tpu.memory_space<vmem>>) target(%dma_start3A_182 : memref<10112x128xf32, #tpu.memory_space<vmem_shared>>) offsets(%dma_start3A_179 : memref<128xi32, #tpu.memory_space<vmem>>) semaphore(%arg15 : memref<!tpu.dma_semaphore, #tpu.memory_space<semaphore_mem>>) {add = true}
      %dma_wait3A_183 = arith.constant 0 : i32
      %dma_wait3A_184 = arith.constant 0 : i32
      %dma_wait3A_185 = tpu.memref_slice %arg8[%dma_wait3A_183, %dma_wait3A_184] : memref<40x128xi32, #tpu.memory_space<vmem>> -> memref<1x128xi32, #tpu.memory_space<vmem>>
      %dma_wait3A_186 = tpu.memref_squeeze %dma_wait3A_185 : memref<1x128xi32, #tpu.memory_space<vmem>> -> memref<128xi32, #tpu.memory_space<vmem>>
      %dma_wait3A_187 = arith.constant 0 : i32
      %dma_wait3A_188 = arith.constant 0 : i32
      %dma_wait3A_189 = tpu.memref_slice %arg11[%dma_wait3A_187, %dma_wait3A_188] : memref<10112x128xf32, #tpu.memory_space<vmem_shared>> -> memref<10112x128xf32, #tpu.memory_space<vmem_shared>>
      tpu.wait_indirect_dma semaphore(%arg14 : memref<!tpu.dma_semaphore, #tpu.memory_space<semaphore_mem>>) src(%arg9 : memref<128x128xf32, #tpu.memory_space<vmem>>) dst(%dma_wait3A_189 : memref<10112x128xf32, #tpu.memory_space<vmem_shared>>)
      %dma_start3A_190 = arith.constant 256 : i32
      %dma_start3A_191 = tpu.memref_slice %arg7[%dma_start3A_190] : memref<5120xi32, #tpu.memory_space<vmem>> -> memref<128xi32, #tpu.memory_space<vmem>>
      %dma_start3A_192 = arith.constant 0 : i32
      %dma_start3A_193 = arith.constant 0 : i32
      %dma_start3A_194 = tpu.memref_slice %arg2[%dma_start3A_192, %dma_start3A_193] : memref<10112x128xf32, #tpu.memory_space<hbm>> -> memref<10112x128xf32, #tpu.memory_space<hbm>>
      tpu.enqueue_indirect_dma source(%dma_start3A_194 : memref<10112x128xf32, #tpu.memory_space<hbm>>) target(%arg9 : memref<128x128xf32, #tpu.memory_space<vmem>>) offsets(%dma_start3A_191 : memref<128xi32, #tpu.memory_space<vmem>>) semaphore(%arg12 : memref<!tpu.dma_semaphore, #tpu.memory_space<semaphore_mem>>)
      %scan3A_195 = arith.constant 0 : i32
      %scan3A_196 = arith.constant 1 : i32
      %scan3A_197 = arith.constant 19 : i32
      %scan3A_198 = arith.addi %scan3A_196, %scan3A_197 : i32
      %scan3A_199 = arith.constant 1 : i32
      scf.for %scan3A_215 = %scan3A_196 to %scan3A_198 step %scan3A_199  : i32 {
        %mul3A_216 = arith.constant 2 : i32
        %mul3A_217 = arith.muli %scan3A_215, %mul3A_216 : i32
        %add3A = arith.constant 0 : i32
        %add3A_218 = arith.addi %mul3A_217, %add3A : i32
        %mul3A_219 = arith.constant 128 : i32
        %mul3A_220 = arith.muli %add3A_218, %mul3A_219 : i32
        %dma_wait3A_221 = tpu.memref_slice %arg7[%mul3A_220] : memref<5120xi32, #tpu.memory_space<vmem>> -> memref<128xi32, #tpu.memory_space<vmem>>
        %dma_wait3A_222 = arith.constant 0 : i32
        %dma_wait3A_223 = arith.constant 0 : i32
        %dma_wait3A_224 = tpu.memref_slice %arg2[%dma_wait3A_222, %dma_wait3A_223] : memref<10112x128xf32, #tpu.memory_space<hbm>> -> memref<10112x128xf32, #tpu.memory_space<hbm>>
        tpu.wait_indirect_dma semaphore(%arg12 : memref<!tpu.dma_semaphore, #tpu.memory_space<semaphore_mem>>) src(%dma_wait3A_224 : memref<10112x128xf32, #tpu.memory_space<hbm>>) dst(%arg9 : memref<128x128xf32, #tpu.memory_space<vmem>>)
        %dma_start3A_225 = arith.constant 0 : i32
        %dma_start3A_226 = tpu.memref_slice %arg8[%add3A_218, %dma_start3A_225] : memref<40x128xi32, #tpu.memory_space<vmem>> -> memref<1x128xi32, #tpu.memory_space<vmem>>
        %dma_start3A_227 = tpu.memref_squeeze %dma_start3A_226 : memref<1x128xi32, #tpu.memory_space<vmem>> -> memref<128xi32, #tpu.memory_space<vmem>>
        %dma_start3A_228 = arith.constant 0 : i32
        %dma_start3A_229 = arith.constant 0 : i32
        %dma_start3A_230 = tpu.memref_slice %arg11[%dma_start3A_228, %dma_start3A_229] : memref<10112x128xf32, #tpu.memory_space<vmem_shared>> -> memref<10112x128xf32, #tpu.memory_space<vmem_shared>>
        tpu.enqueue_indirect_dma source(%arg9 : memref<128x128xf32, #tpu.memory_space<vmem>>) target(%dma_start3A_230 : memref<10112x128xf32, #tpu.memory_space<vmem_shared>>) offsets(%dma_start3A_227 : memref<128xi32, #tpu.memory_space<vmem>>) semaphore(%arg14 : memref<!tpu.dma_semaphore, #tpu.memory_space<semaphore_mem>>) {add = true}
        %add3A_231 = arith.constant 1 : i32
        %add3A_232 = arith.addi %add3A_218, %add3A_231 : i32
        %lt3A = arith.constant 40 : i32
        %lt3A_233 = arith.cmpi slt, %add3A_232, %lt3A : i32
        %convert_element_type3A_234 = arith.extui %lt3A_233 : i1 to i32
        %cond3A_235 = arith.constant 0 : i32
        %cond3A_236 = arith.cmpi ne, %convert_element_type3A_234, %cond3A_235 : i32
        scf.if %cond3A_236 {
          %sub3A = arith.constant 1 : i32
          %sub3A_260 = arith.subi %add3A_218, %sub3A : i32
          %dma_wait3A_261 = arith.constant 0 : i32
          %dma_wait3A_262 = tpu.memref_slice %arg8[%sub3A_260, %dma_wait3A_261] : memref<40x128xi32, #tpu.memory_space<vmem>> -> memref<1x128xi32, #tpu.memory_space<vmem>>
          %dma_wait3A_263 = tpu.memref_squeeze %dma_wait3A_262 : memref<1x128xi32, #tpu.memory_space<vmem>> -> memref<128xi32, #tpu.memory_space<vmem>>
          %dma_wait3A_264 = arith.constant 0 : i32
          %dma_wait3A_265 = arith.constant 0 : i32
          %dma_wait3A_266 = tpu.memref_slice %arg11[%dma_wait3A_264, %dma_wait3A_265] : memref<10112x128xf32, #tpu.memory_space<vmem_shared>> -> memref<10112x128xf32, #tpu.memory_space<vmem_shared>>
          tpu.wait_indirect_dma semaphore(%arg15 : memref<!tpu.dma_semaphore, #tpu.memory_space<semaphore_mem>>) src(%arg10 : memref<128x128xf32, #tpu.memory_space<vmem>>) dst(%dma_wait3A_266 : memref<10112x128xf32, #tpu.memory_space<vmem_shared>>)
          %add3A_267 = arith.constant 1 : i32
          %add3A_268 = arith.addi %add3A_218, %add3A_267 : i32
          %mul3A_269 = arith.constant 128 : i32
          %mul3A_270 = arith.muli %add3A_268, %mul3A_269 : i32
          %dma_start3A_271 = tpu.memref_slice %arg7[%mul3A_270] : memref<5120xi32, #tpu.memory_space<vmem>> -> memref<128xi32, #tpu.memory_space<vmem>>
          %dma_start3A_272 = arith.constant 0 : i32
          %dma_start3A_273 = arith.constant 0 : i32
          %dma_start3A_274 = tpu.memref_slice %arg2[%dma_start3A_272, %dma_start3A_273] : memref<10112x128xf32, #tpu.memory_space<hbm>> -> memref<10112x128xf32, #tpu.memory_space<hbm>>
          tpu.enqueue_indirect_dma source(%dma_start3A_274 : memref<10112x128xf32, #tpu.memory_space<hbm>>) target(%arg10 : memref<128x128xf32, #tpu.memory_space<vmem>>) offsets(%dma_start3A_271 : memref<128xi32, #tpu.memory_space<vmem>>) semaphore(%arg13 : memref<!tpu.dma_semaphore, #tpu.memory_space<semaphore_mem>>)
        } else {
        }
        %mul3A_237 = arith.constant 2 : i32
        %mul3A_238 = arith.muli %scan3A_215, %mul3A_237 : i32
        %add3A_239 = arith.constant 1 : i32
        %add3A_240 = arith.addi %mul3A_238, %add3A_239 : i32
        %mul3A_241 = arith.constant 128 : i32
        %mul3A_242 = arith.muli %add3A_240, %mul3A_241 : i32
        %dma_wait3A_243 = tpu.memref_slice %arg7[%mul3A_242] : memref<5120xi32, #tpu.memory_space<vmem>> -> memref<128xi32, #tpu.memory_space<vmem>>
        %dma_wait3A_244 = arith.constant 0 : i32
        %dma_wait3A_245 = arith.constant 0 : i32
        %dma_wait3A_246 = tpu.memref_slice %arg2[%dma_wait3A_244, %dma_wait3A_245] : memref<10112x128xf32, #tpu.memory_space<hbm>> -> memref<10112x128xf32, #tpu.memory_space<hbm>>
        tpu.wait_indirect_dma semaphore(%arg13 : memref<!tpu.dma_semaphore, #tpu.memory_space<semaphore_mem>>) src(%dma_wait3A_246 : memref<10112x128xf32, #tpu.memory_space<hbm>>) dst(%arg10 : memref<128x128xf32, #tpu.memory_space<vmem>>)
        %dma_start3A_247 = arith.constant 0 : i32
        %dma_start3A_248 = tpu.memref_slice %arg8[%add3A_240, %dma_start3A_247] : memref<40x128xi32, #tpu.memory_space<vmem>> -> memref<1x128xi32, #tpu.memory_space<vmem>>
        %dma_start3A_249 = tpu.memref_squeeze %dma_start3A_248 : memref<1x128xi32, #tpu.memory_space<vmem>> -> memref<128xi32, #tpu.memory_space<vmem>>
        %dma_start3A_250 = arith.constant 0 : i32
        %dma_start3A_251 = arith.constant 0 : i32
        %dma_start3A_252 = tpu.memref_slice %arg11[%dma_start3A_250, %dma_start3A_251] : memref<10112x128xf32, #tpu.memory_space<vmem_shared>> -> memref<10112x128xf32, #tpu.memory_space<vmem_shared>>
        tpu.enqueue_indirect_dma source(%arg10 : memref<128x128xf32, #tpu.memory_space<vmem>>) target(%dma_start3A_252 : memref<10112x128xf32, #tpu.memory_space<vmem_shared>>) offsets(%dma_start3A_249 : memref<128xi32, #tpu.memory_space<vmem>>) semaphore(%arg15 : memref<!tpu.dma_semaphore, #tpu.memory_space<semaphore_mem>>) {add = true}
        %add3A_253 = arith.constant 1 : i32
        %add3A_254 = arith.addi %add3A_240, %add3A_253 : i32
        %lt3A_255 = arith.constant 40 : i32
        %lt3A_256 = arith.cmpi slt, %add3A_254, %lt3A_255 : i32
        %convert_element_type3A_257 = arith.extui %lt3A_256 : i1 to i32
        %cond3A_258 = arith.constant 0 : i32
        %cond3A_259 = arith.cmpi ne, %convert_element_type3A_257, %cond3A_258 : i32
        scf.if %cond3A_259 {
          %sub3A = arith.constant 1 : i32
          %sub3A_260 = arith.subi %add3A_240, %sub3A : i32
          %dma_wait3A_261 = arith.constant 0 : i32
          %dma_wait3A_262 = tpu.memref_slice %arg8[%sub3A_260, %dma_wait3A_261] : memref<40x128xi32, #tpu.memory_space<vmem>> -> memref<1x128xi32, #tpu.memory_space<vmem>>
          %dma_wait3A_263 = tpu.memref_squeeze %dma_wait3A_262 : memref<1x128xi32, #tpu.memory_space<vmem>> -> memref<128xi32, #tpu.memory_space<vmem>>
          %dma_wait3A_264 = arith.constant 0 : i32
          %dma_wait3A_265 = arith.constant 0 : i32
          %dma_wait3A_266 = tpu.memref_slice %arg11[%dma_wait3A_264, %dma_wait3A_265] : memref<10112x128xf32, #tpu.memory_space<vmem_shared>> -> memref<10112x128xf32, #tpu.memory_space<vmem_shared>>
          tpu.wait_indirect_dma semaphore(%arg14 : memref<!tpu.dma_semaphore, #tpu.memory_space<semaphore_mem>>) src(%arg9 : memref<128x128xf32, #tpu.memory_space<vmem>>) dst(%dma_wait3A_266 : memref<10112x128xf32, #tpu.memory_space<vmem_shared>>)
          %add3A_267 = arith.constant 1 : i32
          %add3A_268 = arith.addi %add3A_240, %add3A_267 : i32
          %mul3A_269 = arith.constant 128 : i32
          %mul3A_270 = arith.muli %add3A_268, %mul3A_269 : i32
          %dma_start3A_271 = tpu.memref_slice %arg7[%mul3A_270] : memref<5120xi32, #tpu.memory_space<vmem>> -> memref<128xi32, #tpu.memory_space<vmem>>
          %dma_start3A_272 = arith.constant 0 : i32
          %dma_start3A_273 = arith.constant 0 : i32
          %dma_start3A_274 = tpu.memref_slice %arg2[%dma_start3A_272, %dma_start3A_273] : memref<10112x128xf32, #tpu.memory_space<hbm>> -> memref<10112x128xf32, #tpu.memory_space<hbm>>
          tpu.enqueue_indirect_dma source(%dma_start3A_274 : memref<10112x128xf32, #tpu.memory_space<hbm>>) target(%arg9 : memref<128x128xf32, #tpu.memory_space<vmem>>) offsets(%dma_start3A_271 : memref<128xi32, #tpu.memory_space<vmem>>) semaphore(%arg12 : memref<!tpu.dma_semaphore, #tpu.memory_space<semaphore_mem>>)
        } else {
        }
      }
      %scan3A_200 = arith.constant 19 : i32
      %dma_wait3A_201 = arith.constant 38 : i32
      %dma_wait3A_202 = arith.constant 0 : i32
      %dma_wait3A_203 = tpu.memref_slice %arg8[%dma_wait3A_201, %dma_wait3A_202] : memref<40x128xi32, #tpu.memory_space<vmem>> -> memref<1x128xi32, #tpu.memory_space<vmem>>
      %dma_wait3A_204 = tpu.memref_squeeze %dma_wait3A_203 : memref<1x128xi32, #tpu.memory_space<vmem>> -> memref<128xi32, #tpu.memory_space<vmem>>
      %dma_wait3A_205 = arith.constant 0 : i32
      %dma_wait3A_206 = arith.constant 0 : i32
      %dma_wait3A_207 = tpu.memref_slice %arg11[%dma_wait3A_205, %dma_wait3A_206] : memref<10112x128xf32, #tpu.memory_space<vmem_shared>> -> memref<10112x128xf32, #tpu.memory_space<vmem_shared>>
      tpu.wait_indirect_dma semaphore(%arg14 : memref<!tpu.dma_semaphore, #tpu.memory_space<semaphore_mem>>) src(%arg9 : memref<128x128xf32, #tpu.memory_space<vmem>>) dst(%dma_wait3A_207 : memref<10112x128xf32, #tpu.memory_space<vmem_shared>>)
      %dma_wait3A_208 = arith.constant 39 : i32
      %dma_wait3A_209 = arith.constant 0 : i32
      %dma_wait3A_210 = tpu.memref_slice %arg8[%dma_wait3A_208, %dma_wait3A_209] : memref<40x128xi32, #tpu.memory_space<vmem>> -> memref<1x128xi32, #tpu.memory_space<vmem>>
      %dma_wait3A_211 = tpu.memref_squeeze %dma_wait3A_210 : memref<1x128xi32, #tpu.memory_space<vmem>> -> memref<128xi32, #tpu.memory_space<vmem>>
      %dma_wait3A_212 = arith.constant 0 : i32
      %dma_wait3A_213 = arith.constant 0 : i32
      %dma_wait3A_214 = tpu.memref_slice %arg11[%dma_wait3A_212, %dma_wait3A_213] : memref<10112x128xf32, #tpu.memory_space<vmem_shared>> -> memref<10112x128xf32, #tpu.memory_space<vmem_shared>>
      tpu.wait_indirect_dma semaphore(%arg15 : memref<!tpu.dma_semaphore, #tpu.memory_space<semaphore_mem>>) src(%arg10 : memref<128x128xf32, #tpu.memory_space<vmem>>) dst(%dma_wait3A_214 : memref<10112x128xf32, #tpu.memory_space<vmem_shared>>)
    } else {
    }
    %eq3A_5 = arith.constant 1 : i32
    %eq3A_6 = arith.cmpi eq, %arg0, %eq3A_5 : i32
    %convert_element_type3A_7 = arith.extui %eq3A_6 : i1 to i32
    %cond3A_8 = arith.constant 0 : i32
    %cond3A_9 = arith.cmpi ne, %convert_element_type3A_7, %cond3A_8 : i32
    scf.if %cond3A_9 {
      %run_scoped3A = arith.constant 3 : i32
      "tpu.region"() ({
        %run_scoped3A_79 = tpu.sem_alloc : memref<!tpu.dma_semaphore, #tpu.memory_space<semaphore_mem>>
        %dma_start3A_80 = arith.constant 0 : i32
        %dma_start3A_81 = tpu.memref_slice %arg3[%arg1, %run_scoped3A, %dma_start3A_80] : memref<16x4x5120xi32, #tpu.memory_space<hbm>> -> memref<1x1x5120xi32, #tpu.memory_space<hbm>>
        %dma_start3A_82 = tpu.memref_squeeze %dma_start3A_81 : memref<1x1x5120xi32, #tpu.memory_space<hbm>> -> memref<5120xi32, #tpu.memory_space<hbm>>
        %dma_start3A_83 = arith.constant 0 : i32
        %dma_start3A_84 = tpu.memref_slice %arg3[%arg1, %run_scoped3A, %dma_start3A_83] : memref<16x4x5120xi32, #tpu.memory_space<hbm>> -> memref<1x1x5120xi32, #tpu.memory_space<hbm>>
        %dma_start3A_85 = tpu.memref_squeeze %dma_start3A_84 : memref<1x1x5120xi32, #tpu.memory_space<hbm>> -> memref<5120xi32, #tpu.memory_space<hbm>>
        tpu.enqueue_dma source(%dma_start3A_85 : memref<5120xi32, #tpu.memory_space<hbm>>) target(%arg7 : memref<5120xi32, #tpu.memory_space<vmem>>) target_semaphore(%run_scoped3A_79 : memref<!tpu.dma_semaphore, #tpu.memory_space<semaphore_mem>>)
        %dma_wait3A_86 = arith.constant 0 : i32
        %dma_wait3A_87 = tpu.memref_slice %arg3[%arg1, %run_scoped3A, %dma_wait3A_86] : memref<16x4x5120xi32, #tpu.memory_space<hbm>> -> memref<1x1x5120xi32, #tpu.memory_space<hbm>>
        %dma_wait3A_88 = tpu.memref_squeeze %dma_wait3A_87 : memref<1x1x5120xi32, #tpu.memory_space<hbm>> -> memref<5120xi32, #tpu.memory_space<hbm>>
        %dma_wait3A_89 = arith.constant 0 : i32
        %dma_wait3A_90 = tpu.memref_slice %arg3[%arg1, %run_scoped3A, %dma_wait3A_89] : memref<16x4x5120xi32, #tpu.memory_space<hbm>> -> memref<1x1x5120xi32, #tpu.memory_space<hbm>>
        %dma_wait3A_91 = tpu.memref_squeeze %dma_wait3A_90 : memref<1x1x5120xi32, #tpu.memory_space<hbm>> -> memref<5120xi32, #tpu.memory_space<hbm>>
        tpu.wait_dma2 semaphore(%run_scoped3A_79 : memref<!tpu.dma_semaphore, #tpu.memory_space<semaphore_mem>>) src(%dma_wait3A_91 : memref<5120xi32, #tpu.memory_space<hbm>>) dst(%arg7 : memref<5120xi32, #tpu.memory_space<vmem>>)
        tpu.yield
      }) : () -> ()
      %run_scoped3A_15 = arith.constant 3 : i32
      "tpu.region"() ({
        %run_scoped3A_79 = tpu.sem_alloc : memref<!tpu.dma_semaphore, #tpu.memory_space<semaphore_mem>>
        %dma_start3A_80 = arith.constant 0 : i32
        %dma_start3A_81 = arith.constant 0 : i32
        %dma_start3A_82 = tpu.memref_slice %arg4[%arg1, %run_scoped3A_15, %dma_start3A_80, %dma_start3A_81] : memref<16x4x40x128xi32, #tpu.memory_space<hbm>> -> memref<1x1x40x128xi32, #tpu.memory_space<hbm>>
        %dma_start3A_83 = tpu.memref_squeeze %dma_start3A_82 : memref<1x1x40x128xi32, #tpu.memory_space<hbm>> -> memref<40x128xi32, #tpu.memory_space<hbm>>
        %dma_start3A_84 = arith.constant 0 : i32
        %dma_start3A_85 = arith.constant 0 : i32
        %dma_start3A_86 = tpu.memref_slice %arg4[%arg1, %run_scoped3A_15, %dma_start3A_84, %dma_start3A_85] : memref<16x4x40x128xi32, #tpu.memory_space<hbm>> -> memref<1x1x40x128xi32, #tpu.memory_space<hbm>>
        %dma_start3A_87 = tpu.memref_squeeze %dma_start3A_86 : memref<1x1x40x128xi32, #tpu.memory_space<hbm>> -> memref<40x128xi32, #tpu.memory_space<hbm>>
        tpu.enqueue_dma source(%dma_start3A_87 : memref<40x128xi32, #tpu.memory_space<hbm>>) target(%arg8 : memref<40x128xi32, #tpu.memory_space<vmem>>) target_semaphore(%run_scoped3A_79 : memref<!tpu.dma_semaphore, #tpu.memory_space<semaphore_mem>>)
        %dma_wait3A_88 = arith.constant 0 : i32
        %dma_wait3A_89 = arith.constant 0 : i32
        %dma_wait3A_90 = tpu.memref_slice %arg4[%arg1, %run_scoped3A_15, %dma_wait3A_88, %dma_wait3A_89] : memref<16x4x40x128xi32, #tpu.memory_space<hbm>> -> memref<1x1x40x128xi32, #tpu.memory_space<hbm>>
        %dma_wait3A_91 = tpu.memref_squeeze %dma_wait3A_90 : memref<1x1x40x128xi32, #tpu.memory_space<hbm>> -> memref<40x128xi32, #tpu.memory_space<hbm>>
        %dma_wait3A_92 = arith.constant 0 : i32
        %dma_wait3A_93 = arith.constant 0 : i32
        %dma_wait3A_94 = tpu.memref_slice %arg4[%arg1, %run_scoped3A_15, %dma_wait3A_92, %dma_wait3A_93] : memref<16x4x40x128xi32, #tpu.memory_space<hbm>> -> memref<1x1x40x128xi32, #tpu.memory_space<hbm>>
        %dma_wait3A_95 = tpu.memref_squeeze %dma_wait3A_94 : memref<1x1x40x128xi32, #tpu.memory_space<hbm>> -> memref<40x128xi32, #tpu.memory_space<hbm>>
        tpu.wait_dma2 semaphore(%run_scoped3A_79 : memref<!tpu.dma_semaphore, #tpu.memory_space<semaphore_mem>>) src(%dma_wait3A_95 : memref<40x128xi32, #tpu.memory_space<hbm>>) dst(%arg8 : memref<40x128xi32, #tpu.memory_space<vmem>>)
        tpu.yield
      }) : () -> ()
      %dma_start3A = arith.constant 0 : i32
      %dma_start3A_16 = tpu.memref_slice %arg7[%dma_start3A] : memref<5120xi32, #tpu.memory_space<vmem>> -> memref<128xi32, #tpu.memory_space<vmem>>
      %dma_start3A_17 = arith.constant 0 : i32
      %dma_start3A_18 = arith.constant 0 : i32
      %dma_start3A_19 = tpu.memref_slice %arg2[%dma_start3A_17, %dma_start3A_18] : memref<10112x128xf32, #tpu.memory_space<hbm>> -> memref<10112x128xf32, #tpu.memory_space<hbm>>
      tpu.enqueue_indirect_dma source(%dma_start3A_19 : memref<10112x128xf32, #tpu.memory_space<hbm>>) target(%arg9 : memref<128x128xf32, #tpu.memory_space<vmem>>) offsets(%dma_start3A_16 : memref<128xi32, #tpu.memory_space<vmem>>) semaphore(%arg12 : memref<!tpu.dma_semaphore, #tpu.memory_space<semaphore_mem>>)
      %dma_wait3A = arith.constant 0 : i32
      %dma_wait3A_20 = tpu.memref_slice %arg7[%dma_wait3A] : memref<5120xi32, #tpu.memory_space<vmem>> -> memref<128xi32, #tpu.memory_space<vmem>>
      %dma_wait3A_21 = arith.constant 0 : i32
      %dma_wait3A_22 = arith.constant 0 : i32
      %dma_wait3A_23 = tpu.memref_slice %arg2[%dma_wait3A_21, %dma_wait3A_22] : memref<10112x128xf32, #tpu.memory_space<hbm>> -> memref<10112x128xf32, #tpu.memory_space<hbm>>
      tpu.wait_indirect_dma semaphore(%arg12 : memref<!tpu.dma_semaphore, #tpu.memory_space<semaphore_mem>>) src(%dma_wait3A_23 : memref<10112x128xf32, #tpu.memory_space<hbm>>) dst(%arg9 : memref<128x128xf32, #tpu.memory_space<vmem>>)
      %dma_start3A_24 = arith.constant 0 : i32
      %dma_start3A_25 = arith.constant 0 : i32
      %dma_start3A_26 = tpu.memref_slice %arg8[%dma_start3A_24, %dma_start3A_25] : memref<40x128xi32, #tpu.memory_space<vmem>> -> memref<1x128xi32, #tpu.memory_space<vmem>>
      %dma_start3A_27 = tpu.memref_squeeze %dma_start3A_26 : memref<1x128xi32, #tpu.memory_space<vmem>> -> memref<128xi32, #tpu.memory_space<vmem>>
      %dma_start3A_28 = arith.constant 0 : i32
      %dma_start3A_29 = arith.constant 0 : i32
      %dma_start3A_30 = tpu.memref_slice %arg11[%dma_start3A_28, %dma_start3A_29] : memref<10112x128xf32, #tpu.memory_space<vmem_shared>> -> memref<10112x128xf32, #tpu.memory_space<vmem_shared>>
      tpu.enqueue_indirect_dma source(%arg9 : memref<128x128xf32, #tpu.memory_space<vmem>>) target(%dma_start3A_30 : memref<10112x128xf32, #tpu.memory_space<vmem_shared>>) offsets(%dma_start3A_27 : memref<128xi32, #tpu.memory_space<vmem>>) semaphore(%arg14 : memref<!tpu.dma_semaphore, #tpu.memory_space<semaphore_mem>>) {add = true}
      %dma_start3A_31 = arith.constant 128 : i32
      %dma_start3A_32 = tpu.memref_slice %arg7[%dma_start3A_31] : memref<5120xi32, #tpu.memory_space<vmem>> -> memref<128xi32, #tpu.memory_space<vmem>>
      %dma_start3A_33 = arith.constant 0 : i32
      %dma_start3A_34 = arith.constant 0 : i32
      %dma_start3A_35 = tpu.memref_slice %arg2[%dma_start3A_33, %dma_start3A_34] : memref<10112x128xf32, #tpu.memory_space<hbm>> -> memref<10112x128xf32, #tpu.memory_space<hbm>>
      tpu.enqueue_indirect_dma source(%dma_start3A_35 : memref<10112x128xf32, #tpu.memory_space<hbm>>) target(%arg10 : memref<128x128xf32, #tpu.memory_space<vmem>>) offsets(%dma_start3A_32 : memref<128xi32, #tpu.memory_space<vmem>>) semaphore(%arg13 : memref<!tpu.dma_semaphore, #tpu.memory_space<semaphore_mem>>)
      %dma_wait3A_36 = arith.constant 128 : i32
      %dma_wait3A_37 = tpu.memref_slice %arg7[%dma_wait3A_36] : memref<5120xi32, #tpu.memory_space<vmem>> -> memref<128xi32, #tpu.memory_space<vmem>>
      %dma_wait3A_38 = arith.constant 0 : i32
      %dma_wait3A_39 = arith.constant 0 : i32
      %dma_wait3A_40 = tpu.memref_slice %arg2[%dma_wait3A_38, %dma_wait3A_39] : memref<10112x128xf32, #tpu.memory_space<hbm>> -> memref<10112x128xf32, #tpu.memory_space<hbm>>
      tpu.wait_indirect_dma semaphore(%arg13 : memref<!tpu.dma_semaphore, #tpu.memory_space<semaphore_mem>>) src(%dma_wait3A_40 : memref<10112x128xf32, #tpu.memory_space<hbm>>) dst(%arg10 : memref<128x128xf32, #tpu.memory_space<vmem>>)
      %dma_start3A_41 = arith.constant 1 : i32
      %dma_start3A_42 = arith.constant 0 : i32
      %dma_start3A_43 = tpu.memref_slice %arg8[%dma_start3A_41, %dma_start3A_42] : memref<40x128xi32, #tpu.memory_space<vmem>> -> memref<1x128xi32, #tpu.memory_space<vmem>>
      %dma_start3A_44 = tpu.memref_squeeze %dma_start3A_43 : memref<1x128xi32, #tpu.memory_space<vmem>> -> memref<128xi32, #tpu.memory_space<vmem>>
      %dma_start3A_45 = arith.constant 0 : i32
      %dma_start3A_46 = arith.constant 0 : i32
      %dma_start3A_47 = tpu.memref_slice %arg11[%dma_start3A_45, %dma_start3A_46] : memref<10112x128xf32, #tpu.memory_space<vmem_shared>> -> memref<10112x128xf32, #tpu.memory_space<vmem_shared>>
      tpu.enqueue_indirect_dma source(%arg10 : memref<128x128xf32, #tpu.memory_space<vmem>>) target(%dma_start3A_47 : memref<10112x128xf32, #tpu.memory_space<vmem_shared>>) offsets(%dma_start3A_44 : memref<128xi32, #tpu.memory_space<vmem>>) semaphore(%arg15 : memref<!tpu.dma_semaphore, #tpu.memory_space<semaphore_mem>>) {add = true}
      %dma_wait3A_48 = arith.constant 0 : i32
      %dma_wait3A_49 = arith.constant 0 : i32
      %dma_wait3A_50 = tpu.memref_slice %arg8[%dma_wait3A_48, %dma_wait3A_49] : memref<40x128xi32, #tpu.memory_space<vmem>> -> memref<1x128xi32, #tpu.memory_space<vmem>>
      %dma_wait3A_51 = tpu.memref_squeeze %dma_wait3A_50 : memref<1x128xi32, #tpu.memory_space<vmem>> -> memref<128xi32, #tpu.memory_space<vmem>>
      %dma_wait3A_52 = arith.constant 0 : i32
      %dma_wait3A_53 = arith.constant 0 : i32
      %dma_wait3A_54 = tpu.memref_slice %arg11[%dma_wait3A_52, %dma_wait3A_53] : memref<10112x128xf32, #tpu.memory_space<vmem_shared>> -> memref<10112x128xf32, #tpu.memory_space<vmem_shared>>
      tpu.wait_indirect_dma semaphore(%arg14 : memref<!tpu.dma_semaphore, #tpu.memory_space<semaphore_mem>>) src(%arg9 : memref<128x128xf32, #tpu.memory_space<vmem>>) dst(%dma_wait3A_54 : memref<10112x128xf32, #tpu.memory_space<vmem_shared>>)
      %dma_start3A_55 = arith.constant 256 : i32
      %dma_start3A_56 = tpu.memref_slice %arg7[%dma_start3A_55] : memref<5120xi32, #tpu.memory_space<vmem>> -> memref<128xi32, #tpu.memory_space<vmem>>
      %dma_start3A_57 = arith.constant 0 : i32
      %dma_start3A_58 = arith.constant 0 : i32
      %dma_start3A_59 = tpu.memref_slice %arg2[%dma_start3A_57, %dma_start3A_58] : memref<10112x128xf32, #tpu.memory_space<hbm>> -> memref<10112x128xf32, #tpu.memory_space<hbm>>
      tpu.enqueue_indirect_dma source(%dma_start3A_59 : memref<10112x128xf32, #tpu.memory_space<hbm>>) target(%arg9 : memref<128x128xf32, #tpu.memory_space<vmem>>) offsets(%dma_start3A_56 : memref<128xi32, #tpu.memory_space<vmem>>) semaphore(%arg12 : memref<!tpu.dma_semaphore, #tpu.memory_space<semaphore_mem>>)
      %scan3A = arith.constant 0 : i32
      %scan3A_60 = arith.constant 1 : i32
      %scan3A_61 = arith.constant 19 : i32
      %scan3A_62 = arith.addi %scan3A_60, %scan3A_61 : i32
      %scan3A_63 = arith.constant 1 : i32
      scf.for %scan3A_79 = %scan3A_60 to %scan3A_62 step %scan3A_63  : i32 {
        %mul3A_80 = arith.constant 2 : i32
        %mul3A_81 = arith.muli %scan3A_79, %mul3A_80 : i32
        %add3A = arith.constant 0 : i32
        %add3A_82 = arith.addi %mul3A_81, %add3A : i32
        %mul3A_83 = arith.constant 128 : i32
        %mul3A_84 = arith.muli %add3A_82, %mul3A_83 : i32
        %dma_wait3A_85 = tpu.memref_slice %arg7[%mul3A_84] : memref<5120xi32, #tpu.memory_space<vmem>> -> memref<128xi32, #tpu.memory_space<vmem>>
        %dma_wait3A_86 = arith.constant 0 : i32
        %dma_wait3A_87 = arith.constant 0 : i32
        %dma_wait3A_88 = tpu.memref_slice %arg2[%dma_wait3A_86, %dma_wait3A_87] : memref<10112x128xf32, #tpu.memory_space<hbm>> -> memref<10112x128xf32, #tpu.memory_space<hbm>>
        tpu.wait_indirect_dma semaphore(%arg12 : memref<!tpu.dma_semaphore, #tpu.memory_space<semaphore_mem>>) src(%dma_wait3A_88 : memref<10112x128xf32, #tpu.memory_space<hbm>>) dst(%arg9 : memref<128x128xf32, #tpu.memory_space<vmem>>)
        %dma_start3A_89 = arith.constant 0 : i32
        %dma_start3A_90 = tpu.memref_slice %arg8[%add3A_82, %dma_start3A_89] : memref<40x128xi32, #tpu.memory_space<vmem>> -> memref<1x128xi32, #tpu.memory_space<vmem>>
        %dma_start3A_91 = tpu.memref_squeeze %dma_start3A_90 : memref<1x128xi32, #tpu.memory_space<vmem>> -> memref<128xi32, #tpu.memory_space<vmem>>
        %dma_start3A_92 = arith.constant 0 : i32
        %dma_start3A_93 = arith.constant 0 : i32
        %dma_start3A_94 = tpu.memref_slice %arg11[%dma_start3A_92, %dma_start3A_93] : memref<10112x128xf32, #tpu.memory_space<vmem_shared>> -> memref<10112x128xf32, #tpu.memory_space<vmem_shared>>
        tpu.enqueue_indirect_dma source(%arg9 : memref<128x128xf32, #tpu.memory_space<vmem>>) target(%dma_start3A_94 : memref<10112x128xf32, #tpu.memory_space<vmem_shared>>) offsets(%dma_start3A_91 : memref<128xi32, #tpu.memory_space<vmem>>) semaphore(%arg14 : memref<!tpu.dma_semaphore, #tpu.memory_space<semaphore_mem>>) {add = true}
        %add3A_95 = arith.constant 1 : i32
        %add3A_96 = arith.addi %add3A_82, %add3A_95 : i32
        %lt3A = arith.constant 40 : i32
        %lt3A_97 = arith.cmpi slt, %add3A_96, %lt3A : i32
        %convert_element_type3A_98 = arith.extui %lt3A_97 : i1 to i32
        %cond3A_99 = arith.constant 0 : i32
        %cond3A_100 = arith.cmpi ne, %convert_element_type3A_98, %cond3A_99 : i32
        scf.if %cond3A_100 {
          %sub3A = arith.constant 1 : i32
          %sub3A_124 = arith.subi %add3A_82, %sub3A : i32
          %dma_wait3A_125 = arith.constant 0 : i32
          %dma_wait3A_126 = tpu.memref_slice %arg8[%sub3A_124, %dma_wait3A_125] : memref<40x128xi32, #tpu.memory_space<vmem>> -> memref<1x128xi32, #tpu.memory_space<vmem>>
          %dma_wait3A_127 = tpu.memref_squeeze %dma_wait3A_126 : memref<1x128xi32, #tpu.memory_space<vmem>> -> memref<128xi32, #tpu.memory_space<vmem>>
          %dma_wait3A_128 = arith.constant 0 : i32
          %dma_wait3A_129 = arith.constant 0 : i32
          %dma_wait3A_130 = tpu.memref_slice %arg11[%dma_wait3A_128, %dma_wait3A_129] : memref<10112x128xf32, #tpu.memory_space<vmem_shared>> -> memref<10112x128xf32, #tpu.memory_space<vmem_shared>>
          tpu.wait_indirect_dma semaphore(%arg15 : memref<!tpu.dma_semaphore, #tpu.memory_space<semaphore_mem>>) src(%arg10 : memref<128x128xf32, #tpu.memory_space<vmem>>) dst(%dma_wait3A_130 : memref<10112x128xf32, #tpu.memory_space<vmem_shared>>)
          %add3A_131 = arith.constant 1 : i32
          %add3A_132 = arith.addi %add3A_82, %add3A_131 : i32
          %mul3A_133 = arith.constant 128 : i32
          %mul3A_134 = arith.muli %add3A_132, %mul3A_133 : i32
          %dma_start3A_135 = tpu.memref_slice %arg7[%mul3A_134] : memref<5120xi32, #tpu.memory_space<vmem>> -> memref<128xi32, #tpu.memory_space<vmem>>
          %dma_start3A_136 = arith.constant 0 : i32
          %dma_start3A_137 = arith.constant 0 : i32
          %dma_start3A_138 = tpu.memref_slice %arg2[%dma_start3A_136, %dma_start3A_137] : memref<10112x128xf32, #tpu.memory_space<hbm>> -> memref<10112x128xf32, #tpu.memory_space<hbm>>
          tpu.enqueue_indirect_dma source(%dma_start3A_138 : memref<10112x128xf32, #tpu.memory_space<hbm>>) target(%arg10 : memref<128x128xf32, #tpu.memory_space<vmem>>) offsets(%dma_start3A_135 : memref<128xi32, #tpu.memory_space<vmem>>) semaphore(%arg13 : memref<!tpu.dma_semaphore, #tpu.memory_space<semaphore_mem>>)
        } else {
        }
        %mul3A_101 = arith.constant 2 : i32
        %mul3A_102 = arith.muli %scan3A_79, %mul3A_101 : i32
        %add3A_103 = arith.constant 1 : i32
        %add3A_104 = arith.addi %mul3A_102, %add3A_103 : i32
        %mul3A_105 = arith.constant 128 : i32
        %mul3A_106 = arith.muli %add3A_104, %mul3A_105 : i32
        %dma_wait3A_107 = tpu.memref_slice %arg7[%mul3A_106] : memref<5120xi32, #tpu.memory_space<vmem>> -> memref<128xi32, #tpu.memory_space<vmem>>
        %dma_wait3A_108 = arith.constant 0 : i32
        %dma_wait3A_109 = arith.constant 0 : i32
        %dma_wait3A_110 = tpu.memref_slice %arg2[%dma_wait3A_108, %dma_wait3A_109] : memref<10112x128xf32, #tpu.memory_space<hbm>> -> memref<10112x128xf32, #tpu.memory_space<hbm>>
        tpu.wait_indirect_dma semaphore(%arg13 : memref<!tpu.dma_semaphore, #tpu.memory_space<semaphore_mem>>) src(%dma_wait3A_110 : memref<10112x128xf32, #tpu.memory_space<hbm>>) dst(%arg10 : memref<128x128xf32, #tpu.memory_space<vmem>>)
        %dma_start3A_111 = arith.constant 0 : i32
        %dma_start3A_112 = tpu.memref_slice %arg8[%add3A_104, %dma_start3A_111] : memref<40x128xi32, #tpu.memory_space<vmem>> -> memref<1x128xi32, #tpu.memory_space<vmem>>
        %dma_start3A_113 = tpu.memref_squeeze %dma_start3A_112 : memref<1x128xi32, #tpu.memory_space<vmem>> -> memref<128xi32, #tpu.memory_space<vmem>>
        %dma_start3A_114 = arith.constant 0 : i32
        %dma_start3A_115 = arith.constant 0 : i32
        %dma_start3A_116 = tpu.memref_slice %arg11[%dma_start3A_114, %dma_start3A_115] : memref<10112x128xf32, #tpu.memory_space<vmem_shared>> -> memref<10112x128xf32, #tpu.memory_space<vmem_shared>>
        tpu.enqueue_indirect_dma source(%arg10 : memref<128x128xf32, #tpu.memory_space<vmem>>) target(%dma_start3A_116 : memref<10112x128xf32, #tpu.memory_space<vmem_shared>>) offsets(%dma_start3A_113 : memref<128xi32, #tpu.memory_space<vmem>>) semaphore(%arg15 : memref<!tpu.dma_semaphore, #tpu.memory_space<semaphore_mem>>) {add = true}
        %add3A_117 = arith.constant 1 : i32
        %add3A_118 = arith.addi %add3A_104, %add3A_117 : i32
        %lt3A_119 = arith.constant 40 : i32
        %lt3A_120 = arith.cmpi slt, %add3A_118, %lt3A_119 : i32
        %convert_element_type3A_121 = arith.extui %lt3A_120 : i1 to i32
        %cond3A_122 = arith.constant 0 : i32
        %cond3A_123 = arith.cmpi ne, %convert_element_type3A_121, %cond3A_122 : i32
        scf.if %cond3A_123 {
          %sub3A = arith.constant 1 : i32
          %sub3A_124 = arith.subi %add3A_104, %sub3A : i32
          %dma_wait3A_125 = arith.constant 0 : i32
          %dma_wait3A_126 = tpu.memref_slice %arg8[%sub3A_124, %dma_wait3A_125] : memref<40x128xi32, #tpu.memory_space<vmem>> -> memref<1x128xi32, #tpu.memory_space<vmem>>
          %dma_wait3A_127 = tpu.memref_squeeze %dma_wait3A_126 : memref<1x128xi32, #tpu.memory_space<vmem>> -> memref<128xi32, #tpu.memory_space<vmem>>
          %dma_wait3A_128 = arith.constant 0 : i32
          %dma_wait3A_129 = arith.constant 0 : i32
          %dma_wait3A_130 = tpu.memref_slice %arg11[%dma_wait3A_128, %dma_wait3A_129] : memref<10112x128xf32, #tpu.memory_space<vmem_shared>> -> memref<10112x128xf32, #tpu.memory_space<vmem_shared>>
          tpu.wait_indirect_dma semaphore(%arg14 : memref<!tpu.dma_semaphore, #tpu.memory_space<semaphore_mem>>) src(%arg9 : memref<128x128xf32, #tpu.memory_space<vmem>>) dst(%dma_wait3A_130 : memref<10112x128xf32, #tpu.memory_space<vmem_shared>>)
          %add3A_131 = arith.constant 1 : i32
          %add3A_132 = arith.addi %add3A_104, %add3A_131 : i32
          %mul3A_133 = arith.constant 128 : i32
          %mul3A_134 = arith.muli %add3A_132, %mul3A_133 : i32
          %dma_start3A_135 = tpu.memref_slice %arg7[%mul3A_134] : memref<5120xi32, #tpu.memory_space<vmem>> -> memref<128xi32, #tpu.memory_space<vmem>>
          %dma_start3A_136 = arith.constant 0 : i32
          %dma_start3A_137 = arith.constant 0 : i32
          %dma_start3A_138 = tpu.memref_slice %arg2[%dma_start3A_136, %dma_start3A_137] : memref<10112x128xf32, #tpu.memory_space<hbm>> -> memref<10112x128xf32, #tpu.memory_space<hbm>>
          tpu.enqueue_indirect_dma source(%dma_start3A_138 : memref<10112x128xf32, #tpu.memory_space<hbm>>) target(%arg9 : memref<128x128xf32, #tpu.memory_space<vmem>>) offsets(%dma_start3A_135 : memref<128xi32, #tpu.memory_space<vmem>>) semaphore(%arg12 : memref<!tpu.dma_semaphore, #tpu.memory_space<semaphore_mem>>)
        } else {
        }
      }
      %scan3A_64 = arith.constant 19 : i32
      %dma_wait3A_65 = arith.constant 38 : i32
      %dma_wait3A_66 = arith.constant 0 : i32
      %dma_wait3A_67 = tpu.memref_slice %arg8[%dma_wait3A_65, %dma_wait3A_66] : memref<40x128xi32, #tpu.memory_space<vmem>> -> memref<1x128xi32, #tpu.memory_space<vmem>>
      %dma_wait3A_68 = tpu.memref_squeeze %dma_wait3A_67 : memref<1x128xi32, #tpu.memory_space<vmem>> -> memref<128xi32, #tpu.memory_space<vmem>>
      %dma_wait3A_69 = arith.constant 0 : i32
      %dma_wait3A_70 = arith.constant 0 : i32
      %dma_wait3A_71 = tpu.memref_slice %arg11[%dma_wait3A_69, %dma_wait3A_70] : memref<10112x128xf32, #tpu.memory_space<vmem_shared>> -> memref<10112x128xf32, #tpu.memory_space<vmem_shared>>
      tpu.wait_indirect_dma semaphore(%arg14 : memref<!tpu.dma_semaphore, #tpu.memory_space<semaphore_mem>>) src(%arg9 : memref<128x128xf32, #tpu.memory_space<vmem>>) dst(%dma_wait3A_71 : memref<10112x128xf32, #tpu.memory_space<vmem_shared>>)
      %dma_wait3A_72 = arith.constant 39 : i32
      %dma_wait3A_73 = arith.constant 0 : i32
      %dma_wait3A_74 = tpu.memref_slice %arg8[%dma_wait3A_72, %dma_wait3A_73] : memref<40x128xi32, #tpu.memory_space<vmem>> -> memref<1x128xi32, #tpu.memory_space<vmem>>
      %dma_wait3A_75 = tpu.memref_squeeze %dma_wait3A_74 : memref<1x128xi32, #tpu.memory_space<vmem>> -> memref<128xi32, #tpu.memory_space<vmem>>
      %dma_wait3A_76 = arith.constant 0 : i32
      %dma_wait3A_77 = arith.constant 0 : i32
      %dma_wait3A_78 = tpu.memref_slice %arg11[%dma_wait3A_76, %dma_wait3A_77] : memref<10112x128xf32, #tpu.memory_space<vmem_shared>> -> memref<10112x128xf32, #tpu.memory_space<vmem_shared>>
      tpu.wait_indirect_dma semaphore(%arg15 : memref<!tpu.dma_semaphore, #tpu.memory_space<semaphore_mem>>) src(%arg10 : memref<128x128xf32, #tpu.memory_space<vmem>>) dst(%dma_wait3A_78 : memref<10112x128xf32, #tpu.memory_space<vmem_shared>>)
    } else {
    }
    %barrier3A_10 = arith.constant 0 : index
    tpu.barrier barrier_id(%barrier3A_10)
    %mul3A_11 = arith.constant 632 : i32
    %mul3A_12 = arith.muli %arg1, %mul3A_11 : i32
    %mul3A_13 = arith.constant 632 : i32
    %mul3A_14 = arith.muli %arg1, %mul3A_13 : i32
    "tpu.region"() ({
      %run_scoped3A = tpu.sem_alloc : memref<!tpu.dma_semaphore, #tpu.memory_space<semaphore_mem>>
      %dma_start3A = arith.constant 0 : i32
      %dma_start3A_15 = tpu.memref_slice %arg6[%arg0, %mul3A_14, %dma_start3A] : memref<2x10112x128xf32, #tpu.memory_space<hbm>> -> memref<1x632x128xf32, #tpu.memory_space<hbm>>
      %dma_start3A_16 = tpu.memref_squeeze %dma_start3A_15 : memref<1x632x128xf32, #tpu.memory_space<hbm>> -> memref<632x128xf32, #tpu.memory_space<hbm>>
      %dma_start3A_17 = arith.constant 0 : i32
      %dma_start3A_18 = tpu.memref_slice %arg11[%mul3A_12, %dma_start3A_17] : memref<10112x128xf32, #tpu.memory_space<vmem_shared>> -> memref<632x128xf32, #tpu.memory_space<vmem_shared>>
      tpu.enqueue_dma source(%dma_start3A_18 : memref<632x128xf32, #tpu.memory_space<vmem_shared>>) target(%dma_start3A_16 : memref<632x128xf32, #tpu.memory_space<hbm>>) target_semaphore(%run_scoped3A : memref<!tpu.dma_semaphore, #tpu.memory_space<semaphore_mem>>)
      %dma_wait3A = arith.constant 0 : i32
      %dma_wait3A_19 = tpu.memref_slice %arg6[%arg0, %mul3A_14, %dma_wait3A] : memref<2x10112x128xf32, #tpu.memory_space<hbm>> -> memref<1x632x128xf32, #tpu.memory_space<hbm>>
      %dma_wait3A_20 = tpu.memref_squeeze %dma_wait3A_19 : memref<1x632x128xf32, #tpu.memory_space<hbm>> -> memref<632x128xf32, #tpu.memory_space<hbm>>
      %dma_wait3A_21 = arith.constant 0 : i32
      %dma_wait3A_22 = tpu.memref_slice %arg11[%mul3A_12, %dma_wait3A_21] : memref<10112x128xf32, #tpu.memory_space<vmem_shared>> -> memref<632x128xf32, #tpu.memory_space<vmem_shared>>
      tpu.wait_dma2 semaphore(%run_scoped3A : memref<!tpu.dma_semaphore, #tpu.memory_space<semaphore_mem>>) src(%dma_wait3A_22 : memref<632x128xf32, #tpu.memory_space<vmem_shared>>) dst(%dma_wait3A_20 : memref<632x128xf32, #tpu.memory_space<hbm>>)
      tpu.yield
    }) : () -> ()
    return
  }
}

module attributes {stable_mosaic.version = 14 : i64} {
  func.func @_prep_body(%arg0: memref<10112x128xf32, #tpu.memory_space<vmem>>, %arg1: memref<10112x128xf32, #tpu.memory_space<vmem>>, %arg2: memref<10112x1xf32, #tpu.memory_space<vmem>>, %arg3: memref<10112x1xf32, #tpu.memory_space<vmem>>, %arg4: memref<10112x128xf32, #tpu.memory_space<vmem>>, %arg5: memref<10112x128xf32, #tpu.memory_space<vmem>>) attributes {dimension_semantics = [], scalar_prefetch = 0 : i64, scratch_operands = 0 : i64, tpu.core_type = #tpu.core_type<tc>} {
    %get3A = arith.constant 0 : index
    %get3A_0 = arith.constant 0 : index
    %get3A_1 = vector.load %arg0[%get3A, %get3A_0] : memref<10112x128xf32, #tpu.memory_space<vmem>>, vector<10112x128xf32>
    %get3A_2 = arith.constant 0 : index
    %get3A_3 = arith.constant 0 : index
    %get3A_4 = vector.load %arg1[%get3A_2, %get3A_3] : memref<10112x128xf32, #tpu.memory_space<vmem>>, vector<10112x128xf32>
    %mul3A = arith.mulf %get3A_1, %get3A_4 : vector<10112x128xf32>
    %get3A_5 = arith.constant 0 : index
    %get3A_6 = arith.constant 0 : index
    %get3A_7 = vector.load %arg2[%get3A_5, %get3A_6] : memref<10112x1xf32, #tpu.memory_space<vmem>>, vector<10112x1xf32>
    %mul3A_8 = vector.broadcast %get3A_7 : vector<10112x1xf32> to vector<10112x128xf32>
    %mul3A_9 = arith.mulf %mul3A, %mul3A_8 : vector<10112x128xf32>
    %swap3A = arith.constant 0 : index
    %swap3A_10 = arith.constant 0 : index
    %swap3A_11 = vector.load %arg4[%swap3A, %swap3A_10] : memref<10112x128xf32, #tpu.memory_space<vmem>>, vector<10112x128xf32>
    tpu.vector_store %arg4[%swap3A, %swap3A_10], %mul3A_9 {strides = array<i32>} : memref<10112x128xf32, #tpu.memory_space<vmem>>, vector<10112x128xf32>,
    %get3A_12 = arith.constant 0 : index
    %get3A_13 = arith.constant 0 : index
    %get3A_14 = vector.load %arg3[%get3A_12, %get3A_13] : memref<10112x1xf32, #tpu.memory_space<vmem>>, vector<10112x1xf32>
    %mul3A_15 = vector.broadcast %get3A_14 : vector<10112x1xf32> to vector<10112x128xf32>
    %mul3A_16 = arith.mulf %mul3A, %mul3A_15 : vector<10112x128xf32>
    %swap3A_17 = arith.constant 0 : index
    %swap3A_18 = arith.constant 0 : index
    %swap3A_19 = vector.load %arg5[%swap3A_17, %swap3A_18] : memref<10112x128xf32, #tpu.memory_space<vmem>>, vector<10112x128xf32>
    tpu.vector_store %arg5[%swap3A_17, %swap3A_18], %mul3A_16 {strides = array<i32>} : memref<10112x128xf32, #tpu.memory_space<vmem>>, vector<10112x128xf32>,
    return
  }
}

module attributes {stable_mosaic.version = 14 : i64} {
  func.func @_layer1_body(%arg0: memref<2x10112x128xf32, #tpu.memory_space<vmem>>, %arg1: memref<10112x1xf32, #tpu.memory_space<vmem>>, %arg2: memref<128x128xf32, #tpu.memory_space<vmem>>, %arg3: memref<128xf32, #tpu.memory_space<vmem>>, %arg4: memref<10112x128xf32, #tpu.memory_space<vmem>>) attributes {dimension_semantics = [], scalar_prefetch = 0 : i64, scratch_operands = 0 : i64, tpu.core_type = #tpu.core_type<tc>} {
    %get3A = arith.constant 0 : index
    %get3A_0 = arith.constant 0 : index
    %get3A_1 = arith.constant 0 : index
    %get3A_2 = vector.load %arg0[%get3A, %get3A_0, %get3A_1] : memref<2x10112x128xf32, #tpu.memory_space<vmem>>, vector<1x10112x128xf32>
    %get3A_3 = vector.shape_cast %get3A_2 : vector<1x10112x128xf32> to vector<10112x128xf32>
    %get3A_4 = arith.constant 1 : index
    %get3A_5 = arith.constant 0 : index
    %get3A_6 = arith.constant 0 : index
    %get3A_7 = vector.load %arg0[%get3A_4, %get3A_5, %get3A_6] : memref<2x10112x128xf32, #tpu.memory_space<vmem>>, vector<1x10112x128xf32>
    %get3A_8 = vector.shape_cast %get3A_7 : vector<1x10112x128xf32> to vector<10112x128xf32>
    %add3A = arith.addf %get3A_3, %get3A_8 : vector<10112x128xf32>
    %get3A_9 = arith.constant 0 : index
    %get3A_10 = arith.constant 0 : index
    %get3A_11 = vector.load %arg1[%get3A_9, %get3A_10] : memref<10112x1xf32, #tpu.memory_space<vmem>>, vector<10112x1xf32>
    %mul3A = vector.broadcast %get3A_11 : vector<10112x1xf32> to vector<10112x128xf32>
    %mul3A_12 = arith.mulf %add3A, %mul3A : vector<10112x128xf32>
    %get3A_13 = arith.constant 0 : index
    %get3A_14 = arith.constant 0 : index
    %get3A_15 = vector.load %arg2[%get3A_13, %get3A_14] : memref<128x128xf32, #tpu.memory_space<vmem>>, vector<128x128xf32>
    %dot_general3A = arith.constant dense<0.000000e+00> : vector<10112x128xf32>
    %dot_general3A_16 = tpu.matmul %mul3A_12, %get3A_15, %dot_general3A {dimension_numbers = #tpu.dot_dimension_numbers<[1], [0], [0], [1], [0, 0, 1, 1], [], []>, transpose_lhs_hint = false} : vector<10112x128xf32>, vector<128x128xf32>, vector<10112x128xf32> -> vector<10112x128xf32>
    %get3A_17 = arith.constant 0 : index
    %get3A_18 = vector.load %arg3[%get3A_17] : memref<128xf32, #tpu.memory_space<vmem>>, vector<128xf32>
    %broadcast_in_dim3A = vector.shape_cast %get3A_18 : vector<128xf32> to vector<1x128xf32>
    %add3A_19 = vector.broadcast %broadcast_in_dim3A : vector<1x128xf32> to vector<10112x128xf32>
    %add3A_20 = arith.addf %dot_general3A_16, %add3A_19 : vector<10112x128xf32>
    %max3A = arith.constant 0.000000e+00 : f32
    %max3A_21 = vector.broadcast %max3A : f32 to vector<10112x128xf32>
    %max3A_22 = arith.maximumf %add3A_20, %max3A_21 : vector<10112x128xf32>
    %get3A_23 = arith.constant 0 : index
    %get3A_24 = arith.constant 0 : index
    %get3A_25 = vector.load %arg1[%get3A_23, %get3A_24] : memref<10112x1xf32, #tpu.memory_space<vmem>>, vector<10112x1xf32>
    %mul3A_26 = vector.broadcast %get3A_25 : vector<10112x1xf32> to vector<10112x128xf32>
    %mul3A_27 = arith.mulf %max3A_22, %mul3A_26 : vector<10112x128xf32>
    %swap3A = arith.constant 0 : index
    %swap3A_28 = arith.constant 0 : index
    %swap3A_29 = vector.load %arg4[%swap3A, %swap3A_28] : memref<10112x128xf32, #tpu.memory_space<vmem>>, vector<10112x128xf32>
    tpu.vector_store %arg4[%swap3A, %swap3A_28], %mul3A_27 {strides = array<i32>} : memref<10112x128xf32, #tpu.memory_space<vmem>>, vector<10112x128xf32>,
    return
  }
}

module attributes {stable_mosaic.version = 14 : i64} {
  func.func @_layer2_body(%arg0: memref<2x10112x128xf32, #tpu.memory_space<vmem>>, %arg1: memref<2x10112x128xf32, #tpu.memory_space<vmem>>, %arg2: memref<10112x1xf32, #tpu.memory_space<vmem>>, %arg3: memref<10112x1xf32, #tpu.memory_space<vmem>>, %arg4: memref<128x128xf32, #tpu.memory_space<vmem>>, %arg5: memref<128x128xf32, #tpu.memory_space<vmem>>, %arg6: memref<128xf32, #tpu.memory_space<vmem>>, %arg7: memref<128xf32, #tpu.memory_space<vmem>>, %arg8: memref<10112x128xf32, #tpu.memory_space<vmem>>) attributes {dimension_semantics = [], scalar_prefetch = 0 : i64, scratch_operands = 0 : i64, tpu.core_type = #tpu.core_type<tc>} {
    %get3A = arith.constant 0 : index
    %get3A_0 = arith.constant 0 : index
    %get3A_1 = arith.constant 0 : index
    %get3A_2 = vector.load %arg0[%get3A, %get3A_0, %get3A_1] : memref<2x10112x128xf32, #tpu.memory_space<vmem>>, vector<1x10112x128xf32>
    %get3A_3 = vector.shape_cast %get3A_2 : vector<1x10112x128xf32> to vector<10112x128xf32>
    %get3A_4 = arith.constant 1 : index
    %get3A_5 = arith.constant 0 : index
    %get3A_6 = arith.constant 0 : index
    %get3A_7 = vector.load %arg0[%get3A_4, %get3A_5, %get3A_6] : memref<2x10112x128xf32, #tpu.memory_space<vmem>>, vector<1x10112x128xf32>
    %get3A_8 = vector.shape_cast %get3A_7 : vector<1x10112x128xf32> to vector<10112x128xf32>
    %add3A = arith.addf %get3A_3, %get3A_8 : vector<10112x128xf32>
    %get3A_9 = arith.constant 0 : index
    %get3A_10 = arith.constant 0 : index
    %get3A_11 = vector.load %arg2[%get3A_9, %get3A_10] : memref<10112x1xf32, #tpu.memory_space<vmem>>, vector<10112x1xf32>
    %mul3A = vector.broadcast %get3A_11 : vector<10112x1xf32> to vector<10112x128xf32>
    %mul3A_12 = arith.mulf %add3A, %mul3A : vector<10112x128xf32>
    %get3A_13 = arith.constant 0 : index
    %get3A_14 = arith.constant 0 : index
    %get3A_15 = arith.constant 0 : index
    %get3A_16 = vector.load %arg1[%get3A_13, %get3A_14, %get3A_15] : memref<2x10112x128xf32, #tpu.memory_space<vmem>>, vector<1x10112x128xf32>
    %get3A_17 = vector.shape_cast %get3A_16 : vector<1x10112x128xf32> to vector<10112x128xf32>
    %get3A_18 = arith.constant 1 : index
    %get3A_19 = arith.constant 0 : index
    %get3A_20 = arith.constant 0 : index
    %get3A_21 = vector.load %arg1[%get3A_18, %get3A_19, %get3A_20] : memref<2x10112x128xf32, #tpu.memory_space<vmem>>, vector<1x10112x128xf32>
    %get3A_22 = vector.shape_cast %get3A_21 : vector<1x10112x128xf32> to vector<10112x128xf32>
    %add3A_23 = arith.addf %get3A_17, %get3A_22 : vector<10112x128xf32>
    %get3A_24 = arith.constant 0 : index
    %get3A_25 = arith.constant 0 : index
    %get3A_26 = vector.load %arg3[%get3A_24, %get3A_25] : memref<10112x1xf32, #tpu.memory_space<vmem>>, vector<10112x1xf32>
    %mul3A_27 = vector.broadcast %get3A_26 : vector<10112x1xf32> to vector<10112x128xf32>
    %mul3A_28 = arith.mulf %add3A_23, %mul3A_27 : vector<10112x128xf32>
    %get3A_29 = arith.constant 0 : index
    %get3A_30 = arith.constant 0 : index
    %get3A_31 = vector.load %arg4[%get3A_29, %get3A_30] : memref<128x128xf32, #tpu.memory_space<vmem>>, vector<128x128xf32>
    %dot_general3A = arith.constant dense<0.000000e+00> : vector<10112x128xf32>
    %dot_general3A_32 = tpu.matmul %mul3A_12, %get3A_31, %dot_general3A {dimension_numbers = #tpu.dot_dimension_numbers<[1], [0], [0], [1], [0, 0, 1, 1], [], []>, transpose_lhs_hint = false} : vector<10112x128xf32>, vector<128x128xf32>, vector<10112x128xf32> -> vector<10112x128xf32>
    %get3A_33 = arith.constant 0 : index
    %get3A_34 = arith.constant 0 : index
    %get3A_35 = vector.load %arg5[%get3A_33, %get3A_34] : memref<128x128xf32, #tpu.memory_space<vmem>>, vector<128x128xf32>
    %dot_general3A_36 = arith.constant dense<0.000000e+00> : vector<10112x128xf32>
    %dot_general3A_37 = tpu.matmul %mul3A_28, %get3A_35, %dot_general3A_36 {dimension_numbers = #tpu.dot_dimension_numbers<[1], [0], [0], [1], [0, 0, 1, 1], [], []>, transpose_lhs_hint = false} : vector<10112x128xf32>, vector<128x128xf32>, vector<10112x128xf32> -> vector<10112x128xf32>
    %add3A_38 = arith.addf %dot_general3A_32, %dot_general3A_37 : vector<10112x128xf32>
    %get3A_39 = arith.constant 0 : index
    %get3A_40 = vector.load %arg6[%get3A_39] : memref<128xf32, #tpu.memory_space<vmem>>, vector<128xf32>
    %broadcast_in_dim3A = vector.shape_cast %get3A_40 : vector<128xf32> to vector<1x128xf32>
    %add3A_41 = vector.broadcast %broadcast_in_dim3A : vector<1x128xf32> to vector<10112x128xf32>
    %add3A_42 = arith.addf %add3A_38, %add3A_41 : vector<10112x128xf32>
    %get3A_43 = arith.constant 0 : index
    %get3A_44 = vector.load %arg7[%get3A_43] : memref<128xf32, #tpu.memory_space<vmem>>, vector<128xf32>
    %broadcast_in_dim3A_45 = vector.shape_cast %get3A_44 : vector<128xf32> to vector<1x128xf32>
    %add3A_46 = vector.broadcast %broadcast_in_dim3A_45 : vector<1x128xf32> to vector<10112x128xf32>
    %add3A_47 = arith.addf %add3A_42, %add3A_46 : vector<10112x128xf32>
    %logistic3A = arith.negf %add3A_47 : vector<10112x128xf32>
    %logistic3A_48 = math.exp %logistic3A : vector<10112x128xf32>
    %logistic3A_49 = arith.constant 1.000000e+00 : f32
    %logistic3A_50 = vector.broadcast %logistic3A_49 : f32 to vector<10112x128xf32>
    %logistic3A_51 = arith.addf %logistic3A_50, %logistic3A_48 : vector<10112x128xf32>
    %logistic3A_52 = arith.divf %logistic3A_50, %logistic3A_51 : vector<10112x128xf32>
    %swap3A = arith.constant 0 : index
    %swap3A_53 = arith.constant 0 : index
    %swap3A_54 = vector.load %arg8[%swap3A, %swap3A_53] : memref<10112x128xf32, #tpu.memory_space<vmem>>, vector<10112x128xf32>
    tpu.vector_store %arg8[%swap3A, %swap3A_53], %logistic3A_52 {strides = array<i32>} : memref<10112x128xf32, #tpu.memory_space<vmem>>, vector<10112x128xf32>,
    return
  }
}

</mosaic_0001>

<sc_bundles>
// kernel: kernel.11.cloned.1.call-start
scs
__scs_entry_jumppad:
0x0: {  	(pc) =	sbr.rel $0x88, $3  }
0x1: {  	(tag) =	ssettag $0x0;
	lr =	simm.s32 $0x1  }
0x2: {  	[smem:$0x3F95] =	sst lr;
	_ =	strace $0xD0000000  }
0x3: {  	_ = 	snop  }
0x4: {  	_ = 	snop  }
0x5: {  	_ = 	snop  }
0x6: {  	_ = 	snop  }
0x7: {  	_ = 	snop  }
__scs_overlays_trampoline_lowered:
0x8: {  	[smem:$0x3FA4] =	sst s0  }
0x9: {  	[smem:$0x3FA5] =	sst s1  }
0xa: {  	[smem:$0x3FA6] =	sst s2  }
0xb: {  	[smem:$0x3FA7] =	sst s3  }
0xc: {  	[smem:$0x3FA8] =	sst s4  }
0xd: {  	[smem:$0x3FA9] =	sst s5  }
0xe: {  	[smem:$0x3FAA] =	sst s6  }
0xf: {  	[smem:$0x3FAB] =	sst s7  }
0x10: {  	[smem:$0x3FAC] =	sst s8  }
0x11: {  	[smem:$0x3FAD] =	sst s9;
	s0 =	simm.s32 @!p0 $0x0  }
0x12: {  	s1 =	sld [smem:$0x3F93];
	s0 =	simm.s32 @p0 $0x1  }
0x13: {  	[smem:$0x3FAE] =	sst s0;
	s0 =	simm.s32 @!p1 $0x0  }
0x14: {  	s2 =	sld [smem:$0x3F92];
	s0 =	simm.s32 @p1 $0x1  }
0x15: {  	[smem:$0x3FAF] =	sst s0;
	s0 =	simm.s32 @!p2 $0x0  }
0x16: {  	s3 =	sld [smem:$0x3FDB];
	s0 =	simm.s32 @p2 $0x1  }
0x17: {  	s4 =	simm.s32 $0x1BF5;
	[smem:$0x3FB1] =	sst s0  }
0x18: {  	s0 =	sld [smem:$0x3F94];
	_ =	swait.ge [sflag:s4], $0x0  }
0x19: {  	s7 =	sld [smem:$0x3F95]  }
0x1a: {  	s8 =	sadd.s32 $0xFFFFE003, lr  }
0x1b: {  	s9 =	sadd.s32 $0xFFFFFEF7, lr;
	s5 =	simm.s32 $0xFFFFFFFF;
	p2 =	slt.u32 s8, $0xFFFFF086  }
0x1c: {  	p1 =	slt.u32 s9, $0xF7A;
	s5 =	simm.s32 @!p2 $0x0  }
0x1d: {  	s5 =	simm.s32 @p1 $0x1;
	p0 =	seq.s32 s7, s2  }
0x1e: {  	s7 =	smul.u32 @!p0 $0xF7A, s2;
	p2 =	seq.s32 @!p0 s5, $0x0  }
0x1f: {  	s9 =	smul.u32 $0xF7A, s1;
	s8 =	simm.s32 @!p0 $0x1BF5;
	p2 =	por !p2, p0  }
0x20: {  	[sflag:s8] =	ssyncset.s32 @!p0 $0xFFFFF086;
	s6 =	sadd.s32 @!p0 s3, s7;
	s7 =	simm.s32 @!p0 $0x108  }
0x21: {  	s3 =	sadd.s32 s3, s9;
	s6 =	sadd.s32 @!p0 $0x88, s6;
	s7 =	simm.s32 @p2 $0x1082  }
0x22: {  	[simem:s7], [sflag:s8] =	dma.local @!p0 [hbm:s6], $0xF7A  }
0x23: {  	s9 =	sor.u32 $0xD0000000, s2;
	s6 =	simm.s32 $0x108;
	_ =	swait.ge @!p0 [sflag:s8], $0x0  }
0x24: {  	s3 =	sadd.s32 $0x88, s3;
	s6 =	simm.s32 @!p1 $0x1082;
	[sflag:s4] =	ssyncset.s32 $0xFFFFF086  }
0x25: {  	[simem:s6], [sflag:s4] =	dma.local [hbm:s3], $0xF7A  }
0x26: {  	[smem:$0x3F95] =	sst s1;
	(tag) =	ssettag s2;
	_ =	strace s9  }
0x27: {  	s1 =	sld [smem:$0x3FA5]  }
0x28: {  	s2 =	sld [smem:$0x3FA6]  }
0x29: {  	s4 =	sld [smem:$0x3FA8]  }
0x2a: {  	p0 =	seq.s32 s5, $0x0;
	s5 =	sld [smem:$0x3FA9]  }
0x2b: {  	s6 =	sld [smem:$0x3FAA]  }
0x2c: {  	s7 =	sld [smem:$0x3FAB]  }
0x2d: {  	s3 =	simm.s32 $0x108;
	s8 =	sld [smem:$0x3FAC]  }
0x2e: {  	s3 =	simm.s32 @!p0 $0x1082;
	s9 =	sld [smem:$0x3FAD]  }
0x2f: {  	lr =	sadd.s32 s0, s3;
	s0 =	sld [smem:$0x3FA4]  }
0x30: {  	s3 =	sld [smem:$0x3FA7]  }
0x31: {  	[smem:$0x3FB0] =	sst s10  }
0x32: {  	s10 =	sld [smem:$0x3FAE];
	_ =	sdelay $0x3  }
0x33: {  	p0 =	seq.s32 s10, $0x1;
	s10 =	sld [smem:$0x3FB0];
	_ =	sdelay $0x3  }
0x34: {  	[smem:$0x3FB0] =	sst s10  }
0x35: {  	s10 =	sld [smem:$0x3FAF];
	_ =	sdelay $0x3  }
0x36: {  	p1 =	seq.s32 s10, $0x1;
	s10 =	sld [smem:$0x3FB0];
	_ =	sdelay $0x3  }
0x37: {  	[smem:$0x3FB0] =	sst s10  }
0x38: {  	s10 =	sld [smem:$0x3FB1]  }
0x39: {  	_ = 	snop;
	(pc) =	sbr.ind lr, $3  }
0x3a: {  	_ = 	snop  }
0x3b: {  	_ = 	snop  }
0x3c: {  	p2 =	seq.s32 s10, $0x1;
	s10 =	sld [smem:$0x3FB0]  }
0x3d: {  	_ =	shalt  }
0x3e: {  	_ =	shalt  }
0x3f: {  	_ =	shalt  }
0x40: {  	_ =	shalt  }
0x41: {  	_ =	shalt  }
0x42: {  	_ =	shalt  }
0x43: {  	_ =	shalt  }
0x44: {  	_ =	shalt  }
0x45: {  	_ =	shalt  }
0x46: {  	_ =	shalt  }
0x47: {  	_ =	shalt  }
0x48: {  	_ =	shalt  }
0x49: {  	_ =	shalt  }
0x4a: {  	_ =	shalt  }
0x4b: {  	_ =	shalt  }
0x4c: {  	_ =	shalt  }
0x4d: {  	_ =	shalt  }
0x4e: {  	_ =	shalt  }
0x4f: {  	_ =	shalt  }
0x50: {  	_ =	shalt  }
0x51: {  	_ =	shalt  }
0x52: {  	_ =	shalt  }
0x53: {  	_ =	shalt  }
0x54: {  	_ =	shalt  }
0x55: {  	_ =	shalt  }
0x56: {  	_ =	shalt  }
0x57: {  	_ =	shalt  }
0x58: {  	_ =	shalt  }
0x59: {  	_ =	shalt  }
0x5a: {  	_ =	shalt  }
0x5b: {  	_ =	shalt  }
0x5c: {  	_ =	shalt  }
0x5d: {  	_ =	shalt  }
0x5e: {  	_ =	shalt  }
0x5f: {  	_ =	shalt  }
0x60: {  	_ =	shalt  }
0x61: {  	_ =	shalt  }
0x62: {  	_ =	shalt  }
0x63: {  	_ =	shalt  }
0x64: {  	_ =	shalt  }
0x65: {  	_ =	shalt  }
0x66: {  	_ =	shalt  }
0x67: {  	_ =	shalt  }
0x68: {  	_ =	shalt  }
0x69: {  	_ =	shalt  }
0x6a: {  	_ =	shalt  }
0x6b: {  	_ =	shalt  }
0x6c: {  	_ =	shalt  }
0x6d: {  	_ =	shalt  }
0x6e: {  	_ =	shalt  }
0x6f: {  	_ =	shalt  }
0x70: {  	_ =	shalt  }
0x71: {  	_ =	shalt  }
0x72: {  	_ =	shalt  }
0x73: {  	_ =	shalt  }
0x74: {  	_ =	shalt  }
0x75: {  	_ =	shalt  }
0x76: {  	_ =	shalt  }
0x77: {  	_ =	shalt  }
0x78: {  	_ =	shalt  }
0x79: {  	_ =	shalt  }
0x7a: {  	_ =	shalt  }
0x7b: {  	_ =	shalt  }
0x7c: {  	_ =	shalt  }
0x7d: {  	_ =	shalt  }
0x7e: {  	_ =	shalt  }
0x7f: {  	_ =	shalt  }
0x80: {  	_ =	shalt  }
0x81: {  	_ =	shalt  }
0x82: {  	_ =	shalt  }
0x83: {  	_ =	shalt  }
0x84: {  	_ =	shalt  }
0x85: {  	_ =	shalt  }
0x86: {  	_ =	shalt  }
0x87: {  	_ =	shalt  }
.Lfunc_end0:
.L_simem_size_0:
called_computation.1_lowered:
.L_overlay_start_0:
0x88: {  	s2 =	sld [smem:$0x3FD9]  }
0x89: {  	s3 =	sld [smem:$0x3FFE];
	_ =	sdelay $0x1  }
0x8a: {  	s1 =	srdreg.scid  }
0x8b: {  	s0 =	sand.u32 $0x1, s1  }
0x8c: {  	s17 =	sshll.u32 s0, $0xA;
	s2 =	sadd.s32 s3, s2  }
0x8d: {  	s2 =	sadd.s32 s2, s17  }
0x8e: {  	[smem:$0x3FBC] =	sst s2  }
0x8f: {  	_ = 	snop  }
0x90: {  	(tm) =	ssettm $0x1  }
0x91: {  	s18 =	sld [smem:$0x3FFB];
	_ =	sdelay $0x3  }
0x92: {  	_ =	strace s18  }
0x93: {  	s2 =	sld [smem:$0x3FFC];
	_ =	sdelay $0x3  }
0x94: {  	_ =	strace s2  }
0x95: {  	s2 =	sld [smem:$0x3FFD];
	_ =	sdelay $0x3  }
0x96: {  	_ =	strace s2  }
0x97: {  	_ =	strace $0x8FFFFFFF  }
0x98: {  	s19 =	sld [smem:$0x3FDB];
	_ =	sdelay $0x1  }
0x99: {  	s20 =	simm.s32 $_scs_section_size  }
0x9a: {  	s4 =	simm.s32 $_size__tile_overlayer_lowered;
	s5 =	simm.s32 $_tile_overlayer_lowered  }
0x9b: {  	s6 =	simm.s32 $0x1BFF;
	s21 =	sshll.u32 s5, $0x1;
	s3 =	sadd.s32 s20, s19  }
0x9c: {  	s22 =	simm.s32 $0x0;
	s4 =	sshll.u32 s4, $0x1;
	s5 =	sadd.s32 s21, s3  }
0x9d: {  	[timem:s22], [sflag:s6] =	dma.local [hbm:s5], s4  }
0x9e: {  	_ =	swait.ge [sflag:s6], s4  }
0x9f: {  	s4 =	ssub.s32 $0x0, s4;
	[sflag:s6] =	ssyncset.done $0x0  }
0xa0: {  	[sflag:s6] =	ssyncadd.s32 s4;
	_ =	sdelay $0x1  }
0xa1: {  	s23 =	simm.s32 $0x1B8B  }
0xa2: {  	_ =	swait.ge [sflag:s23], $0x1  }
0xa3: {  	[sflag:s23] =	ssyncset.done $0x0  }
0xa4: {  	[sflag:s23] =	ssyncadd.s32 $0xFFFFFFFF  }
0xa5: {  	s4 =	sld [smem:$0x0]  }
0xa6: {  	s5 =	sand.u32 $0xFFFFFFFE, s1  }
0xa7: {  	p0 =	sne.s32 s1, s5  }
0xa8: {  	s5 =	sshll.u32 @p0 s5, $0xE  }
0xa9: {  	s5 =	sadd.s32 @p0 $0x11B8D, s5;
	s6 =	sshll.u32 @p0 s4, $0x11  }
0xaa: {  	s5 =	sor.u32 @p0 s6, s5  }
0xab: {  	[sflag:s5] =	ssyncadd.remote.s32 @p0 $0x1;
	_ =	sdelay $0x1  }
0xac: {  	s5 =	simm.s32 @p0 $0x1B8D  }
0xad: {  	_ =	swait.eq @p0 [sflag:s5], $0x1  }
0xae: {  	[sflag:s5] =	ssyncadd.s32 @p0 $0xFFFFFFFF  }
0xaf: {  	s6 =	sshll.u32 @!p0 s1, $0xE  }
0xb0: {  	s6 =	sor.u32 @!p0 $0x4000, s6;
	s5 =	simm.s32 @!p0 $0x1B8D  }
0xb1: {  	s4 =	sshll.u32 @!p0 s4, $0x11;
	s6 =	sadd.s32 @!p0 $0x11B8D, s6;
	_ =	swait.eq @!p0 [sflag:s5], $0x1  }
0xb2: {  	s4 =	sor.u32 @!p0 s4, s6;
	[sflag:s5] =	ssyncadd.s32 @!p0 $0xFFFFFFFF  }
0xb3: {  	s25 =	simm.s32 $0x1B8E;
	s24 =	sld [smem:$0x3FFE];
	[sflag:s4] =	ssyncadd.remote.s32 @!p0 $0x1  }
0xb4: {  	s26 =	simm.s32 $execute0_lowered;
	[smem:$0x3FD2] =	sst s25  }
0xb5: {  	s5 =	sshll.u32 s26, $0x1;
	_ =	strace $0x80000049;
	[dreg:$0x1] =	wrdreg $0xFFFFFFFF  }
0xb6: {  	s28 =	simm.s32 $_size_execute0_lowered;
	s3 =	sadd.s32 s3, s5;
	[dreg:$0x0] =	wrdreg $0x0  }
0xb7: {  	s5 =	sshll.u32 s28, $0x1;
	[dreg:$0x2] =	wrdreg s3  }
0xb8: {  	[dreg:$0x3] =	wrdreg s5  }
0xb9: {  	[dreg:$0x4] =	wrdreg $0xC0  }
0xba: {  	_ =	task [dreg:s22], $0x5FFFF  }
0xbb: {  	[dreg:$0x1] =	wrdreg $0xFFFFFFFF  }
0xbc: {  	[dreg:$0x0] =	wrdreg $0x60  }
0xbd: {  	[dreg:$0x2] =	wrdreg s24  }
0xbe: {  	[dreg:$0x3] =	wrdreg $0xA8000  }
0xbf: {  	[dreg:$0x4] =	wrdreg $0x9  }
0xc0: {  	_ =	task.clear_ibuf [dreg:s22], $0x5FFFF;
	_ =	strace $0x90000049  }
0xc1: {  	s29 =	simm.s32 $0x9;
	_ =	strace $0x8000004B  }
0xc2: {  	_ =	swait.ge [sflag:s29], $0x1  }
0xc3: {  	[sflag:s29] =	ssyncadd.s32 $0xFFFFFFFF  }
0xc4: {  	_ =	strace $0x9000004B  }
0xc5: {  	_ =	sfence  }
0xc6: {  	s30 =	sld [smem:$0x0];
	_ =	sdelay $0x2  }
0xc7: {  	s31 =	sshll.u32 s1, $0xD;
	s1 =	sshrl.u32 s1, $0x2  }
0xc8: {  	s4 =	sand.u32 $0x4000, s31;
	s1 =	sadd.s32 s1, s30  }
0xc9: {  	s0 =	sor.u32 s4, s0;
	s1 =	sshll.u32 s1, $0x11  }
0xca: {  	s0 =	sor.u32 s1, s0  }
0xcb: {  	s0 =	sadd.s32 $0x8F2B, s0  }
0xcc: {  	[sflag:s0] =	ssyncadd.remote.s32 $0x1  }
0xcd: {  	_ =	sfence.sel $0xFFFF  }
0xce: {  	[dreg:$0x0] =	wrdreg $0xFFFFFFFF;
	(pc) =	sbr.abs _section_cstart, $3  }
0xcf: {  	[dreg:$0x1] =	wrdreg $0xFFFFFFFF  }
0xd0: {  	_ =	task.clear_ibuf [dreg:s22], $0x2FFFF;
	_ =	strace $0x9FFFFFFF  }
0xd1: {  	(tm) =	ssettm $0x7FFFFFFF  }
tec
execute0_lowered:
.L_overlay_start_1:
0x0: {  	(tag) =	ssettag $0x1  }
0x1: {  	s0 =	rddreg [dreg:$0x0]  }
0x2: {  	s2 =	rddreg [dreg:$0x1]  }
0x3: {  	s11 =	stileid.u32;
	s4 =	srdreg.scid  }
0x4: {  	s3 =	simm.s32 $0x0;
	s18 =	simm.s32 $0x5;
	s19 =	simm.s32 $0x80  }
0x5: {  	s20 =	simm.s32 $0x200;
	s28 =	simm.s32 $0x3;
	s29 =	simm.s32 $0x100  }
0x6: {  	s30 =	simm.s32 $0x4;
	s31 =	simm.s32 $0x2700;
	s1 =	smul.u32 $0x5000, s11  }
0x7: {  	s5 =	smul.u32 $0x13C00, s11;
	s7 =	sand.u32 $0x1, s4;
	[smem:$0x7FF] =	sst s3  }
0x8: {  	s4 =	sadd.s32 $0x83E00, s0;
	s10 =	smul.u32 $0x4F000, s11;
	s21 =	sshll.u32 s11, $0x6  }
0x9: {  	s6 =	smul.u32 $0x13C000, s7;
	_ =	strace $0x8000004A;
	s8 =	ssub.s32 $0x2, s7  }
0xa: {  	p0 =	seq.s32 s7, $0x1;
	s7 =	simm.s32 $0x0;
	s1 =	sshrl.u32 s1, $0x3  }
0xb: {  	s9 =	sshrl.u32 s8, $0x1;
	s25 =	sshrl.u32 s10, $0x2;
	s6 =	sadd.s32 s5, s6  }
0xc: {  	s1 =	sadd.s32 s1, s0;
	s5 =	sshrl.u32 s5, $0x3;
	s8 =	ssub.s32 s8, s9  }
0xd: {  	s9 =	sadd.s32 s25, s2;
	s22 =	sadd.s32 $0x12BE00, s1;
	s23 =	sadd.s32 $0x121E00, s1  }
0xe: {  	s25 =	simm.s32 $0x2;
	s24 =	sadd.s32 $0x12BE10, s1;
	s26 =	sadd.s32 $0x122080, s1  }
0xf: {  	s6 =	sshrl.u32 s6, $0x3;
	s11 =	sadd.s32 $0x12BE20, s1;
	s12 =	sadd.s32 $0x122300, s1  }
0x10: {  	s5 =	sadd.s32 s5, s0;
	s13 =	sadd.s32 $0x12BE30, s1;
	s14 =	sadd.s32 $0x122580, s1  }
0x11: {  	s16 =	smax.u32 s8, $0x1;
	s17 =	sshrl.u32 s9, $0x3;
	[dreg:$0x3] =	wrdreg s22  }
.Ltmp0:
0x12: {  	s1 =	simm.s32 $0x2780;
	[dreg:$0x4] =	wrdreg s23;
	(pc) =	sbr.rel .LBB2_1-.Ltmp0, $4  }
0x13: {  	s0 =	sadd.s32 s6, s0;
	s5 =	sadd.s32 $0xAB600, s5;
	[dreg:$0x5] =	wrdreg s24  }
0x14: {  	s6 =	sor.u32 $0x1C05, s21;
	[dreg:$0x6] =	wrdreg s26;
	s21 =	simm.s32 $0x1400  }
0x15: {  	s22 =	simm.s32 $0x2800;
	s23 =	simm.s32 $0x1;
	s24 =	simm.s32 $0x6800  }
0x16: {  	s26 =	simm.s32 $0x1480;
	s15 =	sadd.s32 $0x135E00, s0;
	s0 =	simm.s32 $0x1380  }
.LBB2_11:
0x17: {  	[tilespmem:s22], [sflag:$0x1] =	stream.indirect.gather [hbm4b:s4+s19], $0x80, s9, s19, $0xb8;
	[tilespmem:$0x1E400] =	vst v63  }
.LBB2_12:
0x18: {  	_ =	swait.ge [sflag:s23], $0x4000  }
0x19: {  	[sflag:s23] =	ssyncset.done $0x0  }
0x1a: {  	[sflag:s23] =	ssyncadd.s32 $0xFFFFC000  }
0x1b: {  	[spmem:s2] =	stream.indirect.scatter.add.f32 [tilespmem:s22], [sflag:$0x3], $0x80, s31, s19, $0xb8;
	[tilespmem:$0x1E400] =	vst v63  }
0x1c: {  	_ =	swait.ge [sflag:s30], $0x4000  }
0x1d: {  	[sflag:s30] =	ssyncset.done $0x0  }
0x1e: {  	[sflag:s30] =	ssyncadd.s32 $0xFFFFC000  }
0x1f: {  	[tilespmem:s24], [sflag:$0x2] =	stream.indirect.gather [hbm4b:s4+s19], $0x80, s0, s19, $0xb8;
	[tilespmem:$0x1E400] =	vst v63  }
0x20: {  	_ =	swait.ge [sflag:s25], $0x4000  }
0x21: {  	[sflag:s25] =	ssyncset.done $0x0  }
0x22: {  	[sflag:s25] =	ssyncadd.s32 $0xFFFFC000  }
0x23: {  	[spmem:s2] =	stream.indirect.scatter.add.f32 [tilespmem:s24], [sflag:$0x4], $0x80, s1, s19, $0xb8;
	[tilespmem:$0x1E400] =	vst v63  }
0x24: {  	_ =	swait.ge [sflag:s28], $0x4000  }
0x25: {  	[sflag:s28] =	ssyncset.done $0x0  }
0x26: {  	[sflag:s28] =	ssyncadd.s32 $0xFFFFC000  }
0x27: {  	_ =	swait.ge [sflag:s30], $0x4000  }
0x28: {  	s7 =	sadd.s32 $0x1, s7;
	[sflag:s30] =	ssyncset.done $0x0  }
0x29: {  	p1 =	sne.s32 s7, s16;
	[sflag:s30] =	ssyncadd.s32 $0xFFFFC000  }
.Ltmp1:
0x2a: {  	[bflag:$0x0] =	sbarrier.arrive $0xFFFF;
	(pc) =	sbr.rel @!p1 .LBB2_13-.Ltmp1, $4  }
0x2b: {  	[hbm:s15], [sflag:s6] =	dma.local [spmem:s17], $0x2780  }
0x2c: {  	_ =	swait.ge [sflag:s18], $0x2780  }
0x2d: {  	[sflag:s18] =	ssyncset.done $0x0  }
0x2e: {  	[sflag:s18] =	ssyncadd.s32 $0xFFFFD880  }
.LBB2_1:
0x2f: {  	[spmem:s17], [sflag:s6] =	dma.local [hbm:s5], $0x2780  }
.Ltmp2:
0x30: {  	_ =	swait.ge [sflag:s18], $0x2780;
	(pc) =	sbr.rel @!p0 .LBB2_2-.Ltmp2, $3  }
0x31: {  	[sflag:s18] =	ssyncset.done $0x0  }
0x32: {  	[sflag:s18] =	ssyncadd.s32 $0xFFFFD880  }
0x33: {  	[bflag:$0x0] =	sbarrier.arrive $0xFFFF;
	_ =	sdelay $0x1  }
0x34: {  	[tilespmem:s3], [sflag:$0x5] =	stream.strided.gather [hbm4b:s13+s19], $0x1400, s20, s19, $0x38;
	[tilespmem:$0x1E400] =	vst v63  }
0x35: {  	_ =	swait.ge [sflag:s18], $0x1400  }
0x36: {  	[sflag:s18] =	ssyncset.done $0x0  }
0x37: {  	[sflag:s18] =	ssyncadd.s32 $0xFFFFEC00  }
0x38: {  	[tilespmem:s21], [sflag:$0x5] =	stream.linear.gather [hbm4b:s14+s3], $0x1400, $0x38;
	[tilespmem:$0x1E400] =	vst v63  }
0x39: {  	_ =	swait.ge [sflag:s18], $0x1400  }
0x3a: {  	[sflag:s18] =	ssyncset.done $0x0  }
0x3b: {  	[sflag:s18] =	ssyncadd.s32 $0xFFFFEC00  }
0x3c: {  	[tilespmem:s22], [sflag:$0x1] =	stream.indirect.gather [hbm4b:s4+s19], $0x80, s3, s19, $0xb8;
	[tilespmem:$0x1E400] =	vst v63  }
0x3d: {  	_ =	swait.ge [sflag:s23], $0x4000  }
0x3e: {  	[sflag:s23] =	ssyncset.done $0x0  }
0x3f: {  	[sflag:s23] =	ssyncadd.s32 $0xFFFFC000  }
0x40: {  	[spmem:s2] =	stream.indirect.scatter.add.f32 [tilespmem:s22], [sflag:$0x3], $0x80, s21, s19, $0xb8;
	[tilespmem:$0x1E400] =	vst v63  }
0x41: {  	_ = 	snop  }
0x42: {  	[tilespmem:s24], [sflag:$0x2] =	stream.indirect.gather [hbm4b:s4+s19], $0x80, s19, s19, $0xb8;
	[tilespmem:$0x1E400] =	vst v63  }
0x43: {  	_ =	swait.ge [sflag:s25], $0x4000  }
0x44: {  	[sflag:s25] =	ssyncset.done $0x0  }
0x45: {  	[sflag:s25] =	ssyncadd.s32 $0xFFFFC000  }
0x46: {  	[spmem:s2] =	stream.indirect.scatter.add.f32 [tilespmem:s24], [sflag:$0x4], $0x80, s26, s19, $0xb8;
	[tilespmem:$0x1E400] =	vst v63  }
0x47: {  	_ =	swait.ge [sflag:s28], $0x4000  }
0x48: {  	[sflag:s28] =	ssyncset.done $0x0  }
0x49: {  	[sflag:s28] =	ssyncadd.s32 $0xFFFFC000  }
0x4a: {  	[tilespmem:s22], [sflag:$0x1] =	stream.indirect.gather [hbm4b:s4+s19], $0x80, s29, s19, $0xb8;
	[tilespmem:$0x1E400] =	vst v63  }
0x4b: {  	_ =	swait.ge [sflag:s23], $0x4000  }
0x4c: {  	[sflag:s23] =	ssyncset.done $0x0  }
0x4d: {  	s8 =	simm.s32 $0x1500;
	[sflag:s23] =	ssyncadd.s32 $0xFFFFC000  }
0x4e: {  	[spmem:s2] =	stream.indirect.scatter.add.f32 [tilespmem:s22], [sflag:$0x3], $0x80, s8, s19, $0xb8;
	[tilespmem:$0x1E400] =	vst v63  }
0x4f: {  	_ =	swait.ge [sflag:s30], $0x4000  }
0x50: {  	[sflag:s30] =	ssyncset.done $0x0  }
0x51: {  	s9 =	simm.s32 $0x180;
	[sflag:s30] =	ssyncadd.s32 $0xFFFFC000  }
0x52: {  	[tilespmem:s24], [sflag:$0x2] =	stream.indirect.gather [hbm4b:s4+s19], $0x80, s9, s19, $0xb8;
	[tilespmem:$0x1E400] =	vst v63  }
0x53: {  	_ =	swait.ge [sflag:s25], $0x4000  }
0x54: {  	[sflag:s25] =	ssyncset.done $0x0  }
0x55: {  	s10 =	simm.s32 $0x1580;
	[sflag:s25] =	ssyncadd.s32 $0xFFFFC000  }
0x56: {  	[spmem:s2] =	stream.indirect.scatter.add.f32 [tilespmem:s24], [sflag:$0x4], $0x80, s10, s19, $0xb8;
	[tilespmem:$0x1E400] =	vst v63  }
0x57: {  	_ =	swait.ge [sflag:s28], $0x4000  }
0x58: {  	[sflag:s28] =	ssyncset.done $0x0  }
0x59: {  	s8 =	simm.s32 $0xFFFFBC00;
	s9 =	simm.s32 $0x200;
	[sflag:s28] =	ssyncadd.s32 $0xFFFFC000  }
.LBB2_10:
0x5a: {  	[tilespmem:s22], [sflag:$0x1] =	stream.indirect.gather [hbm4b:s4+s19], $0x80, s9, s19, $0xb8;
	[tilespmem:$0x1E400] =	vst v63  }
0x5b: {  	s9 =	smov.u32 s8  }
0x5c: {  	p1 =	sne.s32 s8, $0xFFFFFC00;
	s8 =	sadd.s32 $0x400, s8;
	_ =	swait.ge [sflag:s23], $0x4000  }
0x5d: {  	s9 =	sshra.s32 s9, $0x2;
	[sflag:s23] =	ssyncset.done $0x0  }
0x5e: {  	s10 =	sadd.s32 $0x2700, s9;
	[sflag:s23] =	ssyncadd.s32 $0xFFFFC000  }
0x5f: {  	[spmem:s2] =	stream.indirect.scatter.add.f32 [tilespmem:s22], [sflag:$0x3], $0x80, s10, s19, $0xb8;
	[tilespmem:$0x1E400] =	vst v63  }
0x60: {  	_ =	swait.ge [sflag:s30], $0x4000  }
0x61: {  	[sflag:s30] =	ssyncset.done $0x0  }
0x62: {  	s10 =	sadd.s32 $0x1380, s9;
	[sflag:s30] =	ssyncadd.s32 $0xFFFFC000  }
0x63: {  	[tilespmem:s24], [sflag:$0x2] =	stream.indirect.gather [hbm4b:s4+s19], $0x80, s10, s19, $0xb8;
	[tilespmem:$0x1E400] =	vst v63  }
0x64: {  	_ =	swait.ge [sflag:s25], $0x4000  }
0x65: {  	[sflag:s25] =	ssyncset.done $0x0  }
.Ltmp3:
0x66: {  	s10 =	sadd.s32 $0x2780, s9;
	[sflag:s25] =	ssyncadd.s32 $0xFFFFC000;
	(pc) =	sbr.rel @p1 .LBB2_10-.Ltmp3, $4  }
0x67: {  	[spmem:s2] =	stream.indirect.scatter.add.f32 [tilespmem:s24], [sflag:$0x4], $0x80, s10, s19, $0xb8;
	[tilespmem:$0x1E400] =	vst v63  }
0x68: {  	_ =	swait.ge [sflag:s28], $0x4000  }
0x69: {  	[sflag:s28] =	ssyncset.done $0x0  }
0x6a: {  	s9 =	sadd.s32 $0x1400, s9;
	[sflag:s28] =	ssyncadd.s32 $0xFFFFC000  }
.Ltmp4:
0x6b: {  	_ = 	snop;
	(pc) =	sbr.rel .LBB2_11-.Ltmp4, $1  }
0x6c: {  	_ =	sdelay $0x3  }
.LBB2_2:
0x6d: {  	s8 =	rddreg [dreg:$0x3]  }
0x6e: {  	[tilespmem:s3], [sflag:$0x5] =	stream.strided.gather [hbm4b:s8+s19], $0x1400, s20, s19, $0x38;
	[tilespmem:$0x1E400] =	vst v63  }
0x6f: {  	_ =	swait.ge [sflag:s18], $0x1400  }
0x70: {  	[sflag:s18] =	ssyncset.done $0x0  }
0x71: {  	s9 =	rddreg [dreg:$0x4];
	[sflag:s18] =	ssyncadd.s32 $0xFFFFEC00  }
0x72: {  	[tilespmem:s21], [sflag:$0x5] =	stream.linear.gather [hbm4b:s9+s3], $0x1400, $0x38;
	[tilespmem:$0x1E400] =	vst v63  }
0x73: {  	_ =	swait.ge [sflag:s18], $0x1400  }
0x74: {  	[sflag:s18] =	ssyncset.done $0x0  }
0x75: {  	[sflag:s18] =	ssyncadd.s32 $0xFFFFEC00  }
0x76: {  	[tilespmem:s22], [sflag:$0x1] =	stream.indirect.gather [hbm4b:s4+s19], $0x80, s3, s19, $0xb8;
	[tilespmem:$0x1E400] =	vst v63  }
0x77: {  	_ =	swait.ge [sflag:s23], $0x4000  }
0x78: {  	[sflag:s23] =	ssyncset.done $0x0  }
0x79: {  	[sflag:s23] =	ssyncadd.s32 $0xFFFFC000  }
0x7a: {  	[spmem:s2] =	stream.indirect.scatter.add.f32 [tilespmem:s22], [sflag:$0x3], $0x80, s21, s19, $0xb8;
	[tilespmem:$0x1E400] =	vst v63  }
0x7b: {  	_ = 	snop  }
0x7c: {  	[tilespmem:s24], [sflag:$0x2] =	stream.indirect.gather [hbm4b:s4+s19], $0x80, s19, s19, $0xb8;
	[tilespmem:$0x1E400] =	vst v63  }
0x7d: {  	_ =	swait.ge [sflag:s25], $0x4000  }
0x7e: {  	[sflag:s25] =	ssyncset.done $0x0  }
0x7f: {  	[sflag:s25] =	ssyncadd.s32 $0xFFFFC000  }
0x80: {  	[spmem:s2] =	stream.indirect.scatter.add.f32 [tilespmem:s24], [sflag:$0x4], $0x80, s26, s19, $0xb8;
	[tilespmem:$0x1E400] =	vst v63  }
0x81: {  	_ =	swait.ge [sflag:s28], $0x4000  }
0x82: {  	[sflag:s28] =	ssyncset.done $0x0  }
0x83: {  	[sflag:s28] =	ssyncadd.s32 $0xFFFFC000  }
0x84: {  	[tilespmem:s22], [sflag:$0x1] =	stream.indirect.gather [hbm4b:s4+s19], $0x80, s29, s19, $0xb8;
	[tilespmem:$0x1E400] =	vst v63  }
0x85: {  	_ =	swait.ge [sflag:s23], $0x4000  }
0x86: {  	[sflag:s23] =	ssyncset.done $0x0  }
0x87: {  	s10 =	simm.s32 $0x1500;
	[sflag:s23] =	ssyncadd.s32 $0xFFFFC000  }
0x88: {  	[spmem:s2] =	stream.indirect.scatter.add.f32 [tilespmem:s22], [sflag:$0x3], $0x80, s10, s19, $0xb8;
	[tilespmem:$0x1E400] =	vst v63  }
0x89: {  	_ =	swait.ge [sflag:s30], $0x4000  }
0x8a: {  	[sflag:s30] =	ssyncset.done $0x0  }
0x8b: {  	s9 =	simm.s32 $0x180;
	[sflag:s30] =	ssyncadd.s32 $0xFFFFC000  }
0x8c: {  	[tilespmem:s24], [sflag:$0x2] =	stream.indirect.gather [hbm4b:s4+s19], $0x80, s9, s19, $0xb8;
	[tilespmem:$0x1E400] =	vst v63  }
0x8d: {  	_ =	swait.ge [sflag:s25], $0x4000  }
0x8e: {  	[sflag:s25] =	ssyncset.done $0x0  }
0x8f: {  	s10 =	simm.s32 $0x1580;
	[sflag:s25] =	ssyncadd.s32 $0xFFFFC000  }
0x90: {  	[spmem:s2] =	stream.indirect.scatter.add.f32 [tilespmem:s24], [sflag:$0x4], $0x80, s10, s19, $0xb8;
	[tilespmem:$0x1E400] =	vst v63  }
0x91: {  	_ =	swait.ge [sflag:s28], $0x4000  }
0x92: {  	[sflag:s28] =	ssyncset.done $0x0  }
0x93: {  	s8 =	simm.s32 $0xFFFFBC00;
	s9 =	simm.s32 $0x200;
	[sflag:s28] =	ssyncadd.s32 $0xFFFFC000  }
.LBB2_3:
0x94: {  	[tilespmem:s22], [sflag:$0x1] =	stream.indirect.gather [hbm4b:s4+s19], $0x80, s9, s19, $0xb8;
	[tilespmem:$0x1E400] =	vst v63  }
0x95: {  	s9 =	smov.u32 s8  }
0x96: {  	p1 =	sne.s32 s8, $0xFFFFFC00;
	s8 =	sadd.s32 $0x400, s8;
	_ =	swait.ge [sflag:s23], $0x4000  }
0x97: {  	s9 =	sshra.s32 s9, $0x2;
	[sflag:s23] =	ssyncset.done $0x0  }
0x98: {  	s10 =	sadd.s32 $0x2700, s9;
	[sflag:s23] =	ssyncadd.s32 $0xFFFFC000  }
0x99: {  	[spmem:s2] =	stream.indirect.scatter.add.f32 [tilespmem:s22], [sflag:$0x3], $0x80, s10, s19, $0xb8;
	[tilespmem:$0x1E400] =	vst v63  }
0x9a: {  	_ =	swait.ge [sflag:s30], $0x4000  }
0x9b: {  	[sflag:s30] =	ssyncset.done $0x0  }
0x9c: {  	s10 =	sadd.s32 $0x1380, s9;
	[sflag:s30] =	ssyncadd.s32 $0xFFFFC000  }
0x9d: {  	[tilespmem:s24], [sflag:$0x2] =	stream.indirect.gather [hbm4b:s4+s19], $0x80, s10, s19, $0xb8;
	[tilespmem:$0x1E400] =	vst v63  }
0x9e: {  	_ =	swait.ge [sflag:s25], $0x4000  }
0x9f: {  	[sflag:s25] =	ssyncset.done $0x0  }
.Ltmp5:
0xa0: {  	s10 =	sadd.s32 $0x2780, s9;
	[sflag:s25] =	ssyncadd.s32 $0xFFFFC000;
	(pc) =	sbr.rel @p1 .LBB2_3-.Ltmp5, $4  }
0xa1: {  	[spmem:s2] =	stream.indirect.scatter.add.f32 [tilespmem:s24], [sflag:$0x4], $0x80, s10, s19, $0xb8;
	[tilespmem:$0x1E400] =	vst v63  }
0xa2: {  	_ =	swait.ge [sflag:s28], $0x4000  }
0xa3: {  	[sflag:s28] =	ssyncset.done $0x0  }
0xa4: {  	s9 =	sadd.s32 $0x1400, s9;
	[sflag:s28] =	ssyncadd.s32 $0xFFFFC000  }
0xa5: {  	[tilespmem:s22], [sflag:$0x1] =	stream.indirect.gather [hbm4b:s4+s19], $0x80, s9, s19, $0xb8;
	[tilespmem:$0x1E400] =	vst v63  }
0xa6: {  	_ =	swait.ge [sflag:s23], $0x4000  }
0xa7: {  	[sflag:s23] =	ssyncset.done $0x0  }
0xa8: {  	[sflag:s23] =	ssyncadd.s32 $0xFFFFC000  }
0xa9: {  	[spmem:s2] =	stream.indirect.scatter.add.f32 [tilespmem:s22], [sflag:$0x3], $0x80, s31, s19, $0xb8;
	[tilespmem:$0x1E400] =	vst v63  }
0xaa: {  	_ =	swait.ge [sflag:s30], $0x4000  }
0xab: {  	[sflag:s30] =	ssyncset.done $0x0  }
0xac: {  	[sflag:s30] =	ssyncadd.s32 $0xFFFFC000  }
0xad: {  	[tilespmem:s24], [sflag:$0x2] =	stream.indirect.gather [hbm4b:s4+s19], $0x80, s0, s19, $0xb8;
	[tilespmem:$0x1E400] =	vst v63  }
0xae: {  	_ =	swait.ge [sflag:s25], $0x4000  }
0xaf: {  	[sflag:s25] =	ssyncset.done $0x0  }
0xb0: {  	[sflag:s25] =	ssyncadd.s32 $0xFFFFC000  }
0xb1: {  	[spmem:s2] =	stream.indirect.scatter.add.f32 [tilespmem:s24], [sflag:$0x4], $0x80, s1, s19, $0xb8;
	[tilespmem:$0x1E400] =	vst v63  }
0xb2: {  	_ =	swait.ge [sflag:s28], $0x4000  }
0xb3: {  	[sflag:s28] =	ssyncset.done $0x0  }
0xb4: {  	[sflag:s28] =	ssyncadd.s32 $0xFFFFC000  }
0xb5: {  	_ =	swait.ge [sflag:s30], $0x4000  }
0xb6: {  	[sflag:s30] =	ssyncset.done $0x0  }
0xb7: {  	s8 =	rddreg [dreg:$0x5];
	[sflag:s30] =	ssyncadd.s32 $0xFFFFC000  }
0xb8: {  	[tilespmem:s3], [sflag:$0x5] =	stream.strided.gather [hbm4b:s8+s19], $0x1400, s20, s19, $0x38;
	[tilespmem:$0x1E400] =	vst v63  }
0xb9: {  	_ =	swait.ge [sflag:s18], $0x1400  }
0xba: {  	[sflag:s18] =	ssyncset.done $0x0  }
0xbb: {  	s9 =	rddreg [dreg:$0x6];
	[sflag:s18] =	ssyncadd.s32 $0xFFFFEC00  }
0xbc: {  	[tilespmem:s21], [sflag:$0x5] =	stream.linear.gather [hbm4b:s9+s3], $0x1400, $0x38;
	[tilespmem:$0x1E400] =	vst v63  }
0xbd: {  	_ =	swait.ge [sflag:s18], $0x1400  }
0xbe: {  	[sflag:s18] =	ssyncset.done $0x0  }
0xbf: {  	[sflag:s18] =	ssyncadd.s32 $0xFFFFEC00  }
0xc0: {  	[tilespmem:s22], [sflag:$0x1] =	stream.indirect.gather [hbm4b:s4+s19], $0x80, s3, s19, $0xb8;
	[tilespmem:$0x1E400] =	vst v63  }
0xc1: {  	_ =	swait.ge [sflag:s23], $0x4000  }
0xc2: {  	[sflag:s23] =	ssyncset.done $0x0  }
0xc3: {  	[sflag:s23] =	ssyncadd.s32 $0xFFFFC000  }
0xc4: {  	[spmem:s2] =	stream.indirect.scatter.add.f32 [tilespmem:s22], [sflag:$0x3], $0x80, s21, s19, $0xb8;
	[tilespmem:$0x1E400] =	vst v63  }
0xc5: {  	_ = 	snop  }
0xc6: {  	[tilespmem:s24], [sflag:$0x2] =	stream.indirect.gather [hbm4b:s4+s19], $0x80, s19, s19, $0xb8;
	[tilespmem:$0x1E400] =	vst v63  }
0xc7: {  	_ =	swait.ge [sflag:s25], $0x4000  }
0xc8: {  	[sflag:s25] =	ssyncset.done $0x0  }
0xc9: {  	[sflag:s25] =	ssyncadd.s32 $0xFFFFC000  }
0xca: {  	[spmem:s2] =	stream.indirect.scatter.add.f32 [tilespmem:s24], [sflag:$0x4], $0x80, s26, s19, $0xb8;
	[tilespmem:$0x1E400] =	vst v63  }
0xcb: {  	_ =	swait.ge [sflag:s28], $0x4000  }
0xcc: {  	[sflag:s28] =	ssyncset.done $0x0  }
0xcd: {  	[sflag:s28] =	ssyncadd.s32 $0xFFFFC000  }
0xce: {  	[tilespmem:s22], [sflag:$0x1] =	stream.indirect.gather [hbm4b:s4+s19], $0x80, s29, s19, $0xb8;
	[tilespmem:$0x1E400] =	vst v63  }
0xcf: {  	_ =	swait.ge [sflag:s23], $0x4000  }
0xd0: {  	[sflag:s23] =	ssyncset.done $0x0  }
0xd1: {  	s10 =	simm.s32 $0x1500;
	[sflag:s23] =	ssyncadd.s32 $0xFFFFC000  }
0xd2: {  	[spmem:s2] =	stream.indirect.scatter.add.f32 [tilespmem:s22], [sflag:$0x3], $0x80, s10, s19, $0xb8;
	[tilespmem:$0x1E400] =	vst v63  }
0xd3: {  	_ =	swait.ge [sflag:s30], $0x4000  }
0xd4: {  	[sflag:s30] =	ssyncset.done $0x0  }
0xd5: {  	s9 =	simm.s32 $0x180;
	[sflag:s30] =	ssyncadd.s32 $0xFFFFC000  }
0xd6: {  	[tilespmem:s24], [sflag:$0x2] =	stream.indirect.gather [hbm4b:s4+s19], $0x80, s9, s19, $0xb8;
	[tilespmem:$0x1E400] =	vst v63  }
0xd7: {  	_ =	swait.ge [sflag:s25], $0x4000  }
0xd8: {  	[sflag:s25] =	ssyncset.done $0x0  }
0xd9: {  	s10 =	simm.s32 $0x1580;
	[sflag:s25] =	ssyncadd.s32 $0xFFFFC000  }
0xda: {  	[spmem:s2] =	stream.indirect.scatter.add.f32 [tilespmem:s24], [sflag:$0x4], $0x80, s10, s19, $0xb8;
	[tilespmem:$0x1E400] =	vst v63  }
0xdb: {  	_ =	swait.ge [sflag:s28], $0x4000  }
0xdc: {  	[sflag:s28] =	ssyncset.done $0x0  }
0xdd: {  	s8 =	simm.s32 $0xFFFFBC00;
	s9 =	simm.s32 $0x200;
	[sflag:s28] =	ssyncadd.s32 $0xFFFFC000  }
.LBB2_5:
0xde: {  	[tilespmem:s22], [sflag:$0x1] =	stream.indirect.gather [hbm4b:s4+s19], $0x80, s9, s19, $0xb8;
	[tilespmem:$0x1E400] =	vst v63  }
0xdf: {  	s9 =	smov.u32 s8  }
0xe0: {  	p1 =	sne.s32 s8, $0xFFFFFC00;
	s8 =	sadd.s32 $0x400, s8;
	_ =	swait.ge [sflag:s23], $0x4000  }
0xe1: {  	s9 =	sshra.s32 s9, $0x2;
	[sflag:s23] =	ssyncset.done $0x0  }
0xe2: {  	s10 =	sadd.s32 $0x2700, s9;
	[sflag:s23] =	ssyncadd.s32 $0xFFFFC000  }
0xe3: {  	[spmem:s2] =	stream.indirect.scatter.add.f32 [tilespmem:s22], [sflag:$0x3], $0x80, s10, s19, $0xb8;
	[tilespmem:$0x1E400] =	vst v63  }
0xe4: {  	_ =	swait.ge [sflag:s30], $0x4000  }
0xe5: {  	[sflag:s30] =	ssyncset.done $0x0  }
0xe6: {  	s10 =	sadd.s32 $0x1380, s9;
	[sflag:s30] =	ssyncadd.s32 $0xFFFFC000  }
0xe7: {  	[tilespmem:s24], [sflag:$0x2] =	stream.indirect.gather [hbm4b:s4+s19], $0x80, s10, s19, $0xb8;
	[tilespmem:$0x1E400] =	vst v63  }
0xe8: {  	_ =	swait.ge [sflag:s25], $0x4000  }
0xe9: {  	[sflag:s25] =	ssyncset.done $0x0  }
.Ltmp6:
0xea: {  	s10 =	sadd.s32 $0x2780, s9;
	[sflag:s25] =	ssyncadd.s32 $0xFFFFC000;
	(pc) =	sbr.rel @p1 .LBB2_5-.Ltmp6, $4  }
0xeb: {  	[spmem:s2] =	stream.indirect.scatter.add.f32 [tilespmem:s24], [sflag:$0x4], $0x80, s10, s19, $0xb8;
	[tilespmem:$0x1E400] =	vst v63  }
0xec: {  	_ =	swait.ge [sflag:s28], $0x4000  }
0xed: {  	[sflag:s28] =	ssyncset.done $0x0  }
0xee: {  	s9 =	sadd.s32 $0x1400, s9;
	[sflag:s28] =	ssyncadd.s32 $0xFFFFC000  }
0xef: {  	[tilespmem:s22], [sflag:$0x1] =	stream.indirect.gather [hbm4b:s4+s19], $0x80, s9, s19, $0xb8;
	[tilespmem:$0x1E400] =	vst v63  }
0xf0: {  	_ =	swait.ge [sflag:s23], $0x4000  }
0xf1: {  	[sflag:s23] =	ssyncset.done $0x0  }
0xf2: {  	[sflag:s23] =	ssyncadd.s32 $0xFFFFC000  }
0xf3: {  	[spmem:s2] =	stream.indirect.scatter.add.f32 [tilespmem:s22], [sflag:$0x3], $0x80, s31, s19, $0xb8;
	[tilespmem:$0x1E400] =	vst v63  }
0xf4: {  	_ =	swait.ge [sflag:s30], $0x4000  }
0xf5: {  	[sflag:s30] =	ssyncset.done $0x0  }
0xf6: {  	[sflag:s30] =	ssyncadd.s32 $0xFFFFC000  }
0xf7: {  	[tilespmem:s24], [sflag:$0x2] =	stream.indirect.gather [hbm4b:s4+s19], $0x80, s0, s19, $0xb8;
	[tilespmem:$0x1E400] =	vst v63  }
0xf8: {  	_ =	swait.ge [sflag:s25], $0x4000  }
0xf9: {  	[sflag:s25] =	ssyncset.done $0x0  }
0xfa: {  	[sflag:s25] =	ssyncadd.s32 $0xFFFFC000  }
0xfb: {  	[spmem:s2] =	stream.indirect.scatter.add.f32 [tilespmem:s24], [sflag:$0x4], $0x80, s1, s19, $0xb8;
	[tilespmem:$0x1E400] =	vst v63  }
0xfc: {  	_ =	swait.ge [sflag:s28], $0x4000  }
0xfd: {  	[sflag:s28] =	ssyncset.done $0x0  }
0xfe: {  	[sflag:s28] =	ssyncadd.s32 $0xFFFFC000  }
0xff: {  	_ =	swait.ge [sflag:s30], $0x4000  }
0x100: {  	[sflag:s30] =	ssyncset.done $0x0  }
0x101: {  	[sflag:s30] =	ssyncadd.s32 $0xFFFFC000  }
0x102: {  	[tilespmem:s3], [sflag:$0x5] =	stream.strided.gather [hbm4b:s11+s19], $0x1400, s20, s19, $0x38;
	[tilespmem:$0x1E400] =	vst v63  }
0x103: {  	_ =	swait.ge [sflag:s18], $0x1400  }
0x104: {  	[sflag:s18] =	ssyncset.done $0x0  }
0x105: {  	[sflag:s18] =	ssyncadd.s32 $0xFFFFEC00  }
0x106: {  	[tilespmem:s21], [sflag:$0x5] =	stream.linear.gather [hbm4b:s12+s3], $0x1400, $0x38;
	[tilespmem:$0x1E400] =	vst v63  }
0x107: {  	_ =	swait.ge [sflag:s18], $0x1400  }
0x108: {  	[sflag:s18] =	ssyncset.done $0x0  }
0x109: {  	[sflag:s18] =	ssyncadd.s32 $0xFFFFEC00  }
0x10a: {  	[tilespmem:s22], [sflag:$0x1] =	stream.indirect.gather [hbm4b:s4+s19], $0x80, s3, s19, $0xb8;
	[tilespmem:$0x1E400] =	vst v63  }
0x10b: {  	_ =	swait.ge [sflag:s23], $0x4000  }
0x10c: {  	[sflag:s23] =	ssyncset.done $0x0  }
0x10d: {  	[sflag:s23] =	ssyncadd.s32 $0xFFFFC000  }
0x10e: {  	[spmem:s2] =	stream.indirect.scatter.add.f32 [tilespmem:s22], [sflag:$0x3], $0x80, s21, s19, $0xb8;
	[tilespmem:$0x1E400] =	vst v63  }
0x10f: {  	_ = 	snop  }
0x110: {  	[tilespmem:s24], [sflag:$0x2] =	stream.indirect.gather [hbm4b:s4+s19], $0x80, s19, s19, $0xb8;
	[tilespmem:$0x1E400] =	vst v63  }
0x111: {  	_ =	swait.ge [sflag:s25], $0x4000  }
0x112: {  	[sflag:s25] =	ssyncset.done $0x0  }
0x113: {  	[sflag:s25] =	ssyncadd.s32 $0xFFFFC000  }
0x114: {  	[spmem:s2] =	stream.indirect.scatter.add.f32 [tilespmem:s24], [sflag:$0x4], $0x80, s26, s19, $0xb8;
	[tilespmem:$0x1E400] =	vst v63  }
0x115: {  	_ =	swait.ge [sflag:s28], $0x4000  }
0x116: {  	[sflag:s28] =	ssyncset.done $0x0  }
0x117: {  	[sflag:s28] =	ssyncadd.s32 $0xFFFFC000  }
0x118: {  	[tilespmem:s22], [sflag:$0x1] =	stream.indirect.gather [hbm4b:s4+s19], $0x80, s29, s19, $0xb8;
	[tilespmem:$0x1E400] =	vst v63  }
0x119: {  	_ =	swait.ge [sflag:s23], $0x4000  }
0x11a: {  	[sflag:s23] =	ssyncset.done $0x0  }
0x11b: {  	s8 =	simm.s32 $0x1500;
	[sflag:s23] =	ssyncadd.s32 $0xFFFFC000  }
0x11c: {  	[spmem:s2] =	stream.indirect.scatter.add.f32 [tilespmem:s22], [sflag:$0x3], $0x80, s8, s19, $0xb8;
	[tilespmem:$0x1E400] =	vst v63  }
0x11d: {  	_ =	swait.ge [sflag:s30], $0x4000  }
0x11e: {  	[sflag:s30] =	ssyncset.done $0x0  }
0x11f: {  	s9 =	simm.s32 $0x180;
	[sflag:s30] =	ssyncadd.s32 $0xFFFFC000  }
0x120: {  	[tilespmem:s24], [sflag:$0x2] =	stream.indirect.gather [hbm4b:s4+s19], $0x80, s9, s19, $0xb8;
	[tilespmem:$0x1E400] =	vst v63  }
0x121: {  	_ =	swait.ge [sflag:s25], $0x4000  }
0x122: {  	[sflag:s25] =	ssyncset.done $0x0  }
0x123: {  	s10 =	simm.s32 $0x1580;
	[sflag:s25] =	ssyncadd.s32 $0xFFFFC000  }
0x124: {  	[spmem:s2] =	stream.indirect.scatter.add.f32 [tilespmem:s24], [sflag:$0x4], $0x80, s10, s19, $0xb8;
	[tilespmem:$0x1E400] =	vst v63  }
0x125: {  	_ =	swait.ge [sflag:s28], $0x4000  }
0x126: {  	[sflag:s28] =	ssyncset.done $0x0  }
0x127: {  	s8 =	simm.s32 $0xFFFFBC00;
	s9 =	simm.s32 $0x200;
	[sflag:s28] =	ssyncadd.s32 $0xFFFFC000  }
.LBB2_7:
0x128: {  	[tilespmem:s22], [sflag:$0x1] =	stream.indirect.gather [hbm4b:s4+s19], $0x80, s9, s19, $0xb8;
	[tilespmem:$0x1E400] =	vst v63  }
0x129: {  	s9 =	smov.u32 s8  }
0x12a: {  	p1 =	seq.s32 s8, $0xFFFFFC00;
	s8 =	sadd.s32 $0x400, s8;
	_ =	swait.ge [sflag:s23], $0x4000  }
0x12b: {  	s9 =	sshra.s32 s9, $0x2;
	[sflag:s23] =	ssyncset.done $0x0  }
0x12c: {  	s10 =	sadd.s32 $0x2700, s9;
	[sflag:s23] =	ssyncadd.s32 $0xFFFFC000  }
0x12d: {  	[spmem:s2] =	stream.indirect.scatter.add.f32 [tilespmem:s22], [sflag:$0x3], $0x80, s10, s19, $0xb8;
	[tilespmem:$0x1E400] =	vst v63  }
0x12e: {  	_ =	swait.ge [sflag:s30], $0x4000  }
0x12f: {  	[sflag:s30] =	ssyncset.done $0x0  }
0x130: {  	s10 =	sadd.s32 $0x1380, s9;
	[sflag:s30] =	ssyncadd.s32 $0xFFFFC000  }
0x131: {  	[tilespmem:s24], [sflag:$0x2] =	stream.indirect.gather [hbm4b:s4+s19], $0x80, s10, s19, $0xb8;
	[tilespmem:$0x1E400] =	vst v63  }
0x132: {  	_ =	swait.ge [sflag:s25], $0x4000  }
0x133: {  	[sflag:s25] =	ssyncset.done $0x0  }
.Ltmp7:
0x134: {  	s10 =	sadd.s32 $0x2780, s9;
	[sflag:s25] =	ssyncadd.s32 $0xFFFFC000;
	(pc) =	sbr.rel @!p1 .LBB2_7-.Ltmp7, $4  }
0x135: {  	[spmem:s2] =	stream.indirect.scatter.add.f32 [tilespmem:s24], [sflag:$0x4], $0x80, s10, s19, $0xb8;
	[tilespmem:$0x1E400] =	vst v63  }
0x136: {  	_ =	swait.ge [sflag:s28], $0x4000  }
0x137: {  	[sflag:s28] =	ssyncset.done $0x0  }
0x138: {  	s9 =	sadd.s32 $0x1400, s9;
	[sflag:s28] =	ssyncadd.s32 $0xFFFFC000  }
.Ltmp8:
0x139: {  	(pc) =	sbr.rel .LBB2_12-.Ltmp8, $2  }
0x13a: {  	_ =	sdelay $0x2  }
0x13b: {  	[tilespmem:s22], [sflag:$0x1] =	stream.indirect.gather [hbm4b:s4+s19], $0x80, s9, s19, $0xb8;
	[tilespmem:$0x1E400] =	vst v63  }
.LBB2_13:
0x13c: {  	_ =	sfence.sel $0x180000  }
0x13d: {  	[bflag:$0x0] =	sbarrier.arrive $0xFFFF  }
0x13e: {  	_ =	strace $0x9000004A  }
0x13f: {  	s0 =	stileid.u32;
	[bflag:$0x2] =	sbarrier.arrive $0xFFFF  }
0x140: {  	p0 =	sne.s32 s0, $0x0;
	s0 =	rddreg [dreg:$0x2]  }
0x141: {  	s0 =	sadd.s32 @!p0 $0x100000, s0  }
0x142: {  	[sflag:s0] =	ssyncadd.tile.s32 @!p0 $0x1;
	_ =	shalt  }
.Lfunc_end2:
_tile_overlayer_lowered:
.L_overlay_start_2:
0x143: {  	(tag) =	ssettag $0x2  }
0x144: {  	s0 =	rddreg [dreg:$0x0];
	s2 =	stileid.u32  }
0x145: {  	s1 =	rddreg [dreg:$0x1];
	p0 =	sne.s32 s2, $0x0  }
0x146: {  	s3 =	rddreg [dreg:$0x2];
	[bflag:$0x3] =	sbarrier.arrive $0xFFFF;
	s2 =	simm.s32 @!p0 $0x1C05  }
0x147: {  	[timem:s3], [sflag:s2] =	dma.local @!p0 [hbm:s0], s1  }
0x148: {  	s0 =	simm.s32 @!p0 $0x5  }
0x149: {  	_ =	swait.ge @!p0 [sflag:s0], s1  }
0x14a: {  	s1 =	ssub.s32 @!p0 $0x0, s1;
	[sflag:s0] =	ssyncset.done @!p0 $0x0  }
0x14b: {  	[sflag:s0] =	ssyncadd.s32 @!p0 s1  }
0x14c: {  	[bflag:$0x3] =	sbarrier.arrive $0xFFFF  }
0x14d: {  	_ =	shalt  }

// kernel: kernel.14.cloned.1.call-start
scs
__scs_entry_jumppad:
0x0: {  	(pc) =	sbr.rel $0x88, $3  }
0x1: {  	(tag) =	ssettag $0x0;
	lr =	simm.s32 $0x1  }
0x2: {  	[smem:$0x3F95] =	sst lr;
	_ =	strace $0xD0000000  }
0x3: {  	_ = 	snop  }
0x4: {  	_ = 	snop  }
0x5: {  	_ = 	snop  }
0x6: {  	_ = 	snop  }
0x7: {  	_ = 	snop  }
__scs_overlays_trampoline_lowered:
0x8: {  	[smem:$0x3FA4] =	sst s0  }
0x9: {  	[smem:$0x3FA5] =	sst s1  }
0xa: {  	[smem:$0x3FA6] =	sst s2  }
0xb: {  	[smem:$0x3FA7] =	sst s3  }
0xc: {  	[smem:$0x3FA8] =	sst s4  }
0xd: {  	[smem:$0x3FA9] =	sst s5  }
0xe: {  	[smem:$0x3FAA] =	sst s6  }
0xf: {  	[smem:$0x3FAB] =	sst s7  }
0x10: {  	[smem:$0x3FAC] =	sst s8  }
0x11: {  	[smem:$0x3FAD] =	sst s9;
	s0 =	simm.s32 @!p0 $0x0  }
0x12: {  	s1 =	sld [smem:$0x3F93];
	s0 =	simm.s32 @p0 $0x1  }
0x13: {  	[smem:$0x3FAE] =	sst s0;
	s0 =	simm.s32 @!p1 $0x0  }
0x14: {  	s2 =	sld [smem:$0x3F92];
	s0 =	simm.s32 @p1 $0x1  }
0x15: {  	[smem:$0x3FAF] =	sst s0;
	s0 =	simm.s32 @!p2 $0x0  }
0x16: {  	s3 =	sld [smem:$0x3FDB];
	s0 =	simm.s32 @p2 $0x1  }
0x17: {  	s4 =	simm.s32 $0x1BF5;
	[smem:$0x3FB1] =	sst s0  }
0x18: {  	s0 =	sld [smem:$0x3F94];
	_ =	swait.ge [sflag:s4], $0x0  }
0x19: {  	s7 =	sld [smem:$0x3F95]  }
0x1a: {  	s8 =	sadd.s32 $0xFFFFE003, lr  }
0x1b: {  	s9 =	sadd.s32 $0xFFFFFEF7, lr;
	s5 =	simm.s32 $0xFFFFFFFF;
	p2 =	slt.u32 s8, $0xFFFFF086  }
0x1c: {  	p1 =	slt.u32 s9, $0xF7A;
	s5 =	simm.s32 @!p2 $0x0  }
0x1d: {  	s5 =	simm.s32 @p1 $0x1;
	p0 =	seq.s32 s7, s2  }
0x1e: {  	s7 =	smul.u32 @!p0 $0xF7A, s2;
	p2 =	seq.s32 @!p0 s5, $0x0  }
0x1f: {  	s9 =	smul.u32 $0xF7A, s1;
	s8 =	simm.s32 @!p0 $0x1BF5;
	p2 =	por !p2, p0  }
0x20: {  	[sflag:s8] =	ssyncset.s32 @!p0 $0xFFFFF086;
	s6 =	sadd.s32 @!p0 s3, s7;
	s7 =	simm.s32 @!p0 $0x108  }
0x21: {  	s3 =	sadd.s32 s3, s9;
	s6 =	sadd.s32 @!p0 $0x88, s6;
	s7 =	simm.s32 @p2 $0x1082  }
0x22: {  	[simem:s7], [sflag:s8] =	dma.local @!p0 [hbm:s6], $0xF7A  }
0x23: {  	s9 =	sor.u32 $0xD0000000, s2;
	s6 =	simm.s32 $0x108;
	_ =	swait.ge @!p0 [sflag:s8], $0x0  }
0x24: {  	s3 =	sadd.s32 $0x88, s3;
	s6 =	simm.s32 @!p1 $0x1082;
	[sflag:s4] =	ssyncset.s32 $0xFFFFF086  }
0x25: {  	[simem:s6], [sflag:s4] =	dma.local [hbm:s3], $0xF7A  }
0x26: {  	[smem:$0x3F95] =	sst s1;
	(tag) =	ssettag s2;
	_ =	strace s9  }
0x27: {  	s1 =	sld [smem:$0x3FA5]  }
0x28: {  	s2 =	sld [smem:$0x3FA6]  }
0x29: {  	s4 =	sld [smem:$0x3FA8]  }
0x2a: {  	p0 =	seq.s32 s5, $0x0;
	s5 =	sld [smem:$0x3FA9]  }
0x2b: {  	s6 =	sld [smem:$0x3FAA]  }
0x2c: {  	s7 =	sld [smem:$0x3FAB]  }
0x2d: {  	s3 =	simm.s32 $0x108;
	s8 =	sld [smem:$0x3FAC]  }
0x2e: {  	s3 =	simm.s32 @!p0 $0x1082;
	s9 =	sld [smem:$0x3FAD]  }
0x2f: {  	lr =	sadd.s32 s0, s3;
	s0 =	sld [smem:$0x3FA4]  }
0x30: {  	s3 =	sld [smem:$0x3FA7]  }
0x31: {  	[smem:$0x3FB0] =	sst s10  }
0x32: {  	s10 =	sld [smem:$0x3FAE];
	_ =	sdelay $0x3  }
0x33: {  	p0 =	seq.s32 s10, $0x1;
	s10 =	sld [smem:$0x3FB0];
	_ =	sdelay $0x3  }
0x34: {  	[smem:$0x3FB0] =	sst s10  }
0x35: {  	s10 =	sld [smem:$0x3FAF];
	_ =	sdelay $0x3  }
0x36: {  	p1 =	seq.s32 s10, $0x1;
	s10 =	sld [smem:$0x3FB0];
	_ =	sdelay $0x3  }
0x37: {  	[smem:$0x3FB0] =	sst s10  }
0x38: {  	s10 =	sld [smem:$0x3FB1]  }
0x39: {  	_ = 	snop;
	(pc) =	sbr.ind lr, $3  }
0x3a: {  	_ = 	snop  }
0x3b: {  	_ = 	snop  }
0x3c: {  	p2 =	seq.s32 s10, $0x1;
	s10 =	sld [smem:$0x3FB0]  }
0x3d: {  	_ =	shalt  }
0x3e: {  	_ =	shalt  }
0x3f: {  	_ =	shalt  }
0x40: {  	_ =	shalt  }
0x41: {  	_ =	shalt  }
0x42: {  	_ =	shalt  }
0x43: {  	_ =	shalt  }
0x44: {  	_ =	shalt  }
0x45: {  	_ =	shalt  }
0x46: {  	_ =	shalt  }
0x47: {  	_ =	shalt  }
0x48: {  	_ =	shalt  }
0x49: {  	_ =	shalt  }
0x4a: {  	_ =	shalt  }
0x4b: {  	_ =	shalt  }
0x4c: {  	_ =	shalt  }
0x4d: {  	_ =	shalt  }
0x4e: {  	_ =	shalt  }
0x4f: {  	_ =	shalt  }
0x50: {  	_ =	shalt  }
0x51: {  	_ =	shalt  }
0x52: {  	_ =	shalt  }
0x53: {  	_ =	shalt  }
0x54: {  	_ =	shalt  }
0x55: {  	_ =	shalt  }
0x56: {  	_ =	shalt  }
0x57: {  	_ =	shalt  }
0x58: {  	_ =	shalt  }
0x59: {  	_ =	shalt  }
0x5a: {  	_ =	shalt  }
0x5b: {  	_ =	shalt  }
0x5c: {  	_ =	shalt  }
0x5d: {  	_ =	shalt  }
0x5e: {  	_ =	shalt  }
0x5f: {  	_ =	shalt  }
0x60: {  	_ =	shalt  }
0x61: {  	_ =	shalt  }
0x62: {  	_ =	shalt  }
0x63: {  	_ =	shalt  }
0x64: {  	_ =	shalt  }
0x65: {  	_ =	shalt  }
0x66: {  	_ =	shalt  }
0x67: {  	_ =	shalt  }
0x68: {  	_ =	shalt  }
0x69: {  	_ =	shalt  }
0x6a: {  	_ =	shalt  }
0x6b: {  	_ =	shalt  }
0x6c: {  	_ =	shalt  }
0x6d: {  	_ =	shalt  }
0x6e: {  	_ =	shalt  }
0x6f: {  	_ =	shalt  }
0x70: {  	_ =	shalt  }
0x71: {  	_ =	shalt  }
0x72: {  	_ =	shalt  }
0x73: {  	_ =	shalt  }
0x74: {  	_ =	shalt  }
0x75: {  	_ =	shalt  }
0x76: {  	_ =	shalt  }
0x77: {  	_ =	shalt  }
0x78: {  	_ =	shalt  }
0x79: {  	_ =	shalt  }
0x7a: {  	_ =	shalt  }
0x7b: {  	_ =	shalt  }
0x7c: {  	_ =	shalt  }
0x7d: {  	_ =	shalt  }
0x7e: {  	_ =	shalt  }
0x7f: {  	_ =	shalt  }
0x80: {  	_ =	shalt  }
0x81: {  	_ =	shalt  }
0x82: {  	_ =	shalt  }
0x83: {  	_ =	shalt  }
0x84: {  	_ =	shalt  }
0x85: {  	_ =	shalt  }
0x86: {  	_ =	shalt  }
0x87: {  	_ =	shalt  }
.Lfunc_end0:
.L_simem_size_0:
called_computation.2_lowered:
.L_overlay_start_0:
0x88: {  	s2 =	sld [smem:$0x3FD9]  }
0x89: {  	s3 =	sld [smem:$0x3FFE];
	_ =	sdelay $0x1  }
0x8a: {  	s1 =	srdreg.scid  }
0x8b: {  	s0 =	sand.u32 $0x1, s1  }
0x8c: {  	s17 =	sshll.u32 s0, $0xA;
	s2 =	sadd.s32 s3, s2  }
0x8d: {  	s2 =	sadd.s32 s2, s17  }
0x8e: {  	[smem:$0x3FBC] =	sst s2  }
0x8f: {  	_ = 	snop  }
0x90: {  	s18 =	sld [smem:$0x3FD0];
	(tm) =	ssettm $0x1  }
0x91: {  	s19 =	sld [smem:$0x3FFB];
	_ =	sdelay $0x3  }
0x92: {  	_ =	strace s19  }
0x93: {  	s2 =	sld [smem:$0x3FFC];
	_ =	sdelay $0x3  }
0x94: {  	_ =	strace s2  }
0x95: {  	s2 =	sld [smem:$0x3FFD];
	_ =	sdelay $0x3  }
0x96: {  	_ =	strace s2  }
0x97: {  	_ =	strace $0x8FFFFFFF  }
0x98: {  	s20 =	sld [smem:$0x3FDB];
	_ =	sdelay $0x1  }
0x99: {  	s4 =	simm.s32 $_scs_section_size  }
0x9a: {  	s5 =	simm.s32 $_size__tile_overlayer_lowered;
	s6 =	simm.s32 $_tile_overlayer_lowered  }
0x9b: {  	s7 =	simm.s32 $0x1BFF;
	s21 =	sshll.u32 s6, $0x1;
	s4 =	sadd.s32 s4, s20  }
0x9c: {  	s22 =	simm.s32 $0x0;
	s5 =	sshll.u32 s5, $0x1;
	s6 =	sadd.s32 s21, s4  }
0x9d: {  	[timem:s22], [sflag:s7] =	dma.local [hbm:s6], s5  }
0x9e: {  	_ =	swait.ge [sflag:s7], s5  }
0x9f: {  	s5 =	ssub.s32 $0x0, s5;
	[sflag:s7] =	ssyncset.done $0x0  }
0xa0: {  	[sflag:s7] =	ssyncadd.s32 s5;
	_ =	sdelay $0x1  }
0xa1: {  	s23 =	simm.s32 $0x1B8B  }
0xa2: {  	_ =	swait.ge [sflag:s23], $0x1  }
0xa3: {  	[sflag:s23] =	ssyncset.done $0x0  }
0xa4: {  	[sflag:s23] =	ssyncadd.s32 $0xFFFFFFFF  }
0xa5: {  	s5 =	sld [smem:$0x0]  }
0xa6: {  	s6 =	sand.u32 $0xFFFFFFFE, s1  }
0xa7: {  	p0 =	sne.s32 s1, s6  }
0xa8: {  	s6 =	sshll.u32 @p0 s6, $0xE  }
0xa9: {  	s6 =	sadd.s32 @p0 $0x11B8D, s6;
	s7 =	sshll.u32 @p0 s5, $0x11  }
0xaa: {  	s6 =	sor.u32 @p0 s7, s6  }
0xab: {  	[sflag:s6] =	ssyncadd.remote.s32 @p0 $0x1;
	_ =	sdelay $0x1  }
0xac: {  	s6 =	simm.s32 @p0 $0x1B8D  }
0xad: {  	_ =	swait.eq @p0 [sflag:s6], $0x1  }
0xae: {  	[sflag:s6] =	ssyncadd.s32 @p0 $0xFFFFFFFF  }
0xaf: {  	s7 =	sshll.u32 @!p0 s1, $0xE  }
0xb0: {  	s7 =	sor.u32 @!p0 $0x4000, s7;
	s6 =	simm.s32 @!p0 $0x1B8D  }
0xb1: {  	s5 =	sshll.u32 @!p0 s5, $0x11;
	s7 =	sadd.s32 @!p0 $0x11B8D, s7;
	_ =	swait.eq @!p0 [sflag:s6], $0x1  }
0xb2: {  	s5 =	sor.u32 @!p0 s5, s7;
	[sflag:s6] =	ssyncadd.s32 @!p0 $0xFFFFFFFF  }
0xb3: {  	s25 =	simm.s32 $0x1B8E;
	s24 =	sld [smem:$0x3FFE];
	[sflag:s5] =	ssyncadd.remote.s32 @!p0 $0x1  }
0xb4: {  	s26 =	simm.s32 $execute0_lowered;
	[smem:$0x3FD2] =	sst s25  }
0xb5: {  	s6 =	sshll.u32 s26, $0x1;
	_ =	strace $0x8000004C;
	[dreg:$0x1] =	wrdreg $0xFFFFFFFF  }
0xb6: {  	s28 =	simm.s32 $_size_execute0_lowered;
	s4 =	sadd.s32 s4, s6;
	[dreg:$0x0] =	wrdreg $0x0  }
0xb7: {  	s6 =	sshll.u32 s28, $0x1;
	[dreg:$0x2] =	wrdreg s4  }
0xb8: {  	[dreg:$0x3] =	wrdreg s6  }
0xb9: {  	[dreg:$0x4] =	wrdreg $0xC0  }
0xba: {  	_ =	task [dreg:s22], $0x5FFFF  }
0xbb: {  	[dreg:$0x1] =	wrdreg $0xFFFFFFFF  }
0xbc: {  	[dreg:$0x0] =	wrdreg $0x60  }
0xbd: {  	[dreg:$0x2] =	wrdreg s24  }
0xbe: {  	[dreg:$0x3] =	wrdreg s18  }
0xbf: {  	[dreg:$0x4] =	wrdreg $0xA8000  }
0xc0: {  	[dreg:$0x5] =	wrdreg $0xA  }
0xc1: {  	_ =	task.clear_ibuf [dreg:s22], $0x6FFFF;
	_ =	strace $0x9000004C  }
0xc2: {  	s29 =	simm.s32 $0xA;
	_ =	strace $0x8000004E  }
0xc3: {  	_ =	swait.ge [sflag:s29], $0x1  }
0xc4: {  	[sflag:s29] =	ssyncadd.s32 $0xFFFFFFFF  }
0xc5: {  	_ =	strace $0x9000004E  }
0xc6: {  	_ =	sfence  }
0xc7: {  	s30 =	sld [smem:$0x0];
	_ =	sdelay $0x2  }
0xc8: {  	s31 =	sshll.u32 s1, $0xD;
	s1 =	sshrl.u32 s1, $0x2  }
0xc9: {  	s4 =	sand.u32 $0x4000, s31;
	s1 =	sadd.s32 s1, s30  }
0xca: {  	s0 =	sor.u32 s4, s0;
	s1 =	sshll.u32 s1, $0x11  }
0xcb: {  	s0 =	sor.u32 s1, s0  }
0xcc: {  	s0 =	sadd.s32 $0x8F2B, s0  }
0xcd: {  	[sflag:s0] =	ssyncadd.remote.s32 $0x1  }
0xce: {  	_ =	sfence.sel $0xFFFF  }
0xcf: {  	[dreg:$0x0] =	wrdreg $0xFFFFFFFF;
	(pc) =	sbr.abs _section_cstart, $3  }
0xd0: {  	[dreg:$0x1] =	wrdreg $0xFFFFFFFF  }
0xd1: {  	_ =	task.clear_ibuf [dreg:s22], $0x2FFFF;
	_ =	strace $0x9FFFFFFF  }
0xd2: {  	(tm) =	ssettm $0x7FFFFFFF  }
0xd3: {  	_ =	shalt  }
tec
execute0_lowered:
.L_overlay_start_1:
0x0: {  	(tag) =	ssettag $0x1  }
0x1: {  	s0 =	rddreg [dreg:$0x0]  }
0x2: {  	s1 =	rddreg [dreg:$0x1]  }
0x3: {  	s2 =	rddreg [dreg:$0x2]  }
0x4: {  	s12 =	stileid.u32;
	s5 =	srdreg.scid  }
0x5: {  	s3 =	simm.s32 $0x0;
	s18 =	simm.s32 $0x5;
	s19 =	simm.s32 $0x80  }
0x6: {  	s28 =	simm.s32 $0x3;
	s29 =	simm.s32 $0x100;
	s4 =	smul.u32 $0x5000, s12  }
0x7: {  	s30 =	simm.s32 $0x4;
	s31 =	simm.s32 $0x2700;
	s6 =	smul.u32 $0x13C00, s12  }
0x8: {  	s8 =	sand.u32 $0x1, s5;
	[smem:$0x7FF] =	sst s3;
	s20 =	smul.u32 $0x4F000, s12  }
0x9: {  	s22 =	sshll.u32 s12, $0x6;
	s5 =	smul.u32 $0x13C000, s8;
	_ =	strace $0x8000004D  }
0xa: {  	s11 =	ssub.s32 $0x2, s8;
	p0 =	seq.s32 s8, $0x1;
	s8 =	simm.s32 $0x0  }
0xb: {  	s7 =	sshrl.u32 s4, $0x3;
	s4 =	sadd.s32 $0x3600, s0;
	s10 =	sshrl.u32 s6, $0x3  }
0xc: {  	s21 =	sshrl.u32 s11, $0x1;
	s9 =	sadd.s32 s7, s0;
	s5 =	sadd.s32 s6, s5  }
0xd: {  	s10 =	sadd.s32 s10, s0;
	s6 =	sshrl.u32 s20, $0x2;
	s16 =	ssub.s32 s11, s21  }
0xe: {  	s7 =	sadd.s32 s1, s7;
	s20 =	simm.s32 $0x200;
	s21 =	simm.s32 $0x1400  }
0xf: {  	s1 =	simm.s32 $0x2780;
	s5 =	sshrl.u32 s5, $0x3;
	s17 =	sadd.s32 s6, s2  }
0x10: {  	s6 =	sor.u32 $0x1C05, s22;
	s23 =	sadd.s32 $0x52600, s9;
	s24 =	sadd.s32 $0x10, s7  }
0x11: {  	s25 =	sadd.s32 $0x52880, s9;
	s26 =	sadd.s32 $0x20, s7;
	s12 =	sadd.s32 $0x52B00, s9  }
0x12: {  	s13 =	sadd.s32 $0x30, s7;
	s14 =	sadd.s32 $0x52D80, s9;
	[dreg:$0x4] =	wrdreg s23  }
.Ltmp0:
0x13: {  	s16 =	smax.u32 s16, $0x1;
	[dreg:$0x5] =	wrdreg s24;
	(pc) =	sbr.rel .LBB2_1-.Ltmp0, $4  }
0x14: {  	s22 =	simm.s32 $0x2800;
	s0 =	sadd.s32 s5, s0;
	[dreg:$0x6] =	wrdreg s25  }
0x15: {  	s5 =	sadd.s32 $0xAB600, s10;
	[dreg:$0x7] =	wrdreg s26;
	s17 =	sshrl.u32 s17, $0x3  }
0x16: {  	s23 =	simm.s32 $0x1;
	s24 =	simm.s32 $0x6800;
	s25 =	simm.s32 $0x2  }
0x17: {  	s26 =	simm.s32 $0x1480;
	s15 =	sadd.s32 $0xD2E00, s0;
	s0 =	simm.s32 $0x1380  }
.LBB2_11:
0x18: {  	[tilespmem:s22], [sflag:$0x1] =	stream.indirect.gather [hbm4b:s4+s19], $0x80, s10, s19, $0xb8;
	[tilespmem:$0x1E400] =	vst v63  }
.LBB2_12:
0x19: {  	_ =	swait.ge [sflag:s23], $0x4000  }
0x1a: {  	[sflag:s23] =	ssyncset.done $0x0  }
0x1b: {  	[sflag:s23] =	ssyncadd.s32 $0xFFFFC000  }
0x1c: {  	[spmem:s2] =	stream.indirect.scatter.add.f32 [tilespmem:s22], [sflag:$0x3], $0x80, s31, s19, $0xb8;
	[tilespmem:$0x1E400] =	vst v63  }
0x1d: {  	_ =	swait.ge [sflag:s30], $0x4000  }
0x1e: {  	[sflag:s30] =	ssyncset.done $0x0  }
0x1f: {  	[sflag:s30] =	ssyncadd.s32 $0xFFFFC000  }
0x20: {  	[tilespmem:s24], [sflag:$0x2] =	stream.indirect.gather [hbm4b:s4+s19], $0x80, s0, s19, $0xb8;
	[tilespmem:$0x1E400] =	vst v63  }
0x21: {  	_ =	swait.ge [sflag:s25], $0x4000  }
0x22: {  	[sflag:s25] =	ssyncset.done $0x0  }
0x23: {  	[sflag:s25] =	ssyncadd.s32 $0xFFFFC000  }
0x24: {  	[spmem:s2] =	stream.indirect.scatter.add.f32 [tilespmem:s24], [sflag:$0x4], $0x80, s1, s19, $0xb8;
	[tilespmem:$0x1E400] =	vst v63  }
0x25: {  	_ =	swait.ge [sflag:s28], $0x4000  }
0x26: {  	[sflag:s28] =	ssyncset.done $0x0  }
0x27: {  	[sflag:s28] =	ssyncadd.s32 $0xFFFFC000  }
0x28: {  	_ =	swait.ge [sflag:s30], $0x4000  }
0x29: {  	s8 =	sadd.s32 $0x1, s8;
	[sflag:s30] =	ssyncset.done $0x0  }
0x2a: {  	p1 =	sne.s32 s8, s16;
	[sflag:s30] =	ssyncadd.s32 $0xFFFFC000  }
.Ltmp1:
0x2b: {  	[bflag:$0x0] =	sbarrier.arrive $0xFFFF;
	(pc) =	sbr.rel @!p1 .LBB2_13-.Ltmp1, $4  }
0x2c: {  	[hbm:s15], [sflag:s6] =	dma.local [spmem:s17], $0x2780  }
0x2d: {  	_ =	swait.ge [sflag:s18], $0x2780  }
0x2e: {  	[sflag:s18] =	ssyncset.done $0x0  }
0x2f: {  	[sflag:s18] =	ssyncadd.s32 $0xFFFFD880  }
.LBB2_1:
0x30: {  	[spmem:s17], [sflag:s6] =	dma.local [hbm:s5], $0x2780  }
.Ltmp2:
0x31: {  	_ =	swait.ge [sflag:s18], $0x2780;
	(pc) =	sbr.rel @!p0 .LBB2_2-.Ltmp2, $3  }
0x32: {  	[sflag:s18] =	ssyncset.done $0x0  }
0x33: {  	[sflag:s18] =	ssyncadd.s32 $0xFFFFD880  }
0x34: {  	[bflag:$0x0] =	sbarrier.arrive $0xFFFF;
	_ =	sdelay $0x1  }
0x35: {  	[tilespmem:s3], [sflag:$0x5] =	stream.strided.gather [hbm4b:s13+s19], $0x1400, s20, s19, $0x38;
	[tilespmem:$0x1E400] =	vst v63  }
0x36: {  	_ =	swait.ge [sflag:s18], $0x1400  }
0x37: {  	[sflag:s18] =	ssyncset.done $0x0  }
0x38: {  	[sflag:s18] =	ssyncadd.s32 $0xFFFFEC00  }
0x39: {  	[tilespmem:s21], [sflag:$0x5] =	stream.linear.gather [hbm4b:s14+s3], $0x1400, $0x38;
	[tilespmem:$0x1E400] =	vst v63  }
0x3a: {  	_ =	swait.ge [sflag:s18], $0x1400  }
0x3b: {  	[sflag:s18] =	ssyncset.done $0x0  }
0x3c: {  	[sflag:s18] =	ssyncadd.s32 $0xFFFFEC00  }
0x3d: {  	[tilespmem:s22], [sflag:$0x1] =	stream.indirect.gather [hbm4b:s4+s19], $0x80, s3, s19, $0xb8;
	[tilespmem:$0x1E400] =	vst v63  }
0x3e: {  	_ =	swait.ge [sflag:s23], $0x4000  }
0x3f: {  	[sflag:s23] =	ssyncset.done $0x0  }
0x40: {  	[sflag:s23] =	ssyncadd.s32 $0xFFFFC000  }
0x41: {  	[spmem:s2] =	stream.indirect.scatter.add.f32 [tilespmem:s22], [sflag:$0x3], $0x80, s21, s19, $0xb8;
	[tilespmem:$0x1E400] =	vst v63  }
0x42: {  	_ = 	snop  }
0x43: {  	[tilespmem:s24], [sflag:$0x2] =	stream.indirect.gather [hbm4b:s4+s19], $0x80, s19, s19, $0xb8;
	[tilespmem:$0x1E400] =	vst v63  }
0x44: {  	_ =	swait.ge [sflag:s25], $0x4000  }
0x45: {  	[sflag:s25] =	ssyncset.done $0x0  }
0x46: {  	[sflag:s25] =	ssyncadd.s32 $0xFFFFC000  }
0x47: {  	[spmem:s2] =	stream.indirect.scatter.add.f32 [tilespmem:s24], [sflag:$0x4], $0x80, s26, s19, $0xb8;
	[tilespmem:$0x1E400] =	vst v63  }
0x48: {  	_ =	swait.ge [sflag:s28], $0x4000  }
0x49: {  	[sflag:s28] =	ssyncset.done $0x0  }
0x4a: {  	[sflag:s28] =	ssyncadd.s32 $0xFFFFC000  }
0x4b: {  	[tilespmem:s22], [sflag:$0x1] =	stream.indirect.gather [hbm4b:s4+s19], $0x80, s29, s19, $0xb8;
	[tilespmem:$0x1E400] =	vst v63  }
0x4c: {  	_ =	swait.ge [sflag:s23], $0x4000  }
0x4d: {  	[sflag:s23] =	ssyncset.done $0x0  }
0x4e: {  	s9 =	simm.s32 $0x1500;
	[sflag:s23] =	ssyncadd.s32 $0xFFFFC000  }
0x4f: {  	[spmem:s2] =	stream.indirect.scatter.add.f32 [tilespmem:s22], [sflag:$0x3], $0x80, s9, s19, $0xb8;
	[tilespmem:$0x1E400] =	vst v63  }
0x50: {  	_ =	swait.ge [sflag:s30], $0x4000  }
0x51: {  	[sflag:s30] =	ssyncset.done $0x0  }
0x52: {  	s10 =	simm.s32 $0x180;
	[sflag:s30] =	ssyncadd.s32 $0xFFFFC000  }
0x53: {  	[tilespmem:s24], [sflag:$0x2] =	stream.indirect.gather [hbm4b:s4+s19], $0x80, s10, s19, $0xb8;
	[tilespmem:$0x1E400] =	vst v63  }
0x54: {  	_ =	swait.ge [sflag:s25], $0x4000  }
0x55: {  	[sflag:s25] =	ssyncset.done $0x0  }
0x56: {  	s11 =	simm.s32 $0x1580;
	[sflag:s25] =	ssyncadd.s32 $0xFFFFC000  }
0x57: {  	[spmem:s2] =	stream.indirect.scatter.add.f32 [tilespmem:s24], [sflag:$0x4], $0x80, s11, s19, $0xb8;
	[tilespmem:$0x1E400] =	vst v63  }
0x58: {  	_ =	swait.ge [sflag:s28], $0x4000  }
0x59: {  	[sflag:s28] =	ssyncset.done $0x0  }
0x5a: {  	s9 =	simm.s32 $0xFFFFBC00;
	s10 =	simm.s32 $0x200;
	[sflag:s28] =	ssyncadd.s32 $0xFFFFC000  }
.LBB2_10:
0x5b: {  	[tilespmem:s22], [sflag:$0x1] =	stream.indirect.gather [hbm4b:s4+s19], $0x80, s10, s19, $0xb8;
	[tilespmem:$0x1E400] =	vst v63  }
0x5c: {  	s10 =	smov.u32 s9  }
0x5d: {  	p1 =	sne.s32 s9, $0xFFFFFC00;
	s9 =	sadd.s32 $0x400, s9;
	_ =	swait.ge [sflag:s23], $0x4000  }
0x5e: {  	s10 =	sshra.s32 s10, $0x2;
	[sflag:s23] =	ssyncset.done $0x0  }
0x5f: {  	s11 =	sadd.s32 $0x2700, s10;
	[sflag:s23] =	ssyncadd.s32 $0xFFFFC000  }
0x60: {  	[spmem:s2] =	stream.indirect.scatter.add.f32 [tilespmem:s22], [sflag:$0x3], $0x80, s11, s19, $0xb8;
	[tilespmem:$0x1E400] =	vst v63  }
0x61: {  	_ =	swait.ge [sflag:s30], $0x4000  }
0x62: {  	[sflag:s30] =	ssyncset.done $0x0  }
0x63: {  	s11 =	sadd.s32 $0x1380, s10;
	[sflag:s30] =	ssyncadd.s32 $0xFFFFC000  }
0x64: {  	[tilespmem:s24], [sflag:$0x2] =	stream.indirect.gather [hbm4b:s4+s19], $0x80, s11, s19, $0xb8;
	[tilespmem:$0x1E400] =	vst v63  }
0x65: {  	_ =	swait.ge [sflag:s25], $0x4000  }
0x66: {  	[sflag:s25] =	ssyncset.done $0x0  }
.Ltmp3:
0x67: {  	s11 =	sadd.s32 $0x2780, s10;
	[sflag:s25] =	ssyncadd.s32 $0xFFFFC000;
	(pc) =	sbr.rel @p1 .LBB2_10-.Ltmp3, $4  }
0x68: {  	[spmem:s2] =	stream.indirect.scatter.add.f32 [tilespmem:s24], [sflag:$0x4], $0x80, s11, s19, $0xb8;
	[tilespmem:$0x1E400] =	vst v63  }
0x69: {  	_ =	swait.ge [sflag:s28], $0x4000  }
0x6a: {  	[sflag:s28] =	ssyncset.done $0x0  }
0x6b: {  	s10 =	sadd.s32 $0x1400, s10;
	[sflag:s28] =	ssyncadd.s32 $0xFFFFC000  }
.Ltmp4:
0x6c: {  	_ = 	snop;
	(pc) =	sbr.rel .LBB2_11-.Ltmp4, $1  }
0x6d: {  	_ =	sdelay $0x3  }
.LBB2_2:
0x6e: {  	[tilespmem:s3], [sflag:$0x5] =	stream.strided.gather [hbm4b:s7+s19], $0x1400, s20, s19, $0x38;
	[tilespmem:$0x1E400] =	vst v63  }
0x6f: {  	_ =	swait.ge [sflag:s18], $0x1400  }
0x70: {  	[sflag:s18] =	ssyncset.done $0x0  }
0x71: {  	s9 =	rddreg [dreg:$0x4];
	[sflag:s18] =	ssyncadd.s32 $0xFFFFEC00  }
0x72: {  	[tilespmem:s21], [sflag:$0x5] =	stream.linear.gather [hbm4b:s9+s3], $0x1400, $0x38;
	[tilespmem:$0x1E400] =	vst v63  }
0x73: {  	_ =	swait.ge [sflag:s18], $0x1400  }
0x74: {  	[sflag:s18] =	ssyncset.done $0x0  }
0x75: {  	[sflag:s18] =	ssyncadd.s32 $0xFFFFEC00  }
0x76: {  	[tilespmem:s22], [sflag:$0x1] =	stream.indirect.gather [hbm4b:s4+s19], $0x80, s3, s19, $0xb8;
	[tilespmem:$0x1E400] =	vst v63  }
0x77: {  	_ =	swait.ge [sflag:s23], $0x4000  }
0x78: {  	[sflag:s23] =	ssyncset.done $0x0  }
0x79: {  	[sflag:s23] =	ssyncadd.s32 $0xFFFFC000  }
0x7a: {  	[spmem:s2] =	stream.indirect.scatter.add.f32 [tilespmem:s22], [sflag:$0x3], $0x80, s21, s19, $0xb8;
	[tilespmem:$0x1E400] =	vst v63  }
0x7b: {  	_ = 	snop  }
0x7c: {  	[tilespmem:s24], [sflag:$0x2] =	stream.indirect.gather [hbm4b:s4+s19], $0x80, s19, s19, $0xb8;
	[tilespmem:$0x1E400] =	vst v63  }
0x7d: {  	_ =	swait.ge [sflag:s25], $0x4000  }
0x7e: {  	[sflag:s25] =	ssyncset.done $0x0  }
0x7f: {  	[sflag:s25] =	ssyncadd.s32 $0xFFFFC000  }
0x80: {  	[spmem:s2] =	stream.indirect.scatter.add.f32 [tilespmem:s24], [sflag:$0x4], $0x80, s26, s19, $0xb8;
	[tilespmem:$0x1E400] =	vst v63  }
0x81: {  	_ =	swait.ge [sflag:s28], $0x4000  }
0x82: {  	[sflag:s28] =	ssyncset.done $0x0  }
0x83: {  	[sflag:s28] =	ssyncadd.s32 $0xFFFFC000  }
0x84: {  	[tilespmem:s22], [sflag:$0x1] =	stream.indirect.gather [hbm4b:s4+s19], $0x80, s29, s19, $0xb8;
	[tilespmem:$0x1E400] =	vst v63  }
0x85: {  	_ =	swait.ge [sflag:s23], $0x4000  }
0x86: {  	[sflag:s23] =	ssyncset.done $0x0  }
0x87: {  	s11 =	simm.s32 $0x1500;
	[sflag:s23] =	ssyncadd.s32 $0xFFFFC000  }
0x88: {  	[spmem:s2] =	stream.indirect.scatter.add.f32 [tilespmem:s22], [sflag:$0x3], $0x80, s11, s19, $0xb8;
	[tilespmem:$0x1E400] =	vst v63  }
0x89: {  	_ =	swait.ge [sflag:s30], $0x4000  }
0x8a: {  	[sflag:s30] =	ssyncset.done $0x0  }
0x8b: {  	s10 =	simm.s32 $0x180;
	[sflag:s30] =	ssyncadd.s32 $0xFFFFC000  }
0x8c: {  	[tilespmem:s24], [sflag:$0x2] =	stream.indirect.gather [hbm4b:s4+s19], $0x80, s10, s19, $0xb8;
	[tilespmem:$0x1E400] =	vst v63  }
0x8d: {  	_ =	swait.ge [sflag:s25], $0x4000  }
0x8e: {  	[sflag:s25] =	ssyncset.done $0x0  }
0x8f: {  	s11 =	simm.s32 $0x1580;
	[sflag:s25] =	ssyncadd.s32 $0xFFFFC000  }
0x90: {  	[spmem:s2] =	stream.indirect.scatter.add.f32 [tilespmem:s24], [sflag:$0x4], $0x80, s11, s19, $0xb8;
	[tilespmem:$0x1E400] =	vst v63  }
0x91: {  	_ =	swait.ge [sflag:s28], $0x4000  }
0x92: {  	[sflag:s28] =	ssyncset.done $0x0  }
0x93: {  	s9 =	simm.s32 $0xFFFFBC00;
	s10 =	simm.s32 $0x200;
	[sflag:s28] =	ssyncadd.s32 $0xFFFFC000  }
.LBB2_3:
0x94: {  	[tilespmem:s22], [sflag:$0x1] =	stream.indirect.gather [hbm4b:s4+s19], $0x80, s10, s19, $0xb8;
	[tilespmem:$0x1E400] =	vst v63  }
0x95: {  	s10 =	smov.u32 s9  }
0x96: {  	p1 =	sne.s32 s9, $0xFFFFFC00;
	s9 =	sadd.s32 $0x400, s9;
	_ =	swait.ge [sflag:s23], $0x4000  }
0x97: {  	s10 =	sshra.s32 s10, $0x2;
	[sflag:s23] =	ssyncset.done $0x0  }
0x98: {  	s11 =	sadd.s32 $0x2700, s10;
	[sflag:s23] =	ssyncadd.s32 $0xFFFFC000  }
0x99: {  	[spmem:s2] =	stream.indirect.scatter.add.f32 [tilespmem:s22], [sflag:$0x3], $0x80, s11, s19, $0xb8;
	[tilespmem:$0x1E400] =	vst v63  }
0x9a: {  	_ =	swait.ge [sflag:s30], $0x4000  }
0x9b: {  	[sflag:s30] =	ssyncset.done $0x0  }
0x9c: {  	s11 =	sadd.s32 $0x1380, s10;
	[sflag:s30] =	ssyncadd.s32 $0xFFFFC000  }
0x9d: {  	[tilespmem:s24], [sflag:$0x2] =	stream.indirect.gather [hbm4b:s4+s19], $0x80, s11, s19, $0xb8;
	[tilespmem:$0x1E400] =	vst v63  }
0x9e: {  	_ =	swait.ge [sflag:s25], $0x4000  }
0x9f: {  	[sflag:s25] =	ssyncset.done $0x0  }
.Ltmp5:
0xa0: {  	s11 =	sadd.s32 $0x2780, s10;
	[sflag:s25] =	ssyncadd.s32 $0xFFFFC000;
	(pc) =	sbr.rel @p1 .LBB2_3-.Ltmp5, $4  }
0xa1: {  	[spmem:s2] =	stream.indirect.scatter.add.f32 [tilespmem:s24], [sflag:$0x4], $0x80, s11, s19, $0xb8;
	[tilespmem:$0x1E400] =	vst v63  }
0xa2: {  	_ =	swait.ge [sflag:s28], $0x4000  }
0xa3: {  	[sflag:s28] =	ssyncset.done $0x0  }
0xa4: {  	s10 =	sadd.s32 $0x1400, s10;
	[sflag:s28] =	ssyncadd.s32 $0xFFFFC000  }
0xa5: {  	[tilespmem:s22], [sflag:$0x1] =	stream.indirect.gather [hbm4b:s4+s19], $0x80, s10, s19, $0xb8;
	[tilespmem:$0x1E400] =	vst v63  }
0xa6: {  	_ =	swait.ge [sflag:s23], $0x4000  }
0xa7: {  	[sflag:s23] =	ssyncset.done $0x0  }
0xa8: {  	[sflag:s23] =	ssyncadd.s32 $0xFFFFC000  }
0xa9: {  	[spmem:s2] =	stream.indirect.scatter.add.f32 [tilespmem:s22], [sflag:$0x3], $0x80, s31, s19, $0xb8;
	[tilespmem:$0x1E400] =	vst v63  }
0xaa: {  	_ =	swait.ge [sflag:s30], $0x4000  }
0xab: {  	[sflag:s30] =	ssyncset.done $0x0  }
0xac: {  	[sflag:s30] =	ssyncadd.s32 $0xFFFFC000  }
0xad: {  	[tilespmem:s24], [sflag:$0x2] =	stream.indirect.gather [hbm4b:s4+s19], $0x80, s0, s19, $0xb8;
	[tilespmem:$0x1E400] =	vst v63  }
0xae: {  	_ =	swait.ge [sflag:s25], $0x4000  }
0xaf: {  	[sflag:s25] =	ssyncset.done $0x0  }
0xb0: {  	[sflag:s25] =	ssyncadd.s32 $0xFFFFC000  }
0xb1: {  	[spmem:s2] =	stream.indirect.scatter.add.f32 [tilespmem:s24], [sflag:$0x4], $0x80, s1, s19, $0xb8;
	[tilespmem:$0x1E400] =	vst v63  }
0xb2: {  	_ =	swait.ge [sflag:s28], $0x4000  }
0xb3: {  	[sflag:s28] =	ssyncset.done $0x0  }
0xb4: {  	[sflag:s28] =	ssyncadd.s32 $0xFFFFC000  }
0xb5: {  	_ =	swait.ge [sflag:s30], $0x4000  }
0xb6: {  	[sflag:s30] =	ssyncset.done $0x0  }
0xb7: {  	s9 =	rddreg [dreg:$0x5];
	[sflag:s30] =	ssyncadd.s32 $0xFFFFC000  }
0xb8: {  	[tilespmem:s3], [sflag:$0x5] =	stream.strided.gather [hbm4b:s9+s19], $0x1400, s20, s19, $0x38;
	[tilespmem:$0x1E400] =	vst v63  }
0xb9: {  	_ =	swait.ge [sflag:s18], $0x1400  }
0xba: {  	[sflag:s18] =	ssyncset.done $0x0  }
0xbb: {  	s10 =	rddreg [dreg:$0x6];
	[sflag:s18] =	ssyncadd.s32 $0xFFFFEC00  }
0xbc: {  	[tilespmem:s21], [sflag:$0x5] =	stream.linear.gather [hbm4b:s10+s3], $0x1400, $0x38;
	[tilespmem:$0x1E400] =	vst v63  }
0xbd: {  	_ =	swait.ge [sflag:s18], $0x1400  }
0xbe: {  	[sflag:s18] =	ssyncset.done $0x0  }
0xbf: {  	[sflag:s18] =	ssyncadd.s32 $0xFFFFEC00  }
0xc0: {  	[tilespmem:s22], [sflag:$0x1] =	stream.indirect.gather [hbm4b:s4+s19], $0x80, s3, s19, $0xb8;
	[tilespmem:$0x1E400] =	vst v63  }
0xc1: {  	_ =	swait.ge [sflag:s23], $0x4000  }
0xc2: {  	[sflag:s23] =	ssyncset.done $0x0  }
0xc3: {  	[sflag:s23] =	ssyncadd.s32 $0xFFFFC000  }
0xc4: {  	[spmem:s2] =	stream.indirect.scatter.add.f32 [tilespmem:s22], [sflag:$0x3], $0x80, s21, s19, $0xb8;
	[tilespmem:$0x1E400] =	vst v63  }
0xc5: {  	_ = 	snop  }
0xc6: {  	[tilespmem:s24], [sflag:$0x2] =	stream.indirect.gather [hbm4b:s4+s19], $0x80, s19, s19, $0xb8;
	[tilespmem:$0x1E400] =	vst v63  }
0xc7: {  	_ =	swait.ge [sflag:s25], $0x4000  }
0xc8: {  	[sflag:s25] =	ssyncset.done $0x0  }
0xc9: {  	[sflag:s25] =	ssyncadd.s32 $0xFFFFC000  }
0xca: {  	[spmem:s2] =	stream.indirect.scatter.add.f32 [tilespmem:s24], [sflag:$0x4], $0x80, s26, s19, $0xb8;
	[tilespmem:$0x1E400] =	vst v63  }
0xcb: {  	_ =	swait.ge [sflag:s28], $0x4000  }
0xcc: {  	[sflag:s28] =	ssyncset.done $0x0  }
0xcd: {  	[sflag:s28] =	ssyncadd.s32 $0xFFFFC000  }
0xce: {  	[tilespmem:s22], [sflag:$0x1] =	stream.indirect.gather [hbm4b:s4+s19], $0x80, s29, s19, $0xb8;
	[tilespmem:$0x1E400] =	vst v63  }
0xcf: {  	_ =	swait.ge [sflag:s23], $0x4000  }
0xd0: {  	[sflag:s23] =	ssyncset.done $0x0  }
0xd1: {  	s11 =	simm.s32 $0x1500;
	[sflag:s23] =	ssyncadd.s32 $0xFFFFC000  }
0xd2: {  	[spmem:s2] =	stream.indirect.scatter.add.f32 [tilespmem:s22], [sflag:$0x3], $0x80, s11, s19, $0xb8;
	[tilespmem:$0x1E400] =	vst v63  }
0xd3: {  	_ =	swait.ge [sflag:s30], $0x4000  }
0xd4: {  	[sflag:s30] =	ssyncset.done $0x0  }
0xd5: {  	s10 =	simm.s32 $0x180;
	[sflag:s30] =	ssyncadd.s32 $0xFFFFC000  }
0xd6: {  	[tilespmem:s24], [sflag:$0x2] =	stream.indirect.gather [hbm4b:s4+s19], $0x80, s10, s19, $0xb8;
	[tilespmem:$0x1E400] =	vst v63  }
0xd7: {  	_ =	swait.ge [sflag:s25], $0x4000  }
0xd8: {  	[sflag:s25] =	ssyncset.done $0x0  }
0xd9: {  	s11 =	simm.s32 $0x1580;
	[sflag:s25] =	ssyncadd.s32 $0xFFFFC000  }
0xda: {  	[spmem:s2] =	stream.indirect.scatter.add.f32 [tilespmem:s24], [sflag:$0x4], $0x80, s11, s19, $0xb8;
	[tilespmem:$0x1E400] =	vst v63  }
0xdb: {  	_ =	swait.ge [sflag:s28], $0x4000  }
0xdc: {  	[sflag:s28] =	ssyncset.done $0x0  }
0xdd: {  	s9 =	simm.s32 $0xFFFFBC00;
	s10 =	simm.s32 $0x200;
	[sflag:s28] =	ssyncadd.s32 $0xFFFFC000  }
.LBB2_5:
0xde: {  	[tilespmem:s22], [sflag:$0x1] =	stream.indirect.gather [hbm4b:s4+s19], $0x80, s10, s19, $0xb8;
	[tilespmem:$0x1E400] =	vst v63  }
0xdf: {  	s10 =	smov.u32 s9  }
0xe0: {  	p1 =	sne.s32 s9, $0xFFFFFC00;
	s9 =	sadd.s32 $0x400, s9;
	_ =	swait.ge [sflag:s23], $0x4000  }
0xe1: {  	s10 =	sshra.s32 s10, $0x2;
	[sflag:s23] =	ssyncset.done $0x0  }
0xe2: {  	s11 =	sadd.s32 $0x2700, s10;
	[sflag:s23] =	ssyncadd.s32 $0xFFFFC000  }
0xe3: {  	[spmem:s2] =	stream.indirect.scatter.add.f32 [tilespmem:s22], [sflag:$0x3], $0x80, s11, s19, $0xb8;
	[tilespmem:$0x1E400] =	vst v63  }
0xe4: {  	_ =	swait.ge [sflag:s30], $0x4000  }
0xe5: {  	[sflag:s30] =	ssyncset.done $0x0  }
0xe6: {  	s11 =	sadd.s32 $0x1380, s10;
	[sflag:s30] =	ssyncadd.s32 $0xFFFFC000  }
0xe7: {  	[tilespmem:s24], [sflag:$0x2] =	stream.indirect.gather [hbm4b:s4+s19], $0x80, s11, s19, $0xb8;
	[tilespmem:$0x1E400] =	vst v63  }
0xe8: {  	_ =	swait.ge [sflag:s25], $0x4000  }
0xe9: {  	[sflag:s25] =	ssyncset.done $0x0  }
.Ltmp6:
0xea: {  	s11 =	sadd.s32 $0x2780, s10;
	[sflag:s25] =	ssyncadd.s32 $0xFFFFC000;
	(pc) =	sbr.rel @p1 .LBB2_5-.Ltmp6, $4  }
0xeb: {  	[spmem:s2] =	stream.indirect.scatter.add.f32 [tilespmem:s24], [sflag:$0x4], $0x80, s11, s19, $0xb8;
	[tilespmem:$0x1E400] =	vst v63  }
0xec: {  	_ =	swait.ge [sflag:s28], $0x4000  }
0xed: {  	[sflag:s28] =	ssyncset.done $0x0  }
0xee: {  	s10 =	sadd.s32 $0x1400, s10;
	[sflag:s28] =	ssyncadd.s32 $0xFFFFC000  }
0xef: {  	[tilespmem:s22], [sflag:$0x1] =	stream.indirect.gather [hbm4b:s4+s19], $0x80, s10, s19, $0xb8;
	[tilespmem:$0x1E400] =	vst v63  }
0xf0: {  	_ =	swait.ge [sflag:s23], $0x4000  }
0xf1: {  	[sflag:s23] =	ssyncset.done $0x0  }
0xf2: {  	[sflag:s23] =	ssyncadd.s32 $0xFFFFC000  }
0xf3: {  	[spmem:s2] =	stream.indirect.scatter.add.f32 [tilespmem:s22], [sflag:$0x3], $0x80, s31, s19, $0xb8;
	[tilespmem:$0x1E400] =	vst v63  }
0xf4: {  	_ =	swait.ge [sflag:s30], $0x4000  }
0xf5: {  	[sflag:s30] =	ssyncset.done $0x0  }
0xf6: {  	[sflag:s30] =	ssyncadd.s32 $0xFFFFC000  }
0xf7: {  	[tilespmem:s24], [sflag:$0x2] =	stream.indirect.gather [hbm4b:s4+s19], $0x80, s0, s19, $0xb8;
	[tilespmem:$0x1E400] =	vst v63  }
0xf8: {  	_ =	swait.ge [sflag:s25], $0x4000  }
0xf9: {  	[sflag:s25] =	ssyncset.done $0x0  }
0xfa: {  	[sflag:s25] =	ssyncadd.s32 $0xFFFFC000  }
0xfb: {  	[spmem:s2] =	stream.indirect.scatter.add.f32 [tilespmem:s24], [sflag:$0x4], $0x80, s1, s19, $0xb8;
	[tilespmem:$0x1E400] =	vst v63  }
0xfc: {  	_ =	swait.ge [sflag:s28], $0x4000  }
0xfd: {  	[sflag:s28] =	ssyncset.done $0x0  }
0xfe: {  	[sflag:s28] =	ssyncadd.s32 $0xFFFFC000  }
0xff: {  	_ =	swait.ge [sflag:s30], $0x4000  }
0x100: {  	[sflag:s30] =	ssyncset.done $0x0  }
0x101: {  	s9 =	rddreg [dreg:$0x7];
	[sflag:s30] =	ssyncadd.s32 $0xFFFFC000  }
0x102: {  	[tilespmem:s3], [sflag:$0x5] =	stream.strided.gather [hbm4b:s9+s19], $0x1400, s20, s19, $0x38;
	[tilespmem:$0x1E400] =	vst v63  }
0x103: {  	_ =	swait.ge [sflag:s18], $0x1400  }
0x104: {  	[sflag:s18] =	ssyncset.done $0x0  }
0x105: {  	[sflag:s18] =	ssyncadd.s32 $0xFFFFEC00  }
0x106: {  	[tilespmem:s21], [sflag:$0x5] =	stream.linear.gather [hbm4b:s12+s3], $0x1400, $0x38;
	[tilespmem:$0x1E400] =	vst v63  }
0x107: {  	_ =	swait.ge [sflag:s18], $0x1400  }
0x108: {  	[sflag:s18] =	ssyncset.done $0x0  }
0x109: {  	[sflag:s18] =	ssyncadd.s32 $0xFFFFEC00  }
0x10a: {  	[tilespmem:s22], [sflag:$0x1] =	stream.indirect.gather [hbm4b:s4+s19], $0x80, s3, s19, $0xb8;
	[tilespmem:$0x1E400] =	vst v63  }
0x10b: {  	_ =	swait.ge [sflag:s23], $0x4000  }
0x10c: {  	[sflag:s23] =	ssyncset.done $0x0  }
0x10d: {  	[sflag:s23] =	ssyncadd.s32 $0xFFFFC000  }
0x10e: {  	[spmem:s2] =	stream.indirect.scatter.add.f32 [tilespmem:s22], [sflag:$0x3], $0x80, s21, s19, $0xb8;
	[tilespmem:$0x1E400] =	vst v63  }
0x10f: {  	_ = 	snop  }
0x110: {  	[tilespmem:s24], [sflag:$0x2] =	stream.indirect.gather [hbm4b:s4+s19], $0x80, s19, s19, $0xb8;
	[tilespmem:$0x1E400] =	vst v63  }
0x111: {  	_ =	swait.ge [sflag:s25], $0x4000  }
0x112: {  	[sflag:s25] =	ssyncset.done $0x0  }
0x113: {  	[sflag:s25] =	ssyncadd.s32 $0xFFFFC000  }
0x114: {  	[spmem:s2] =	stream.indirect.scatter.add.f32 [tilespmem:s24], [sflag:$0x4], $0x80, s26, s19, $0xb8;
	[tilespmem:$0x1E400] =	vst v63  }
0x115: {  	_ =	swait.ge [sflag:s28], $0x4000  }
0x116: {  	[sflag:s28] =	ssyncset.done $0x0  }
0x117: {  	[sflag:s28] =	ssyncadd.s32 $0xFFFFC000  }
0x118: {  	[tilespmem:s22], [sflag:$0x1] =	stream.indirect.gather [hbm4b:s4+s19], $0x80, s29, s19, $0xb8;
	[tilespmem:$0x1E400] =	vst v63  }
0x119: {  	_ =	swait.ge [sflag:s23], $0x4000  }
0x11a: {  	[sflag:s23] =	ssyncset.done $0x0  }
0x11b: {  	s11 =	simm.s32 $0x1500;
	[sflag:s23] =	ssyncadd.s32 $0xFFFFC000  }
0x11c: {  	[spmem:s2] =	stream.indirect.scatter.add.f32 [tilespmem:s22], [sflag:$0x3], $0x80, s11, s19, $0xb8;
	[tilespmem:$0x1E400] =	vst v63  }
0x11d: {  	_ =	swait.ge [sflag:s30], $0x4000  }
0x11e: {  	[sflag:s30] =	ssyncset.done $0x0  }
0x11f: {  	s10 =	simm.s32 $0x180;
	[sflag:s30] =	ssyncadd.s32 $0xFFFFC000  }
0x120: {  	[tilespmem:s24], [sflag:$0x2] =	stream.indirect.gather [hbm4b:s4+s19], $0x80, s10, s19, $0xb8;
	[tilespmem:$0x1E400] =	vst v63  }
0x121: {  	_ =	swait.ge [sflag:s25], $0x4000  }
0x122: {  	[sflag:s25] =	ssyncset.done $0x0  }
0x123: {  	s11 =	simm.s32 $0x1580;
	[sflag:s25] =	ssyncadd.s32 $0xFFFFC000  }
0x124: {  	[spmem:s2] =	stream.indirect.scatter.add.f32 [tilespmem:s24], [sflag:$0x4], $0x80, s11, s19, $0xb8;
	[tilespmem:$0x1E400] =	vst v63  }
0x125: {  	_ =	swait.ge [sflag:s28], $0x4000  }
0x126: {  	[sflag:s28] =	ssyncset.done $0x0  }
0x127: {  	s9 =	simm.s32 $0xFFFFBC00;
	s10 =	simm.s32 $0x200;
	[sflag:s28] =	ssyncadd.s32 $0xFFFFC000  }
.LBB2_7:
0x128: {  	[tilespmem:s22], [sflag:$0x1] =	stream.indirect.gather [hbm4b:s4+s19], $0x80, s10, s19, $0xb8;
	[tilespmem:$0x1E400] =	vst v63  }
0x129: {  	s10 =	smov.u32 s9  }
0x12a: {  	p1 =	seq.s32 s9, $0xFFFFFC00;
	s9 =	sadd.s32 $0x400, s9;
	_ =	swait.ge [sflag:s23], $0x4000  }
0x12b: {  	s10 =	sshra.s32 s10, $0x2;
	[sflag:s23] =	ssyncset.done $0x0  }
0x12c: {  	s11 =	sadd.s32 $0x2700, s10;
	[sflag:s23] =	ssyncadd.s32 $0xFFFFC000  }
0x12d: {  	[spmem:s2] =	stream.indirect.scatter.add.f32 [tilespmem:s22], [sflag:$0x3], $0x80, s11, s19, $0xb8;
	[tilespmem:$0x1E400] =	vst v63  }
0x12e: {  	_ =	swait.ge [sflag:s30], $0x4000  }
0x12f: {  	[sflag:s30] =	ssyncset.done $0x0  }
0x130: {  	s11 =	sadd.s32 $0x1380, s10;
	[sflag:s30] =	ssyncadd.s32 $0xFFFFC000  }
0x131: {  	[tilespmem:s24], [sflag:$0x2] =	stream.indirect.gather [hbm4b:s4+s19], $0x80, s11, s19, $0xb8;
	[tilespmem:$0x1E400] =	vst v63  }
0x132: {  	_ =	swait.ge [sflag:s25], $0x4000  }
0x133: {  	[sflag:s25] =	ssyncset.done $0x0  }
.Ltmp7:
0x134: {  	s11 =	sadd.s32 $0x2780, s10;
	[sflag:s25] =	ssyncadd.s32 $0xFFFFC000;
	(pc) =	sbr.rel @!p1 .LBB2_7-.Ltmp7, $4  }
0x135: {  	[spmem:s2] =	stream.indirect.scatter.add.f32 [tilespmem:s24], [sflag:$0x4], $0x80, s11, s19, $0xb8;
	[tilespmem:$0x1E400] =	vst v63  }
0x136: {  	_ =	swait.ge [sflag:s28], $0x4000  }
0x137: {  	[sflag:s28] =	ssyncset.done $0x0  }
0x138: {  	s10 =	sadd.s32 $0x1400, s10;
	[sflag:s28] =	ssyncadd.s32 $0xFFFFC000  }
.Ltmp8:
0x139: {  	(pc) =	sbr.rel .LBB2_12-.Ltmp8, $2  }
0x13a: {  	_ =	sdelay $0x2  }
0x13b: {  	[tilespmem:s22], [sflag:$0x1] =	stream.indirect.gather [hbm4b:s4+s19], $0x80, s10, s19, $0xb8;
	[tilespmem:$0x1E400] =	vst v63  }
.LBB2_13:
0x13c: {  	_ =	sfence.sel $0x180000  }
0x13d: {  	[bflag:$0x0] =	sbarrier.arrive $0xFFFF  }
0x13e: {  	_ =	strace $0x9000004D  }
0x13f: {  	s0 =	stileid.u32;
	[bflag:$0x2] =	sbarrier.arrive $0xFFFF  }
0x140: {  	p0 =	sne.s32 s0, $0x0;
	s0 =	rddreg [dreg:$0x3]  }
0x141: {  	s0 =	sadd.s32 @!p0 $0x100000, s0  }
0x142: {  	[sflag:s0] =	ssyncadd.tile.s32 @!p0 $0x1;
	_ =	shalt  }
.Lfunc_end2:
_tile_overlayer_lowered:
.L_overlay_start_2:
0x143: {  	(tag) =	ssettag $0x2  }
0x144: {  	s0 =	rddreg [dreg:$0x0];
	s2 =	stileid.u32  }
0x145: {  	s1 =	rddreg [dreg:$0x1];
	p0 =	sne.s32 s2, $0x0  }
0x146: {  	s3 =	rddreg [dreg:$0x2];
	[bflag:$0x3] =	sbarrier.arrive $0xFFFF;
	s2 =	simm.s32 @!p0 $0x1C05  }
0x147: {  	[timem:s3], [sflag:s2] =	dma.local @!p0 [hbm:s0], s1  }
0x148: {  	s0 =	simm.s32 @!p0 $0x5  }
0x149: {  	_ =	swait.ge @!p0 [sflag:s0], s1  }
0x14a: {  	s1 =	ssub.s32 @!p0 $0x0, s1;
	[sflag:s0] =	ssyncset.done @!p0 $0x0  }
0x14b: {  	[sflag:s0] =	ssyncadd.s32 @!p0 s1  }
0x14c: {  	[bflag:$0x3] =	sbarrier.arrive $0xFFFF  }
0x14d: {  	_ =	shalt  }

// kernel: kernel.8.cloned.1.call-start
scs
__scs_entry_jumppad:
0x0: {  	(pc) =	sbr.rel $0x88, $3  }
0x1: {  	(tag) =	ssettag $0x0;
	lr =	simm.s32 $0x1  }
0x2: {  	[smem:$0x3F95] =	sst lr;
	_ =	strace $0xD0000000  }
0x3: {  	_ = 	snop  }
0x4: {  	_ = 	snop  }
0x5: {  	_ = 	snop  }
0x6: {  	_ = 	snop  }
0x7: {  	_ = 	snop  }
__scs_overlays_trampoline_lowered:
0x8: {  	[smem:$0x3FA4] =	sst s0  }
0x9: {  	[smem:$0x3FA5] =	sst s1  }
0xa: {  	[smem:$0x3FA6] =	sst s2  }
0xb: {  	[smem:$0x3FA7] =	sst s3  }
0xc: {  	[smem:$0x3FA8] =	sst s4  }
0xd: {  	[smem:$0x3FA9] =	sst s5  }
0xe: {  	[smem:$0x3FAA] =	sst s6  }
0xf: {  	[smem:$0x3FAB] =	sst s7  }
0x10: {  	[smem:$0x3FAC] =	sst s8  }
0x11: {  	[smem:$0x3FAD] =	sst s9;
	s0 =	simm.s32 @!p0 $0x0  }
0x12: {  	s1 =	sld [smem:$0x3F93];
	s0 =	simm.s32 @p0 $0x1  }
0x13: {  	[smem:$0x3FAE] =	sst s0;
	s0 =	simm.s32 @!p1 $0x0  }
0x14: {  	s2 =	sld [smem:$0x3F92];
	s0 =	simm.s32 @p1 $0x1  }
0x15: {  	[smem:$0x3FAF] =	sst s0;
	s0 =	simm.s32 @!p2 $0x0  }
0x16: {  	s3 =	sld [smem:$0x3FDB];
	s0 =	simm.s32 @p2 $0x1  }
0x17: {  	s4 =	simm.s32 $0x1BF5;
	[smem:$0x3FB1] =	sst s0  }
0x18: {  	s0 =	sld [smem:$0x3F94];
	_ =	swait.ge [sflag:s4], $0x0  }
0x19: {  	s7 =	sld [smem:$0x3F95]  }
0x1a: {  	s8 =	sadd.s32 $0xFFFFE003, lr  }
0x1b: {  	s9 =	sadd.s32 $0xFFFFFEF7, lr;
	s5 =	simm.s32 $0xFFFFFFFF;
	p2 =	slt.u32 s8, $0xFFFFF086  }
0x1c: {  	p1 =	slt.u32 s9, $0xF7A;
	s5 =	simm.s32 @!p2 $0x0  }
0x1d: {  	s5 =	simm.s32 @p1 $0x1;
	p0 =	seq.s32 s7, s2  }
0x1e: {  	s7 =	smul.u32 @!p0 $0xF7A, s2;
	p2 =	seq.s32 @!p0 s5, $0x0  }
0x1f: {  	s9 =	smul.u32 $0xF7A, s1;
	s8 =	simm.s32 @!p0 $0x1BF5;
	p2 =	por !p2, p0  }
0x20: {  	[sflag:s8] =	ssyncset.s32 @!p0 $0xFFFFF086;
	s6 =	sadd.s32 @!p0 s3, s7;
	s7 =	simm.s32 @!p0 $0x108  }
0x21: {  	s3 =	sadd.s32 s3, s9;
	s6 =	sadd.s32 @!p0 $0x88, s6;
	s7 =	simm.s32 @p2 $0x1082  }
0x22: {  	[simem:s7], [sflag:s8] =	dma.local @!p0 [hbm:s6], $0xF7A  }
0x23: {  	s9 =	sor.u32 $0xD0000000, s2;
	s6 =	simm.s32 $0x108;
	_ =	swait.ge @!p0 [sflag:s8], $0x0  }
0x24: {  	s3 =	sadd.s32 $0x88, s3;
	s6 =	simm.s32 @!p1 $0x1082;
	[sflag:s4] =	ssyncset.s32 $0xFFFFF086  }
0x25: {  	[simem:s6], [sflag:s4] =	dma.local [hbm:s3], $0xF7A  }
0x26: {  	[smem:$0x3F95] =	sst s1;
	(tag) =	ssettag s2;
	_ =	strace s9  }
0x27: {  	s1 =	sld [smem:$0x3FA5]  }
0x28: {  	s2 =	sld [smem:$0x3FA6]  }
0x29: {  	s4 =	sld [smem:$0x3FA8]  }
0x2a: {  	p0 =	seq.s32 s5, $0x0;
	s5 =	sld [smem:$0x3FA9]  }
0x2b: {  	s6 =	sld [smem:$0x3FAA]  }
0x2c: {  	s7 =	sld [smem:$0x3FAB]  }
0x2d: {  	s3 =	simm.s32 $0x108;
	s8 =	sld [smem:$0x3FAC]  }
0x2e: {  	s3 =	simm.s32 @!p0 $0x1082;
	s9 =	sld [smem:$0x3FAD]  }
0x2f: {  	lr =	sadd.s32 s0, s3;
	s0 =	sld [smem:$0x3FA4]  }
0x30: {  	s3 =	sld [smem:$0x3FA7]  }
0x31: {  	[smem:$0x3FB0] =	sst s10  }
0x32: {  	s10 =	sld [smem:$0x3FAE];
	_ =	sdelay $0x3  }
0x33: {  	p0 =	seq.s32 s10, $0x1;
	s10 =	sld [smem:$0x3FB0];
	_ =	sdelay $0x3  }
0x34: {  	[smem:$0x3FB0] =	sst s10  }
0x35: {  	s10 =	sld [smem:$0x3FAF];
	_ =	sdelay $0x3  }
0x36: {  	p1 =	seq.s32 s10, $0x1;
	s10 =	sld [smem:$0x3FB0];
	_ =	sdelay $0x3  }
0x37: {  	[smem:$0x3FB0] =	sst s10  }
0x38: {  	s10 =	sld [smem:$0x3FB1]  }
0x39: {  	_ = 	snop;
	(pc) =	sbr.ind lr, $3  }
0x3a: {  	_ = 	snop  }
0x3b: {  	_ = 	snop  }
0x3c: {  	p2 =	seq.s32 s10, $0x1;
	s10 =	sld [smem:$0x3FB0]  }
0x3d: {  	_ =	shalt  }
0x3e: {  	_ =	shalt  }
0x3f: {  	_ =	shalt  }
0x40: {  	_ =	shalt  }
0x41: {  	_ =	shalt  }
0x42: {  	_ =	shalt  }
0x43: {  	_ =	shalt  }
0x44: {  	_ =	shalt  }
0x45: {  	_ =	shalt  }
0x46: {  	_ =	shalt  }
0x47: {  	_ =	shalt  }
0x48: {  	_ =	shalt  }
0x49: {  	_ =	shalt  }
0x4a: {  	_ =	shalt  }
0x4b: {  	_ =	shalt  }
0x4c: {  	_ =	shalt  }
0x4d: {  	_ =	shalt  }
0x4e: {  	_ =	shalt  }
0x4f: {  	_ =	shalt  }
0x50: {  	_ =	shalt  }
0x51: {  	_ =	shalt  }
0x52: {  	_ =	shalt  }
0x53: {  	_ =	shalt  }
0x54: {  	_ =	shalt  }
0x55: {  	_ =	shalt  }
0x56: {  	_ =	shalt  }
0x57: {  	_ =	shalt  }
0x58: {  	_ =	shalt  }
0x59: {  	_ =	shalt  }
0x5a: {  	_ =	shalt  }
0x5b: {  	_ =	shalt  }
0x5c: {  	_ =	shalt  }
0x5d: {  	_ =	shalt  }
0x5e: {  	_ =	shalt  }
0x5f: {  	_ =	shalt  }
0x60: {  	_ =	shalt  }
0x61: {  	_ =	shalt  }
0x62: {  	_ =	shalt  }
0x63: {  	_ =	shalt  }
0x64: {  	_ =	shalt  }
0x65: {  	_ =	shalt  }
0x66: {  	_ =	shalt  }
0x67: {  	_ =	shalt  }
0x68: {  	_ =	shalt  }
0x69: {  	_ =	shalt  }
0x6a: {  	_ =	shalt  }
0x6b: {  	_ =	shalt  }
0x6c: {  	_ =	shalt  }
0x6d: {  	_ =	shalt  }
0x6e: {  	_ =	shalt  }
0x6f: {  	_ =	shalt  }
0x70: {  	_ =	shalt  }
0x71: {  	_ =	shalt  }
0x72: {  	_ =	shalt  }
0x73: {  	_ =	shalt  }
0x74: {  	_ =	shalt  }
0x75: {  	_ =	shalt  }
0x76: {  	_ =	shalt  }
0x77: {  	_ =	shalt  }
0x78: {  	_ =	shalt  }
0x79: {  	_ =	shalt  }
0x7a: {  	_ =	shalt  }
0x7b: {  	_ =	shalt  }
0x7c: {  	_ =	shalt  }
0x7d: {  	_ =	shalt  }
0x7e: {  	_ =	shalt  }
0x7f: {  	_ =	shalt  }
0x80: {  	_ =	shalt  }
0x81: {  	_ =	shalt  }
0x82: {  	_ =	shalt  }
0x83: {  	_ =	shalt  }
0x84: {  	_ =	shalt  }
0x85: {  	_ =	shalt  }
0x86: {  	_ =	shalt  }
0x87: {  	_ =	shalt  }
.Lfunc_end0:
.L_simem_size_0:
called_computation_lowered:
.L_overlay_start_0:
0x88: {  	s2 =	sld [smem:$0x3FD9]  }
0x89: {  	s3 =	sld [smem:$0x3FFE];
	_ =	sdelay $0x1  }
0x8a: {  	s1 =	srdreg.scid  }
0x8b: {  	s0 =	sand.u32 $0x1, s1  }
0x8c: {  	s17 =	sshll.u32 s0, $0xA;
	s2 =	sadd.s32 s3, s2  }
0x8d: {  	s2 =	sadd.s32 s2, s17  }
0x8e: {  	[smem:$0x3FBC] =	sst s2  }
0x8f: {  	_ = 	snop  }
0x90: {  	s2 =	sld [smem:$0x3FD0];
	(tm) =	ssettm $0x1  }
0x91: {  	s18 =	sld [smem:$0x3FFB];
	_ =	sdelay $0x3  }
0x92: {  	_ =	strace s18  }
0x93: {  	s3 =	sld [smem:$0x3FFC];
	_ =	sdelay $0x3  }
0x94: {  	_ =	strace s3  }
0x95: {  	s3 =	sld [smem:$0x3FFD];
	_ =	sdelay $0x3  }
0x96: {  	_ =	strace s3  }
0x97: {  	_ =	strace $0x8FFFFFFF  }
0x98: {  	s19 =	sld [smem:$0x3FDB];
	_ =	sdelay $0x1  }
0x99: {  	s4 =	simm.s32 $_scs_section_size  }
0x9a: {  	s5 =	simm.s32 $_size__tile_overlayer_lowered;
	s6 =	simm.s32 $_tile_overlayer_lowered  }
0x9b: {  	s22 =	simm.s32 $0x1BFF;
	s21 =	sshll.u32 s6, $0x1;
	s3 =	sadd.s32 s4, s19  }
0x9c: {  	s7 =	simm.s32 $0x0;
	s20 =	sshll.u32 s5, $0x1;
	s5 =	sadd.s32 s21, s3  }
0x9d: {  	[timem:s7], [sflag:s22] =	dma.local [hbm:s5], s20  }
0x9e: {  	_ =	swait.ge [sflag:s22], s20  }
0x9f: {  	s4 =	ssub.s32 $0x0, s20;
	[sflag:s22] =	ssyncset.done $0x0  }
0xa0: {  	[sflag:s22] =	ssyncadd.s32 s4;
	_ =	sdelay $0x1  }
0xa1: {  	s23 =	simm.s32 $0x1B8B  }
0xa2: {  	_ =	swait.ge [sflag:s23], $0x1  }
0xa3: {  	[sflag:s23] =	ssyncset.done $0x0  }
0xa4: {  	s25 =	simm.s32 $0x1B8E;
	s24 =	sld [smem:$0x3FFE];
	[sflag:s23] =	ssyncadd.s32 $0xFFFFFFFF  }
0xa5: {  	s26 =	simm.s32 $execute0_lowered;
	[smem:$0x3FD2] =	sst s25  }
0xa6: {  	s5 =	sshll.u32 s26, $0x1;
	_ =	strace $0x80000046;
	[dreg:$0x1] =	wrdreg $0xFFFFFFFF  }
0xa7: {  	s28 =	simm.s32 $_size_execute0_lowered;
	s3 =	sadd.s32 s3, s5;
	[dreg:$0x0] =	wrdreg $0x0  }
0xa8: {  	s5 =	sshll.u32 s28, $0x1;
	[dreg:$0x2] =	wrdreg s3  }
0xa9: {  	[dreg:$0x3] =	wrdreg s5  }
0xaa: {  	[dreg:$0x4] =	wrdreg $0xC0  }
0xab: {  	_ =	task [dreg:s7], $0x5FFFF  }
0xac: {  	[dreg:$0x1] =	wrdreg $0xFFFFFFFF  }
0xad: {  	[dreg:$0x0] =	wrdreg $0x60  }
0xae: {  	[dreg:$0x2] =	wrdreg s24  }
0xaf: {  	[dreg:$0x3] =	wrdreg s2  }
0xb0: {  	[dreg:$0x4] =	wrdreg $0xA8000  }
0xb1: {  	[dreg:$0x5] =	wrdreg $0xA  }
0xb2: {  	_ =	task.clear_ibuf [dreg:s7], $0x6FFFF;
	_ =	strace $0x90000046  }
0xb3: {  	s29 =	simm.s32 $0xA;
	_ =	strace $0x80000048  }
0xb4: {  	_ =	swait.ge [sflag:s29], $0x1  }
0xb5: {  	[sflag:s29] =	ssyncadd.s32 $0xFFFFFFFF  }
0xb6: {  	_ =	strace $0x90000048  }
0xb7: {  	_ =	sfence  }
0xb8: {  	s30 =	sld [smem:$0x0];
	_ =	sdelay $0x2  }
0xb9: {  	s31 =	sshll.u32 s1, $0xD;
	s1 =	sshrl.u32 s1, $0x2  }
0xba: {  	s3 =	sand.u32 $0x4000, s31;
	s1 =	sadd.s32 s1, s30  }
0xbb: {  	s0 =	sor.u32 s3, s0;
	s1 =	sshll.u32 s1, $0x11  }
0xbc: {  	s0 =	sor.u32 s1, s0  }
0xbd: {  	s0 =	sadd.s32 $0x8F2B, s0  }
0xbe: {  	[sflag:s0] =	ssyncadd.remote.s32 $0x1  }
0xbf: {  	_ =	sfence.sel $0xFFFF  }
0xc0: {  	[dreg:$0x0] =	wrdreg $0xFFFFFFFF;
	(pc) =	sbr.abs _section_cstart, $3  }
0xc1: {  	[dreg:$0x1] =	wrdreg $0xFFFFFFFF  }
0xc2: {  	_ =	task.clear_ibuf [dreg:s7], $0x2FFFF;
	_ =	strace $0x9FFFFFFF  }
0xc3: {  	(tm) =	ssettm $0x7FFFFFFF  }
tec
execute0_lowered:
.L_overlay_start_1:
0x0: {  	(tag) =	ssettag $0x1  }
0x1: {  	s0 =	rddreg [dreg:$0x0]  }
0x2: {  	s1 =	rddreg [dreg:$0x1]  }
0x3: {  	s2 =	rddreg [dreg:$0x2]  }
0x4: {  	s12 =	stileid.u32;
	s5 =	srdreg.scid  }
0x5: {  	s3 =	simm.s32 $0x0;
	s18 =	simm.s32 $0x5;
	s19 =	simm.s32 $0x80  }
0x6: {  	s28 =	simm.s32 $0x3;
	s29 =	simm.s32 $0x100;
	s4 =	smul.u32 $0x5000, s12  }
0x7: {  	s30 =	simm.s32 $0x4;
	s31 =	simm.s32 $0x2700;
	s6 =	smul.u32 $0x13C00, s12  }
0x8: {  	s8 =	sand.u32 $0x1, s5;
	[smem:$0x7FF] =	sst s3;
	s20 =	smul.u32 $0x4F000, s12  }
0x9: {  	s22 =	sshll.u32 s12, $0x6;
	s5 =	smul.u32 $0x13C000, s8;
	_ =	strace $0x80000047  }
0xa: {  	s11 =	ssub.s32 $0x2, s8;
	p0 =	seq.s32 s8, $0x1;
	s8 =	simm.s32 $0x0  }
0xb: {  	s7 =	sshrl.u32 s4, $0x3;
	s4 =	sadd.s32 $0x5C600, s0;
	s10 =	sshrl.u32 s6, $0x3  }
0xc: {  	s21 =	sshrl.u32 s11, $0x1;
	s9 =	sadd.s32 s7, s0;
	s5 =	sadd.s32 s6, s5  }
0xd: {  	s10 =	sadd.s32 s10, s0;
	s6 =	sshrl.u32 s20, $0x2;
	s16 =	ssub.s32 s11, s21  }
0xe: {  	s7 =	sadd.s32 s1, s7;
	s20 =	simm.s32 $0x200;
	s21 =	simm.s32 $0x1400  }
0xf: {  	s1 =	simm.s32 $0x2780;
	s5 =	sshrl.u32 s5, $0x3;
	s17 =	sadd.s32 s6, s2  }
0x10: {  	s6 =	sor.u32 $0x1C05, s22;
	s23 =	sadd.s32 $0x52600, s9;
	s24 =	sadd.s32 $0x10, s7  }
0x11: {  	s25 =	sadd.s32 $0x52880, s9;
	s26 =	sadd.s32 $0x20, s7;
	s12 =	sadd.s32 $0x52B00, s9  }
0x12: {  	s13 =	sadd.s32 $0x30, s7;
	s14 =	sadd.s32 $0x52D80, s9;
	[dreg:$0x4] =	wrdreg s23  }
.Ltmp0:
0x13: {  	s16 =	smax.u32 s16, $0x1;
	[dreg:$0x5] =	wrdreg s24;
	(pc) =	sbr.rel .LBB2_1-.Ltmp0, $4  }
0x14: {  	s22 =	simm.s32 $0x2800;
	s0 =	sadd.s32 s5, s0;
	[dreg:$0x6] =	wrdreg s25  }
0x15: {  	s5 =	sadd.s32 $0xAB600, s10;
	[dreg:$0x7] =	wrdreg s26;
	s17 =	sshrl.u32 s17, $0x3  }
0x16: {  	s23 =	simm.s32 $0x1;
	s24 =	simm.s32 $0x6800;
	s25 =	simm.s32 $0x2  }
0x17: {  	s26 =	simm.s32 $0x1480;
	s15 =	sadd.s32 $0xD2E00, s0;
	s0 =	simm.s32 $0x1380  }
.LBB2_11:
0x18: {  	[tilespmem:s22], [sflag:$0x1] =	stream.indirect.gather [hbm4b:s4+s19], $0x80, s10, s19, $0xb8;
	[tilespmem:$0x1E400] =	vst v63  }
.LBB2_12:
0x19: {  	_ =	swait.ge [sflag:s23], $0x4000  }
0x1a: {  	[sflag:s23] =	ssyncset.done $0x0  }
0x1b: {  	[sflag:s23] =	ssyncadd.s32 $0xFFFFC000  }
0x1c: {  	[spmem:s2] =	stream.indirect.scatter.add.f32 [tilespmem:s22], [sflag:$0x3], $0x80, s31, s19, $0xb8;
	[tilespmem:$0x1E400] =	vst v63  }
0x1d: {  	_ =	swait.ge [sflag:s30], $0x4000  }
0x1e: {  	[sflag:s30] =	ssyncset.done $0x0  }
0x1f: {  	[sflag:s30] =	ssyncadd.s32 $0xFFFFC000  }
0x20: {  	[tilespmem:s24], [sflag:$0x2] =	stream.indirect.gather [hbm4b:s4+s19], $0x80, s0, s19, $0xb8;
	[tilespmem:$0x1E400] =	vst v63  }
0x21: {  	_ =	swait.ge [sflag:s25], $0x4000  }
0x22: {  	[sflag:s25] =	ssyncset.done $0x0  }
0x23: {  	[sflag:s25] =	ssyncadd.s32 $0xFFFFC000  }
0x24: {  	[spmem:s2] =	stream.indirect.scatter.add.f32 [tilespmem:s24], [sflag:$0x4], $0x80, s1, s19, $0xb8;
	[tilespmem:$0x1E400] =	vst v63  }
0x25: {  	_ =	swait.ge [sflag:s28], $0x4000  }
0x26: {  	[sflag:s28] =	ssyncset.done $0x0  }
0x27: {  	[sflag:s28] =	ssyncadd.s32 $0xFFFFC000  }
0x28: {  	_ =	swait.ge [sflag:s30], $0x4000  }
0x29: {  	s8 =	sadd.s32 $0x1, s8;
	[sflag:s30] =	ssyncset.done $0x0  }
0x2a: {  	p1 =	sne.s32 s8, s16;
	[sflag:s30] =	ssyncadd.s32 $0xFFFFC000  }
.Ltmp1:
0x2b: {  	[bflag:$0x0] =	sbarrier.arrive $0xFFFF;
	(pc) =	sbr.rel @!p1 .LBB2_13-.Ltmp1, $4  }
0x2c: {  	[hbm:s15], [sflag:s6] =	dma.local [spmem:s17], $0x2780  }
0x2d: {  	_ =	swait.ge [sflag:s18], $0x2780  }
0x2e: {  	[sflag:s18] =	ssyncset.done $0x0  }
0x2f: {  	[sflag:s18] =	ssyncadd.s32 $0xFFFFD880  }
.LBB2_1:
0x30: {  	[spmem:s17], [sflag:s6] =	dma.local [hbm:s5], $0x2780  }
.Ltmp2:
0x31: {  	_ =	swait.ge [sflag:s18], $0x2780;
	(pc) =	sbr.rel @!p0 .LBB2_2-.Ltmp2, $3  }
0x32: {  	[sflag:s18] =	ssyncset.done $0x0  }
0x33: {  	[sflag:s18] =	ssyncadd.s32 $0xFFFFD880  }
0x34: {  	[bflag:$0x0] =	sbarrier.arrive $0xFFFF;
	_ =	sdelay $0x1  }
0x35: {  	[tilespmem:s3], [sflag:$0x5] =	stream.strided.gather [hbm4b:s13+s19], $0x1400, s20, s19, $0x38;
	[tilespmem:$0x1E400] =	vst v63  }
0x36: {  	_ =	swait.ge [sflag:s18], $0x1400  }
0x37: {  	[sflag:s18] =	ssyncset.done $0x0  }
0x38: {  	[sflag:s18] =	ssyncadd.s32 $0xFFFFEC00  }
0x39: {  	[tilespmem:s21], [sflag:$0x5] =	stream.linear.gather [hbm4b:s14+s3], $0x1400, $0x38;
	[tilespmem:$0x1E400] =	vst v63  }
0x3a: {  	_ =	swait.ge [sflag:s18], $0x1400  }
0x3b: {  	[sflag:s18] =	ssyncset.done $0x0  }
0x3c: {  	[sflag:s18] =	ssyncadd.s32 $0xFFFFEC00  }
0x3d: {  	[tilespmem:s22], [sflag:$0x1] =	stream.indirect.gather [hbm4b:s4+s19], $0x80, s3, s19, $0xb8;
	[tilespmem:$0x1E400] =	vst v63  }
0x3e: {  	_ =	swait.ge [sflag:s23], $0x4000  }
0x3f: {  	[sflag:s23] =	ssyncset.done $0x0  }
0x40: {  	[sflag:s23] =	ssyncadd.s32 $0xFFFFC000  }
0x41: {  	[spmem:s2] =	stream.indirect.scatter.add.f32 [tilespmem:s22], [sflag:$0x3], $0x80, s21, s19, $0xb8;
	[tilespmem:$0x1E400] =	vst v63  }
0x42: {  	_ = 	snop  }
0x43: {  	[tilespmem:s24], [sflag:$0x2] =	stream.indirect.gather [hbm4b:s4+s19], $0x80, s19, s19, $0xb8;
	[tilespmem:$0x1E400] =	vst v63  }
0x44: {  	_ =	swait.ge [sflag:s25], $0x4000  }
0x45: {  	[sflag:s25] =	ssyncset.done $0x0  }
0x46: {  	[sflag:s25] =	ssyncadd.s32 $0xFFFFC000  }
0x47: {  	[spmem:s2] =	stream.indirect.scatter.add.f32 [tilespmem:s24], [sflag:$0x4], $0x80, s26, s19, $0xb8;
	[tilespmem:$0x1E400] =	vst v63  }
0x48: {  	_ =	swait.ge [sflag:s28], $0x4000  }
0x49: {  	[sflag:s28] =	ssyncset.done $0x0  }
0x4a: {  	[sflag:s28] =	ssyncadd.s32 $0xFFFFC000  }
0x4b: {  	[tilespmem:s22], [sflag:$0x1] =	stream.indirect.gather [hbm4b:s4+s19], $0x80, s29, s19, $0xb8;
	[tilespmem:$0x1E400] =	vst v63  }
0x4c: {  	_ =	swait.ge [sflag:s23], $0x4000  }
0x4d: {  	[sflag:s23] =	ssyncset.done $0x0  }
0x4e: {  	s9 =	simm.s32 $0x1500;
	[sflag:s23] =	ssyncadd.s32 $0xFFFFC000  }
0x4f: {  	[spmem:s2] =	stream.indirect.scatter.add.f32 [tilespmem:s22], [sflag:$0x3], $0x80, s9, s19, $0xb8;
	[tilespmem:$0x1E400] =	vst v63  }
0x50: {  	_ =	swait.ge [sflag:s30], $0x4000  }
0x51: {  	[sflag:s30] =	ssyncset.done $0x0  }
0x52: {  	s10 =	simm.s32 $0x180;
	[sflag:s30] =	ssyncadd.s32 $0xFFFFC000  }
0x53: {  	[tilespmem:s24], [sflag:$0x2] =	stream.indirect.gather [hbm4b:s4+s19], $0x80, s10, s19, $0xb8;
	[tilespmem:$0x1E400] =	vst v63  }
0x54: {  	_ =	swait.ge [sflag:s25], $0x4000  }
0x55: {  	[sflag:s25] =	ssyncset.done $0x0  }
0x56: {  	s11 =	simm.s32 $0x1580;
	[sflag:s25] =	ssyncadd.s32 $0xFFFFC000  }
0x57: {  	[spmem:s2] =	stream.indirect.scatter.add.f32 [tilespmem:s24], [sflag:$0x4], $0x80, s11, s19, $0xb8;
	[tilespmem:$0x1E400] =	vst v63  }
0x58: {  	_ =	swait.ge [sflag:s28], $0x4000  }
0x59: {  	[sflag:s28] =	ssyncset.done $0x0  }
0x5a: {  	s9 =	simm.s32 $0xFFFFBC00;
	s10 =	simm.s32 $0x200;
	[sflag:s28] =	ssyncadd.s32 $0xFFFFC000  }
.LBB2_10:
0x5b: {  	[tilespmem:s22], [sflag:$0x1] =	stream.indirect.gather [hbm4b:s4+s19], $0x80, s10, s19, $0xb8;
	[tilespmem:$0x1E400] =	vst v63  }
0x5c: {  	s10 =	smov.u32 s9  }
0x5d: {  	p1 =	sne.s32 s9, $0xFFFFFC00;
	s9 =	sadd.s32 $0x400, s9;
	_ =	swait.ge [sflag:s23], $0x4000  }
0x5e: {  	s10 =	sshra.s32 s10, $0x2;
	[sflag:s23] =	ssyncset.done $0x0  }
0x5f: {  	s11 =	sadd.s32 $0x2700, s10;
	[sflag:s23] =	ssyncadd.s32 $0xFFFFC000  }
0x60: {  	[spmem:s2] =	stream.indirect.scatter.add.f32 [tilespmem:s22], [sflag:$0x3], $0x80, s11, s19, $0xb8;
	[tilespmem:$0x1E400] =	vst v63  }
0x61: {  	_ =	swait.ge [sflag:s30], $0x4000  }
0x62: {  	[sflag:s30] =	ssyncset.done $0x0  }
0x63: {  	s11 =	sadd.s32 $0x1380, s10;
	[sflag:s30] =	ssyncadd.s32 $0xFFFFC000  }
0x64: {  	[tilespmem:s24], [sflag:$0x2] =	stream.indirect.gather [hbm4b:s4+s19], $0x80, s11, s19, $0xb8;
	[tilespmem:$0x1E400] =	vst v63  }
0x65: {  	_ =	swait.ge [sflag:s25], $0x4000  }
0x66: {  	[sflag:s25] =	ssyncset.done $0x0  }
.Ltmp3:
0x67: {  	s11 =	sadd.s32 $0x2780, s10;
	[sflag:s25] =	ssyncadd.s32 $0xFFFFC000;
	(pc) =	sbr.rel @p1 .LBB2_10-.Ltmp3, $4  }
0x68: {  	[spmem:s2] =	stream.indirect.scatter.add.f32 [tilespmem:s24], [sflag:$0x4], $0x80, s11, s19, $0xb8;
	[tilespmem:$0x1E400] =	vst v63  }
0x69: {  	_ =	swait.ge [sflag:s28], $0x4000  }
0x6a: {  	[sflag:s28] =	ssyncset.done $0x0  }
0x6b: {  	s10 =	sadd.s32 $0x1400, s10;
	[sflag:s28] =	ssyncadd.s32 $0xFFFFC000  }
.Ltmp4:
0x6c: {  	_ = 	snop;
	(pc) =	sbr.rel .LBB2_11-.Ltmp4, $1  }
0x6d: {  	_ =	sdelay $0x3  }
.LBB2_2:
0x6e: {  	[tilespmem:s3], [sflag:$0x5] =	stream.strided.gather [hbm4b:s7+s19], $0x1400, s20, s19, $0x38;
	[tilespmem:$0x1E400] =	vst v63  }
0x6f: {  	_ =	swait.ge [sflag:s18], $0x1400  }
0x70: {  	[sflag:s18] =	ssyncset.done $0x0  }
0x71: {  	s9 =	rddreg [dreg:$0x4];
	[sflag:s18] =	ssyncadd.s32 $0xFFFFEC00  }
0x72: {  	[tilespmem:s21], [sflag:$0x5] =	stream.linear.gather [hbm4b:s9+s3], $0x1400, $0x38;
	[tilespmem:$0x1E400] =	vst v63  }
0x73: {  	_ =	swait.ge [sflag:s18], $0x1400  }
0x74: {  	[sflag:s18] =	ssyncset.done $0x0  }
0x75: {  	[sflag:s18] =	ssyncadd.s32 $0xFFFFEC00  }
0x76: {  	[tilespmem:s22], [sflag:$0x1] =	stream.indirect.gather [hbm4b:s4+s19], $0x80, s3, s19, $0xb8;
	[tilespmem:$0x1E400] =	vst v63  }
0x77: {  	_ =	swait.ge [sflag:s23], $0x4000  }
0x78: {  	[sflag:s23] =	ssyncset.done $0x0  }
0x79: {  	[sflag:s23] =	ssyncadd.s32 $0xFFFFC000  }
0x7a: {  	[spmem:s2] =	stream.indirect.scatter.add.f32 [tilespmem:s22], [sflag:$0x3], $0x80, s21, s19, $0xb8;
	[tilespmem:$0x1E400] =	vst v63  }
0x7b: {  	_ = 	snop  }
0x7c: {  	[tilespmem:s24], [sflag:$0x2] =	stream.indirect.gather [hbm4b:s4+s19], $0x80, s19, s19, $0xb8;
	[tilespmem:$0x1E400] =	vst v63  }
0x7d: {  	_ =	swait.ge [sflag:s25], $0x4000  }
0x7e: {  	[sflag:s25] =	ssyncset.done $0x0  }
0x7f: {  	[sflag:s25] =	ssyncadd.s32 $0xFFFFC000  }
0x80: {  	[spmem:s2] =	stream.indirect.scatter.add.f32 [tilespmem:s24], [sflag:$0x4], $0x80, s26, s19, $0xb8;
	[tilespmem:$0x1E400] =	vst v63  }
0x81: {  	_ =	swait.ge [sflag:s28], $0x4000  }
0x82: {  	[sflag:s28] =	ssyncset.done $0x0  }
0x83: {  	[sflag:s28] =	ssyncadd.s32 $0xFFFFC000  }
0x84: {  	[tilespmem:s22], [sflag:$0x1] =	stream.indirect.gather [hbm4b:s4+s19], $0x80, s29, s19, $0xb8;
	[tilespmem:$0x1E400] =	vst v63  }
0x85: {  	_ =	swait.ge [sflag:s23], $0x4000  }
0x86: {  	[sflag:s23] =	ssyncset.done $0x0  }
0x87: {  	s11 =	simm.s32 $0x1500;
	[sflag:s23] =	ssyncadd.s32 $0xFFFFC000  }
0x88: {  	[spmem:s2] =	stream.indirect.scatter.add.f32 [tilespmem:s22], [sflag:$0x3], $0x80, s11, s19, $0xb8;
	[tilespmem:$0x1E400] =	vst v63  }
0x89: {  	_ =	swait.ge [sflag:s30], $0x4000  }
0x8a: {  	[sflag:s30] =	ssyncset.done $0x0  }
0x8b: {  	s10 =	simm.s32 $0x180;
	[sflag:s30] =	ssyncadd.s32 $0xFFFFC000  }
0x8c: {  	[tilespmem:s24], [sflag:$0x2] =	stream.indirect.gather [hbm4b:s4+s19], $0x80, s10, s19, $0xb8;
	[tilespmem:$0x1E400] =	vst v63  }
0x8d: {  	_ =	swait.ge [sflag:s25], $0x4000  }
0x8e: {  	[sflag:s25] =	ssyncset.done $0x0  }
0x8f: {  	s11 =	simm.s32 $0x1580;
	[sflag:s25] =	ssyncadd.s32 $0xFFFFC000  }
0x90: {  	[spmem:s2] =	stream.indirect.scatter.add.f32 [tilespmem:s24], [sflag:$0x4], $0x80, s11, s19, $0xb8;
	[tilespmem:$0x1E400] =	vst v63  }
0x91: {  	_ =	swait.ge [sflag:s28], $0x4000  }
0x92: {  	[sflag:s28] =	ssyncset.done $0x0  }
0x93: {  	s9 =	simm.s32 $0xFFFFBC00;
	s10 =	simm.s32 $0x200;
	[sflag:s28] =	ssyncadd.s32 $0xFFFFC000  }
.LBB2_3:
0x94: {  	[tilespmem:s22], [sflag:$0x1] =	stream.indirect.gather [hbm4b:s4+s19], $0x80, s10, s19, $0xb8;
	[tilespmem:$0x1E400] =	vst v63  }
0x95: {  	s10 =	smov.u32 s9  }
0x96: {  	p1 =	sne.s32 s9, $0xFFFFFC00;
	s9 =	sadd.s32 $0x400, s9;
	_ =	swait.ge [sflag:s23], $0x4000  }
0x97: {  	s10 =	sshra.s32 s10, $0x2;
	[sflag:s23] =	ssyncset.done $0x0  }
0x98: {  	s11 =	sadd.s32 $0x2700, s10;
	[sflag:s23] =	ssyncadd.s32 $0xFFFFC000  }
0x99: {  	[spmem:s2] =	stream.indirect.scatter.add.f32 [tilespmem:s22], [sflag:$0x3], $0x80, s11, s19, $0xb8;
	[tilespmem:$0x1E400] =	vst v63  }
0x9a: {  	_ =	swait.ge [sflag:s30], $0x4000  }
0x9b: {  	[sflag:s30] =	ssyncset.done $0x0  }
0x9c: {  	s11 =	sadd.s32 $0x1380, s10;
	[sflag:s30] =	ssyncadd.s32 $0xFFFFC000  }
0x9d: {  	[tilespmem:s24], [sflag:$0x2] =	stream.indirect.gather [hbm4b:s4+s19], $0x80, s11, s19, $0xb8;
	[tilespmem:$0x1E400] =	vst v63  }
0x9e: {  	_ =	swait.ge [sflag:s25], $0x4000  }
0x9f: {  	[sflag:s25] =	ssyncset.done $0x0  }
.Ltmp5:
0xa0: {  	s11 =	sadd.s32 $0x2780, s10;
	[sflag:s25] =	ssyncadd.s32 $0xFFFFC000;
	(pc) =	sbr.rel @p1 .LBB2_3-.Ltmp5, $4  }
0xa1: {  	[spmem:s2] =	stream.indirect.scatter.add.f32 [tilespmem:s24], [sflag:$0x4], $0x80, s11, s19, $0xb8;
	[tilespmem:$0x1E400] =	vst v63  }
0xa2: {  	_ =	swait.ge [sflag:s28], $0x4000  }
0xa3: {  	[sflag:s28] =	ssyncset.done $0x0  }
0xa4: {  	s10 =	sadd.s32 $0x1400, s10;
	[sflag:s28] =	ssyncadd.s32 $0xFFFFC000  }
0xa5: {  	[tilespmem:s22], [sflag:$0x1] =	stream.indirect.gather [hbm4b:s4+s19], $0x80, s10, s19, $0xb8;
	[tilespmem:$0x1E400] =	vst v63  }
0xa6: {  	_ =	swait.ge [sflag:s23], $0x4000  }
0xa7: {  	[sflag:s23] =	ssyncset.done $0x0  }
0xa8: {  	[sflag:s23] =	ssyncadd.s32 $0xFFFFC000  }
0xa9: {  	[spmem:s2] =	stream.indirect.scatter.add.f32 [tilespmem:s22], [sflag:$0x3], $0x80, s31, s19, $0xb8;
	[tilespmem:$0x1E400] =	vst v63  }
0xaa: {  	_ =	swait.ge [sflag:s30], $0x4000  }
0xab: {  	[sflag:s30] =	ssyncset.done $0x0  }
0xac: {  	[sflag:s30] =	ssyncadd.s32 $0xFFFFC000  }
0xad: {  	[tilespmem:s24], [sflag:$0x2] =	stream.indirect.gather [hbm4b:s4+s19], $0x80, s0, s19, $0xb8;
	[tilespmem:$0x1E400] =	vst v63  }
0xae: {  	_ =	swait.ge [sflag:s25], $0x4000  }
0xaf: {  	[sflag:s25] =	ssyncset.done $0x0  }
0xb0: {  	[sflag:s25] =	ssyncadd.s32 $0xFFFFC000  }
0xb1: {  	[spmem:s2] =	stream.indirect.scatter.add.f32 [tilespmem:s24], [sflag:$0x4], $0x80, s1, s19, $0xb8;
	[tilespmem:$0x1E400] =	vst v63  }
0xb2: {  	_ =	swait.ge [sflag:s28], $0x4000  }
0xb3: {  	[sflag:s28] =	ssyncset.done $0x0  }
0xb4: {  	[sflag:s28] =	ssyncadd.s32 $0xFFFFC000  }
0xb5: {  	_ =	swait.ge [sflag:s30], $0x4000  }
0xb6: {  	[sflag:s30] =	ssyncset.done $0x0  }
0xb7: {  	s9 =	rddreg [dreg:$0x5];
	[sflag:s30] =	ssyncadd.s32 $0xFFFFC000  }
0xb8: {  	[tilespmem:s3], [sflag:$0x5] =	stream.strided.gather [hbm4b:s9+s19], $0x1400, s20, s19, $0x38;
	[tilespmem:$0x1E400] =	vst v63  }
0xb9: {  	_ =	swait.ge [sflag:s18], $0x1400  }
0xba: {  	[sflag:s18] =	ssyncset.done $0x0  }
0xbb: {  	s10 =	rddreg [dreg:$0x6];
	[sflag:s18] =	ssyncadd.s32 $0xFFFFEC00  }
0xbc: {  	[tilespmem:s21], [sflag:$0x5] =	stream.linear.gather [hbm4b:s10+s3], $0x1400, $0x38;
	[tilespmem:$0x1E400] =	vst v63  }
0xbd: {  	_ =	swait.ge [sflag:s18], $0x1400  }
0xbe: {  	[sflag:s18] =	ssyncset.done $0x0  }
0xbf: {  	[sflag:s18] =	ssyncadd.s32 $0xFFFFEC00  }
0xc0: {  	[tilespmem:s22], [sflag:$0x1] =	stream.indirect.gather [hbm4b:s4+s19], $0x80, s3, s19, $0xb8;
	[tilespmem:$0x1E400] =	vst v63  }
0xc1: {  	_ =	swait.ge [sflag:s23], $0x4000  }
0xc2: {  	[sflag:s23] =	ssyncset.done $0x0  }
0xc3: {  	[sflag:s23] =	ssyncadd.s32 $0xFFFFC000  }
0xc4: {  	[spmem:s2] =	stream.indirect.scatter.add.f32 [tilespmem:s22], [sflag:$0x3], $0x80, s21, s19, $0xb8;
	[tilespmem:$0x1E400] =	vst v63  }
0xc5: {  	_ = 	snop  }
0xc6: {  	[tilespmem:s24], [sflag:$0x2] =	stream.indirect.gather [hbm4b:s4+s19], $0x80, s19, s19, $0xb8;
	[tilespmem:$0x1E400] =	vst v63  }
0xc7: {  	_ =	swait.ge [sflag:s25], $0x4000  }
0xc8: {  	[sflag:s25] =	ssyncset.done $0x0  }
0xc9: {  	[sflag:s25] =	ssyncadd.s32 $0xFFFFC000  }
0xca: {  	[spmem:s2] =	stream.indirect.scatter.add.f32 [tilespmem:s24], [sflag:$0x4], $0x80, s26, s19, $0xb8;
	[tilespmem:$0x1E400] =	vst v63  }
0xcb: {  	_ =	swait.ge [sflag:s28], $0x4000  }
0xcc: {  	[sflag:s28] =	ssyncset.done $0x0  }
0xcd: {  	[sflag:s28] =	ssyncadd.s32 $0xFFFFC000  }
0xce: {  	[tilespmem:s22], [sflag:$0x1] =	stream.indirect.gather [hbm4b:s4+s19], $0x80, s29, s19, $0xb8;
	[tilespmem:$0x1E400] =	vst v63  }
0xcf: {  	_ =	swait.ge [sflag:s23], $0x4000  }
0xd0: {  	[sflag:s23] =	ssyncset.done $0x0  }
0xd1: {  	s11 =	simm.s32 $0x1500;
	[sflag:s23] =	ssyncadd.s32 $0xFFFFC000  }
0xd2: {  	[spmem:s2] =	stream.indirect.scatter.add.f32 [tilespmem:s22], [sflag:$0x3], $0x80, s11, s19, $0xb8;
	[tilespmem:$0x1E400] =	vst v63  }
0xd3: {  	_ =	swait.ge [sflag:s30], $0x4000  }
0xd4: {  	[sflag:s30] =	ssyncset.done $0x0  }
0xd5: {  	s10 =	simm.s32 $0x180;
	[sflag:s30] =	ssyncadd.s32 $0xFFFFC000  }
0xd6: {  	[tilespmem:s24], [sflag:$0x2] =	stream.indirect.gather [hbm4b:s4+s19], $0x80, s10, s19, $0xb8;
	[tilespmem:$0x1E400] =	vst v63  }
0xd7: {  	_ =	swait.ge [sflag:s25], $0x4000  }
0xd8: {  	[sflag:s25] =	ssyncset.done $0x0  }
0xd9: {  	s11 =	simm.s32 $0x1580;
	[sflag:s25] =	ssyncadd.s32 $0xFFFFC000  }
0xda: {  	[spmem:s2] =	stream.indirect.scatter.add.f32 [tilespmem:s24], [sflag:$0x4], $0x80, s11, s19, $0xb8;
	[tilespmem:$0x1E400] =	vst v63  }
0xdb: {  	_ =	swait.ge [sflag:s28], $0x4000  }
0xdc: {  	[sflag:s28] =	ssyncset.done $0x0  }
0xdd: {  	s9 =	simm.s32 $0xFFFFBC00;
	s10 =	simm.s32 $0x200;
	[sflag:s28] =	ssyncadd.s32 $0xFFFFC000  }
.LBB2_5:
0xde: {  	[tilespmem:s22], [sflag:$0x1] =	stream.indirect.gather [hbm4b:s4+s19], $0x80, s10, s19, $0xb8;
	[tilespmem:$0x1E400] =	vst v63  }
0xdf: {  	s10 =	smov.u32 s9  }
0xe0: {  	p1 =	sne.s32 s9, $0xFFFFFC00;
	s9 =	sadd.s32 $0x400, s9;
	_ =	swait.ge [sflag:s23], $0x4000  }
0xe1: {  	s10 =	sshra.s32 s10, $0x2;
	[sflag:s23] =	ssyncset.done $0x0  }
0xe2: {  	s11 =	sadd.s32 $0x2700, s10;
	[sflag:s23] =	ssyncadd.s32 $0xFFFFC000  }
0xe3: {  	[spmem:s2] =	stream.indirect.scatter.add.f32 [tilespmem:s22], [sflag:$0x3], $0x80, s11, s19, $0xb8;
	[tilespmem:$0x1E400] =	vst v63  }
0xe4: {  	_ =	swait.ge [sflag:s30], $0x4000  }
0xe5: {  	[sflag:s30] =	ssyncset.done $0x0  }
0xe6: {  	s11 =	sadd.s32 $0x1380, s10;
	[sflag:s30] =	ssyncadd.s32 $0xFFFFC000  }
0xe7: {  	[tilespmem:s24], [sflag:$0x2] =	stream.indirect.gather [hbm4b:s4+s19], $0x80, s11, s19, $0xb8;
	[tilespmem:$0x1E400] =	vst v63  }
0xe8: {  	_ =	swait.ge [sflag:s25], $0x4000  }
0xe9: {  	[sflag:s25] =	ssyncset.done $0x0  }
.Ltmp6:
0xea: {  	s11 =	sadd.s32 $0x2780, s10;
	[sflag:s25] =	ssyncadd.s32 $0xFFFFC000;
	(pc) =	sbr.rel @p1 .LBB2_5-.Ltmp6, $4  }
0xeb: {  	[spmem:s2] =	stream.indirect.scatter.add.f32 [tilespmem:s24], [sflag:$0x4], $0x80, s11, s19, $0xb8;
	[tilespmem:$0x1E400] =	vst v63  }
0xec: {  	_ =	swait.ge [sflag:s28], $0x4000  }
0xed: {  	[sflag:s28] =	ssyncset.done $0x0  }
0xee: {  	s10 =	sadd.s32 $0x1400, s10;
	[sflag:s28] =	ssyncadd.s32 $0xFFFFC000  }
0xef: {  	[tilespmem:s22], [sflag:$0x1] =	stream.indirect.gather [hbm4b:s4+s19], $0x80, s10, s19, $0xb8;
	[tilespmem:$0x1E400] =	vst v63  }
0xf0: {  	_ =	swait.ge [sflag:s23], $0x4000  }
0xf1: {  	[sflag:s23] =	ssyncset.done $0x0  }
0xf2: {  	[sflag:s23] =	ssyncadd.s32 $0xFFFFC000  }
0xf3: {  	[spmem:s2] =	stream.indirect.scatter.add.f32 [tilespmem:s22], [sflag:$0x3], $0x80, s31, s19, $0xb8;
	[tilespmem:$0x1E400] =	vst v63  }
0xf4: {  	_ =	swait.ge [sflag:s30], $0x4000  }
0xf5: {  	[sflag:s30] =	ssyncset.done $0x0  }
0xf6: {  	[sflag:s30] =	ssyncadd.s32 $0xFFFFC000  }
0xf7: {  	[tilespmem:s24], [sflag:$0x2] =	stream.indirect.gather [hbm4b:s4+s19], $0x80, s0, s19, $0xb8;
	[tilespmem:$0x1E400] =	vst v63  }
0xf8: {  	_ =	swait.ge [sflag:s25], $0x4000  }
0xf9: {  	[sflag:s25] =	ssyncset.done $0x0  }
0xfa: {  	[sflag:s25] =	ssyncadd.s32 $0xFFFFC000  }
0xfb: {  	[spmem:s2] =	stream.indirect.scatter.add.f32 [tilespmem:s24], [sflag:$0x4], $0x80, s1, s19, $0xb8;
	[tilespmem:$0x1E400] =	vst v63  }
0xfc: {  	_ =	swait.ge [sflag:s28], $0x4000  }
0xfd: {  	[sflag:s28] =	ssyncset.done $0x0  }
0xfe: {  	[sflag:s28] =	ssyncadd.s32 $0xFFFFC000  }
0xff: {  	_ =	swait.ge [sflag:s30], $0x4000  }
0x100: {  	[sflag:s30] =	ssyncset.done $0x0  }
0x101: {  	s9 =	rddreg [dreg:$0x7];
	[sflag:s30] =	ssyncadd.s32 $0xFFFFC000  }
0x102: {  	[tilespmem:s3], [sflag:$0x5] =	stream.strided.gather [hbm4b:s9+s19], $0x1400, s20, s19, $0x38;
	[tilespmem:$0x1E400] =	vst v63  }
0x103: {  	_ =	swait.ge [sflag:s18], $0x1400  }
0x104: {  	[sflag:s18] =	ssyncset.done $0x0  }
0x105: {  	[sflag:s18] =	ssyncadd.s32 $0xFFFFEC00  }
0x106: {  	[tilespmem:s21], [sflag:$0x5] =	stream.linear.gather [hbm4b:s12+s3], $0x1400, $0x38;
	[tilespmem:$0x1E400] =	vst v63  }
0x107: {  	_ =	swait.ge [sflag:s18], $0x1400  }
0x108: {  	[sflag:s18] =	ssyncset.done $0x0  }
0x109: {  	[sflag:s18] =	ssyncadd.s32 $0xFFFFEC00  }
0x10a: {  	[tilespmem:s22], [sflag:$0x1] =	stream.indirect.gather [hbm4b:s4+s19], $0x80, s3, s19, $0xb8;
	[tilespmem:$0x1E400] =	vst v63  }
0x10b: {  	_ =	swait.ge [sflag:s23], $0x4000  }
0x10c: {  	[sflag:s23] =	ssyncset.done $0x0  }
0x10d: {  	[sflag:s23] =	ssyncadd.s32 $0xFFFFC000  }
0x10e: {  	[spmem:s2] =	stream.indirect.scatter.add.f32 [tilespmem:s22], [sflag:$0x3], $0x80, s21, s19, $0xb8;
	[tilespmem:$0x1E400] =	vst v63  }
0x10f: {  	_ = 	snop  }
0x110: {  	[tilespmem:s24], [sflag:$0x2] =	stream.indirect.gather [hbm4b:s4+s19], $0x80, s19, s19, $0xb8;
	[tilespmem:$0x1E400] =	vst v63  }
0x111: {  	_ =	swait.ge [sflag:s25], $0x4000  }
0x112: {  	[sflag:s25] =	ssyncset.done $0x0  }
0x113: {  	[sflag:s25] =	ssyncadd.s32 $0xFFFFC000  }
0x114: {  	[spmem:s2] =	stream.indirect.scatter.add.f32 [tilespmem:s24], [sflag:$0x4], $0x80, s26, s19, $0xb8;
	[tilespmem:$0x1E400] =	vst v63  }
0x115: {  	_ =	swait.ge [sflag:s28], $0x4000  }
0x116: {  	[sflag:s28] =	ssyncset.done $0x0  }
0x117: {  	[sflag:s28] =	ssyncadd.s32 $0xFFFFC000  }
0x118: {  	[tilespmem:s22], [sflag:$0x1] =	stream.indirect.gather [hbm4b:s4+s19], $0x80, s29, s19, $0xb8;
	[tilespmem:$0x1E400] =	vst v63  }
0x119: {  	_ =	swait.ge [sflag:s23], $0x4000  }
0x11a: {  	[sflag:s23] =	ssyncset.done $0x0  }
0x11b: {  	s11 =	simm.s32 $0x1500;
	[sflag:s23] =	ssyncadd.s32 $0xFFFFC000  }
0x11c: {  	[spmem:s2] =	stream.indirect.scatter.add.f32 [tilespmem:s22], [sflag:$0x3], $0x80, s11, s19, $0xb8;
	[tilespmem:$0x1E400] =	vst v63  }
0x11d: {  	_ =	swait.ge [sflag:s30], $0x4000  }
0x11e: {  	[sflag:s30] =	ssyncset.done $0x0  }
0x11f: {  	s10 =	simm.s32 $0x180;
	[sflag:s30] =	ssyncadd.s32 $0xFFFFC000  }
0x120: {  	[tilespmem:s24], [sflag:$0x2] =	stream.indirect.gather [hbm4b:s4+s19], $0x80, s10, s19, $0xb8;
	[tilespmem:$0x1E400] =	vst v63  }
0x121: {  	_ =	swait.ge [sflag:s25], $0x4000  }
0x122: {  	[sflag:s25] =	ssyncset.done $0x0  }
0x123: {  	s11 =	simm.s32 $0x1580;
	[sflag:s25] =	ssyncadd.s32 $0xFFFFC000  }
0x124: {  	[spmem:s2] =	stream.indirect.scatter.add.f32 [tilespmem:s24], [sflag:$0x4], $0x80, s11, s19, $0xb8;
	[tilespmem:$0x1E400] =	vst v63  }
0x125: {  	_ =	swait.ge [sflag:s28], $0x4000  }
0x126: {  	[sflag:s28] =	ssyncset.done $0x0  }
0x127: {  	s9 =	simm.s32 $0xFFFFBC00;
	s10 =	simm.s32 $0x200;
	[sflag:s28] =	ssyncadd.s32 $0xFFFFC000  }
.LBB2_7:
0x128: {  	[tilespmem:s22], [sflag:$0x1] =	stream.indirect.gather [hbm4b:s4+s19], $0x80, s10, s19, $0xb8;
	[tilespmem:$0x1E400] =	vst v63  }
0x129: {  	s10 =	smov.u32 s9  }
0x12a: {  	p1 =	seq.s32 s9, $0xFFFFFC00;
	s9 =	sadd.s32 $0x400, s9;
	_ =	swait.ge [sflag:s23], $0x4000  }
0x12b: {  	s10 =	sshra.s32 s10, $0x2;
	[sflag:s23] =	ssyncset.done $0x0  }
0x12c: {  	s11 =	sadd.s32 $0x2700, s10;
	[sflag:s23] =	ssyncadd.s32 $0xFFFFC000  }
0x12d: {  	[spmem:s2] =	stream.indirect.scatter.add.f32 [tilespmem:s22], [sflag:$0x3], $0x80, s11, s19, $0xb8;
	[tilespmem:$0x1E400] =	vst v63  }
0x12e: {  	_ =	swait.ge [sflag:s30], $0x4000  }
0x12f: {  	[sflag:s30] =	ssyncset.done $0x0  }
0x130: {  	s11 =	sadd.s32 $0x1380, s10;
	[sflag:s30] =	ssyncadd.s32 $0xFFFFC000  }
0x131: {  	[tilespmem:s24], [sflag:$0x2] =	stream.indirect.gather [hbm4b:s4+s19], $0x80, s11, s19, $0xb8;
	[tilespmem:$0x1E400] =	vst v63  }
0x132: {  	_ =	swait.ge [sflag:s25], $0x4000  }
0x133: {  	[sflag:s25] =	ssyncset.done $0x0  }
.Ltmp7:
0x134: {  	s11 =	sadd.s32 $0x2780, s10;
	[sflag:s25] =	ssyncadd.s32 $0xFFFFC000;
	(pc) =	sbr.rel @!p1 .LBB2_7-.Ltmp7, $4  }
0x135: {  	[spmem:s2] =	stream.indirect.scatter.add.f32 [tilespmem:s24], [sflag:$0x4], $0x80, s11, s19, $0xb8;
	[tilespmem:$0x1E400] =	vst v63  }
0x136: {  	_ =	swait.ge [sflag:s28], $0x4000  }
0x137: {  	[sflag:s28] =	ssyncset.done $0x0  }
0x138: {  	s10 =	sadd.s32 $0x1400, s10;
	[sflag:s28] =	ssyncadd.s32 $0xFFFFC000  }
.Ltmp8:
0x139: {  	(pc) =	sbr.rel .LBB2_12-.Ltmp8, $2  }
0x13a: {  	_ =	sdelay $0x2  }
0x13b: {  	[tilespmem:s22], [sflag:$0x1] =	stream.indirect.gather [hbm4b:s4+s19], $0x80, s10, s19, $0xb8;
	[tilespmem:$0x1E400] =	vst v63  }
.LBB2_13:
0x13c: {  	_ =	sfence.sel $0x180000  }
0x13d: {  	[bflag:$0x0] =	sbarrier.arrive $0xFFFF  }
0x13e: {  	_ =	strace $0x90000047  }
0x13f: {  	s0 =	stileid.u32;
	[bflag:$0x2] =	sbarrier.arrive $0xFFFF  }
0x140: {  	p0 =	sne.s32 s0, $0x0;
	s0 =	rddreg [dreg:$0x3]  }
0x141: {  	s0 =	sadd.s32 @!p0 $0x100000, s0  }
0x142: {  	[sflag:s0] =	ssyncadd.tile.s32 @!p0 $0x1;
	_ =	shalt  }
.Lfunc_end2:
_tile_overlayer_lowered:
.L_overlay_start_2:
0x143: {  	(tag) =	ssettag $0x2  }
0x144: {  	s0 =	rddreg [dreg:$0x0];
	s2 =	stileid.u32  }
0x145: {  	s1 =	rddreg [dreg:$0x1];
	p0 =	sne.s32 s2, $0x0  }
0x146: {  	s3 =	rddreg [dreg:$0x2];
	[bflag:$0x3] =	sbarrier.arrive $0xFFFF;
	s2 =	simm.s32 @!p0 $0x1C05  }
0x147: {  	[timem:s3], [sflag:s2] =	dma.local @!p0 [hbm:s0], s1  }
0x148: {  	s0 =	simm.s32 @!p0 $0x5  }
0x149: {  	_ =	swait.ge @!p0 [sflag:s0], s1  }
0x14a: {  	s1 =	ssub.s32 @!p0 $0x0, s1;
	[sflag:s0] =	ssyncset.done @!p0 $0x0  }
0x14b: {  	[sflag:s0] =	ssyncadd.s32 @!p0 s1  }
0x14c: {  	[bflag:$0x3] =	sbarrier.arrive $0xFFFF  }
0x14d: {  	_ =	shalt  }

</sc_bundles>
